<compile_context>
chip_gen: v7x
topology: tpu7x:2x2x1
jax: 0.10.2.dev20260603
libtpu: 0.0.44.dev20260713+nightly
codegen_flags: <defaults>
</compile_context>

<pallas_src>
import jax
import jax.numpy as jnp
from jax import lax
from jax.experimental import pallas as pl
from jax.experimental.pallas import tpu as pltpu
from jax.experimental.pallas import tpu_sc as plsc

N = 10000
E = 320000
D = 128
NC = 2
NS = 16
NB = 125
NR = E // NB
NIT = NR // (NC * NS)
NPH = 2
NITP = NIT // NPH
NIT_C = NR // NS
RPT = N // NS
BR = 2000

def _mesh():
    return plsc.VectorSubcoreMesh(core_axis_name="c", subcore_axis_name="s",
                                  num_cores=NC, num_subcores=NS)



def _agg_body(g_hbm, src_hbm, dst_hbm, zeros_hbm, out_hbm,
              acc, srcv, dstv, rows0, rows1, sem0, sem1):
    c = lax.axis_index("c").astype(jnp.int32)
    s = lax.axis_index("s").astype(jnp.int32)
    i32 = jnp.int32
    pltpu.sync_copy(zeros_hbm, acc.at[pl.ds(s * i32(RPT), RPT)])
    plsc.subcore_barrier()
    row0 = (c * i32(NS) + s) * i32(NIT)

    for p in range(NPH):
        rp = row0 + i32(p * NITP)
        pltpu.sync_copy(src_hbm.at[pl.ds(rp, NITP)], srcv)
        pltpu.sync_copy(dst_hbm.at[pl.ds(rp, NITP)], dstv)

        pltpu.async_copy(g_hbm.at[srcv.at[i32(0)]], rows0, sem0)

        @pl.loop(i32(0), i32(NITP), step=i32(2))
        def _(j):
            j0 = j.astype(jnp.int32)
            j1 = j0 + i32(1)
            j2 = j0 + i32(2)
            pltpu.async_copy(g_hbm.at[srcv.at[j1]], rows1, sem1)
            pltpu.make_async_copy(g_hbm.at[srcv.at[j0]], rows0, sem0).wait()
            pltpu.sync_copy(rows0, acc.at[dstv.at[j0]], add=True)

            @pl.when(j2 < i32(NITP))
            def _():
                pltpu.async_copy(g_hbm.at[srcv.at[j2]], rows0, sem0)

            pltpu.make_async_copy(g_hbm.at[srcv.at[j1]], rows1, sem1).wait()
            pltpu.sync_copy(rows1, acc.at[dstv.at[j1]], add=True)

    plsc.subcore_barrier()
    pltpu.sync_copy(acc.at[pl.ds(s * i32(RPT), RPT)], out_hbm.at[c, s])


def _segment_sum(g, src2d, dst2d, zeros):
    return pl.kernel(
        _agg_body,
        out_type=jax.ShapeDtypeStruct((NC, NS, RPT, D), jnp.float32),
        mesh=_mesh(),
        scratch_types=[
            pltpu.VMEM_SHARED((N, D), jnp.float32),
            pltpu.VMEM((NITP, NB), jnp.int32),
            pltpu.VMEM((NITP, NB), jnp.int32),
            pltpu.VMEM((NB, D), jnp.float32),
            pltpu.VMEM((NB, D), jnp.float32),
            pltpu.SemaphoreType.DMA,
            pltpu.SemaphoreType.DMA,
        ],
    )(g, src2d, dst2d, zeros)


def _counts_body(dst_hbm, ones_hbm, zeros_hbm, out_hbm, acc, dstv, onesv):
    c = lax.axis_index("c").astype(jnp.int32)
    s = lax.axis_index("s").astype(jnp.int32)
    i32 = jnp.int32
    pltpu.sync_copy(zeros_hbm, acc.at[pl.ds(s * i32(RPT), RPT)])
    pltpu.sync_copy(ones_hbm, onesv)
    row0 = (c * i32(NS) + s) * i32(NIT)
    pltpu.sync_copy(dst_hbm.at[pl.ds(row0, NIT)], dstv)
    plsc.subcore_barrier()

    @pl.loop(i32(0), i32(NIT))
    def _(j):
        pltpu.sync_copy(onesv, acc.at[dstv.at[j.astype(jnp.int32)]], add=True)

    plsc.subcore_barrier()
    pltpu.sync_copy(acc.at[pl.ds(s * i32(RPT), RPT)], out_hbm.at[c, s])


def _counts(dst2d, ones2d, zeros):
    return pl.kernel(
        _counts_body,
        out_type=jax.ShapeDtypeStruct((NC, NS, RPT, D), jnp.float32),
        mesh=_mesh(),
        scratch_types=[
            pltpu.VMEM_SHARED((N, D), jnp.float32),
            pltpu.VMEM((NIT, NB), jnp.int32),
            pltpu.VMEM((NB, D), jnp.float32),
        ],
    )(dst2d, ones2d, zeros)



def _zi(i):
    return jnp.zeros_like(i)


def _dot_t(a, w):
    return lax.dot_general(a, w, (((1,), (1,)), ((), ())),
                           preferred_element_type=jnp.float32)


def _dense0_body(x_ref, wl_ref, wr_ref, bl_ref, g_ref, r_ref):
    xb = x_ref[...]
    g_ref[...] = _dot_t(xb, wl_ref[...])
    r_ref[...] = _dot_t(xb, wr_ref[...]) + bl_ref[...]


def _dense0(x, wl, wr, bl2d):
    return pl.pallas_call(
        _dense0_body,
        grid=(N // BR,),
        in_specs=[
            pl.BlockSpec((BR, D), lambda i: (i, _zi(i))),
            pl.BlockSpec((D, D), lambda i: (_zi(i), _zi(i))),
            pl.BlockSpec((D, D), lambda i: (_zi(i), _zi(i))),
            pl.BlockSpec((1, D), lambda i: (_zi(i), _zi(i))),
        ],
        out_specs=[
            pl.BlockSpec((BR, D), lambda i: (i, _zi(i))),
            pl.BlockSpec((BR, D), lambda i: (i, _zi(i))),
        ],
        out_shape=[
            jax.ShapeDtypeStruct((N, D), jnp.float32),
            jax.ShapeDtypeStruct((N, D), jnp.float32),
        ],
    )(x, wl, wr, bl2d)


def _invert_body(c_ref, o_ref):
    o_ref[...] = 1.0 / jnp.maximum(c_ref[0] + c_ref[1], 1.0)


def _invert(cp):
    return pl.pallas_call(
        _invert_body,
        grid=(N // BR,),
        in_specs=[pl.BlockSpec((NC, BR, D), lambda i: (_zi(i), i, _zi(i)))],
        out_specs=pl.BlockSpec((BR, D), lambda i: (i, _zi(i))),
        out_shape=jax.ShapeDtypeStruct((N, D), jnp.float32),
    )(cp)


def _fused_body(s_ref, inv_ref, r_ref, wl_ref, wr_ref, bl_ref, g_ref, r_out):
    h = jax.nn.relu((s_ref[0] + s_ref[1]) * inv_ref[...] + r_ref[...])
    g_ref[...] = _dot_t(h, wl_ref[...])
    r_out[...] = _dot_t(h, wr_ref[...]) + bl_ref[...]


def _fused(sp, inv2d, r, wl, wr, bl2d):
    return pl.pallas_call(
        _fused_body,
        grid=(N // BR,),
        in_specs=[
            pl.BlockSpec((NC, BR, D), lambda i: (_zi(i), i, _zi(i))),
            pl.BlockSpec((BR, D), lambda i: (i, _zi(i))),
            pl.BlockSpec((BR, D), lambda i: (i, _zi(i))),
            pl.BlockSpec((D, D), lambda i: (_zi(i), _zi(i))),
            pl.BlockSpec((D, D), lambda i: (_zi(i), _zi(i))),
            pl.BlockSpec((1, D), lambda i: (_zi(i), _zi(i))),
        ],
        out_specs=[
            pl.BlockSpec((BR, D), lambda i: (i, _zi(i))),
            pl.BlockSpec((BR, D), lambda i: (i, _zi(i))),
        ],
        out_shape=[
            jax.ShapeDtypeStruct((N, D), jnp.float32),
            jax.ShapeDtypeStruct((N, D), jnp.float32),
        ],
    )(sp, inv2d, r, wl, wr, bl2d)


def _epilogue_body(s_ref, inv_ref, r_ref, o_ref):
    o_ref[...] = jax.nn.relu((s_ref[0] + s_ref[1]) * inv_ref[...] + r_ref[...])


def _epilogue(sp, inv2d, r):
    return pl.pallas_call(
        _epilogue_body,
        grid=(N // BR,),
        in_specs=[
            pl.BlockSpec((NC, BR, D), lambda i: (_zi(i), i, _zi(i))),
            pl.BlockSpec((BR, D), lambda i: (i, _zi(i))),
            pl.BlockSpec((BR, D), lambda i: (i, _zi(i))),
        ],
        out_specs=pl.BlockSpec((BR, D), lambda i: (i, _zi(i))),
        out_shape=jax.ShapeDtypeStruct((N, D), jnp.float32),
    )(sp, inv2d, r)



def kernel(x, edge_index, Wl0, bl0, Wr0, Wl1, bl1, Wr1, Wl2, bl2, Wr2,
           Wl3, bl3, Wr3):
    x = x.astype(jnp.float32)
    src2d = edge_index[0].astype(jnp.int32).reshape(NR, NB)
    dst2d = edge_index[1].astype(jnp.int32).reshape(NR, NB)
    zeros = jnp.zeros((RPT, D), jnp.float32)
    ones2d = jnp.ones((NB, D), jnp.float32)
    params = [(Wl0, bl0, Wr0), (Wl1, bl1, Wr1), (Wl2, bl2, Wr2),
              (Wl3, bl3, Wr3)]

    cp = _counts(dst2d, ones2d, zeros).reshape(NC, N, D)
    inv2d = _invert(cp)
    g, r = _dense0(x, params[0][0], params[0][2],
                   params[0][1].reshape(1, D).astype(jnp.float32))
    for wl, bl, wr in params[1:]:
        sp = _segment_sum(g, src2d, dst2d, zeros).reshape(NC, N, D)
        g, r = _fused(sp, inv2d, r, wl, wr, bl.reshape(1, D))
    sp = _segment_sum(g, src2d, dst2d, zeros).reshape(NC, N, D)
    return _epilogue(sp, inv2d, r)

# --- scband reference (transcript-rebuilt; emitter-appended) ---
"""Pipeline reference for scband-sage-73237782332047 (READ-ONLY COPY).

The authoritative reference and input builder live on the scoring server;
editing this copy changes nothing except your own understanding.
"""

import jax, jax.numpy as jnp
import numpy as np

jax.config.update("jax_enable_x64", True)

N = 10000
E = 320000
D = 128
NUM_CONVS = 4  # input conv + num_layers(=2) hidden convs + output conv


def setup_inputs(seed: int = 0) -> dict:
    key = jax.random.key(seed)
    keys = jax.random.split(key, 2 + 3 * NUM_CONVS)
    inp = {}
    inp["x"] = jax.random.normal(keys[0], (N, D), dtype=jnp.float32)
    inp["edge_index"] = jax.random.randint(keys[1], (2, E), 0, N, dtype=jnp.int64)
    k = 2
    for i in range(NUM_CONVS):
        inp[f"Wl{i}"] = jax.random.normal(keys[k], (D, D), dtype=jnp.float32) * 0.05
        k += 1
        inp[f"bl{i}"] = jax.random.normal(keys[k], (D,), dtype=jnp.float32) * 0.05
        k += 1
        inp[f"Wr{i}"] = jax.random.normal(keys[k], (D, D), dtype=jnp.float32) * 0.05
        k += 1
    return inp


def _sage_conv(x, edge_index, Wl, bl, Wr):
    # PyG SAGEConv (mean aggr): out = lin_l(mean_{j in N(i)} x_j) + lin_r(x_i)
    # lin_l has bias, lin_r has no bias.
    src = edge_index[0]
    dst = edge_index[1]
    msg = x[src]
    sums = jax.ops.segment_sum(msg, dst, num_segments=N)
    cnt = jax.ops.segment_sum(jnp.ones((E,), dtype=x.dtype), dst, num_segments=N)
    mean = sums / jnp.maximum(cnt, 1.0)[:, None]
    return mean @ Wl.T + bl + x @ Wr.T


def reference(x, edge_index, Wl0, bl0, Wr0, Wl1, bl1, Wr1, Wl2, bl2, Wr2, Wl3, bl3, Wr3):
    params = [(Wl0, bl0, Wr0), (Wl1, bl1, Wr1), (Wl2, bl2, Wr2), (Wl3, bl3, Wr3)]
    h = x
    for Wl, bl, Wr in params:
        h = jax.nn.relu(_sage_conv(h, edge_index, Wl, bl, Wr))
    return h

if __name__ == "__main__":
    import jax
    _d = setup_inputs()
    print(jax.jit(kernel)(*tuple(_d.values())))

</pallas_src>

<mosaic_0001>
#map = affine_map<(d0, d1) -> (0, 0)>
#map1 = affine_map<(d0, d1) -> (0, 0, 0, 0)>
module attributes {stable_mosaic.version = 14 : i64} {
  func.func @_agg_body(%arg0: i32, %arg1: i32, %arg2: memref<10000x128xf32, #tpu.memory_space<hbm>>, %arg3: memref<2560x125xi32, #tpu.memory_space<hbm>>, %arg4: memref<2560x125xi32, #tpu.memory_space<hbm>>, %arg5: memref<625x128xf32, #tpu.memory_space<hbm>>, %arg6: memref<2x16x625x128xf32, #tpu.memory_space<hbm>>, %arg7: memref<10000x128xf32, #tpu.memory_space<vmem_shared>>, %arg8: memref<40x125xi32, #tpu.memory_space<vmem>>, %arg9: memref<40x125xi32, #tpu.memory_space<vmem>>, %arg10: memref<125x128xf32, #tpu.memory_space<vmem>>, %arg11: memref<125x128xf32, #tpu.memory_space<vmem>>, %arg12: memref<!tpu.dma_semaphore, #tpu.memory_space<semaphore_mem>>, %arg13: memref<!tpu.dma_semaphore, #tpu.memory_space<semaphore_mem>>) attributes {dimension_semantics = [#tpu.dimension_semantics<core_parallel>, #tpu.dimension_semantics<subcore_parallel>], iteration_bounds = array<i64: 2, 16>, scalar_prefetch = 0 : i64, scratch_operands = 7 : i64, tpu.core_type = #tpu.core_type<sc_vector_subcore>, window_params = [{transform_indices = #map}, {transform_indices = #map}, {transform_indices = #map}, {transform_indices = #map}, {transform_indices = #map1}]} {
    %mul3A = arith.constant 625 : i32
    %mul3A_0 = arith.muli %arg1, %mul3A : i32
    "tpu.region"() ({
      %run_scoped3A = tpu.sem_alloc : memref<!tpu.dma_semaphore, #tpu.memory_space<semaphore_mem>>
      %dma_start3A_62 = arith.constant 0 : i32
      %dma_start3A_63 = tpu.memref_slice %arg7[%mul3A_0, %dma_start3A_62] : memref<10000x128xf32, #tpu.memory_space<vmem_shared>> -> memref<625x128xf32, #tpu.memory_space<vmem_shared>>
      tpu.enqueue_dma source(%arg5 : memref<625x128xf32, #tpu.memory_space<hbm>>) target(%dma_start3A_63 : memref<625x128xf32, #tpu.memory_space<vmem_shared>>) target_semaphore(%run_scoped3A : memref<!tpu.dma_semaphore, #tpu.memory_space<semaphore_mem>>)
      %dma_wait3A = arith.constant 0 : i32
      %dma_wait3A_64 = tpu.memref_slice %arg7[%mul3A_0, %dma_wait3A] : memref<10000x128xf32, #tpu.memory_space<vmem_shared>> -> memref<625x128xf32, #tpu.memory_space<vmem_shared>>
      tpu.wait_dma2 semaphore(%run_scoped3A : memref<!tpu.dma_semaphore, #tpu.memory_space<semaphore_mem>>) src(%arg5 : memref<625x128xf32, #tpu.memory_space<hbm>>) dst(%dma_wait3A_64 : memref<625x128xf32, #tpu.memory_space<vmem_shared>>)
      tpu.yield
    }) : () -> ()
    %barrier3A = arith.constant 0 : index
    tpu.barrier barrier_id(%barrier3A)
    %mul3A_1 = arith.constant 16 : i32
    %mul3A_2 = arith.muli %arg0, %mul3A_1 : i32
    %add3A = arith.addi %mul3A_2, %arg1 : i32
    %mul3A_3 = arith.constant 80 : i32
    %mul3A_4 = arith.muli %add3A, %mul3A_3 : i32
    %add3A_5 = arith.constant 0 : i32
    %add3A_6 = arith.addi %mul3A_4, %add3A_5 : i32
    "tpu.region"() ({
      %run_scoped3A = tpu.sem_alloc : memref<!tpu.dma_semaphore, #tpu.memory_space<semaphore_mem>>
      %dma_start3A_62 = arith.constant 0 : i32
      %dma_start3A_63 = tpu.memref_slice %arg3[%add3A_6, %dma_start3A_62] : memref<2560x125xi32, #tpu.memory_space<hbm>> -> memref<40x125xi32, #tpu.memory_space<hbm>>
      %dma_start3A_64 = arith.constant 0 : i32
      %dma_start3A_65 = tpu.memref_slice %arg3[%add3A_6, %dma_start3A_64] : memref<2560x125xi32, #tpu.memory_space<hbm>> -> memref<40x125xi32, #tpu.memory_space<hbm>>
      tpu.enqueue_dma source(%dma_start3A_65 : memref<40x125xi32, #tpu.memory_space<hbm>>) target(%arg8 : memref<40x125xi32, #tpu.memory_space<vmem>>) target_semaphore(%run_scoped3A : memref<!tpu.dma_semaphore, #tpu.memory_space<semaphore_mem>>)
      %dma_wait3A = arith.constant 0 : i32
      %dma_wait3A_66 = tpu.memref_slice %arg3[%add3A_6, %dma_wait3A] : memref<2560x125xi32, #tpu.memory_space<hbm>> -> memref<40x125xi32, #tpu.memory_space<hbm>>
      %dma_wait3A_67 = arith.constant 0 : i32
      %dma_wait3A_68 = tpu.memref_slice %arg3[%add3A_6, %dma_wait3A_67] : memref<2560x125xi32, #tpu.memory_space<hbm>> -> memref<40x125xi32, #tpu.memory_space<hbm>>
      tpu.wait_dma2 semaphore(%run_scoped3A : memref<!tpu.dma_semaphore, #tpu.memory_space<semaphore_mem>>) src(%dma_wait3A_68 : memref<40x125xi32, #tpu.memory_space<hbm>>) dst(%arg8 : memref<40x125xi32, #tpu.memory_space<vmem>>)
      tpu.yield
    }) : () -> ()
    "tpu.region"() ({
      %run_scoped3A = tpu.sem_alloc : memref<!tpu.dma_semaphore, #tpu.memory_space<semaphore_mem>>
      %dma_start3A_62 = arith.constant 0 : i32
      %dma_start3A_63 = tpu.memref_slice %arg4[%add3A_6, %dma_start3A_62] : memref<2560x125xi32, #tpu.memory_space<hbm>> -> memref<40x125xi32, #tpu.memory_space<hbm>>
      %dma_start3A_64 = arith.constant 0 : i32
      %dma_start3A_65 = tpu.memref_slice %arg4[%add3A_6, %dma_start3A_64] : memref<2560x125xi32, #tpu.memory_space<hbm>> -> memref<40x125xi32, #tpu.memory_space<hbm>>
      tpu.enqueue_dma source(%dma_start3A_65 : memref<40x125xi32, #tpu.memory_space<hbm>>) target(%arg9 : memref<40x125xi32, #tpu.memory_space<vmem>>) target_semaphore(%run_scoped3A : memref<!tpu.dma_semaphore, #tpu.memory_space<semaphore_mem>>)
      %dma_wait3A = arith.constant 0 : i32
      %dma_wait3A_66 = tpu.memref_slice %arg4[%add3A_6, %dma_wait3A] : memref<2560x125xi32, #tpu.memory_space<hbm>> -> memref<40x125xi32, #tpu.memory_space<hbm>>
      %dma_wait3A_67 = arith.constant 0 : i32
      %dma_wait3A_68 = tpu.memref_slice %arg4[%add3A_6, %dma_wait3A_67] : memref<2560x125xi32, #tpu.memory_space<hbm>> -> memref<40x125xi32, #tpu.memory_space<hbm>>
      tpu.wait_dma2 semaphore(%run_scoped3A : memref<!tpu.dma_semaphore, #tpu.memory_space<semaphore_mem>>) src(%dma_wait3A_68 : memref<40x125xi32, #tpu.memory_space<hbm>>) dst(%arg9 : memref<40x125xi32, #tpu.memory_space<vmem>>)
      tpu.yield
    }) : () -> ()
    %dma_start3A = arith.constant 0 : i32
    %dma_start3A_7 = arith.constant 0 : i32
    %dma_start3A_8 = tpu.memref_slice %arg8[%dma_start3A, %dma_start3A_7] : memref<40x125xi32, #tpu.memory_space<vmem>> -> memref<1x125xi32, #tpu.memory_space<vmem>>
    %dma_start3A_9 = tpu.memref_squeeze %dma_start3A_8 : memref<1x125xi32, #tpu.memory_space<vmem>> -> memref<125xi32, #tpu.memory_space<vmem>>
    %dma_start3A_10 = arith.constant 0 : i32
    %dma_start3A_11 = arith.constant 0 : i32
    %dma_start3A_12 = tpu.memref_slice %arg2[%dma_start3A_10, %dma_start3A_11] : memref<10000x128xf32, #tpu.memory_space<hbm>> -> memref<10000x128xf32, #tpu.memory_space<hbm>>
    tpu.enqueue_indirect_dma source(%dma_start3A_12 : memref<10000x128xf32, #tpu.memory_space<hbm>>) target(%arg10 : memref<125x128xf32, #tpu.memory_space<vmem>>) offsets(%dma_start3A_9 : memref<125xi32, #tpu.memory_space<vmem>>) semaphore(%arg12 : memref<!tpu.dma_semaphore, #tpu.memory_space<semaphore_mem>>)
    %sub3A = arith.constant 40 : i32
    %sub3A_13 = arith.constant 0 : i32
    %sub3A_14 = arith.subi %sub3A, %sub3A_13 : i32
    %sub3A_15 = arith.constant 2 : i32
    %sub3A_16 = arith.constant 1 : i32
    %sub3A_17 = arith.subi %sub3A_15, %sub3A_16 : i32
    %add3A_18 = arith.addi %sub3A_14, %sub3A_17 : i32
    %div3A = arith.constant 2 : i32
    %div3A_19 = arith.divsi %add3A_18, %div3A : i32
    %while3A = arith.constant 2 : i32
    %while3A_20 = arith.constant 0 : i32
    %while3A_21 = arith.constant 0 : i32
    %while3A_22 = arith.subi %div3A_19, %while3A_21 : i32
    %while3A_23 = arith.addi %while3A_21, %while3A_22 : i32
    %while3A_24 = arith.constant 1 : i32
    %while3A_25 = arith.divsi %while3A_22, %while3A_24 : i32
    %while3A_26 = arith.muli %while3A_25, %while3A_24 : i32
    %while3A_27 = arith.addi %while3A_21, %while3A_26 : i32
    %while3A_28 = arith.constant 1 : i32
    scf.for %while3A_62 = %while3A_21 to %while3A_27 step %while3A_28  : i32 {
      %mul3A_63 = arith.muli %while3A_62, %while3A : i32
      %add3A_64 = arith.addi %while3A_20, %mul3A_63 : i32
      %add3A_65 = arith.constant 1 : i32
      %add3A_66 = arith.addi %add3A_64, %add3A_65 : i32
      %add3A_67 = arith.constant 2 : i32
      %add3A_68 = arith.addi %add3A_64, %add3A_67 : i32
      %dma_start3A_69 = arith.constant 0 : i32
      %dma_start3A_70 = tpu.memref_slice %arg8[%add3A_66, %dma_start3A_69] : memref<40x125xi32, #tpu.memory_space<vmem>> -> memref<1x125xi32, #tpu.memory_space<vmem>>
      %dma_start3A_71 = tpu.memref_squeeze %dma_start3A_70 : memref<1x125xi32, #tpu.memory_space<vmem>> -> memref<125xi32, #tpu.memory_space<vmem>>
      %dma_start3A_72 = arith.constant 0 : i32
      %dma_start3A_73 = arith.constant 0 : i32
      %dma_start3A_74 = tpu.memref_slice %arg2[%dma_start3A_72, %dma_start3A_73] : memref<10000x128xf32, #tpu.memory_space<hbm>> -> memref<10000x128xf32, #tpu.memory_space<hbm>>
      tpu.enqueue_indirect_dma source(%dma_start3A_74 : memref<10000x128xf32, #tpu.memory_space<hbm>>) target(%arg11 : memref<125x128xf32, #tpu.memory_space<vmem>>) offsets(%dma_start3A_71 : memref<125xi32, #tpu.memory_space<vmem>>) semaphore(%arg13 : memref<!tpu.dma_semaphore, #tpu.memory_space<semaphore_mem>>)
      %dma_wait3A = arith.constant 0 : i32
      %dma_wait3A_75 = tpu.memref_slice %arg8[%add3A_64, %dma_wait3A] : memref<40x125xi32, #tpu.memory_space<vmem>> -> memref<1x125xi32, #tpu.memory_space<vmem>>
      %dma_wait3A_76 = tpu.memref_squeeze %dma_wait3A_75 : memref<1x125xi32, #tpu.memory_space<vmem>> -> memref<125xi32, #tpu.memory_space<vmem>>
      %dma_wait3A_77 = arith.constant 0 : i32
      %dma_wait3A_78 = arith.constant 0 : i32
      %dma_wait3A_79 = tpu.memref_slice %arg2[%dma_wait3A_77, %dma_wait3A_78] : memref<10000x128xf32, #tpu.memory_space<hbm>> -> memref<10000x128xf32, #tpu.memory_space<hbm>>
      tpu.wait_indirect_dma semaphore(%arg12 : memref<!tpu.dma_semaphore, #tpu.memory_space<semaphore_mem>>) src(%dma_wait3A_79 : memref<10000x128xf32, #tpu.memory_space<hbm>>) dst(%arg10 : memref<125x128xf32, #tpu.memory_space<vmem>>)
      "tpu.region"() ({
        %run_scoped3A = tpu.sem_alloc : memref<!tpu.dma_semaphore, #tpu.memory_space<semaphore_mem>>
        %dma_start3A_88 = arith.constant 0 : i32
        %dma_start3A_89 = tpu.memref_slice %arg9[%add3A_64, %dma_start3A_88] : memref<40x125xi32, #tpu.memory_space<vmem>> -> memref<1x125xi32, #tpu.memory_space<vmem>>
        %dma_start3A_90 = tpu.memref_squeeze %dma_start3A_89 : memref<1x125xi32, #tpu.memory_space<vmem>> -> memref<125xi32, #tpu.memory_space<vmem>>
        %dma_start3A_91 = arith.constant 0 : i32
        %dma_start3A_92 = arith.constant 0 : i32
        %dma_start3A_93 = tpu.memref_slice %arg7[%dma_start3A_91, %dma_start3A_92] : memref<10000x128xf32, #tpu.memory_space<vmem_shared>> -> memref<10000x128xf32, #tpu.memory_space<vmem_shared>>
        tpu.enqueue_indirect_dma source(%arg10 : memref<125x128xf32, #tpu.memory_space<vmem>>) target(%dma_start3A_93 : memref<10000x128xf32, #tpu.memory_space<vmem_shared>>) offsets(%dma_start3A_90 : memref<125xi32, #tpu.memory_space<vmem>>) semaphore(%run_scoped3A : memref<!tpu.dma_semaphore, #tpu.memory_space<semaphore_mem>>) {add = true}
        %dma_wait3A_94 = arith.constant 0 : i32
        %dma_wait3A_95 = tpu.memref_slice %arg9[%add3A_64, %dma_wait3A_94] : memref<40x125xi32, #tpu.memory_space<vmem>> -> memref<1x125xi32, #tpu.memory_space<vmem>>
        %dma_wait3A_96 = tpu.memref_squeeze %dma_wait3A_95 : memref<1x125xi32, #tpu.memory_space<vmem>> -> memref<125xi32, #tpu.memory_space<vmem>>
        %dma_wait3A_97 = arith.constant 0 : i32
        %dma_wait3A_98 = arith.constant 0 : i32
        %dma_wait3A_99 = tpu.memref_slice %arg7[%dma_wait3A_97, %dma_wait3A_98] : memref<10000x128xf32, #tpu.memory_space<vmem_shared>> -> memref<10000x128xf32, #tpu.memory_space<vmem_shared>>
        tpu.wait_indirect_dma semaphore(%run_scoped3A : memref<!tpu.dma_semaphore, #tpu.memory_space<semaphore_mem>>) src(%arg10 : memref<125x128xf32, #tpu.memory_space<vmem>>) dst(%dma_wait3A_99 : memref<10000x128xf32, #tpu.memory_space<vmem_shared>>)
        tpu.yield
      }) : () -> ()
      %lt3A = arith.constant 40 : i32
      %lt3A_80 = arith.cmpi slt, %add3A_68, %lt3A : i32
      %convert_element_type3A = arith.extui %lt3A_80 : i1 to i32
      %cond3A = arith.constant 0 : i32
      %cond3A_81 = arith.cmpi ne, %convert_element_type3A, %cond3A : i32
      scf.if %cond3A_81 {
        %dma_start3A_88 = arith.constant 0 : i32
        %dma_start3A_89 = tpu.memref_slice %arg8[%add3A_68, %dma_start3A_88] : memref<40x125xi32, #tpu.memory_space<vmem>> -> memref<1x125xi32, #tpu.memory_space<vmem>>
        %dma_start3A_90 = tpu.memref_squeeze %dma_start3A_89 : memref<1x125xi32, #tpu.memory_space<vmem>> -> memref<125xi32, #tpu.memory_space<vmem>>
        %dma_start3A_91 = arith.constant 0 : i32
        %dma_start3A_92 = arith.constant 0 : i32
        %dma_start3A_93 = tpu.memref_slice %arg2[%dma_start3A_91, %dma_start3A_92] : memref<10000x128xf32, #tpu.memory_space<hbm>> -> memref<10000x128xf32, #tpu.memory_space<hbm>>
        tpu.enqueue_indirect_dma source(%dma_start3A_93 : memref<10000x128xf32, #tpu.memory_space<hbm>>) target(%arg10 : memref<125x128xf32, #tpu.memory_space<vmem>>) offsets(%dma_start3A_90 : memref<125xi32, #tpu.memory_space<vmem>>) semaphore(%arg12 : memref<!tpu.dma_semaphore, #tpu.memory_space<semaphore_mem>>)
      } else {
      }
      %dma_wait3A_82 = arith.constant 0 : i32
      %dma_wait3A_83 = tpu.memref_slice %arg8[%add3A_66, %dma_wait3A_82] : memref<40x125xi32, #tpu.memory_space<vmem>> -> memref<1x125xi32, #tpu.memory_space<vmem>>
      %dma_wait3A_84 = tpu.memref_squeeze %dma_wait3A_83 : memref<1x125xi32, #tpu.memory_space<vmem>> -> memref<125xi32, #tpu.memory_space<vmem>>
      %dma_wait3A_85 = arith.constant 0 : i32
      %dma_wait3A_86 = arith.constant 0 : i32
      %dma_wait3A_87 = tpu.memref_slice %arg2[%dma_wait3A_85, %dma_wait3A_86] : memref<10000x128xf32, #tpu.memory_space<hbm>> -> memref<10000x128xf32, #tpu.memory_space<hbm>>
      tpu.wait_indirect_dma semaphore(%arg13 : memref<!tpu.dma_semaphore, #tpu.memory_space<semaphore_mem>>) src(%dma_wait3A_87 : memref<10000x128xf32, #tpu.memory_space<hbm>>) dst(%arg11 : memref<125x128xf32, #tpu.memory_space<vmem>>)
      "tpu.region"() ({
        %run_scoped3A = tpu.sem_alloc : memref<!tpu.dma_semaphore, #tpu.memory_space<semaphore_mem>>
        %dma_start3A_88 = arith.constant 0 : i32
        %dma_start3A_89 = tpu.memref_slice %arg9[%add3A_66, %dma_start3A_88] : memref<40x125xi32, #tpu.memory_space<vmem>> -> memref<1x125xi32, #tpu.memory_space<vmem>>
        %dma_start3A_90 = tpu.memref_squeeze %dma_start3A_89 : memref<1x125xi32, #tpu.memory_space<vmem>> -> memref<125xi32, #tpu.memory_space<vmem>>
        %dma_start3A_91 = arith.constant 0 : i32
        %dma_start3A_92 = arith.constant 0 : i32
        %dma_start3A_93 = tpu.memref_slice %arg7[%dma_start3A_91, %dma_start3A_92] : memref<10000x128xf32, #tpu.memory_space<vmem_shared>> -> memref<10000x128xf32, #tpu.memory_space<vmem_shared>>
        tpu.enqueue_indirect_dma source(%arg11 : memref<125x128xf32, #tpu.memory_space<vmem>>) target(%dma_start3A_93 : memref<10000x128xf32, #tpu.memory_space<vmem_shared>>) offsets(%dma_start3A_90 : memref<125xi32, #tpu.memory_space<vmem>>) semaphore(%run_scoped3A : memref<!tpu.dma_semaphore, #tpu.memory_space<semaphore_mem>>) {add = true}
        %dma_wait3A_94 = arith.constant 0 : i32
        %dma_wait3A_95 = tpu.memref_slice %arg9[%add3A_66, %dma_wait3A_94] : memref<40x125xi32, #tpu.memory_space<vmem>> -> memref<1x125xi32, #tpu.memory_space<vmem>>
        %dma_wait3A_96 = tpu.memref_squeeze %dma_wait3A_95 : memref<1x125xi32, #tpu.memory_space<vmem>> -> memref<125xi32, #tpu.memory_space<vmem>>
        %dma_wait3A_97 = arith.constant 0 : i32
        %dma_wait3A_98 = arith.constant 0 : i32
        %dma_wait3A_99 = tpu.memref_slice %arg7[%dma_wait3A_97, %dma_wait3A_98] : memref<10000x128xf32, #tpu.memory_space<vmem_shared>> -> memref<10000x128xf32, #tpu.memory_space<vmem_shared>>
        tpu.wait_indirect_dma semaphore(%run_scoped3A : memref<!tpu.dma_semaphore, #tpu.memory_space<semaphore_mem>>) src(%arg11 : memref<125x128xf32, #tpu.memory_space<vmem>>) dst(%dma_wait3A_99 : memref<10000x128xf32, #tpu.memory_space<vmem_shared>>)
        tpu.yield
      }) : () -> ()
    }
    %while3A_29 = arith.constant 1 : i32
    scf.for %while3A_62 = %while3A_27 to %while3A_23 step %while3A_29  : i32 {
      %mul3A_63 = arith.muli %while3A_62, %while3A : i32
      %add3A_64 = arith.addi %while3A_20, %mul3A_63 : i32
      %add3A_65 = arith.constant 1 : i32
      %add3A_66 = arith.addi %add3A_64, %add3A_65 : i32
      %add3A_67 = arith.constant 2 : i32
      %add3A_68 = arith.addi %add3A_64, %add3A_67 : i32
      %dma_start3A_69 = arith.constant 0 : i32
      %dma_start3A_70 = tpu.memref_slice %arg8[%add3A_66, %dma_start3A_69] : memref<40x125xi32, #tpu.memory_space<vmem>> -> memref<1x125xi32, #tpu.memory_space<vmem>>
      %dma_start3A_71 = tpu.memref_squeeze %dma_start3A_70 : memref<1x125xi32, #tpu.memory_space<vmem>> -> memref<125xi32, #tpu.memory_space<vmem>>
      %dma_start3A_72 = arith.constant 0 : i32
      %dma_start3A_73 = arith.constant 0 : i32
      %dma_start3A_74 = tpu.memref_slice %arg2[%dma_start3A_72, %dma_start3A_73] : memref<10000x128xf32, #tpu.memory_space<hbm>> -> memref<10000x128xf32, #tpu.memory_space<hbm>>
      tpu.enqueue_indirect_dma source(%dma_start3A_74 : memref<10000x128xf32, #tpu.memory_space<hbm>>) target(%arg11 : memref<125x128xf32, #tpu.memory_space<vmem>>) offsets(%dma_start3A_71 : memref<125xi32, #tpu.memory_space<vmem>>) semaphore(%arg13 : memref<!tpu.dma_semaphore, #tpu.memory_space<semaphore_mem>>)
      %dma_wait3A = arith.constant 0 : i32
      %dma_wait3A_75 = tpu.memref_slice %arg8[%add3A_64, %dma_wait3A] : memref<40x125xi32, #tpu.memory_space<vmem>> -> memref<1x125xi32, #tpu.memory_space<vmem>>
      %dma_wait3A_76 = tpu.memref_squeeze %dma_wait3A_75 : memref<1x125xi32, #tpu.memory_space<vmem>> -> memref<125xi32, #tpu.memory_space<vmem>>
      %dma_wait3A_77 = arith.constant 0 : i32
      %dma_wait3A_78 = arith.constant 0 : i32
      %dma_wait3A_79 = tpu.memref_slice %arg2[%dma_wait3A_77, %dma_wait3A_78] : memref<10000x128xf32, #tpu.memory_space<hbm>> -> memref<10000x128xf32, #tpu.memory_space<hbm>>
      tpu.wait_indirect_dma semaphore(%arg12 : memref<!tpu.dma_semaphore, #tpu.memory_space<semaphore_mem>>) src(%dma_wait3A_79 : memref<10000x128xf32, #tpu.memory_space<hbm>>) dst(%arg10 : memref<125x128xf32, #tpu.memory_space<vmem>>)
      "tpu.region"() ({
        %run_scoped3A = tpu.sem_alloc : memref<!tpu.dma_semaphore, #tpu.memory_space<semaphore_mem>>
        %dma_start3A_88 = arith.constant 0 : i32
        %dma_start3A_89 = tpu.memref_slice %arg9[%add3A_64, %dma_start3A_88] : memref<40x125xi32, #tpu.memory_space<vmem>> -> memref<1x125xi32, #tpu.memory_space<vmem>>
        %dma_start3A_90 = tpu.memref_squeeze %dma_start3A_89 : memref<1x125xi32, #tpu.memory_space<vmem>> -> memref<125xi32, #tpu.memory_space<vmem>>
        %dma_start3A_91 = arith.constant 0 : i32
        %dma_start3A_92 = arith.constant 0 : i32
        %dma_start3A_93 = tpu.memref_slice %arg7[%dma_start3A_91, %dma_start3A_92] : memref<10000x128xf32, #tpu.memory_space<vmem_shared>> -> memref<10000x128xf32, #tpu.memory_space<vmem_shared>>
        tpu.enqueue_indirect_dma source(%arg10 : memref<125x128xf32, #tpu.memory_space<vmem>>) target(%dma_start3A_93 : memref<10000x128xf32, #tpu.memory_space<vmem_shared>>) offsets(%dma_start3A_90 : memref<125xi32, #tpu.memory_space<vmem>>) semaphore(%run_scoped3A : memref<!tpu.dma_semaphore, #tpu.memory_space<semaphore_mem>>) {add = true}
        %dma_wait3A_94 = arith.constant 0 : i32
        %dma_wait3A_95 = tpu.memref_slice %arg9[%add3A_64, %dma_wait3A_94] : memref<40x125xi32, #tpu.memory_space<vmem>> -> memref<1x125xi32, #tpu.memory_space<vmem>>
        %dma_wait3A_96 = tpu.memref_squeeze %dma_wait3A_95 : memref<1x125xi32, #tpu.memory_space<vmem>> -> memref<125xi32, #tpu.memory_space<vmem>>
        %dma_wait3A_97 = arith.constant 0 : i32
        %dma_wait3A_98 = arith.constant 0 : i32
        %dma_wait3A_99 = tpu.memref_slice %arg7[%dma_wait3A_97, %dma_wait3A_98] : memref<10000x128xf32, #tpu.memory_space<vmem_shared>> -> memref<10000x128xf32, #tpu.memory_space<vmem_shared>>
        tpu.wait_indirect_dma semaphore(%run_scoped3A : memref<!tpu.dma_semaphore, #tpu.memory_space<semaphore_mem>>) src(%arg10 : memref<125x128xf32, #tpu.memory_space<vmem>>) dst(%dma_wait3A_99 : memref<10000x128xf32, #tpu.memory_space<vmem_shared>>)
        tpu.yield
      }) : () -> ()
      %lt3A = arith.constant 40 : i32
      %lt3A_80 = arith.cmpi slt, %add3A_68, %lt3A : i32
      %convert_element_type3A = arith.extui %lt3A_80 : i1 to i32
      %cond3A = arith.constant 0 : i32
      %cond3A_81 = arith.cmpi ne, %convert_element_type3A, %cond3A : i32
      scf.if %cond3A_81 {
        %dma_start3A_88 = arith.constant 0 : i32
        %dma_start3A_89 = tpu.memref_slice %arg8[%add3A_68, %dma_start3A_88] : memref<40x125xi32, #tpu.memory_space<vmem>> -> memref<1x125xi32, #tpu.memory_space<vmem>>
        %dma_start3A_90 = tpu.memref_squeeze %dma_start3A_89 : memref<1x125xi32, #tpu.memory_space<vmem>> -> memref<125xi32, #tpu.memory_space<vmem>>
        %dma_start3A_91 = arith.constant 0 : i32
        %dma_start3A_92 = arith.constant 0 : i32
        %dma_start3A_93 = tpu.memref_slice %arg2[%dma_start3A_91, %dma_start3A_92] : memref<10000x128xf32, #tpu.memory_space<hbm>> -> memref<10000x128xf32, #tpu.memory_space<hbm>>
        tpu.enqueue_indirect_dma source(%dma_start3A_93 : memref<10000x128xf32, #tpu.memory_space<hbm>>) target(%arg10 : memref<125x128xf32, #tpu.memory_space<vmem>>) offsets(%dma_start3A_90 : memref<125xi32, #tpu.memory_space<vmem>>) semaphore(%arg12 : memref<!tpu.dma_semaphore, #tpu.memory_space<semaphore_mem>>)
      } else {
      }
      %dma_wait3A_82 = arith.constant 0 : i32
      %dma_wait3A_83 = tpu.memref_slice %arg8[%add3A_66, %dma_wait3A_82] : memref<40x125xi32, #tpu.memory_space<vmem>> -> memref<1x125xi32, #tpu.memory_space<vmem>>
      %dma_wait3A_84 = tpu.memref_squeeze %dma_wait3A_83 : memref<1x125xi32, #tpu.memory_space<vmem>> -> memref<125xi32, #tpu.memory_space<vmem>>
      %dma_wait3A_85 = arith.constant 0 : i32
      %dma_wait3A_86 = arith.constant 0 : i32
      %dma_wait3A_87 = tpu.memref_slice %arg2[%dma_wait3A_85, %dma_wait3A_86] : memref<10000x128xf32, #tpu.memory_space<hbm>> -> memref<10000x128xf32, #tpu.memory_space<hbm>>
      tpu.wait_indirect_dma semaphore(%arg13 : memref<!tpu.dma_semaphore, #tpu.memory_space<semaphore_mem>>) src(%dma_wait3A_87 : memref<10000x128xf32, #tpu.memory_space<hbm>>) dst(%arg11 : memref<125x128xf32, #tpu.memory_space<vmem>>)
      "tpu.region"() ({
        %run_scoped3A = tpu.sem_alloc : memref<!tpu.dma_semaphore, #tpu.memory_space<semaphore_mem>>
        %dma_start3A_88 = arith.constant 0 : i32
        %dma_start3A_89 = tpu.memref_slice %arg9[%add3A_66, %dma_start3A_88] : memref<40x125xi32, #tpu.memory_space<vmem>> -> memref<1x125xi32, #tpu.memory_space<vmem>>
        %dma_start3A_90 = tpu.memref_squeeze %dma_start3A_89 : memref<1x125xi32, #tpu.memory_space<vmem>> -> memref<125xi32, #tpu.memory_space<vmem>>
        %dma_start3A_91 = arith.constant 0 : i32
        %dma_start3A_92 = arith.constant 0 : i32
        %dma_start3A_93 = tpu.memref_slice %arg7[%dma_start3A_91, %dma_start3A_92] : memref<10000x128xf32, #tpu.memory_space<vmem_shared>> -> memref<10000x128xf32, #tpu.memory_space<vmem_shared>>
        tpu.enqueue_indirect_dma source(%arg11 : memref<125x128xf32, #tpu.memory_space<vmem>>) target(%dma_start3A_93 : memref<10000x128xf32, #tpu.memory_space<vmem_shared>>) offsets(%dma_start3A_90 : memref<125xi32, #tpu.memory_space<vmem>>) semaphore(%run_scoped3A : memref<!tpu.dma_semaphore, #tpu.memory_space<semaphore_mem>>) {add = true}
        %dma_wait3A_94 = arith.constant 0 : i32
        %dma_wait3A_95 = tpu.memref_slice %arg9[%add3A_66, %dma_wait3A_94] : memref<40x125xi32, #tpu.memory_space<vmem>> -> memref<1x125xi32, #tpu.memory_space<vmem>>
        %dma_wait3A_96 = tpu.memref_squeeze %dma_wait3A_95 : memref<1x125xi32, #tpu.memory_space<vmem>> -> memref<125xi32, #tpu.memory_space<vmem>>
        %dma_wait3A_97 = arith.constant 0 : i32
        %dma_wait3A_98 = arith.constant 0 : i32
        %dma_wait3A_99 = tpu.memref_slice %arg7[%dma_wait3A_97, %dma_wait3A_98] : memref<10000x128xf32, #tpu.memory_space<vmem_shared>> -> memref<10000x128xf32, #tpu.memory_space<vmem_shared>>
        tpu.wait_indirect_dma semaphore(%run_scoped3A : memref<!tpu.dma_semaphore, #tpu.memory_space<semaphore_mem>>) src(%arg11 : memref<125x128xf32, #tpu.memory_space<vmem>>) dst(%dma_wait3A_99 : memref<10000x128xf32, #tpu.memory_space<vmem_shared>>)
        tpu.yield
      }) : () -> ()
    }
    %add3A_30 = arith.constant 40 : i32
    %add3A_31 = arith.addi %mul3A_4, %add3A_30 : i32
    "tpu.region"() ({
      %run_scoped3A = tpu.sem_alloc : memref<!tpu.dma_semaphore, #tpu.memory_space<semaphore_mem>>
      %dma_start3A_62 = arith.constant 0 : i32
      %dma_start3A_63 = tpu.memref_slice %arg3[%add3A_31, %dma_start3A_62] : memref<2560x125xi32, #tpu.memory_space<hbm>> -> memref<40x125xi32, #tpu.memory_space<hbm>>
      %dma_start3A_64 = arith.constant 0 : i32
      %dma_start3A_65 = tpu.memref_slice %arg3[%add3A_31, %dma_start3A_64] : memref<2560x125xi32, #tpu.memory_space<hbm>> -> memref<40x125xi32, #tpu.memory_space<hbm>>
      tpu.enqueue_dma source(%dma_start3A_65 : memref<40x125xi32, #tpu.memory_space<hbm>>) target(%arg8 : memref<40x125xi32, #tpu.memory_space<vmem>>) target_semaphore(%run_scoped3A : memref<!tpu.dma_semaphore, #tpu.memory_space<semaphore_mem>>)
      %dma_wait3A = arith.constant 0 : i32
      %dma_wait3A_66 = tpu.memref_slice %arg3[%add3A_31, %dma_wait3A] : memref<2560x125xi32, #tpu.memory_space<hbm>> -> memref<40x125xi32, #tpu.memory_space<hbm>>
      %dma_wait3A_67 = arith.constant 0 : i32
      %dma_wait3A_68 = tpu.memref_slice %arg3[%add3A_31, %dma_wait3A_67] : memref<2560x125xi32, #tpu.memory_space<hbm>> -> memref<40x125xi32, #tpu.memory_space<hbm>>
      tpu.wait_dma2 semaphore(%run_scoped3A : memref<!tpu.dma_semaphore, #tpu.memory_space<semaphore_mem>>) src(%dma_wait3A_68 : memref<40x125xi32, #tpu.memory_space<hbm>>) dst(%arg8 : memref<40x125xi32, #tpu.memory_space<vmem>>)
      tpu.yield
    }) : () -> ()
    "tpu.region"() ({
      %run_scoped3A = tpu.sem_alloc : memref<!tpu.dma_semaphore, #tpu.memory_space<semaphore_mem>>
      %dma_start3A_62 = arith.constant 0 : i32
      %dma_start3A_63 = tpu.memref_slice %arg4[%add3A_31, %dma_start3A_62] : memref<2560x125xi32, #tpu.memory_space<hbm>> -> memref<40x125xi32, #tpu.memory_space<hbm>>
      %dma_start3A_64 = arith.constant 0 : i32
      %dma_start3A_65 = tpu.memref_slice %arg4[%add3A_31, %dma_start3A_64] : memref<2560x125xi32, #tpu.memory_space<hbm>> -> memref<40x125xi32, #tpu.memory_space<hbm>>
      tpu.enqueue_dma source(%dma_start3A_65 : memref<40x125xi32, #tpu.memory_space<hbm>>) target(%arg9 : memref<40x125xi32, #tpu.memory_space<vmem>>) target_semaphore(%run_scoped3A : memref<!tpu.dma_semaphore, #tpu.memory_space<semaphore_mem>>)
      %dma_wait3A = arith.constant 0 : i32
      %dma_wait3A_66 = tpu.memref_slice %arg4[%add3A_31, %dma_wait3A] : memref<2560x125xi32, #tpu.memory_space<hbm>> -> memref<40x125xi32, #tpu.memory_space<hbm>>
      %dma_wait3A_67 = arith.constant 0 : i32
      %dma_wait3A_68 = tpu.memref_slice %arg4[%add3A_31, %dma_wait3A_67] : memref<2560x125xi32, #tpu.memory_space<hbm>> -> memref<40x125xi32, #tpu.memory_space<hbm>>
      tpu.wait_dma2 semaphore(%run_scoped3A : memref<!tpu.dma_semaphore, #tpu.memory_space<semaphore_mem>>) src(%dma_wait3A_68 : memref<40x125xi32, #tpu.memory_space<hbm>>) dst(%arg9 : memref<40x125xi32, #tpu.memory_space<vmem>>)
      tpu.yield
    }) : () -> ()
    %dma_start3A_32 = arith.constant 0 : i32
    %dma_start3A_33 = arith.constant 0 : i32
    %dma_start3A_34 = tpu.memref_slice %arg8[%dma_start3A_32, %dma_start3A_33] : memref<40x125xi32, #tpu.memory_space<vmem>> -> memref<1x125xi32, #tpu.memory_space<vmem>>
    %dma_start3A_35 = tpu.memref_squeeze %dma_start3A_34 : memref<1x125xi32, #tpu.memory_space<vmem>> -> memref<125xi32, #tpu.memory_space<vmem>>
    %dma_start3A_36 = arith.constant 0 : i32
    %dma_start3A_37 = arith.constant 0 : i32
    %dma_start3A_38 = tpu.memref_slice %arg2[%dma_start3A_36, %dma_start3A_37] : memref<10000x128xf32, #tpu.memory_space<hbm>> -> memref<10000x128xf32, #tpu.memory_space<hbm>>
    tpu.enqueue_indirect_dma source(%dma_start3A_38 : memref<10000x128xf32, #tpu.memory_space<hbm>>) target(%arg10 : memref<125x128xf32, #tpu.memory_space<vmem>>) offsets(%dma_start3A_35 : memref<125xi32, #tpu.memory_space<vmem>>) semaphore(%arg12 : memref<!tpu.dma_semaphore, #tpu.memory_space<semaphore_mem>>)
    %sub3A_39 = arith.constant 40 : i32
    %sub3A_40 = arith.constant 0 : i32
    %sub3A_41 = arith.subi %sub3A_39, %sub3A_40 : i32
    %sub3A_42 = arith.constant 2 : i32
    %sub3A_43 = arith.constant 1 : i32
    %sub3A_44 = arith.subi %sub3A_42, %sub3A_43 : i32
    %add3A_45 = arith.addi %sub3A_41, %sub3A_44 : i32
    %div3A_46 = arith.constant 2 : i32
    %div3A_47 = arith.divsi %add3A_45, %div3A_46 : i32
    %while3A_48 = arith.constant 2 : i32
    %while3A_49 = arith.constant 0 : i32
    %while3A_50 = arith.constant 0 : i32
    %while3A_51 = arith.subi %div3A_47, %while3A_50 : i32
    %while3A_52 = arith.addi %while3A_50, %while3A_51 : i32
    %while3A_53 = arith.constant 1 : i32
    %while3A_54 = arith.divsi %while3A_51, %while3A_53 : i32
    %while3A_55 = arith.muli %while3A_54, %while3A_53 : i32
    %while3A_56 = arith.addi %while3A_50, %while3A_55 : i32
    %while3A_57 = arith.constant 1 : i32
    scf.for %while3A_62 = %while3A_50 to %while3A_56 step %while3A_57  : i32 {
      %mul3A_63 = arith.muli %while3A_62, %while3A_48 : i32
      %add3A_64 = arith.addi %while3A_49, %mul3A_63 : i32
      %add3A_65 = arith.constant 1 : i32
      %add3A_66 = arith.addi %add3A_64, %add3A_65 : i32
      %add3A_67 = arith.constant 2 : i32
      %add3A_68 = arith.addi %add3A_64, %add3A_67 : i32
      %dma_start3A_69 = arith.constant 0 : i32
      %dma_start3A_70 = tpu.memref_slice %arg8[%add3A_66, %dma_start3A_69] : memref<40x125xi32, #tpu.memory_space<vmem>> -> memref<1x125xi32, #tpu.memory_space<vmem>>
      %dma_start3A_71 = tpu.memref_squeeze %dma_start3A_70 : memref<1x125xi32, #tpu.memory_space<vmem>> -> memref<125xi32, #tpu.memory_space<vmem>>
      %dma_start3A_72 = arith.constant 0 : i32
      %dma_start3A_73 = arith.constant 0 : i32
      %dma_start3A_74 = tpu.memref_slice %arg2[%dma_start3A_72, %dma_start3A_73] : memref<10000x128xf32, #tpu.memory_space<hbm>> -> memref<10000x128xf32, #tpu.memory_space<hbm>>
      tpu.enqueue_indirect_dma source(%dma_start3A_74 : memref<10000x128xf32, #tpu.memory_space<hbm>>) target(%arg11 : memref<125x128xf32, #tpu.memory_space<vmem>>) offsets(%dma_start3A_71 : memref<125xi32, #tpu.memory_space<vmem>>) semaphore(%arg13 : memref<!tpu.dma_semaphore, #tpu.memory_space<semaphore_mem>>)
      %dma_wait3A = arith.constant 0 : i32
      %dma_wait3A_75 = tpu.memref_slice %arg8[%add3A_64, %dma_wait3A] : memref<40x125xi32, #tpu.memory_space<vmem>> -> memref<1x125xi32, #tpu.memory_space<vmem>>
      %dma_wait3A_76 = tpu.memref_squeeze %dma_wait3A_75 : memref<1x125xi32, #tpu.memory_space<vmem>> -> memref<125xi32, #tpu.memory_space<vmem>>
      %dma_wait3A_77 = arith.constant 0 : i32
      %dma_wait3A_78 = arith.constant 0 : i32
      %dma_wait3A_79 = tpu.memref_slice %arg2[%dma_wait3A_77, %dma_wait3A_78] : memref<10000x128xf32, #tpu.memory_space<hbm>> -> memref<10000x128xf32, #tpu.memory_space<hbm>>
      tpu.wait_indirect_dma semaphore(%arg12 : memref<!tpu.dma_semaphore, #tpu.memory_space<semaphore_mem>>) src(%dma_wait3A_79 : memref<10000x128xf32, #tpu.memory_space<hbm>>) dst(%arg10 : memref<125x128xf32, #tpu.memory_space<vmem>>)
      "tpu.region"() ({
        %run_scoped3A = tpu.sem_alloc : memref<!tpu.dma_semaphore, #tpu.memory_space<semaphore_mem>>
        %dma_start3A_88 = arith.constant 0 : i32
        %dma_start3A_89 = tpu.memref_slice %arg9[%add3A_64, %dma_start3A_88] : memref<40x125xi32, #tpu.memory_space<vmem>> -> memref<1x125xi32, #tpu.memory_space<vmem>>
        %dma_start3A_90 = tpu.memref_squeeze %dma_start3A_89 : memref<1x125xi32, #tpu.memory_space<vmem>> -> memref<125xi32, #tpu.memory_space<vmem>>
        %dma_start3A_91 = arith.constant 0 : i32
        %dma_start3A_92 = arith.constant 0 : i32
        %dma_start3A_93 = tpu.memref_slice %arg7[%dma_start3A_91, %dma_start3A_92] : memref<10000x128xf32, #tpu.memory_space<vmem_shared>> -> memref<10000x128xf32, #tpu.memory_space<vmem_shared>>
        tpu.enqueue_indirect_dma source(%arg10 : memref<125x128xf32, #tpu.memory_space<vmem>>) target(%dma_start3A_93 : memref<10000x128xf32, #tpu.memory_space<vmem_shared>>) offsets(%dma_start3A_90 : memref<125xi32, #tpu.memory_space<vmem>>) semaphore(%run_scoped3A : memref<!tpu.dma_semaphore, #tpu.memory_space<semaphore_mem>>) {add = true}
        %dma_wait3A_94 = arith.constant 0 : i32
        %dma_wait3A_95 = tpu.memref_slice %arg9[%add3A_64, %dma_wait3A_94] : memref<40x125xi32, #tpu.memory_space<vmem>> -> memref<1x125xi32, #tpu.memory_space<vmem>>
        %dma_wait3A_96 = tpu.memref_squeeze %dma_wait3A_95 : memref<1x125xi32, #tpu.memory_space<vmem>> -> memref<125xi32, #tpu.memory_space<vmem>>
        %dma_wait3A_97 = arith.constant 0 : i32
        %dma_wait3A_98 = arith.constant 0 : i32
        %dma_wait3A_99 = tpu.memref_slice %arg7[%dma_wait3A_97, %dma_wait3A_98] : memref<10000x128xf32, #tpu.memory_space<vmem_shared>> -> memref<10000x128xf32, #tpu.memory_space<vmem_shared>>
        tpu.wait_indirect_dma semaphore(%run_scoped3A : memref<!tpu.dma_semaphore, #tpu.memory_space<semaphore_mem>>) src(%arg10 : memref<125x128xf32, #tpu.memory_space<vmem>>) dst(%dma_wait3A_99 : memref<10000x128xf32, #tpu.memory_space<vmem_shared>>)
        tpu.yield
      }) : () -> ()
      %lt3A = arith.constant 40 : i32
      %lt3A_80 = arith.cmpi slt, %add3A_68, %lt3A : i32
      %convert_element_type3A = arith.extui %lt3A_80 : i1 to i32
      %cond3A = arith.constant 0 : i32
      %cond3A_81 = arith.cmpi ne, %convert_element_type3A, %cond3A : i32
      scf.if %cond3A_81 {
        %dma_start3A_88 = arith.constant 0 : i32
        %dma_start3A_89 = tpu.memref_slice %arg8[%add3A_68, %dma_start3A_88] : memref<40x125xi32, #tpu.memory_space<vmem>> -> memref<1x125xi32, #tpu.memory_space<vmem>>
        %dma_start3A_90 = tpu.memref_squeeze %dma_start3A_89 : memref<1x125xi32, #tpu.memory_space<vmem>> -> memref<125xi32, #tpu.memory_space<vmem>>
        %dma_start3A_91 = arith.constant 0 : i32
        %dma_start3A_92 = arith.constant 0 : i32
        %dma_start3A_93 = tpu.memref_slice %arg2[%dma_start3A_91, %dma_start3A_92] : memref<10000x128xf32, #tpu.memory_space<hbm>> -> memref<10000x128xf32, #tpu.memory_space<hbm>>
        tpu.enqueue_indirect_dma source(%dma_start3A_93 : memref<10000x128xf32, #tpu.memory_space<hbm>>) target(%arg10 : memref<125x128xf32, #tpu.memory_space<vmem>>) offsets(%dma_start3A_90 : memref<125xi32, #tpu.memory_space<vmem>>) semaphore(%arg12 : memref<!tpu.dma_semaphore, #tpu.memory_space<semaphore_mem>>)
      } else {
      }
      %dma_wait3A_82 = arith.constant 0 : i32
      %dma_wait3A_83 = tpu.memref_slice %arg8[%add3A_66, %dma_wait3A_82] : memref<40x125xi32, #tpu.memory_space<vmem>> -> memref<1x125xi32, #tpu.memory_space<vmem>>
      %dma_wait3A_84 = tpu.memref_squeeze %dma_wait3A_83 : memref<1x125xi32, #tpu.memory_space<vmem>> -> memref<125xi32, #tpu.memory_space<vmem>>
      %dma_wait3A_85 = arith.constant 0 : i32
      %dma_wait3A_86 = arith.constant 0 : i32
      %dma_wait3A_87 = tpu.memref_slice %arg2[%dma_wait3A_85, %dma_wait3A_86] : memref<10000x128xf32, #tpu.memory_space<hbm>> -> memref<10000x128xf32, #tpu.memory_space<hbm>>
      tpu.wait_indirect_dma semaphore(%arg13 : memref<!tpu.dma_semaphore, #tpu.memory_space<semaphore_mem>>) src(%dma_wait3A_87 : memref<10000x128xf32, #tpu.memory_space<hbm>>) dst(%arg11 : memref<125x128xf32, #tpu.memory_space<vmem>>)
      "tpu.region"() ({
        %run_scoped3A = tpu.sem_alloc : memref<!tpu.dma_semaphore, #tpu.memory_space<semaphore_mem>>
        %dma_start3A_88 = arith.constant 0 : i32
        %dma_start3A_89 = tpu.memref_slice %arg9[%add3A_66, %dma_start3A_88] : memref<40x125xi32, #tpu.memory_space<vmem>> -> memref<1x125xi32, #tpu.memory_space<vmem>>
        %dma_start3A_90 = tpu.memref_squeeze %dma_start3A_89 : memref<1x125xi32, #tpu.memory_space<vmem>> -> memref<125xi32, #tpu.memory_space<vmem>>
        %dma_start3A_91 = arith.constant 0 : i32
        %dma_start3A_92 = arith.constant 0 : i32
        %dma_start3A_93 = tpu.memref_slice %arg7[%dma_start3A_91, %dma_start3A_92] : memref<10000x128xf32, #tpu.memory_space<vmem_shared>> -> memref<10000x128xf32, #tpu.memory_space<vmem_shared>>
        tpu.enqueue_indirect_dma source(%arg11 : memref<125x128xf32, #tpu.memory_space<vmem>>) target(%dma_start3A_93 : memref<10000x128xf32, #tpu.memory_space<vmem_shared>>) offsets(%dma_start3A_90 : memref<125xi32, #tpu.memory_space<vmem>>) semaphore(%run_scoped3A : memref<!tpu.dma_semaphore, #tpu.memory_space<semaphore_mem>>) {add = true}
        %dma_wait3A_94 = arith.constant 0 : i32
        %dma_wait3A_95 = tpu.memref_slice %arg9[%add3A_66, %dma_wait3A_94] : memref<40x125xi32, #tpu.memory_space<vmem>> -> memref<1x125xi32, #tpu.memory_space<vmem>>
        %dma_wait3A_96 = tpu.memref_squeeze %dma_wait3A_95 : memref<1x125xi32, #tpu.memory_space<vmem>> -> memref<125xi32, #tpu.memory_space<vmem>>
        %dma_wait3A_97 = arith.constant 0 : i32
        %dma_wait3A_98 = arith.constant 0 : i32
        %dma_wait3A_99 = tpu.memref_slice %arg7[%dma_wait3A_97, %dma_wait3A_98] : memref<10000x128xf32, #tpu.memory_space<vmem_shared>> -> memref<10000x128xf32, #tpu.memory_space<vmem_shared>>
        tpu.wait_indirect_dma semaphore(%run_scoped3A : memref<!tpu.dma_semaphore, #tpu.memory_space<semaphore_mem>>) src(%arg11 : memref<125x128xf32, #tpu.memory_space<vmem>>) dst(%dma_wait3A_99 : memref<10000x128xf32, #tpu.memory_space<vmem_shared>>)
        tpu.yield
      }) : () -> ()
    }
    %while3A_58 = arith.constant 1 : i32
    scf.for %while3A_62 = %while3A_56 to %while3A_52 step %while3A_58  : i32 {
      %mul3A_63 = arith.muli %while3A_62, %while3A_48 : i32
      %add3A_64 = arith.addi %while3A_49, %mul3A_63 : i32
      %add3A_65 = arith.constant 1 : i32
      %add3A_66 = arith.addi %add3A_64, %add3A_65 : i32
      %add3A_67 = arith.constant 2 : i32
      %add3A_68 = arith.addi %add3A_64, %add3A_67 : i32
      %dma_start3A_69 = arith.constant 0 : i32
      %dma_start3A_70 = tpu.memref_slice %arg8[%add3A_66, %dma_start3A_69] : memref<40x125xi32, #tpu.memory_space<vmem>> -> memref<1x125xi32, #tpu.memory_space<vmem>>
      %dma_start3A_71 = tpu.memref_squeeze %dma_start3A_70 : memref<1x125xi32, #tpu.memory_space<vmem>> -> memref<125xi32, #tpu.memory_space<vmem>>
      %dma_start3A_72 = arith.constant 0 : i32
      %dma_start3A_73 = arith.constant 0 : i32
      %dma_start3A_74 = tpu.memref_slice %arg2[%dma_start3A_72, %dma_start3A_73] : memref<10000x128xf32, #tpu.memory_space<hbm>> -> memref<10000x128xf32, #tpu.memory_space<hbm>>
      tpu.enqueue_indirect_dma source(%dma_start3A_74 : memref<10000x128xf32, #tpu.memory_space<hbm>>) target(%arg11 : memref<125x128xf32, #tpu.memory_space<vmem>>) offsets(%dma_start3A_71 : memref<125xi32, #tpu.memory_space<vmem>>) semaphore(%arg13 : memref<!tpu.dma_semaphore, #tpu.memory_space<semaphore_mem>>)
      %dma_wait3A = arith.constant 0 : i32
      %dma_wait3A_75 = tpu.memref_slice %arg8[%add3A_64, %dma_wait3A] : memref<40x125xi32, #tpu.memory_space<vmem>> -> memref<1x125xi32, #tpu.memory_space<vmem>>
      %dma_wait3A_76 = tpu.memref_squeeze %dma_wait3A_75 : memref<1x125xi32, #tpu.memory_space<vmem>> -> memref<125xi32, #tpu.memory_space<vmem>>
      %dma_wait3A_77 = arith.constant 0 : i32
      %dma_wait3A_78 = arith.constant 0 : i32
      %dma_wait3A_79 = tpu.memref_slice %arg2[%dma_wait3A_77, %dma_wait3A_78] : memref<10000x128xf32, #tpu.memory_space<hbm>> -> memref<10000x128xf32, #tpu.memory_space<hbm>>
      tpu.wait_indirect_dma semaphore(%arg12 : memref<!tpu.dma_semaphore, #tpu.memory_space<semaphore_mem>>) src(%dma_wait3A_79 : memref<10000x128xf32, #tpu.memory_space<hbm>>) dst(%arg10 : memref<125x128xf32, #tpu.memory_space<vmem>>)
      "tpu.region"() ({
        %run_scoped3A = tpu.sem_alloc : memref<!tpu.dma_semaphore, #tpu.memory_space<semaphore_mem>>
        %dma_start3A_88 = arith.constant 0 : i32
        %dma_start3A_89 = tpu.memref_slice %arg9[%add3A_64, %dma_start3A_88] : memref<40x125xi32, #tpu.memory_space<vmem>> -> memref<1x125xi32, #tpu.memory_space<vmem>>
        %dma_start3A_90 = tpu.memref_squeeze %dma_start3A_89 : memref<1x125xi32, #tpu.memory_space<vmem>> -> memref<125xi32, #tpu.memory_space<vmem>>
        %dma_start3A_91 = arith.constant 0 : i32
        %dma_start3A_92 = arith.constant 0 : i32
        %dma_start3A_93 = tpu.memref_slice %arg7[%dma_start3A_91, %dma_start3A_92] : memref<10000x128xf32, #tpu.memory_space<vmem_shared>> -> memref<10000x128xf32, #tpu.memory_space<vmem_shared>>
        tpu.enqueue_indirect_dma source(%arg10 : memref<125x128xf32, #tpu.memory_space<vmem>>) target(%dma_start3A_93 : memref<10000x128xf32, #tpu.memory_space<vmem_shared>>) offsets(%dma_start3A_90 : memref<125xi32, #tpu.memory_space<vmem>>) semaphore(%run_scoped3A : memref<!tpu.dma_semaphore, #tpu.memory_space<semaphore_mem>>) {add = true}
        %dma_wait3A_94 = arith.constant 0 : i32
        %dma_wait3A_95 = tpu.memref_slice %arg9[%add3A_64, %dma_wait3A_94] : memref<40x125xi32, #tpu.memory_space<vmem>> -> memref<1x125xi32, #tpu.memory_space<vmem>>
        %dma_wait3A_96 = tpu.memref_squeeze %dma_wait3A_95 : memref<1x125xi32, #tpu.memory_space<vmem>> -> memref<125xi32, #tpu.memory_space<vmem>>
        %dma_wait3A_97 = arith.constant 0 : i32
        %dma_wait3A_98 = arith.constant 0 : i32
        %dma_wait3A_99 = tpu.memref_slice %arg7[%dma_wait3A_97, %dma_wait3A_98] : memref<10000x128xf32, #tpu.memory_space<vmem_shared>> -> memref<10000x128xf32, #tpu.memory_space<vmem_shared>>
        tpu.wait_indirect_dma semaphore(%run_scoped3A : memref<!tpu.dma_semaphore, #tpu.memory_space<semaphore_mem>>) src(%arg10 : memref<125x128xf32, #tpu.memory_space<vmem>>) dst(%dma_wait3A_99 : memref<10000x128xf32, #tpu.memory_space<vmem_shared>>)
        tpu.yield
      }) : () -> ()
      %lt3A = arith.constant 40 : i32
      %lt3A_80 = arith.cmpi slt, %add3A_68, %lt3A : i32
      %convert_element_type3A = arith.extui %lt3A_80 : i1 to i32
      %cond3A = arith.constant 0 : i32
      %cond3A_81 = arith.cmpi ne, %convert_element_type3A, %cond3A : i32
      scf.if %cond3A_81 {
        %dma_start3A_88 = arith.constant 0 : i32
        %dma_start3A_89 = tpu.memref_slice %arg8[%add3A_68, %dma_start3A_88] : memref<40x125xi32, #tpu.memory_space<vmem>> -> memref<1x125xi32, #tpu.memory_space<vmem>>
        %dma_start3A_90 = tpu.memref_squeeze %dma_start3A_89 : memref<1x125xi32, #tpu.memory_space<vmem>> -> memref<125xi32, #tpu.memory_space<vmem>>
        %dma_start3A_91 = arith.constant 0 : i32
        %dma_start3A_92 = arith.constant 0 : i32
        %dma_start3A_93 = tpu.memref_slice %arg2[%dma_start3A_91, %dma_start3A_92] : memref<10000x128xf32, #tpu.memory_space<hbm>> -> memref<10000x128xf32, #tpu.memory_space<hbm>>
        tpu.enqueue_indirect_dma source(%dma_start3A_93 : memref<10000x128xf32, #tpu.memory_space<hbm>>) target(%arg10 : memref<125x128xf32, #tpu.memory_space<vmem>>) offsets(%dma_start3A_90 : memref<125xi32, #tpu.memory_space<vmem>>) semaphore(%arg12 : memref<!tpu.dma_semaphore, #tpu.memory_space<semaphore_mem>>)
      } else {
      }
      %dma_wait3A_82 = arith.constant 0 : i32
      %dma_wait3A_83 = tpu.memref_slice %arg8[%add3A_66, %dma_wait3A_82] : memref<40x125xi32, #tpu.memory_space<vmem>> -> memref<1x125xi32, #tpu.memory_space<vmem>>
      %dma_wait3A_84 = tpu.memref_squeeze %dma_wait3A_83 : memref<1x125xi32, #tpu.memory_space<vmem>> -> memref<125xi32, #tpu.memory_space<vmem>>
      %dma_wait3A_85 = arith.constant 0 : i32
      %dma_wait3A_86 = arith.constant 0 : i32
      %dma_wait3A_87 = tpu.memref_slice %arg2[%dma_wait3A_85, %dma_wait3A_86] : memref<10000x128xf32, #tpu.memory_space<hbm>> -> memref<10000x128xf32, #tpu.memory_space<hbm>>
      tpu.wait_indirect_dma semaphore(%arg13 : memref<!tpu.dma_semaphore, #tpu.memory_space<semaphore_mem>>) src(%dma_wait3A_87 : memref<10000x128xf32, #tpu.memory_space<hbm>>) dst(%arg11 : memref<125x128xf32, #tpu.memory_space<vmem>>)
      "tpu.region"() ({
        %run_scoped3A = tpu.sem_alloc : memref<!tpu.dma_semaphore, #tpu.memory_space<semaphore_mem>>
        %dma_start3A_88 = arith.constant 0 : i32
        %dma_start3A_89 = tpu.memref_slice %arg9[%add3A_66, %dma_start3A_88] : memref<40x125xi32, #tpu.memory_space<vmem>> -> memref<1x125xi32, #tpu.memory_space<vmem>>
        %dma_start3A_90 = tpu.memref_squeeze %dma_start3A_89 : memref<1x125xi32, #tpu.memory_space<vmem>> -> memref<125xi32, #tpu.memory_space<vmem>>
        %dma_start3A_91 = arith.constant 0 : i32
        %dma_start3A_92 = arith.constant 0 : i32
        %dma_start3A_93 = tpu.memref_slice %arg7[%dma_start3A_91, %dma_start3A_92] : memref<10000x128xf32, #tpu.memory_space<vmem_shared>> -> memref<10000x128xf32, #tpu.memory_space<vmem_shared>>
        tpu.enqueue_indirect_dma source(%arg11 : memref<125x128xf32, #tpu.memory_space<vmem>>) target(%dma_start3A_93 : memref<10000x128xf32, #tpu.memory_space<vmem_shared>>) offsets(%dma_start3A_90 : memref<125xi32, #tpu.memory_space<vmem>>) semaphore(%run_scoped3A : memref<!tpu.dma_semaphore, #tpu.memory_space<semaphore_mem>>) {add = true}
        %dma_wait3A_94 = arith.constant 0 : i32
        %dma_wait3A_95 = tpu.memref_slice %arg9[%add3A_66, %dma_wait3A_94] : memref<40x125xi32, #tpu.memory_space<vmem>> -> memref<1x125xi32, #tpu.memory_space<vmem>>
        %dma_wait3A_96 = tpu.memref_squeeze %dma_wait3A_95 : memref<1x125xi32, #tpu.memory_space<vmem>> -> memref<125xi32, #tpu.memory_space<vmem>>
        %dma_wait3A_97 = arith.constant 0 : i32
        %dma_wait3A_98 = arith.constant 0 : i32
        %dma_wait3A_99 = tpu.memref_slice %arg7[%dma_wait3A_97, %dma_wait3A_98] : memref<10000x128xf32, #tpu.memory_space<vmem_shared>> -> memref<10000x128xf32, #tpu.memory_space<vmem_shared>>
        tpu.wait_indirect_dma semaphore(%run_scoped3A : memref<!tpu.dma_semaphore, #tpu.memory_space<semaphore_mem>>) src(%arg11 : memref<125x128xf32, #tpu.memory_space<vmem>>) dst(%dma_wait3A_99 : memref<10000x128xf32, #tpu.memory_space<vmem_shared>>)
        tpu.yield
      }) : () -> ()
    }
    %barrier3A_59 = arith.constant 0 : index
    tpu.barrier barrier_id(%barrier3A_59)
    %mul3A_60 = arith.constant 625 : i32
    %mul3A_61 = arith.muli %arg1, %mul3A_60 : i32
    "tpu.region"() ({
      %run_scoped3A = tpu.sem_alloc : memref<!tpu.dma_semaphore, #tpu.memory_space<semaphore_mem>>
      %dma_start3A_62 = arith.constant 0 : i32
      %dma_start3A_63 = arith.constant 0 : i32
      %dma_start3A_64 = tpu.memref_slice %arg6[%arg0, %arg1, %dma_start3A_62, %dma_start3A_63] : memref<2x16x625x128xf32, #tpu.memory_space<hbm>> -> memref<1x1x625x128xf32, #tpu.memory_space<hbm>>
      %dma_start3A_65 = tpu.memref_squeeze %dma_start3A_64 : memref<1x1x625x128xf32, #tpu.memory_space<hbm>> -> memref<625x128xf32, #tpu.memory_space<hbm>>
      %dma_start3A_66 = arith.constant 0 : i32
      %dma_start3A_67 = tpu.memref_slice %arg7[%mul3A_61, %dma_start3A_66] : memref<10000x128xf32, #tpu.memory_space<vmem_shared>> -> memref<625x128xf32, #tpu.memory_space<vmem_shared>>
      tpu.enqueue_dma source(%dma_start3A_67 : memref<625x128xf32, #tpu.memory_space<vmem_shared>>) target(%dma_start3A_65 : memref<625x128xf32, #tpu.memory_space<hbm>>) target_semaphore(%run_scoped3A : memref<!tpu.dma_semaphore, #tpu.memory_space<semaphore_mem>>)
      %dma_wait3A = arith.constant 0 : i32
      %dma_wait3A_68 = arith.constant 0 : i32
      %dma_wait3A_69 = tpu.memref_slice %arg6[%arg0, %arg1, %dma_wait3A, %dma_wait3A_68] : memref<2x16x625x128xf32, #tpu.memory_space<hbm>> -> memref<1x1x625x128xf32, #tpu.memory_space<hbm>>
      %dma_wait3A_70 = tpu.memref_squeeze %dma_wait3A_69 : memref<1x1x625x128xf32, #tpu.memory_space<hbm>> -> memref<625x128xf32, #tpu.memory_space<hbm>>
      %dma_wait3A_71 = arith.constant 0 : i32
      %dma_wait3A_72 = tpu.memref_slice %arg7[%mul3A_61, %dma_wait3A_71] : memref<10000x128xf32, #tpu.memory_space<vmem_shared>> -> memref<625x128xf32, #tpu.memory_space<vmem_shared>>
      tpu.wait_dma2 semaphore(%run_scoped3A : memref<!tpu.dma_semaphore, #tpu.memory_space<semaphore_mem>>) src(%dma_wait3A_72 : memref<625x128xf32, #tpu.memory_space<vmem_shared>>) dst(%dma_wait3A_70 : memref<625x128xf32, #tpu.memory_space<hbm>>)
      tpu.yield
    }) : () -> ()
    return
  }
}

#map = affine_map<(d0, d1) -> (0, 0)>
#map1 = affine_map<(d0, d1) -> (0, 0, 0, 0)>
module attributes {stable_mosaic.version = 14 : i64} {
  func.func @_agg_body(%arg0: i32, %arg1: i32, %arg2: memref<10000x128xf32, #tpu.memory_space<hbm>>, %arg3: memref<2560x125xi32, #tpu.memory_space<hbm>>, %arg4: memref<2560x125xi32, #tpu.memory_space<hbm>>, %arg5: memref<625x128xf32, #tpu.memory_space<hbm>>, %arg6: memref<2x16x625x128xf32, #tpu.memory_space<hbm>>, %arg7: memref<10000x128xf32, #tpu.memory_space<vmem_shared>>, %arg8: memref<40x125xi32, #tpu.memory_space<vmem>>, %arg9: memref<40x125xi32, #tpu.memory_space<vmem>>, %arg10: memref<125x128xf32, #tpu.memory_space<vmem>>, %arg11: memref<125x128xf32, #tpu.memory_space<vmem>>, %arg12: memref<!tpu.dma_semaphore, #tpu.memory_space<semaphore_mem>>, %arg13: memref<!tpu.dma_semaphore, #tpu.memory_space<semaphore_mem>>) attributes {dimension_semantics = [#tpu.dimension_semantics<core_parallel>, #tpu.dimension_semantics<subcore_parallel>], iteration_bounds = array<i64: 2, 16>, scalar_prefetch = 0 : i64, scratch_operands = 7 : i64, tpu.core_type = #tpu.core_type<sc_vector_subcore>, window_params = [{transform_indices = #map}, {transform_indices = #map}, {transform_indices = #map}, {transform_indices = #map}, {transform_indices = #map1}]} {
    %mul3A = arith.constant 625 : i32
    %mul3A_0 = arith.muli %arg1, %mul3A : i32
    "tpu.region"() ({
      %run_scoped3A = tpu.sem_alloc : memref<!tpu.dma_semaphore, #tpu.memory_space<semaphore_mem>>
      %dma_start3A_62 = arith.constant 0 : i32
      %dma_start3A_63 = tpu.memref_slice %arg7[%mul3A_0, %dma_start3A_62] : memref<10000x128xf32, #tpu.memory_space<vmem_shared>> -> memref<625x128xf32, #tpu.memory_space<vmem_shared>>
      tpu.enqueue_dma source(%arg5 : memref<625x128xf32, #tpu.memory_space<hbm>>) target(%dma_start3A_63 : memref<625x128xf32, #tpu.memory_space<vmem_shared>>) target_semaphore(%run_scoped3A : memref<!tpu.dma_semaphore, #tpu.memory_space<semaphore_mem>>)
      %dma_wait3A = arith.constant 0 : i32
      %dma_wait3A_64 = tpu.memref_slice %arg7[%mul3A_0, %dma_wait3A] : memref<10000x128xf32, #tpu.memory_space<vmem_shared>> -> memref<625x128xf32, #tpu.memory_space<vmem_shared>>
      tpu.wait_dma2 semaphore(%run_scoped3A : memref<!tpu.dma_semaphore, #tpu.memory_space<semaphore_mem>>) src(%arg5 : memref<625x128xf32, #tpu.memory_space<hbm>>) dst(%dma_wait3A_64 : memref<625x128xf32, #tpu.memory_space<vmem_shared>>)
      tpu.yield
    }) : () -> ()
    %barrier3A = arith.constant 0 : index
    tpu.barrier barrier_id(%barrier3A)
    %mul3A_1 = arith.constant 16 : i32
    %mul3A_2 = arith.muli %arg0, %mul3A_1 : i32
    %add3A = arith.addi %mul3A_2, %arg1 : i32
    %mul3A_3 = arith.constant 80 : i32
    %mul3A_4 = arith.muli %add3A, %mul3A_3 : i32
    %add3A_5 = arith.constant 0 : i32
    %add3A_6 = arith.addi %mul3A_4, %add3A_5 : i32
    "tpu.region"() ({
      %run_scoped3A = tpu.sem_alloc : memref<!tpu.dma_semaphore, #tpu.memory_space<semaphore_mem>>
      %dma_start3A_62 = arith.constant 0 : i32
      %dma_start3A_63 = tpu.memref_slice %arg3[%add3A_6, %dma_start3A_62] : memref<2560x125xi32, #tpu.memory_space<hbm>> -> memref<40x125xi32, #tpu.memory_space<hbm>>
      %dma_start3A_64 = arith.constant 0 : i32
      %dma_start3A_65 = tpu.memref_slice %arg3[%add3A_6, %dma_start3A_64] : memref<2560x125xi32, #tpu.memory_space<hbm>> -> memref<40x125xi32, #tpu.memory_space<hbm>>
      tpu.enqueue_dma source(%dma_start3A_65 : memref<40x125xi32, #tpu.memory_space<hbm>>) target(%arg8 : memref<40x125xi32, #tpu.memory_space<vmem>>) target_semaphore(%run_scoped3A : memref<!tpu.dma_semaphore, #tpu.memory_space<semaphore_mem>>)
      %dma_wait3A = arith.constant 0 : i32
      %dma_wait3A_66 = tpu.memref_slice %arg3[%add3A_6, %dma_wait3A] : memref<2560x125xi32, #tpu.memory_space<hbm>> -> memref<40x125xi32, #tpu.memory_space<hbm>>
      %dma_wait3A_67 = arith.constant 0 : i32
      %dma_wait3A_68 = tpu.memref_slice %arg3[%add3A_6, %dma_wait3A_67] : memref<2560x125xi32, #tpu.memory_space<hbm>> -> memref<40x125xi32, #tpu.memory_space<hbm>>
      tpu.wait_dma2 semaphore(%run_scoped3A : memref<!tpu.dma_semaphore, #tpu.memory_space<semaphore_mem>>) src(%dma_wait3A_68 : memref<40x125xi32, #tpu.memory_space<hbm>>) dst(%arg8 : memref<40x125xi32, #tpu.memory_space<vmem>>)
      tpu.yield
    }) : () -> ()
    "tpu.region"() ({
      %run_scoped3A = tpu.sem_alloc : memref<!tpu.dma_semaphore, #tpu.memory_space<semaphore_mem>>
      %dma_start3A_62 = arith.constant 0 : i32
      %dma_start3A_63 = tpu.memref_slice %arg4[%add3A_6, %dma_start3A_62] : memref<2560x125xi32, #tpu.memory_space<hbm>> -> memref<40x125xi32, #tpu.memory_space<hbm>>
      %dma_start3A_64 = arith.constant 0 : i32
      %dma_start3A_65 = tpu.memref_slice %arg4[%add3A_6, %dma_start3A_64] : memref<2560x125xi32, #tpu.memory_space<hbm>> -> memref<40x125xi32, #tpu.memory_space<hbm>>
      tpu.enqueue_dma source(%dma_start3A_65 : memref<40x125xi32, #tpu.memory_space<hbm>>) target(%arg9 : memref<40x125xi32, #tpu.memory_space<vmem>>) target_semaphore(%run_scoped3A : memref<!tpu.dma_semaphore, #tpu.memory_space<semaphore_mem>>)
      %dma_wait3A = arith.constant 0 : i32
      %dma_wait3A_66 = tpu.memref_slice %arg4[%add3A_6, %dma_wait3A] : memref<2560x125xi32, #tpu.memory_space<hbm>> -> memref<40x125xi32, #tpu.memory_space<hbm>>
      %dma_wait3A_67 = arith.constant 0 : i32
      %dma_wait3A_68 = tpu.memref_slice %arg4[%add3A_6, %dma_wait3A_67] : memref<2560x125xi32, #tpu.memory_space<hbm>> -> memref<40x125xi32, #tpu.memory_space<hbm>>
      tpu.wait_dma2 semaphore(%run_scoped3A : memref<!tpu.dma_semaphore, #tpu.memory_space<semaphore_mem>>) src(%dma_wait3A_68 : memref<40x125xi32, #tpu.memory_space<hbm>>) dst(%arg9 : memref<40x125xi32, #tpu.memory_space<vmem>>)
      tpu.yield
    }) : () -> ()
    %dma_start3A = arith.constant 0 : i32
    %dma_start3A_7 = arith.constant 0 : i32
    %dma_start3A_8 = tpu.memref_slice %arg8[%dma_start3A, %dma_start3A_7] : memref<40x125xi32, #tpu.memory_space<vmem>> -> memref<1x125xi32, #tpu.memory_space<vmem>>
    %dma_start3A_9 = tpu.memref_squeeze %dma_start3A_8 : memref<1x125xi32, #tpu.memory_space<vmem>> -> memref<125xi32, #tpu.memory_space<vmem>>
    %dma_start3A_10 = arith.constant 0 : i32
    %dma_start3A_11 = arith.constant 0 : i32
    %dma_start3A_12 = tpu.memref_slice %arg2[%dma_start3A_10, %dma_start3A_11] : memref<10000x128xf32, #tpu.memory_space<hbm>> -> memref<10000x128xf32, #tpu.memory_space<hbm>>
    tpu.enqueue_indirect_dma source(%dma_start3A_12 : memref<10000x128xf32, #tpu.memory_space<hbm>>) target(%arg10 : memref<125x128xf32, #tpu.memory_space<vmem>>) offsets(%dma_start3A_9 : memref<125xi32, #tpu.memory_space<vmem>>) semaphore(%arg12 : memref<!tpu.dma_semaphore, #tpu.memory_space<semaphore_mem>>)
    %sub3A = arith.constant 40 : i32
    %sub3A_13 = arith.constant 0 : i32
    %sub3A_14 = arith.subi %sub3A, %sub3A_13 : i32
    %sub3A_15 = arith.constant 2 : i32
    %sub3A_16 = arith.constant 1 : i32
    %sub3A_17 = arith.subi %sub3A_15, %sub3A_16 : i32
    %add3A_18 = arith.addi %sub3A_14, %sub3A_17 : i32
    %div3A = arith.constant 2 : i32
    %div3A_19 = arith.divsi %add3A_18, %div3A : i32
    %while3A = arith.constant 2 : i32
    %while3A_20 = arith.constant 0 : i32
    %while3A_21 = arith.constant 0 : i32
    %while3A_22 = arith.subi %div3A_19, %while3A_21 : i32
    %while3A_23 = arith.addi %while3A_21, %while3A_22 : i32
    %while3A_24 = arith.constant 1 : i32
    %while3A_25 = arith.divsi %while3A_22, %while3A_24 : i32
    %while3A_26 = arith.muli %while3A_25, %while3A_24 : i32
    %while3A_27 = arith.addi %while3A_21, %while3A_26 : i32
    %while3A_28 = arith.constant 1 : i32
    scf.for %while3A_62 = %while3A_21 to %while3A_27 step %while3A_28  : i32 {
      %mul3A_63 = arith.muli %while3A_62, %while3A : i32
      %add3A_64 = arith.addi %while3A_20, %mul3A_63 : i32
      %add3A_65 = arith.constant 1 : i32
      %add3A_66 = arith.addi %add3A_64, %add3A_65 : i32
      %add3A_67 = arith.constant 2 : i32
      %add3A_68 = arith.addi %add3A_64, %add3A_67 : i32
      %dma_start3A_69 = arith.constant 0 : i32
      %dma_start3A_70 = tpu.memref_slice %arg8[%add3A_66, %dma_start3A_69] : memref<40x125xi32, #tpu.memory_space<vmem>> -> memref<1x125xi32, #tpu.memory_space<vmem>>
      %dma_start3A_71 = tpu.memref_squeeze %dma_start3A_70 : memref<1x125xi32, #tpu.memory_space<vmem>> -> memref<125xi32, #tpu.memory_space<vmem>>
      %dma_start3A_72 = arith.constant 0 : i32
      %dma_start3A_73 = arith.constant 0 : i32
      %dma_start3A_74 = tpu.memref_slice %arg2[%dma_start3A_72, %dma_start3A_73] : memref<10000x128xf32, #tpu.memory_space<hbm>> -> memref<10000x128xf32, #tpu.memory_space<hbm>>
      tpu.enqueue_indirect_dma source(%dma_start3A_74 : memref<10000x128xf32, #tpu.memory_space<hbm>>) target(%arg11 : memref<125x128xf32, #tpu.memory_space<vmem>>) offsets(%dma_start3A_71 : memref<125xi32, #tpu.memory_space<vmem>>) semaphore(%arg13 : memref<!tpu.dma_semaphore, #tpu.memory_space<semaphore_mem>>)
      %dma_wait3A = arith.constant 0 : i32
      %dma_wait3A_75 = tpu.memref_slice %arg8[%add3A_64, %dma_wait3A] : memref<40x125xi32, #tpu.memory_space<vmem>> -> memref<1x125xi32, #tpu.memory_space<vmem>>
      %dma_wait3A_76 = tpu.memref_squeeze %dma_wait3A_75 : memref<1x125xi32, #tpu.memory_space<vmem>> -> memref<125xi32, #tpu.memory_space<vmem>>
      %dma_wait3A_77 = arith.constant 0 : i32
      %dma_wait3A_78 = arith.constant 0 : i32
      %dma_wait3A_79 = tpu.memref_slice %arg2[%dma_wait3A_77, %dma_wait3A_78] : memref<10000x128xf32, #tpu.memory_space<hbm>> -> memref<10000x128xf32, #tpu.memory_space<hbm>>
      tpu.wait_indirect_dma semaphore(%arg12 : memref<!tpu.dma_semaphore, #tpu.memory_space<semaphore_mem>>) src(%dma_wait3A_79 : memref<10000x128xf32, #tpu.memory_space<hbm>>) dst(%arg10 : memref<125x128xf32, #tpu.memory_space<vmem>>)
      "tpu.region"() ({
        %run_scoped3A = tpu.sem_alloc : memref<!tpu.dma_semaphore, #tpu.memory_space<semaphore_mem>>
        %dma_start3A_88 = arith.constant 0 : i32
        %dma_start3A_89 = tpu.memref_slice %arg9[%add3A_64, %dma_start3A_88] : memref<40x125xi32, #tpu.memory_space<vmem>> -> memref<1x125xi32, #tpu.memory_space<vmem>>
        %dma_start3A_90 = tpu.memref_squeeze %dma_start3A_89 : memref<1x125xi32, #tpu.memory_space<vmem>> -> memref<125xi32, #tpu.memory_space<vmem>>
        %dma_start3A_91 = arith.constant 0 : i32
        %dma_start3A_92 = arith.constant 0 : i32
        %dma_start3A_93 = tpu.memref_slice %arg7[%dma_start3A_91, %dma_start3A_92] : memref<10000x128xf32, #tpu.memory_space<vmem_shared>> -> memref<10000x128xf32, #tpu.memory_space<vmem_shared>>
        tpu.enqueue_indirect_dma source(%arg10 : memref<125x128xf32, #tpu.memory_space<vmem>>) target(%dma_start3A_93 : memref<10000x128xf32, #tpu.memory_space<vmem_shared>>) offsets(%dma_start3A_90 : memref<125xi32, #tpu.memory_space<vmem>>) semaphore(%run_scoped3A : memref<!tpu.dma_semaphore, #tpu.memory_space<semaphore_mem>>) {add = true}
        %dma_wait3A_94 = arith.constant 0 : i32
        %dma_wait3A_95 = tpu.memref_slice %arg9[%add3A_64, %dma_wait3A_94] : memref<40x125xi32, #tpu.memory_space<vmem>> -> memref<1x125xi32, #tpu.memory_space<vmem>>
        %dma_wait3A_96 = tpu.memref_squeeze %dma_wait3A_95 : memref<1x125xi32, #tpu.memory_space<vmem>> -> memref<125xi32, #tpu.memory_space<vmem>>
        %dma_wait3A_97 = arith.constant 0 : i32
        %dma_wait3A_98 = arith.constant 0 : i32
        %dma_wait3A_99 = tpu.memref_slice %arg7[%dma_wait3A_97, %dma_wait3A_98] : memref<10000x128xf32, #tpu.memory_space<vmem_shared>> -> memref<10000x128xf32, #tpu.memory_space<vmem_shared>>
        tpu.wait_indirect_dma semaphore(%run_scoped3A : memref<!tpu.dma_semaphore, #tpu.memory_space<semaphore_mem>>) src(%arg10 : memref<125x128xf32, #tpu.memory_space<vmem>>) dst(%dma_wait3A_99 : memref<10000x128xf32, #tpu.memory_space<vmem_shared>>)
        tpu.yield
      }) : () -> ()
      %lt3A = arith.constant 40 : i32
      %lt3A_80 = arith.cmpi slt, %add3A_68, %lt3A : i32
      %convert_element_type3A = arith.extui %lt3A_80 : i1 to i32
      %cond3A = arith.constant 0 : i32
      %cond3A_81 = arith.cmpi ne, %convert_element_type3A, %cond3A : i32
      scf.if %cond3A_81 {
        %dma_start3A_88 = arith.constant 0 : i32
        %dma_start3A_89 = tpu.memref_slice %arg8[%add3A_68, %dma_start3A_88] : memref<40x125xi32, #tpu.memory_space<vmem>> -> memref<1x125xi32, #tpu.memory_space<vmem>>
        %dma_start3A_90 = tpu.memref_squeeze %dma_start3A_89 : memref<1x125xi32, #tpu.memory_space<vmem>> -> memref<125xi32, #tpu.memory_space<vmem>>
        %dma_start3A_91 = arith.constant 0 : i32
        %dma_start3A_92 = arith.constant 0 : i32
        %dma_start3A_93 = tpu.memref_slice %arg2[%dma_start3A_91, %dma_start3A_92] : memref<10000x128xf32, #tpu.memory_space<hbm>> -> memref<10000x128xf32, #tpu.memory_space<hbm>>
        tpu.enqueue_indirect_dma source(%dma_start3A_93 : memref<10000x128xf32, #tpu.memory_space<hbm>>) target(%arg10 : memref<125x128xf32, #tpu.memory_space<vmem>>) offsets(%dma_start3A_90 : memref<125xi32, #tpu.memory_space<vmem>>) semaphore(%arg12 : memref<!tpu.dma_semaphore, #tpu.memory_space<semaphore_mem>>)
      } else {
      }
      %dma_wait3A_82 = arith.constant 0 : i32
      %dma_wait3A_83 = tpu.memref_slice %arg8[%add3A_66, %dma_wait3A_82] : memref<40x125xi32, #tpu.memory_space<vmem>> -> memref<1x125xi32, #tpu.memory_space<vmem>>
      %dma_wait3A_84 = tpu.memref_squeeze %dma_wait3A_83 : memref<1x125xi32, #tpu.memory_space<vmem>> -> memref<125xi32, #tpu.memory_space<vmem>>
      %dma_wait3A_85 = arith.constant 0 : i32
      %dma_wait3A_86 = arith.constant 0 : i32
      %dma_wait3A_87 = tpu.memref_slice %arg2[%dma_wait3A_85, %dma_wait3A_86] : memref<10000x128xf32, #tpu.memory_space<hbm>> -> memref<10000x128xf32, #tpu.memory_space<hbm>>
      tpu.wait_indirect_dma semaphore(%arg13 : memref<!tpu.dma_semaphore, #tpu.memory_space<semaphore_mem>>) src(%dma_wait3A_87 : memref<10000x128xf32, #tpu.memory_space<hbm>>) dst(%arg11 : memref<125x128xf32, #tpu.memory_space<vmem>>)
      "tpu.region"() ({
        %run_scoped3A = tpu.sem_alloc : memref<!tpu.dma_semaphore, #tpu.memory_space<semaphore_mem>>
        %dma_start3A_88 = arith.constant 0 : i32
        %dma_start3A_89 = tpu.memref_slice %arg9[%add3A_66, %dma_start3A_88] : memref<40x125xi32, #tpu.memory_space<vmem>> -> memref<1x125xi32, #tpu.memory_space<vmem>>
        %dma_start3A_90 = tpu.memref_squeeze %dma_start3A_89 : memref<1x125xi32, #tpu.memory_space<vmem>> -> memref<125xi32, #tpu.memory_space<vmem>>
        %dma_start3A_91 = arith.constant 0 : i32
        %dma_start3A_92 = arith.constant 0 : i32
        %dma_start3A_93 = tpu.memref_slice %arg7[%dma_start3A_91, %dma_start3A_92] : memref<10000x128xf32, #tpu.memory_space<vmem_shared>> -> memref<10000x128xf32, #tpu.memory_space<vmem_shared>>
        tpu.enqueue_indirect_dma source(%arg11 : memref<125x128xf32, #tpu.memory_space<vmem>>) target(%dma_start3A_93 : memref<10000x128xf32, #tpu.memory_space<vmem_shared>>) offsets(%dma_start3A_90 : memref<125xi32, #tpu.memory_space<vmem>>) semaphore(%run_scoped3A : memref<!tpu.dma_semaphore, #tpu.memory_space<semaphore_mem>>) {add = true}
        %dma_wait3A_94 = arith.constant 0 : i32
        %dma_wait3A_95 = tpu.memref_slice %arg9[%add3A_66, %dma_wait3A_94] : memref<40x125xi32, #tpu.memory_space<vmem>> -> memref<1x125xi32, #tpu.memory_space<vmem>>
        %dma_wait3A_96 = tpu.memref_squeeze %dma_wait3A_95 : memref<1x125xi32, #tpu.memory_space<vmem>> -> memref<125xi32, #tpu.memory_space<vmem>>
        %dma_wait3A_97 = arith.constant 0 : i32
        %dma_wait3A_98 = arith.constant 0 : i32
        %dma_wait3A_99 = tpu.memref_slice %arg7[%dma_wait3A_97, %dma_wait3A_98] : memref<10000x128xf32, #tpu.memory_space<vmem_shared>> -> memref<10000x128xf32, #tpu.memory_space<vmem_shared>>
        tpu.wait_indirect_dma semaphore(%run_scoped3A : memref<!tpu.dma_semaphore, #tpu.memory_space<semaphore_mem>>) src(%arg11 : memref<125x128xf32, #tpu.memory_space<vmem>>) dst(%dma_wait3A_99 : memref<10000x128xf32, #tpu.memory_space<vmem_shared>>)
        tpu.yield
      }) : () -> ()
    }
    %while3A_29 = arith.constant 1 : i32
    scf.for %while3A_62 = %while3A_27 to %while3A_23 step %while3A_29  : i32 {
      %mul3A_63 = arith.muli %while3A_62, %while3A : i32
      %add3A_64 = arith.addi %while3A_20, %mul3A_63 : i32
      %add3A_65 = arith.constant 1 : i32
      %add3A_66 = arith.addi %add3A_64, %add3A_65 : i32
      %add3A_67 = arith.constant 2 : i32
      %add3A_68 = arith.addi %add3A_64, %add3A_67 : i32
      %dma_start3A_69 = arith.constant 0 : i32
      %dma_start3A_70 = tpu.memref_slice %arg8[%add3A_66, %dma_start3A_69] : memref<40x125xi32, #tpu.memory_space<vmem>> -> memref<1x125xi32, #tpu.memory_space<vmem>>
      %dma_start3A_71 = tpu.memref_squeeze %dma_start3A_70 : memref<1x125xi32, #tpu.memory_space<vmem>> -> memref<125xi32, #tpu.memory_space<vmem>>
      %dma_start3A_72 = arith.constant 0 : i32
      %dma_start3A_73 = arith.constant 0 : i32
      %dma_start3A_74 = tpu.memref_slice %arg2[%dma_start3A_72, %dma_start3A_73] : memref<10000x128xf32, #tpu.memory_space<hbm>> -> memref<10000x128xf32, #tpu.memory_space<hbm>>
      tpu.enqueue_indirect_dma source(%dma_start3A_74 : memref<10000x128xf32, #tpu.memory_space<hbm>>) target(%arg11 : memref<125x128xf32, #tpu.memory_space<vmem>>) offsets(%dma_start3A_71 : memref<125xi32, #tpu.memory_space<vmem>>) semaphore(%arg13 : memref<!tpu.dma_semaphore, #tpu.memory_space<semaphore_mem>>)
      %dma_wait3A = arith.constant 0 : i32
      %dma_wait3A_75 = tpu.memref_slice %arg8[%add3A_64, %dma_wait3A] : memref<40x125xi32, #tpu.memory_space<vmem>> -> memref<1x125xi32, #tpu.memory_space<vmem>>
      %dma_wait3A_76 = tpu.memref_squeeze %dma_wait3A_75 : memref<1x125xi32, #tpu.memory_space<vmem>> -> memref<125xi32, #tpu.memory_space<vmem>>
      %dma_wait3A_77 = arith.constant 0 : i32
      %dma_wait3A_78 = arith.constant 0 : i32
      %dma_wait3A_79 = tpu.memref_slice %arg2[%dma_wait3A_77, %dma_wait3A_78] : memref<10000x128xf32, #tpu.memory_space<hbm>> -> memref<10000x128xf32, #tpu.memory_space<hbm>>
      tpu.wait_indirect_dma semaphore(%arg12 : memref<!tpu.dma_semaphore, #tpu.memory_space<semaphore_mem>>) src(%dma_wait3A_79 : memref<10000x128xf32, #tpu.memory_space<hbm>>) dst(%arg10 : memref<125x128xf32, #tpu.memory_space<vmem>>)
      "tpu.region"() ({
        %run_scoped3A = tpu.sem_alloc : memref<!tpu.dma_semaphore, #tpu.memory_space<semaphore_mem>>
        %dma_start3A_88 = arith.constant 0 : i32
        %dma_start3A_89 = tpu.memref_slice %arg9[%add3A_64, %dma_start3A_88] : memref<40x125xi32, #tpu.memory_space<vmem>> -> memref<1x125xi32, #tpu.memory_space<vmem>>
        %dma_start3A_90 = tpu.memref_squeeze %dma_start3A_89 : memref<1x125xi32, #tpu.memory_space<vmem>> -> memref<125xi32, #tpu.memory_space<vmem>>
        %dma_start3A_91 = arith.constant 0 : i32
        %dma_start3A_92 = arith.constant 0 : i32
        %dma_start3A_93 = tpu.memref_slice %arg7[%dma_start3A_91, %dma_start3A_92] : memref<10000x128xf32, #tpu.memory_space<vmem_shared>> -> memref<10000x128xf32, #tpu.memory_space<vmem_shared>>
        tpu.enqueue_indirect_dma source(%arg10 : memref<125x128xf32, #tpu.memory_space<vmem>>) target(%dma_start3A_93 : memref<10000x128xf32, #tpu.memory_space<vmem_shared>>) offsets(%dma_start3A_90 : memref<125xi32, #tpu.memory_space<vmem>>) semaphore(%run_scoped3A : memref<!tpu.dma_semaphore, #tpu.memory_space<semaphore_mem>>) {add = true}
        %dma_wait3A_94 = arith.constant 0 : i32
        %dma_wait3A_95 = tpu.memref_slice %arg9[%add3A_64, %dma_wait3A_94] : memref<40x125xi32, #tpu.memory_space<vmem>> -> memref<1x125xi32, #tpu.memory_space<vmem>>
        %dma_wait3A_96 = tpu.memref_squeeze %dma_wait3A_95 : memref<1x125xi32, #tpu.memory_space<vmem>> -> memref<125xi32, #tpu.memory_space<vmem>>
        %dma_wait3A_97 = arith.constant 0 : i32
        %dma_wait3A_98 = arith.constant 0 : i32
        %dma_wait3A_99 = tpu.memref_slice %arg7[%dma_wait3A_97, %dma_wait3A_98] : memref<10000x128xf32, #tpu.memory_space<vmem_shared>> -> memref<10000x128xf32, #tpu.memory_space<vmem_shared>>
        tpu.wait_indirect_dma semaphore(%run_scoped3A : memref<!tpu.dma_semaphore, #tpu.memory_space<semaphore_mem>>) src(%arg10 : memref<125x128xf32, #tpu.memory_space<vmem>>) dst(%dma_wait3A_99 : memref<10000x128xf32, #tpu.memory_space<vmem_shared>>)
        tpu.yield
      }) : () -> ()
      %lt3A = arith.constant 40 : i32
      %lt3A_80 = arith.cmpi slt, %add3A_68, %lt3A : i32
      %convert_element_type3A = arith.extui %lt3A_80 : i1 to i32
      %cond3A = arith.constant 0 : i32
      %cond3A_81 = arith.cmpi ne, %convert_element_type3A, %cond3A : i32
      scf.if %cond3A_81 {
        %dma_start3A_88 = arith.constant 0 : i32
        %dma_start3A_89 = tpu.memref_slice %arg8[%add3A_68, %dma_start3A_88] : memref<40x125xi32, #tpu.memory_space<vmem>> -> memref<1x125xi32, #tpu.memory_space<vmem>>
        %dma_start3A_90 = tpu.memref_squeeze %dma_start3A_89 : memref<1x125xi32, #tpu.memory_space<vmem>> -> memref<125xi32, #tpu.memory_space<vmem>>
        %dma_start3A_91 = arith.constant 0 : i32
        %dma_start3A_92 = arith.constant 0 : i32
        %dma_start3A_93 = tpu.memref_slice %arg2[%dma_start3A_91, %dma_start3A_92] : memref<10000x128xf32, #tpu.memory_space<hbm>> -> memref<10000x128xf32, #tpu.memory_space<hbm>>
        tpu.enqueue_indirect_dma source(%dma_start3A_93 : memref<10000x128xf32, #tpu.memory_space<hbm>>) target(%arg10 : memref<125x128xf32, #tpu.memory_space<vmem>>) offsets(%dma_start3A_90 : memref<125xi32, #tpu.memory_space<vmem>>) semaphore(%arg12 : memref<!tpu.dma_semaphore, #tpu.memory_space<semaphore_mem>>)
      } else {
      }
      %dma_wait3A_82 = arith.constant 0 : i32
      %dma_wait3A_83 = tpu.memref_slice %arg8[%add3A_66, %dma_wait3A_82] : memref<40x125xi32, #tpu.memory_space<vmem>> -> memref<1x125xi32, #tpu.memory_space<vmem>>
      %dma_wait3A_84 = tpu.memref_squeeze %dma_wait3A_83 : memref<1x125xi32, #tpu.memory_space<vmem>> -> memref<125xi32, #tpu.memory_space<vmem>>
      %dma_wait3A_85 = arith.constant 0 : i32
      %dma_wait3A_86 = arith.constant 0 : i32
      %dma_wait3A_87 = tpu.memref_slice %arg2[%dma_wait3A_85, %dma_wait3A_86] : memref<10000x128xf32, #tpu.memory_space<hbm>> -> memref<10000x128xf32, #tpu.memory_space<hbm>>
      tpu.wait_indirect_dma semaphore(%arg13 : memref<!tpu.dma_semaphore, #tpu.memory_space<semaphore_mem>>) src(%dma_wait3A_87 : memref<10000x128xf32, #tpu.memory_space<hbm>>) dst(%arg11 : memref<125x128xf32, #tpu.memory_space<vmem>>)
      "tpu.region"() ({
        %run_scoped3A = tpu.sem_alloc : memref<!tpu.dma_semaphore, #tpu.memory_space<semaphore_mem>>
        %dma_start3A_88 = arith.constant 0 : i32
        %dma_start3A_89 = tpu.memref_slice %arg9[%add3A_66, %dma_start3A_88] : memref<40x125xi32, #tpu.memory_space<vmem>> -> memref<1x125xi32, #tpu.memory_space<vmem>>
        %dma_start3A_90 = tpu.memref_squeeze %dma_start3A_89 : memref<1x125xi32, #tpu.memory_space<vmem>> -> memref<125xi32, #tpu.memory_space<vmem>>
        %dma_start3A_91 = arith.constant 0 : i32
        %dma_start3A_92 = arith.constant 0 : i32
        %dma_start3A_93 = tpu.memref_slice %arg7[%dma_start3A_91, %dma_start3A_92] : memref<10000x128xf32, #tpu.memory_space<vmem_shared>> -> memref<10000x128xf32, #tpu.memory_space<vmem_shared>>
        tpu.enqueue_indirect_dma source(%arg11 : memref<125x128xf32, #tpu.memory_space<vmem>>) target(%dma_start3A_93 : memref<10000x128xf32, #tpu.memory_space<vmem_shared>>) offsets(%dma_start3A_90 : memref<125xi32, #tpu.memory_space<vmem>>) semaphore(%run_scoped3A : memref<!tpu.dma_semaphore, #tpu.memory_space<semaphore_mem>>) {add = true}
        %dma_wait3A_94 = arith.constant 0 : i32
        %dma_wait3A_95 = tpu.memref_slice %arg9[%add3A_66, %dma_wait3A_94] : memref<40x125xi32, #tpu.memory_space<vmem>> -> memref<1x125xi32, #tpu.memory_space<vmem>>
        %dma_wait3A_96 = tpu.memref_squeeze %dma_wait3A_95 : memref<1x125xi32, #tpu.memory_space<vmem>> -> memref<125xi32, #tpu.memory_space<vmem>>
        %dma_wait3A_97 = arith.constant 0 : i32
        %dma_wait3A_98 = arith.constant 0 : i32
        %dma_wait3A_99 = tpu.memref_slice %arg7[%dma_wait3A_97, %dma_wait3A_98] : memref<10000x128xf32, #tpu.memory_space<vmem_shared>> -> memref<10000x128xf32, #tpu.memory_space<vmem_shared>>
        tpu.wait_indirect_dma semaphore(%run_scoped3A : memref<!tpu.dma_semaphore, #tpu.memory_space<semaphore_mem>>) src(%arg11 : memref<125x128xf32, #tpu.memory_space<vmem>>) dst(%dma_wait3A_99 : memref<10000x128xf32, #tpu.memory_space<vmem_shared>>)
        tpu.yield
      }) : () -> ()
    }
    %add3A_30 = arith.constant 40 : i32
    %add3A_31 = arith.addi %mul3A_4, %add3A_30 : i32
    "tpu.region"() ({
      %run_scoped3A = tpu.sem_alloc : memref<!tpu.dma_semaphore, #tpu.memory_space<semaphore_mem>>
      %dma_start3A_62 = arith.constant 0 : i32
      %dma_start3A_63 = tpu.memref_slice %arg3[%add3A_31, %dma_start3A_62] : memref<2560x125xi32, #tpu.memory_space<hbm>> -> memref<40x125xi32, #tpu.memory_space<hbm>>
      %dma_start3A_64 = arith.constant 0 : i32
      %dma_start3A_65 = tpu.memref_slice %arg3[%add3A_31, %dma_start3A_64] : memref<2560x125xi32, #tpu.memory_space<hbm>> -> memref<40x125xi32, #tpu.memory_space<hbm>>
      tpu.enqueue_dma source(%dma_start3A_65 : memref<40x125xi32, #tpu.memory_space<hbm>>) target(%arg8 : memref<40x125xi32, #tpu.memory_space<vmem>>) target_semaphore(%run_scoped3A : memref<!tpu.dma_semaphore, #tpu.memory_space<semaphore_mem>>)
      %dma_wait3A = arith.constant 0 : i32
      %dma_wait3A_66 = tpu.memref_slice %arg3[%add3A_31, %dma_wait3A] : memref<2560x125xi32, #tpu.memory_space<hbm>> -> memref<40x125xi32, #tpu.memory_space<hbm>>
      %dma_wait3A_67 = arith.constant 0 : i32
      %dma_wait3A_68 = tpu.memref_slice %arg3[%add3A_31, %dma_wait3A_67] : memref<2560x125xi32, #tpu.memory_space<hbm>> -> memref<40x125xi32, #tpu.memory_space<hbm>>
      tpu.wait_dma2 semaphore(%run_scoped3A : memref<!tpu.dma_semaphore, #tpu.memory_space<semaphore_mem>>) src(%dma_wait3A_68 : memref<40x125xi32, #tpu.memory_space<hbm>>) dst(%arg8 : memref<40x125xi32, #tpu.memory_space<vmem>>)
      tpu.yield
    }) : () -> ()
    "tpu.region"() ({
      %run_scoped3A = tpu.sem_alloc : memref<!tpu.dma_semaphore, #tpu.memory_space<semaphore_mem>>
      %dma_start3A_62 = arith.constant 0 : i32
      %dma_start3A_63 = tpu.memref_slice %arg4[%add3A_31, %dma_start3A_62] : memref<2560x125xi32, #tpu.memory_space<hbm>> -> memref<40x125xi32, #tpu.memory_space<hbm>>
      %dma_start3A_64 = arith.constant 0 : i32
      %dma_start3A_65 = tpu.memref_slice %arg4[%add3A_31, %dma_start3A_64] : memref<2560x125xi32, #tpu.memory_space<hbm>> -> memref<40x125xi32, #tpu.memory_space<hbm>>
      tpu.enqueue_dma source(%dma_start3A_65 : memref<40x125xi32, #tpu.memory_space<hbm>>) target(%arg9 : memref<40x125xi32, #tpu.memory_space<vmem>>) target_semaphore(%run_scoped3A : memref<!tpu.dma_semaphore, #tpu.memory_space<semaphore_mem>>)
      %dma_wait3A = arith.constant 0 : i32
      %dma_wait3A_66 = tpu.memref_slice %arg4[%add3A_31, %dma_wait3A] : memref<2560x125xi32, #tpu.memory_space<hbm>> -> memref<40x125xi32, #tpu.memory_space<hbm>>
      %dma_wait3A_67 = arith.constant 0 : i32
      %dma_wait3A_68 = tpu.memref_slice %arg4[%add3A_31, %dma_wait3A_67] : memref<2560x125xi32, #tpu.memory_space<hbm>> -> memref<40x125xi32, #tpu.memory_space<hbm>>
      tpu.wait_dma2 semaphore(%run_scoped3A : memref<!tpu.dma_semaphore, #tpu.memory_space<semaphore_mem>>) src(%dma_wait3A_68 : memref<40x125xi32, #tpu.memory_space<hbm>>) dst(%arg9 : memref<40x125xi32, #tpu.memory_space<vmem>>)
      tpu.yield
    }) : () -> ()
    %dma_start3A_32 = arith.constant 0 : i32
    %dma_start3A_33 = arith.constant 0 : i32
    %dma_start3A_34 = tpu.memref_slice %arg8[%dma_start3A_32, %dma_start3A_33] : memref<40x125xi32, #tpu.memory_space<vmem>> -> memref<1x125xi32, #tpu.memory_space<vmem>>
    %dma_start3A_35 = tpu.memref_squeeze %dma_start3A_34 : memref<1x125xi32, #tpu.memory_space<vmem>> -> memref<125xi32, #tpu.memory_space<vmem>>
    %dma_start3A_36 = arith.constant 0 : i32
    %dma_start3A_37 = arith.constant 0 : i32
    %dma_start3A_38 = tpu.memref_slice %arg2[%dma_start3A_36, %dma_start3A_37] : memref<10000x128xf32, #tpu.memory_space<hbm>> -> memref<10000x128xf32, #tpu.memory_space<hbm>>
    tpu.enqueue_indirect_dma source(%dma_start3A_38 : memref<10000x128xf32, #tpu.memory_space<hbm>>) target(%arg10 : memref<125x128xf32, #tpu.memory_space<vmem>>) offsets(%dma_start3A_35 : memref<125xi32, #tpu.memory_space<vmem>>) semaphore(%arg12 : memref<!tpu.dma_semaphore, #tpu.memory_space<semaphore_mem>>)
    %sub3A_39 = arith.constant 40 : i32
    %sub3A_40 = arith.constant 0 : i32
    %sub3A_41 = arith.subi %sub3A_39, %sub3A_40 : i32
    %sub3A_42 = arith.constant 2 : i32
    %sub3A_43 = arith.constant 1 : i32
    %sub3A_44 = arith.subi %sub3A_42, %sub3A_43 : i32
    %add3A_45 = arith.addi %sub3A_41, %sub3A_44 : i32
    %div3A_46 = arith.constant 2 : i32
    %div3A_47 = arith.divsi %add3A_45, %div3A_46 : i32
    %while3A_48 = arith.constant 2 : i32
    %while3A_49 = arith.constant 0 : i32
    %while3A_50 = arith.constant 0 : i32
    %while3A_51 = arith.subi %div3A_47, %while3A_50 : i32
    %while3A_52 = arith.addi %while3A_50, %while3A_51 : i32
    %while3A_53 = arith.constant 1 : i32
    %while3A_54 = arith.divsi %while3A_51, %while3A_53 : i32
    %while3A_55 = arith.muli %while3A_54, %while3A_53 : i32
    %while3A_56 = arith.addi %while3A_50, %while3A_55 : i32
    %while3A_57 = arith.constant 1 : i32
    scf.for %while3A_62 = %while3A_50 to %while3A_56 step %while3A_57  : i32 {
      %mul3A_63 = arith.muli %while3A_62, %while3A_48 : i32
      %add3A_64 = arith.addi %while3A_49, %mul3A_63 : i32
      %add3A_65 = arith.constant 1 : i32
      %add3A_66 = arith.addi %add3A_64, %add3A_65 : i32
      %add3A_67 = arith.constant 2 : i32
      %add3A_68 = arith.addi %add3A_64, %add3A_67 : i32
      %dma_start3A_69 = arith.constant 0 : i32
      %dma_start3A_70 = tpu.memref_slice %arg8[%add3A_66, %dma_start3A_69] : memref<40x125xi32, #tpu.memory_space<vmem>> -> memref<1x125xi32, #tpu.memory_space<vmem>>
      %dma_start3A_71 = tpu.memref_squeeze %dma_start3A_70 : memref<1x125xi32, #tpu.memory_space<vmem>> -> memref<125xi32, #tpu.memory_space<vmem>>
      %dma_start3A_72 = arith.constant 0 : i32
      %dma_start3A_73 = arith.constant 0 : i32
      %dma_start3A_74 = tpu.memref_slice %arg2[%dma_start3A_72, %dma_start3A_73] : memref<10000x128xf32, #tpu.memory_space<hbm>> -> memref<10000x128xf32, #tpu.memory_space<hbm>>
      tpu.enqueue_indirect_dma source(%dma_start3A_74 : memref<10000x128xf32, #tpu.memory_space<hbm>>) target(%arg11 : memref<125x128xf32, #tpu.memory_space<vmem>>) offsets(%dma_start3A_71 : memref<125xi32, #tpu.memory_space<vmem>>) semaphore(%arg13 : memref<!tpu.dma_semaphore, #tpu.memory_space<semaphore_mem>>)
      %dma_wait3A = arith.constant 0 : i32
      %dma_wait3A_75 = tpu.memref_slice %arg8[%add3A_64, %dma_wait3A] : memref<40x125xi32, #tpu.memory_space<vmem>> -> memref<1x125xi32, #tpu.memory_space<vmem>>
      %dma_wait3A_76 = tpu.memref_squeeze %dma_wait3A_75 : memref<1x125xi32, #tpu.memory_space<vmem>> -> memref<125xi32, #tpu.memory_space<vmem>>
      %dma_wait3A_77 = arith.constant 0 : i32
      %dma_wait3A_78 = arith.constant 0 : i32
      %dma_wait3A_79 = tpu.memref_slice %arg2[%dma_wait3A_77, %dma_wait3A_78] : memref<10000x128xf32, #tpu.memory_space<hbm>> -> memref<10000x128xf32, #tpu.memory_space<hbm>>
      tpu.wait_indirect_dma semaphore(%arg12 : memref<!tpu.dma_semaphore, #tpu.memory_space<semaphore_mem>>) src(%dma_wait3A_79 : memref<10000x128xf32, #tpu.memory_space<hbm>>) dst(%arg10 : memref<125x128xf32, #tpu.memory_space<vmem>>)
      "tpu.region"() ({
        %run_scoped3A = tpu.sem_alloc : memref<!tpu.dma_semaphore, #tpu.memory_space<semaphore_mem>>
        %dma_start3A_88 = arith.constant 0 : i32
        %dma_start3A_89 = tpu.memref_slice %arg9[%add3A_64, %dma_start3A_88] : memref<40x125xi32, #tpu.memory_space<vmem>> -> memref<1x125xi32, #tpu.memory_space<vmem>>
        %dma_start3A_90 = tpu.memref_squeeze %dma_start3A_89 : memref<1x125xi32, #tpu.memory_space<vmem>> -> memref<125xi32, #tpu.memory_space<vmem>>
        %dma_start3A_91 = arith.constant 0 : i32
        %dma_start3A_92 = arith.constant 0 : i32
        %dma_start3A_93 = tpu.memref_slice %arg7[%dma_start3A_91, %dma_start3A_92] : memref<10000x128xf32, #tpu.memory_space<vmem_shared>> -> memref<10000x128xf32, #tpu.memory_space<vmem_shared>>
        tpu.enqueue_indirect_dma source(%arg10 : memref<125x128xf32, #tpu.memory_space<vmem>>) target(%dma_start3A_93 : memref<10000x128xf32, #tpu.memory_space<vmem_shared>>) offsets(%dma_start3A_90 : memref<125xi32, #tpu.memory_space<vmem>>) semaphore(%run_scoped3A : memref<!tpu.dma_semaphore, #tpu.memory_space<semaphore_mem>>) {add = true}
        %dma_wait3A_94 = arith.constant 0 : i32
        %dma_wait3A_95 = tpu.memref_slice %arg9[%add3A_64, %dma_wait3A_94] : memref<40x125xi32, #tpu.memory_space<vmem>> -> memref<1x125xi32, #tpu.memory_space<vmem>>
        %dma_wait3A_96 = tpu.memref_squeeze %dma_wait3A_95 : memref<1x125xi32, #tpu.memory_space<vmem>> -> memref<125xi32, #tpu.memory_space<vmem>>
        %dma_wait3A_97 = arith.constant 0 : i32
        %dma_wait3A_98 = arith.constant 0 : i32
        %dma_wait3A_99 = tpu.memref_slice %arg7[%dma_wait3A_97, %dma_wait3A_98] : memref<10000x128xf32, #tpu.memory_space<vmem_shared>> -> memref<10000x128xf32, #tpu.memory_space<vmem_shared>>
        tpu.wait_indirect_dma semaphore(%run_scoped3A : memref<!tpu.dma_semaphore, #tpu.memory_space<semaphore_mem>>) src(%arg10 : memref<125x128xf32, #tpu.memory_space<vmem>>) dst(%dma_wait3A_99 : memref<10000x128xf32, #tpu.memory_space<vmem_shared>>)
        tpu.yield
      }) : () -> ()
      %lt3A = arith.constant 40 : i32
      %lt3A_80 = arith.cmpi slt, %add3A_68, %lt3A : i32
      %convert_element_type3A = arith.extui %lt3A_80 : i1 to i32
      %cond3A = arith.constant 0 : i32
      %cond3A_81 = arith.cmpi ne, %convert_element_type3A, %cond3A : i32
      scf.if %cond3A_81 {
        %dma_start3A_88 = arith.constant 0 : i32
        %dma_start3A_89 = tpu.memref_slice %arg8[%add3A_68, %dma_start3A_88] : memref<40x125xi32, #tpu.memory_space<vmem>> -> memref<1x125xi32, #tpu.memory_space<vmem>>
        %dma_start3A_90 = tpu.memref_squeeze %dma_start3A_89 : memref<1x125xi32, #tpu.memory_space<vmem>> -> memref<125xi32, #tpu.memory_space<vmem>>
        %dma_start3A_91 = arith.constant 0 : i32
        %dma_start3A_92 = arith.constant 0 : i32
        %dma_start3A_93 = tpu.memref_slice %arg2[%dma_start3A_91, %dma_start3A_92] : memref<10000x128xf32, #tpu.memory_space<hbm>> -> memref<10000x128xf32, #tpu.memory_space<hbm>>
        tpu.enqueue_indirect_dma source(%dma_start3A_93 : memref<10000x128xf32, #tpu.memory_space<hbm>>) target(%arg10 : memref<125x128xf32, #tpu.memory_space<vmem>>) offsets(%dma_start3A_90 : memref<125xi32, #tpu.memory_space<vmem>>) semaphore(%arg12 : memref<!tpu.dma_semaphore, #tpu.memory_space<semaphore_mem>>)
      } else {
      }
      %dma_wait3A_82 = arith.constant 0 : i32
      %dma_wait3A_83 = tpu.memref_slice %arg8[%add3A_66, %dma_wait3A_82] : memref<40x125xi32, #tpu.memory_space<vmem>> -> memref<1x125xi32, #tpu.memory_space<vmem>>
      %dma_wait3A_84 = tpu.memref_squeeze %dma_wait3A_83 : memref<1x125xi32, #tpu.memory_space<vmem>> -> memref<125xi32, #tpu.memory_space<vmem>>
      %dma_wait3A_85 = arith.constant 0 : i32
      %dma_wait3A_86 = arith.constant 0 : i32
      %dma_wait3A_87 = tpu.memref_slice %arg2[%dma_wait3A_85, %dma_wait3A_86] : memref<10000x128xf32, #tpu.memory_space<hbm>> -> memref<10000x128xf32, #tpu.memory_space<hbm>>
      tpu.wait_indirect_dma semaphore(%arg13 : memref<!tpu.dma_semaphore, #tpu.memory_space<semaphore_mem>>) src(%dma_wait3A_87 : memref<10000x128xf32, #tpu.memory_space<hbm>>) dst(%arg11 : memref<125x128xf32, #tpu.memory_space<vmem>>)
      "tpu.region"() ({
        %run_scoped3A = tpu.sem_alloc : memref<!tpu.dma_semaphore, #tpu.memory_space<semaphore_mem>>
        %dma_start3A_88 = arith.constant 0 : i32
        %dma_start3A_89 = tpu.memref_slice %arg9[%add3A_66, %dma_start3A_88] : memref<40x125xi32, #tpu.memory_space<vmem>> -> memref<1x125xi32, #tpu.memory_space<vmem>>
        %dma_start3A_90 = tpu.memref_squeeze %dma_start3A_89 : memref<1x125xi32, #tpu.memory_space<vmem>> -> memref<125xi32, #tpu.memory_space<vmem>>
        %dma_start3A_91 = arith.constant 0 : i32
        %dma_start3A_92 = arith.constant 0 : i32
        %dma_start3A_93 = tpu.memref_slice %arg7[%dma_start3A_91, %dma_start3A_92] : memref<10000x128xf32, #tpu.memory_space<vmem_shared>> -> memref<10000x128xf32, #tpu.memory_space<vmem_shared>>
        tpu.enqueue_indirect_dma source(%arg11 : memref<125x128xf32, #tpu.memory_space<vmem>>) target(%dma_start3A_93 : memref<10000x128xf32, #tpu.memory_space<vmem_shared>>) offsets(%dma_start3A_90 : memref<125xi32, #tpu.memory_space<vmem>>) semaphore(%run_scoped3A : memref<!tpu.dma_semaphore, #tpu.memory_space<semaphore_mem>>) {add = true}
        %dma_wait3A_94 = arith.constant 0 : i32
        %dma_wait3A_95 = tpu.memref_slice %arg9[%add3A_66, %dma_wait3A_94] : memref<40x125xi32, #tpu.memory_space<vmem>> -> memref<1x125xi32, #tpu.memory_space<vmem>>
        %dma_wait3A_96 = tpu.memref_squeeze %dma_wait3A_95 : memref<1x125xi32, #tpu.memory_space<vmem>> -> memref<125xi32, #tpu.memory_space<vmem>>
        %dma_wait3A_97 = arith.constant 0 : i32
        %dma_wait3A_98 = arith.constant 0 : i32
        %dma_wait3A_99 = tpu.memref_slice %arg7[%dma_wait3A_97, %dma_wait3A_98] : memref<10000x128xf32, #tpu.memory_space<vmem_shared>> -> memref<10000x128xf32, #tpu.memory_space<vmem_shared>>
        tpu.wait_indirect_dma semaphore(%run_scoped3A : memref<!tpu.dma_semaphore, #tpu.memory_space<semaphore_mem>>) src(%arg11 : memref<125x128xf32, #tpu.memory_space<vmem>>) dst(%dma_wait3A_99 : memref<10000x128xf32, #tpu.memory_space<vmem_shared>>)
        tpu.yield
      }) : () -> ()
    }
    %while3A_58 = arith.constant 1 : i32
    scf.for %while3A_62 = %while3A_56 to %while3A_52 step %while3A_58  : i32 {
      %mul3A_63 = arith.muli %while3A_62, %while3A_48 : i32
      %add3A_64 = arith.addi %while3A_49, %mul3A_63 : i32
      %add3A_65 = arith.constant 1 : i32
      %add3A_66 = arith.addi %add3A_64, %add3A_65 : i32
      %add3A_67 = arith.constant 2 : i32
      %add3A_68 = arith.addi %add3A_64, %add3A_67 : i32
      %dma_start3A_69 = arith.constant 0 : i32
      %dma_start3A_70 = tpu.memref_slice %arg8[%add3A_66, %dma_start3A_69] : memref<40x125xi32, #tpu.memory_space<vmem>> -> memref<1x125xi32, #tpu.memory_space<vmem>>
      %dma_start3A_71 = tpu.memref_squeeze %dma_start3A_70 : memref<1x125xi32, #tpu.memory_space<vmem>> -> memref<125xi32, #tpu.memory_space<vmem>>
      %dma_start3A_72 = arith.constant 0 : i32
      %dma_start3A_73 = arith.constant 0 : i32
      %dma_start3A_74 = tpu.memref_slice %arg2[%dma_start3A_72, %dma_start3A_73] : memref<10000x128xf32, #tpu.memory_space<hbm>> -> memref<10000x128xf32, #tpu.memory_space<hbm>>
      tpu.enqueue_indirect_dma source(%dma_start3A_74 : memref<10000x128xf32, #tpu.memory_space<hbm>>) target(%arg11 : memref<125x128xf32, #tpu.memory_space<vmem>>) offsets(%dma_start3A_71 : memref<125xi32, #tpu.memory_space<vmem>>) semaphore(%arg13 : memref<!tpu.dma_semaphore, #tpu.memory_space<semaphore_mem>>)
      %dma_wait3A = arith.constant 0 : i32
      %dma_wait3A_75 = tpu.memref_slice %arg8[%add3A_64, %dma_wait3A] : memref<40x125xi32, #tpu.memory_space<vmem>> -> memref<1x125xi32, #tpu.memory_space<vmem>>
      %dma_wait3A_76 = tpu.memref_squeeze %dma_wait3A_75 : memref<1x125xi32, #tpu.memory_space<vmem>> -> memref<125xi32, #tpu.memory_space<vmem>>
      %dma_wait3A_77 = arith.constant 0 : i32
      %dma_wait3A_78 = arith.constant 0 : i32
      %dma_wait3A_79 = tpu.memref_slice %arg2[%dma_wait3A_77, %dma_wait3A_78] : memref<10000x128xf32, #tpu.memory_space<hbm>> -> memref<10000x128xf32, #tpu.memory_space<hbm>>
      tpu.wait_indirect_dma semaphore(%arg12 : memref<!tpu.dma_semaphore, #tpu.memory_space<semaphore_mem>>) src(%dma_wait3A_79 : memref<10000x128xf32, #tpu.memory_space<hbm>>) dst(%arg10 : memref<125x128xf32, #tpu.memory_space<vmem>>)
      "tpu.region"() ({
        %run_scoped3A = tpu.sem_alloc : memref<!tpu.dma_semaphore, #tpu.memory_space<semaphore_mem>>
        %dma_start3A_88 = arith.constant 0 : i32
        %dma_start3A_89 = tpu.memref_slice %arg9[%add3A_64, %dma_start3A_88] : memref<40x125xi32, #tpu.memory_space<vmem>> -> memref<1x125xi32, #tpu.memory_space<vmem>>
        %dma_start3A_90 = tpu.memref_squeeze %dma_start3A_89 : memref<1x125xi32, #tpu.memory_space<vmem>> -> memref<125xi32, #tpu.memory_space<vmem>>
        %dma_start3A_91 = arith.constant 0 : i32
        %dma_start3A_92 = arith.constant 0 : i32
        %dma_start3A_93 = tpu.memref_slice %arg7[%dma_start3A_91, %dma_start3A_92] : memref<10000x128xf32, #tpu.memory_space<vmem_shared>> -> memref<10000x128xf32, #tpu.memory_space<vmem_shared>>
        tpu.enqueue_indirect_dma source(%arg10 : memref<125x128xf32, #tpu.memory_space<vmem>>) target(%dma_start3A_93 : memref<10000x128xf32, #tpu.memory_space<vmem_shared>>) offsets(%dma_start3A_90 : memref<125xi32, #tpu.memory_space<vmem>>) semaphore(%run_scoped3A : memref<!tpu.dma_semaphore, #tpu.memory_space<semaphore_mem>>) {add = true}
        %dma_wait3A_94 = arith.constant 0 : i32
        %dma_wait3A_95 = tpu.memref_slice %arg9[%add3A_64, %dma_wait3A_94] : memref<40x125xi32, #tpu.memory_space<vmem>> -> memref<1x125xi32, #tpu.memory_space<vmem>>
        %dma_wait3A_96 = tpu.memref_squeeze %dma_wait3A_95 : memref<1x125xi32, #tpu.memory_space<vmem>> -> memref<125xi32, #tpu.memory_space<vmem>>
        %dma_wait3A_97 = arith.constant 0 : i32
        %dma_wait3A_98 = arith.constant 0 : i32
        %dma_wait3A_99 = tpu.memref_slice %arg7[%dma_wait3A_97, %dma_wait3A_98] : memref<10000x128xf32, #tpu.memory_space<vmem_shared>> -> memref<10000x128xf32, #tpu.memory_space<vmem_shared>>
        tpu.wait_indirect_dma semaphore(%run_scoped3A : memref<!tpu.dma_semaphore, #tpu.memory_space<semaphore_mem>>) src(%arg10 : memref<125x128xf32, #tpu.memory_space<vmem>>) dst(%dma_wait3A_99 : memref<10000x128xf32, #tpu.memory_space<vmem_shared>>)
        tpu.yield
      }) : () -> ()
      %lt3A = arith.constant 40 : i32
      %lt3A_80 = arith.cmpi slt, %add3A_68, %lt3A : i32
      %convert_element_type3A = arith.extui %lt3A_80 : i1 to i32
      %cond3A = arith.constant 0 : i32
      %cond3A_81 = arith.cmpi ne, %convert_element_type3A, %cond3A : i32
      scf.if %cond3A_81 {
        %dma_start3A_88 = arith.constant 0 : i32
        %dma_start3A_89 = tpu.memref_slice %arg8[%add3A_68, %dma_start3A_88] : memref<40x125xi32, #tpu.memory_space<vmem>> -> memref<1x125xi32, #tpu.memory_space<vmem>>
        %dma_start3A_90 = tpu.memref_squeeze %dma_start3A_89 : memref<1x125xi32, #tpu.memory_space<vmem>> -> memref<125xi32, #tpu.memory_space<vmem>>
        %dma_start3A_91 = arith.constant 0 : i32
        %dma_start3A_92 = arith.constant 0 : i32
        %dma_start3A_93 = tpu.memref_slice %arg2[%dma_start3A_91, %dma_start3A_92] : memref<10000x128xf32, #tpu.memory_space<hbm>> -> memref<10000x128xf32, #tpu.memory_space<hbm>>
        tpu.enqueue_indirect_dma source(%dma_start3A_93 : memref<10000x128xf32, #tpu.memory_space<hbm>>) target(%arg10 : memref<125x128xf32, #tpu.memory_space<vmem>>) offsets(%dma_start3A_90 : memref<125xi32, #tpu.memory_space<vmem>>) semaphore(%arg12 : memref<!tpu.dma_semaphore, #tpu.memory_space<semaphore_mem>>)
      } else {
      }
      %dma_wait3A_82 = arith.constant 0 : i32
      %dma_wait3A_83 = tpu.memref_slice %arg8[%add3A_66, %dma_wait3A_82] : memref<40x125xi32, #tpu.memory_space<vmem>> -> memref<1x125xi32, #tpu.memory_space<vmem>>
      %dma_wait3A_84 = tpu.memref_squeeze %dma_wait3A_83 : memref<1x125xi32, #tpu.memory_space<vmem>> -> memref<125xi32, #tpu.memory_space<vmem>>
      %dma_wait3A_85 = arith.constant 0 : i32
      %dma_wait3A_86 = arith.constant 0 : i32
      %dma_wait3A_87 = tpu.memref_slice %arg2[%dma_wait3A_85, %dma_wait3A_86] : memref<10000x128xf32, #tpu.memory_space<hbm>> -> memref<10000x128xf32, #tpu.memory_space<hbm>>
      tpu.wait_indirect_dma semaphore(%arg13 : memref<!tpu.dma_semaphore, #tpu.memory_space<semaphore_mem>>) src(%dma_wait3A_87 : memref<10000x128xf32, #tpu.memory_space<hbm>>) dst(%arg11 : memref<125x128xf32, #tpu.memory_space<vmem>>)
      "tpu.region"() ({
        %run_scoped3A = tpu.sem_alloc : memref<!tpu.dma_semaphore, #tpu.memory_space<semaphore_mem>>
        %dma_start3A_88 = arith.constant 0 : i32
        %dma_start3A_89 = tpu.memref_slice %arg9[%add3A_66, %dma_start3A_88] : memref<40x125xi32, #tpu.memory_space<vmem>> -> memref<1x125xi32, #tpu.memory_space<vmem>>
        %dma_start3A_90 = tpu.memref_squeeze %dma_start3A_89 : memref<1x125xi32, #tpu.memory_space<vmem>> -> memref<125xi32, #tpu.memory_space<vmem>>
        %dma_start3A_91 = arith.constant 0 : i32
        %dma_start3A_92 = arith.constant 0 : i32
        %dma_start3A_93 = tpu.memref_slice %arg7[%dma_start3A_91, %dma_start3A_92] : memref<10000x128xf32, #tpu.memory_space<vmem_shared>> -> memref<10000x128xf32, #tpu.memory_space<vmem_shared>>
        tpu.enqueue_indirect_dma source(%arg11 : memref<125x128xf32, #tpu.memory_space<vmem>>) target(%dma_start3A_93 : memref<10000x128xf32, #tpu.memory_space<vmem_shared>>) offsets(%dma_start3A_90 : memref<125xi32, #tpu.memory_space<vmem>>) semaphore(%run_scoped3A : memref<!tpu.dma_semaphore, #tpu.memory_space<semaphore_mem>>) {add = true}
        %dma_wait3A_94 = arith.constant 0 : i32
        %dma_wait3A_95 = tpu.memref_slice %arg9[%add3A_66, %dma_wait3A_94] : memref<40x125xi32, #tpu.memory_space<vmem>> -> memref<1x125xi32, #tpu.memory_space<vmem>>
        %dma_wait3A_96 = tpu.memref_squeeze %dma_wait3A_95 : memref<1x125xi32, #tpu.memory_space<vmem>> -> memref<125xi32, #tpu.memory_space<vmem>>
        %dma_wait3A_97 = arith.constant 0 : i32
        %dma_wait3A_98 = arith.constant 0 : i32
        %dma_wait3A_99 = tpu.memref_slice %arg7[%dma_wait3A_97, %dma_wait3A_98] : memref<10000x128xf32, #tpu.memory_space<vmem_shared>> -> memref<10000x128xf32, #tpu.memory_space<vmem_shared>>
        tpu.wait_indirect_dma semaphore(%run_scoped3A : memref<!tpu.dma_semaphore, #tpu.memory_space<semaphore_mem>>) src(%arg11 : memref<125x128xf32, #tpu.memory_space<vmem>>) dst(%dma_wait3A_99 : memref<10000x128xf32, #tpu.memory_space<vmem_shared>>)
        tpu.yield
      }) : () -> ()
    }
    %barrier3A_59 = arith.constant 0 : index
    tpu.barrier barrier_id(%barrier3A_59)
    %mul3A_60 = arith.constant 625 : i32
    %mul3A_61 = arith.muli %arg1, %mul3A_60 : i32
    "tpu.region"() ({
      %run_scoped3A = tpu.sem_alloc : memref<!tpu.dma_semaphore, #tpu.memory_space<semaphore_mem>>
      %dma_start3A_62 = arith.constant 0 : i32
      %dma_start3A_63 = arith.constant 0 : i32
      %dma_start3A_64 = tpu.memref_slice %arg6[%arg0, %arg1, %dma_start3A_62, %dma_start3A_63] : memref<2x16x625x128xf32, #tpu.memory_space<hbm>> -> memref<1x1x625x128xf32, #tpu.memory_space<hbm>>
      %dma_start3A_65 = tpu.memref_squeeze %dma_start3A_64 : memref<1x1x625x128xf32, #tpu.memory_space<hbm>> -> memref<625x128xf32, #tpu.memory_space<hbm>>
      %dma_start3A_66 = arith.constant 0 : i32
      %dma_start3A_67 = tpu.memref_slice %arg7[%mul3A_61, %dma_start3A_66] : memref<10000x128xf32, #tpu.memory_space<vmem_shared>> -> memref<625x128xf32, #tpu.memory_space<vmem_shared>>
      tpu.enqueue_dma source(%dma_start3A_67 : memref<625x128xf32, #tpu.memory_space<vmem_shared>>) target(%dma_start3A_65 : memref<625x128xf32, #tpu.memory_space<hbm>>) target_semaphore(%run_scoped3A : memref<!tpu.dma_semaphore, #tpu.memory_space<semaphore_mem>>)
      %dma_wait3A = arith.constant 0 : i32
      %dma_wait3A_68 = arith.constant 0 : i32
      %dma_wait3A_69 = tpu.memref_slice %arg6[%arg0, %arg1, %dma_wait3A, %dma_wait3A_68] : memref<2x16x625x128xf32, #tpu.memory_space<hbm>> -> memref<1x1x625x128xf32, #tpu.memory_space<hbm>>
      %dma_wait3A_70 = tpu.memref_squeeze %dma_wait3A_69 : memref<1x1x625x128xf32, #tpu.memory_space<hbm>> -> memref<625x128xf32, #tpu.memory_space<hbm>>
      %dma_wait3A_71 = arith.constant 0 : i32
      %dma_wait3A_72 = tpu.memref_slice %arg7[%mul3A_61, %dma_wait3A_71] : memref<10000x128xf32, #tpu.memory_space<vmem_shared>> -> memref<625x128xf32, #tpu.memory_space<vmem_shared>>
      tpu.wait_dma2 semaphore(%run_scoped3A : memref<!tpu.dma_semaphore, #tpu.memory_space<semaphore_mem>>) src(%dma_wait3A_72 : memref<625x128xf32, #tpu.memory_space<vmem_shared>>) dst(%dma_wait3A_70 : memref<625x128xf32, #tpu.memory_space<hbm>>)
      tpu.yield
    }) : () -> ()
    return
  }
}

#map = affine_map<(d0, d1) -> (0, 0)>
#map1 = affine_map<(d0, d1) -> (0, 0, 0, 0)>
module attributes {stable_mosaic.version = 14 : i64} {
  func.func @_counts_body(%arg0: i32, %arg1: i32, %arg2: memref<2560x125xi32, #tpu.memory_space<hbm>>, %arg3: memref<125x128xf32, #tpu.memory_space<hbm>>, %arg4: memref<625x128xf32, #tpu.memory_space<hbm>>, %arg5: memref<2x16x625x128xf32, #tpu.memory_space<hbm>>, %arg6: memref<10000x128xf32, #tpu.memory_space<vmem_shared>>, %arg7: memref<80x125xi32, #tpu.memory_space<vmem>>, %arg8: memref<125x128xf32, #tpu.memory_space<vmem>>) attributes {dimension_semantics = [#tpu.dimension_semantics<core_parallel>, #tpu.dimension_semantics<subcore_parallel>], iteration_bounds = array<i64: 2, 16>, scalar_prefetch = 0 : i64, scratch_operands = 3 : i64, tpu.core_type = #tpu.core_type<sc_vector_subcore>, window_params = [{transform_indices = #map}, {transform_indices = #map}, {transform_indices = #map}, {transform_indices = #map1}]} {
    %mul3A = arith.constant 625 : i32
    %mul3A_0 = arith.muli %arg1, %mul3A : i32
    "tpu.region"() ({
      %run_scoped3A = tpu.sem_alloc : memref<!tpu.dma_semaphore, #tpu.memory_space<semaphore_mem>>
      %dma_start3A = arith.constant 0 : i32
      %dma_start3A_25 = tpu.memref_slice %arg6[%mul3A_0, %dma_start3A] : memref<10000x128xf32, #tpu.memory_space<vmem_shared>> -> memref<625x128xf32, #tpu.memory_space<vmem_shared>>
      tpu.enqueue_dma source(%arg4 : memref<625x128xf32, #tpu.memory_space<hbm>>) target(%dma_start3A_25 : memref<625x128xf32, #tpu.memory_space<vmem_shared>>) target_semaphore(%run_scoped3A : memref<!tpu.dma_semaphore, #tpu.memory_space<semaphore_mem>>)
      %dma_wait3A = arith.constant 0 : i32
      %dma_wait3A_26 = tpu.memref_slice %arg6[%mul3A_0, %dma_wait3A] : memref<10000x128xf32, #tpu.memory_space<vmem_shared>> -> memref<625x128xf32, #tpu.memory_space<vmem_shared>>
      tpu.wait_dma2 semaphore(%run_scoped3A : memref<!tpu.dma_semaphore, #tpu.memory_space<semaphore_mem>>) src(%arg4 : memref<625x128xf32, #tpu.memory_space<hbm>>) dst(%dma_wait3A_26 : memref<625x128xf32, #tpu.memory_space<vmem_shared>>)
      tpu.yield
    }) : () -> ()
    "tpu.region"() ({
      %run_scoped3A = tpu.sem_alloc : memref<!tpu.dma_semaphore, #tpu.memory_space<semaphore_mem>>
      tpu.enqueue_dma source(%arg3 : memref<125x128xf32, #tpu.memory_space<hbm>>) target(%arg8 : memref<125x128xf32, #tpu.memory_space<vmem>>) target_semaphore(%run_scoped3A : memref<!tpu.dma_semaphore, #tpu.memory_space<semaphore_mem>>)
      tpu.wait_dma2 semaphore(%run_scoped3A : memref<!tpu.dma_semaphore, #tpu.memory_space<semaphore_mem>>) src(%arg3 : memref<125x128xf32, #tpu.memory_space<hbm>>) dst(%arg8 : memref<125x128xf32, #tpu.memory_space<vmem>>)
      tpu.yield
    }) : () -> ()
    %mul3A_1 = arith.constant 16 : i32
    %mul3A_2 = arith.muli %arg0, %mul3A_1 : i32
    %add3A = arith.addi %mul3A_2, %arg1 : i32
    %mul3A_3 = arith.constant 80 : i32
    %mul3A_4 = arith.muli %add3A, %mul3A_3 : i32
    "tpu.region"() ({
      %run_scoped3A = tpu.sem_alloc : memref<!tpu.dma_semaphore, #tpu.memory_space<semaphore_mem>>
      %dma_start3A = arith.constant 0 : i32
      %dma_start3A_25 = tpu.memref_slice %arg2[%mul3A_4, %dma_start3A] : memref<2560x125xi32, #tpu.memory_space<hbm>> -> memref<80x125xi32, #tpu.memory_space<hbm>>
      %dma_start3A_26 = arith.constant 0 : i32
      %dma_start3A_27 = tpu.memref_slice %arg2[%mul3A_4, %dma_start3A_26] : memref<2560x125xi32, #tpu.memory_space<hbm>> -> memref<80x125xi32, #tpu.memory_space<hbm>>
      tpu.enqueue_dma source(%dma_start3A_27 : memref<80x125xi32, #tpu.memory_space<hbm>>) target(%arg7 : memref<80x125xi32, #tpu.memory_space<vmem>>) target_semaphore(%run_scoped3A : memref<!tpu.dma_semaphore, #tpu.memory_space<semaphore_mem>>)
      %dma_wait3A = arith.constant 0 : i32
      %dma_wait3A_28 = tpu.memref_slice %arg2[%mul3A_4, %dma_wait3A] : memref<2560x125xi32, #tpu.memory_space<hbm>> -> memref<80x125xi32, #tpu.memory_space<hbm>>
      %dma_wait3A_29 = arith.constant 0 : i32
      %dma_wait3A_30 = tpu.memref_slice %arg2[%mul3A_4, %dma_wait3A_29] : memref<2560x125xi32, #tpu.memory_space<hbm>> -> memref<80x125xi32, #tpu.memory_space<hbm>>
      tpu.wait_dma2 semaphore(%run_scoped3A : memref<!tpu.dma_semaphore, #tpu.memory_space<semaphore_mem>>) src(%dma_wait3A_30 : memref<80x125xi32, #tpu.memory_space<hbm>>) dst(%arg7 : memref<80x125xi32, #tpu.memory_space<vmem>>)
      tpu.yield
    }) : () -> ()
    %barrier3A = arith.constant 0 : index
    tpu.barrier barrier_id(%barrier3A)
    %sub3A = arith.constant 80 : i32
    %sub3A_5 = arith.constant 0 : i32
    %sub3A_6 = arith.subi %sub3A, %sub3A_5 : i32
    %sub3A_7 = arith.constant 1 : i32
    %sub3A_8 = arith.constant 1 : i32
    %sub3A_9 = arith.subi %sub3A_7, %sub3A_8 : i32
    %add3A_10 = arith.addi %sub3A_6, %sub3A_9 : i32
    %div3A = arith.constant 1 : i32
    %div3A_11 = arith.divsi %add3A_10, %div3A : i32
    %while3A = arith.constant 1 : i32
    %while3A_12 = arith.constant 0 : i32
    %while3A_13 = arith.constant 0 : i32
    %while3A_14 = arith.subi %div3A_11, %while3A_13 : i32
    %while3A_15 = arith.addi %while3A_13, %while3A_14 : i32
    %while3A_16 = arith.constant 1 : i32
    %while3A_17 = arith.divsi %while3A_14, %while3A_16 : i32
    %while3A_18 = arith.muli %while3A_17, %while3A_16 : i32
    %while3A_19 = arith.addi %while3A_13, %while3A_18 : i32
    %while3A_20 = arith.constant 1 : i32
    scf.for %while3A_25 = %while3A_13 to %while3A_19 step %while3A_20  : i32 {
      %mul3A_26 = arith.muli %while3A_25, %while3A : i32
      %add3A_27 = arith.addi %while3A_12, %mul3A_26 : i32
      "tpu.region"() ({
        %run_scoped3A = tpu.sem_alloc : memref<!tpu.dma_semaphore, #tpu.memory_space<semaphore_mem>>
        %dma_start3A = arith.constant 0 : i32
        %dma_start3A_28 = tpu.memref_slice %arg7[%add3A_27, %dma_start3A] : memref<80x125xi32, #tpu.memory_space<vmem>> -> memref<1x125xi32, #tpu.memory_space<vmem>>
        %dma_start3A_29 = tpu.memref_squeeze %dma_start3A_28 : memref<1x125xi32, #tpu.memory_space<vmem>> -> memref<125xi32, #tpu.memory_space<vmem>>
        %dma_start3A_30 = arith.constant 0 : i32
        %dma_start3A_31 = arith.constant 0 : i32
        %dma_start3A_32 = tpu.memref_slice %arg6[%dma_start3A_30, %dma_start3A_31] : memref<10000x128xf32, #tpu.memory_space<vmem_shared>> -> memref<10000x128xf32, #tpu.memory_space<vmem_shared>>
        tpu.enqueue_indirect_dma source(%arg8 : memref<125x128xf32, #tpu.memory_space<vmem>>) target(%dma_start3A_32 : memref<10000x128xf32, #tpu.memory_space<vmem_shared>>) offsets(%dma_start3A_29 : memref<125xi32, #tpu.memory_space<vmem>>) semaphore(%run_scoped3A : memref<!tpu.dma_semaphore, #tpu.memory_space<semaphore_mem>>) {add = true}
        %dma_wait3A = arith.constant 0 : i32
        %dma_wait3A_33 = tpu.memref_slice %arg7[%add3A_27, %dma_wait3A] : memref<80x125xi32, #tpu.memory_space<vmem>> -> memref<1x125xi32, #tpu.memory_space<vmem>>
        %dma_wait3A_34 = tpu.memref_squeeze %dma_wait3A_33 : memref<1x125xi32, #tpu.memory_space<vmem>> -> memref<125xi32, #tpu.memory_space<vmem>>
        %dma_wait3A_35 = arith.constant 0 : i32
        %dma_wait3A_36 = arith.constant 0 : i32
        %dma_wait3A_37 = tpu.memref_slice %arg6[%dma_wait3A_35, %dma_wait3A_36] : memref<10000x128xf32, #tpu.memory_space<vmem_shared>> -> memref<10000x128xf32, #tpu.memory_space<vmem_shared>>
        tpu.wait_indirect_dma semaphore(%run_scoped3A : memref<!tpu.dma_semaphore, #tpu.memory_space<semaphore_mem>>) src(%arg8 : memref<125x128xf32, #tpu.memory_space<vmem>>) dst(%dma_wait3A_37 : memref<10000x128xf32, #tpu.memory_space<vmem_shared>>)
        tpu.yield
      }) : () -> ()
    }
    %while3A_21 = arith.constant 1 : i32
    scf.for %while3A_25 = %while3A_19 to %while3A_15 step %while3A_21  : i32 {
      %mul3A_26 = arith.muli %while3A_25, %while3A : i32
      %add3A_27 = arith.addi %while3A_12, %mul3A_26 : i32
      "tpu.region"() ({
        %run_scoped3A = tpu.sem_alloc : memref<!tpu.dma_semaphore, #tpu.memory_space<semaphore_mem>>
        %dma_start3A = arith.constant 0 : i32
        %dma_start3A_28 = tpu.memref_slice %arg7[%add3A_27, %dma_start3A] : memref<80x125xi32, #tpu.memory_space<vmem>> -> memref<1x125xi32, #tpu.memory_space<vmem>>
        %dma_start3A_29 = tpu.memref_squeeze %dma_start3A_28 : memref<1x125xi32, #tpu.memory_space<vmem>> -> memref<125xi32, #tpu.memory_space<vmem>>
        %dma_start3A_30 = arith.constant 0 : i32
        %dma_start3A_31 = arith.constant 0 : i32
        %dma_start3A_32 = tpu.memref_slice %arg6[%dma_start3A_30, %dma_start3A_31] : memref<10000x128xf32, #tpu.memory_space<vmem_shared>> -> memref<10000x128xf32, #tpu.memory_space<vmem_shared>>
        tpu.enqueue_indirect_dma source(%arg8 : memref<125x128xf32, #tpu.memory_space<vmem>>) target(%dma_start3A_32 : memref<10000x128xf32, #tpu.memory_space<vmem_shared>>) offsets(%dma_start3A_29 : memref<125xi32, #tpu.memory_space<vmem>>) semaphore(%run_scoped3A : memref<!tpu.dma_semaphore, #tpu.memory_space<semaphore_mem>>) {add = true}
        %dma_wait3A = arith.constant 0 : i32
        %dma_wait3A_33 = tpu.memref_slice %arg7[%add3A_27, %dma_wait3A] : memref<80x125xi32, #tpu.memory_space<vmem>> -> memref<1x125xi32, #tpu.memory_space<vmem>>
        %dma_wait3A_34 = tpu.memref_squeeze %dma_wait3A_33 : memref<1x125xi32, #tpu.memory_space<vmem>> -> memref<125xi32, #tpu.memory_space<vmem>>
        %dma_wait3A_35 = arith.constant 0 : i32
        %dma_wait3A_36 = arith.constant 0 : i32
        %dma_wait3A_37 = tpu.memref_slice %arg6[%dma_wait3A_35, %dma_wait3A_36] : memref<10000x128xf32, #tpu.memory_space<vmem_shared>> -> memref<10000x128xf32, #tpu.memory_space<vmem_shared>>
        tpu.wait_indirect_dma semaphore(%run_scoped3A : memref<!tpu.dma_semaphore, #tpu.memory_space<semaphore_mem>>) src(%arg8 : memref<125x128xf32, #tpu.memory_space<vmem>>) dst(%dma_wait3A_37 : memref<10000x128xf32, #tpu.memory_space<vmem_shared>>)
        tpu.yield
      }) : () -> ()
    }
    %barrier3A_22 = arith.constant 0 : index
    tpu.barrier barrier_id(%barrier3A_22)
    %mul3A_23 = arith.constant 625 : i32
    %mul3A_24 = arith.muli %arg1, %mul3A_23 : i32
    "tpu.region"() ({
      %run_scoped3A = tpu.sem_alloc : memref<!tpu.dma_semaphore, #tpu.memory_space<semaphore_mem>>
      %dma_start3A = arith.constant 0 : i32
      %dma_start3A_25 = arith.constant 0 : i32
      %dma_start3A_26 = tpu.memref_slice %arg5[%arg0, %arg1, %dma_start3A, %dma_start3A_25] : memref<2x16x625x128xf32, #tpu.memory_space<hbm>> -> memref<1x1x625x128xf32, #tpu.memory_space<hbm>>
      %dma_start3A_27 = tpu.memref_squeeze %dma_start3A_26 : memref<1x1x625x128xf32, #tpu.memory_space<hbm>> -> memref<625x128xf32, #tpu.memory_space<hbm>>
      %dma_start3A_28 = arith.constant 0 : i32
      %dma_start3A_29 = tpu.memref_slice %arg6[%mul3A_24, %dma_start3A_28] : memref<10000x128xf32, #tpu.memory_space<vmem_shared>> -> memref<625x128xf32, #tpu.memory_space<vmem_shared>>
      tpu.enqueue_dma source(%dma_start3A_29 : memref<625x128xf32, #tpu.memory_space<vmem_shared>>) target(%dma_start3A_27 : memref<625x128xf32, #tpu.memory_space<hbm>>) target_semaphore(%run_scoped3A : memref<!tpu.dma_semaphore, #tpu.memory_space<semaphore_mem>>)
      %dma_wait3A = arith.constant 0 : i32
      %dma_wait3A_30 = arith.constant 0 : i32
      %dma_wait3A_31 = tpu.memref_slice %arg5[%arg0, %arg1, %dma_wait3A, %dma_wait3A_30] : memref<2x16x625x128xf32, #tpu.memory_space<hbm>> -> memref<1x1x625x128xf32, #tpu.memory_space<hbm>>
      %dma_wait3A_32 = tpu.memref_squeeze %dma_wait3A_31 : memref<1x1x625x128xf32, #tpu.memory_space<hbm>> -> memref<625x128xf32, #tpu.memory_space<hbm>>
      %dma_wait3A_33 = arith.constant 0 : i32
      %dma_wait3A_34 = tpu.memref_slice %arg6[%mul3A_24, %dma_wait3A_33] : memref<10000x128xf32, #tpu.memory_space<vmem_shared>> -> memref<625x128xf32, #tpu.memory_space<vmem_shared>>
      tpu.wait_dma2 semaphore(%run_scoped3A : memref<!tpu.dma_semaphore, #tpu.memory_space<semaphore_mem>>) src(%dma_wait3A_34 : memref<625x128xf32, #tpu.memory_space<vmem_shared>>) dst(%dma_wait3A_32 : memref<625x128xf32, #tpu.memory_space<hbm>>)
      tpu.yield
    }) : () -> ()
    return
  }
}

#map = affine_map<(d0, d1) -> (0, 0)>
#map1 = affine_map<(d0, d1) -> (0, 0, 0, 0)>
module attributes {stable_mosaic.version = 14 : i64} {
  func.func @_agg_body(%arg0: i32, %arg1: i32, %arg2: memref<10000x128xf32, #tpu.memory_space<hbm>>, %arg3: memref<2560x125xi32, #tpu.memory_space<hbm>>, %arg4: memref<2560x125xi32, #tpu.memory_space<hbm>>, %arg5: memref<625x128xf32, #tpu.memory_space<hbm>>, %arg6: memref<2x16x625x128xf32, #tpu.memory_space<hbm>>, %arg7: memref<10000x128xf32, #tpu.memory_space<vmem_shared>>, %arg8: memref<40x125xi32, #tpu.memory_space<vmem>>, %arg9: memref<40x125xi32, #tpu.memory_space<vmem>>, %arg10: memref<125x128xf32, #tpu.memory_space<vmem>>, %arg11: memref<125x128xf32, #tpu.memory_space<vmem>>, %arg12: memref<!tpu.dma_semaphore, #tpu.memory_space<semaphore_mem>>, %arg13: memref<!tpu.dma_semaphore, #tpu.memory_space<semaphore_mem>>) attributes {dimension_semantics = [#tpu.dimension_semantics<core_parallel>, #tpu.dimension_semantics<subcore_parallel>], iteration_bounds = array<i64: 2, 16>, scalar_prefetch = 0 : i64, scratch_operands = 7 : i64, tpu.core_type = #tpu.core_type<sc_vector_subcore>, window_params = [{transform_indices = #map}, {transform_indices = #map}, {transform_indices = #map}, {transform_indices = #map}, {transform_indices = #map1}]} {
    %mul3A = arith.constant 625 : i32
    %mul3A_0 = arith.muli %arg1, %mul3A : i32
    "tpu.region"() ({
      %run_scoped3A = tpu.sem_alloc : memref<!tpu.dma_semaphore, #tpu.memory_space<semaphore_mem>>
      %dma_start3A_62 = arith.constant 0 : i32
      %dma_start3A_63 = tpu.memref_slice %arg7[%mul3A_0, %dma_start3A_62] : memref<10000x128xf32, #tpu.memory_space<vmem_shared>> -> memref<625x128xf32, #tpu.memory_space<vmem_shared>>
      tpu.enqueue_dma source(%arg5 : memref<625x128xf32, #tpu.memory_space<hbm>>) target(%dma_start3A_63 : memref<625x128xf32, #tpu.memory_space<vmem_shared>>) target_semaphore(%run_scoped3A : memref<!tpu.dma_semaphore, #tpu.memory_space<semaphore_mem>>)
      %dma_wait3A = arith.constant 0 : i32
      %dma_wait3A_64 = tpu.memref_slice %arg7[%mul3A_0, %dma_wait3A] : memref<10000x128xf32, #tpu.memory_space<vmem_shared>> -> memref<625x128xf32, #tpu.memory_space<vmem_shared>>
      tpu.wait_dma2 semaphore(%run_scoped3A : memref<!tpu.dma_semaphore, #tpu.memory_space<semaphore_mem>>) src(%arg5 : memref<625x128xf32, #tpu.memory_space<hbm>>) dst(%dma_wait3A_64 : memref<625x128xf32, #tpu.memory_space<vmem_shared>>)
      tpu.yield
    }) : () -> ()
    %barrier3A = arith.constant 0 : index
    tpu.barrier barrier_id(%barrier3A)
    %mul3A_1 = arith.constant 16 : i32
    %mul3A_2 = arith.muli %arg0, %mul3A_1 : i32
    %add3A = arith.addi %mul3A_2, %arg1 : i32
    %mul3A_3 = arith.constant 80 : i32
    %mul3A_4 = arith.muli %add3A, %mul3A_3 : i32
    %add3A_5 = arith.constant 0 : i32
    %add3A_6 = arith.addi %mul3A_4, %add3A_5 : i32
    "tpu.region"() ({
      %run_scoped3A = tpu.sem_alloc : memref<!tpu.dma_semaphore, #tpu.memory_space<semaphore_mem>>
      %dma_start3A_62 = arith.constant 0 : i32
      %dma_start3A_63 = tpu.memref_slice %arg3[%add3A_6, %dma_start3A_62] : memref<2560x125xi32, #tpu.memory_space<hbm>> -> memref<40x125xi32, #tpu.memory_space<hbm>>
      %dma_start3A_64 = arith.constant 0 : i32
      %dma_start3A_65 = tpu.memref_slice %arg3[%add3A_6, %dma_start3A_64] : memref<2560x125xi32, #tpu.memory_space<hbm>> -> memref<40x125xi32, #tpu.memory_space<hbm>>
      tpu.enqueue_dma source(%dma_start3A_65 : memref<40x125xi32, #tpu.memory_space<hbm>>) target(%arg8 : memref<40x125xi32, #tpu.memory_space<vmem>>) target_semaphore(%run_scoped3A : memref<!tpu.dma_semaphore, #tpu.memory_space<semaphore_mem>>)
      %dma_wait3A = arith.constant 0 : i32
      %dma_wait3A_66 = tpu.memref_slice %arg3[%add3A_6, %dma_wait3A] : memref<2560x125xi32, #tpu.memory_space<hbm>> -> memref<40x125xi32, #tpu.memory_space<hbm>>
      %dma_wait3A_67 = arith.constant 0 : i32
      %dma_wait3A_68 = tpu.memref_slice %arg3[%add3A_6, %dma_wait3A_67] : memref<2560x125xi32, #tpu.memory_space<hbm>> -> memref<40x125xi32, #tpu.memory_space<hbm>>
      tpu.wait_dma2 semaphore(%run_scoped3A : memref<!tpu.dma_semaphore, #tpu.memory_space<semaphore_mem>>) src(%dma_wait3A_68 : memref<40x125xi32, #tpu.memory_space<hbm>>) dst(%arg8 : memref<40x125xi32, #tpu.memory_space<vmem>>)
      tpu.yield
    }) : () -> ()
    "tpu.region"() ({
      %run_scoped3A = tpu.sem_alloc : memref<!tpu.dma_semaphore, #tpu.memory_space<semaphore_mem>>
      %dma_start3A_62 = arith.constant 0 : i32
      %dma_start3A_63 = tpu.memref_slice %arg4[%add3A_6, %dma_start3A_62] : memref<2560x125xi32, #tpu.memory_space<hbm>> -> memref<40x125xi32, #tpu.memory_space<hbm>>
      %dma_start3A_64 = arith.constant 0 : i32
      %dma_start3A_65 = tpu.memref_slice %arg4[%add3A_6, %dma_start3A_64] : memref<2560x125xi32, #tpu.memory_space<hbm>> -> memref<40x125xi32, #tpu.memory_space<hbm>>
      tpu.enqueue_dma source(%dma_start3A_65 : memref<40x125xi32, #tpu.memory_space<hbm>>) target(%arg9 : memref<40x125xi32, #tpu.memory_space<vmem>>) target_semaphore(%run_scoped3A : memref<!tpu.dma_semaphore, #tpu.memory_space<semaphore_mem>>)
      %dma_wait3A = arith.constant 0 : i32
      %dma_wait3A_66 = tpu.memref_slice %arg4[%add3A_6, %dma_wait3A] : memref<2560x125xi32, #tpu.memory_space<hbm>> -> memref<40x125xi32, #tpu.memory_space<hbm>>
      %dma_wait3A_67 = arith.constant 0 : i32
      %dma_wait3A_68 = tpu.memref_slice %arg4[%add3A_6, %dma_wait3A_67] : memref<2560x125xi32, #tpu.memory_space<hbm>> -> memref<40x125xi32, #tpu.memory_space<hbm>>
      tpu.wait_dma2 semaphore(%run_scoped3A : memref<!tpu.dma_semaphore, #tpu.memory_space<semaphore_mem>>) src(%dma_wait3A_68 : memref<40x125xi32, #tpu.memory_space<hbm>>) dst(%arg9 : memref<40x125xi32, #tpu.memory_space<vmem>>)
      tpu.yield
    }) : () -> ()
    %dma_start3A = arith.constant 0 : i32
    %dma_start3A_7 = arith.constant 0 : i32
    %dma_start3A_8 = tpu.memref_slice %arg8[%dma_start3A, %dma_start3A_7] : memref<40x125xi32, #tpu.memory_space<vmem>> -> memref<1x125xi32, #tpu.memory_space<vmem>>
    %dma_start3A_9 = tpu.memref_squeeze %dma_start3A_8 : memref<1x125xi32, #tpu.memory_space<vmem>> -> memref<125xi32, #tpu.memory_space<vmem>>
    %dma_start3A_10 = arith.constant 0 : i32
    %dma_start3A_11 = arith.constant 0 : i32
    %dma_start3A_12 = tpu.memref_slice %arg2[%dma_start3A_10, %dma_start3A_11] : memref<10000x128xf32, #tpu.memory_space<hbm>> -> memref<10000x128xf32, #tpu.memory_space<hbm>>
    tpu.enqueue_indirect_dma source(%dma_start3A_12 : memref<10000x128xf32, #tpu.memory_space<hbm>>) target(%arg10 : memref<125x128xf32, #tpu.memory_space<vmem>>) offsets(%dma_start3A_9 : memref<125xi32, #tpu.memory_space<vmem>>) semaphore(%arg12 : memref<!tpu.dma_semaphore, #tpu.memory_space<semaphore_mem>>)
    %sub3A = arith.constant 40 : i32
    %sub3A_13 = arith.constant 0 : i32
    %sub3A_14 = arith.subi %sub3A, %sub3A_13 : i32
    %sub3A_15 = arith.constant 2 : i32
    %sub3A_16 = arith.constant 1 : i32
    %sub3A_17 = arith.subi %sub3A_15, %sub3A_16 : i32
    %add3A_18 = arith.addi %sub3A_14, %sub3A_17 : i32
    %div3A = arith.constant 2 : i32
    %div3A_19 = arith.divsi %add3A_18, %div3A : i32
    %while3A = arith.constant 2 : i32
    %while3A_20 = arith.constant 0 : i32
    %while3A_21 = arith.constant 0 : i32
    %while3A_22 = arith.subi %div3A_19, %while3A_21 : i32
    %while3A_23 = arith.addi %while3A_21, %while3A_22 : i32
    %while3A_24 = arith.constant 1 : i32
    %while3A_25 = arith.divsi %while3A_22, %while3A_24 : i32
    %while3A_26 = arith.muli %while3A_25, %while3A_24 : i32
    %while3A_27 = arith.addi %while3A_21, %while3A_26 : i32
    %while3A_28 = arith.constant 1 : i32
    scf.for %while3A_62 = %while3A_21 to %while3A_27 step %while3A_28  : i32 {
      %mul3A_63 = arith.muli %while3A_62, %while3A : i32
      %add3A_64 = arith.addi %while3A_20, %mul3A_63 : i32
      %add3A_65 = arith.constant 1 : i32
      %add3A_66 = arith.addi %add3A_64, %add3A_65 : i32
      %add3A_67 = arith.constant 2 : i32
      %add3A_68 = arith.addi %add3A_64, %add3A_67 : i32
      %dma_start3A_69 = arith.constant 0 : i32
      %dma_start3A_70 = tpu.memref_slice %arg8[%add3A_66, %dma_start3A_69] : memref<40x125xi32, #tpu.memory_space<vmem>> -> memref<1x125xi32, #tpu.memory_space<vmem>>
      %dma_start3A_71 = tpu.memref_squeeze %dma_start3A_70 : memref<1x125xi32, #tpu.memory_space<vmem>> -> memref<125xi32, #tpu.memory_space<vmem>>
      %dma_start3A_72 = arith.constant 0 : i32
      %dma_start3A_73 = arith.constant 0 : i32
      %dma_start3A_74 = tpu.memref_slice %arg2[%dma_start3A_72, %dma_start3A_73] : memref<10000x128xf32, #tpu.memory_space<hbm>> -> memref<10000x128xf32, #tpu.memory_space<hbm>>
      tpu.enqueue_indirect_dma source(%dma_start3A_74 : memref<10000x128xf32, #tpu.memory_space<hbm>>) target(%arg11 : memref<125x128xf32, #tpu.memory_space<vmem>>) offsets(%dma_start3A_71 : memref<125xi32, #tpu.memory_space<vmem>>) semaphore(%arg13 : memref<!tpu.dma_semaphore, #tpu.memory_space<semaphore_mem>>)
      %dma_wait3A = arith.constant 0 : i32
      %dma_wait3A_75 = tpu.memref_slice %arg8[%add3A_64, %dma_wait3A] : memref<40x125xi32, #tpu.memory_space<vmem>> -> memref<1x125xi32, #tpu.memory_space<vmem>>
      %dma_wait3A_76 = tpu.memref_squeeze %dma_wait3A_75 : memref<1x125xi32, #tpu.memory_space<vmem>> -> memref<125xi32, #tpu.memory_space<vmem>>
      %dma_wait3A_77 = arith.constant 0 : i32
      %dma_wait3A_78 = arith.constant 0 : i32
      %dma_wait3A_79 = tpu.memref_slice %arg2[%dma_wait3A_77, %dma_wait3A_78] : memref<10000x128xf32, #tpu.memory_space<hbm>> -> memref<10000x128xf32, #tpu.memory_space<hbm>>
      tpu.wait_indirect_dma semaphore(%arg12 : memref<!tpu.dma_semaphore, #tpu.memory_space<semaphore_mem>>) src(%dma_wait3A_79 : memref<10000x128xf32, #tpu.memory_space<hbm>>) dst(%arg10 : memref<125x128xf32, #tpu.memory_space<vmem>>)
      "tpu.region"() ({
        %run_scoped3A = tpu.sem_alloc : memref<!tpu.dma_semaphore, #tpu.memory_space<semaphore_mem>>
        %dma_start3A_88 = arith.constant 0 : i32
        %dma_start3A_89 = tpu.memref_slice %arg9[%add3A_64, %dma_start3A_88] : memref<40x125xi32, #tpu.memory_space<vmem>> -> memref<1x125xi32, #tpu.memory_space<vmem>>
        %dma_start3A_90 = tpu.memref_squeeze %dma_start3A_89 : memref<1x125xi32, #tpu.memory_space<vmem>> -> memref<125xi32, #tpu.memory_space<vmem>>
        %dma_start3A_91 = arith.constant 0 : i32
        %dma_start3A_92 = arith.constant 0 : i32
        %dma_start3A_93 = tpu.memref_slice %arg7[%dma_start3A_91, %dma_start3A_92] : memref<10000x128xf32, #tpu.memory_space<vmem_shared>> -> memref<10000x128xf32, #tpu.memory_space<vmem_shared>>
        tpu.enqueue_indirect_dma source(%arg10 : memref<125x128xf32, #tpu.memory_space<vmem>>) target(%dma_start3A_93 : memref<10000x128xf32, #tpu.memory_space<vmem_shared>>) offsets(%dma_start3A_90 : memref<125xi32, #tpu.memory_space<vmem>>) semaphore(%run_scoped3A : memref<!tpu.dma_semaphore, #tpu.memory_space<semaphore_mem>>) {add = true}
        %dma_wait3A_94 = arith.constant 0 : i32
        %dma_wait3A_95 = tpu.memref_slice %arg9[%add3A_64, %dma_wait3A_94] : memref<40x125xi32, #tpu.memory_space<vmem>> -> memref<1x125xi32, #tpu.memory_space<vmem>>
        %dma_wait3A_96 = tpu.memref_squeeze %dma_wait3A_95 : memref<1x125xi32, #tpu.memory_space<vmem>> -> memref<125xi32, #tpu.memory_space<vmem>>
        %dma_wait3A_97 = arith.constant 0 : i32
        %dma_wait3A_98 = arith.constant 0 : i32
        %dma_wait3A_99 = tpu.memref_slice %arg7[%dma_wait3A_97, %dma_wait3A_98] : memref<10000x128xf32, #tpu.memory_space<vmem_shared>> -> memref<10000x128xf32, #tpu.memory_space<vmem_shared>>
        tpu.wait_indirect_dma semaphore(%run_scoped3A : memref<!tpu.dma_semaphore, #tpu.memory_space<semaphore_mem>>) src(%arg10 : memref<125x128xf32, #tpu.memory_space<vmem>>) dst(%dma_wait3A_99 : memref<10000x128xf32, #tpu.memory_space<vmem_shared>>)
        tpu.yield
      }) : () -> ()
      %lt3A = arith.constant 40 : i32
      %lt3A_80 = arith.cmpi slt, %add3A_68, %lt3A : i32
      %convert_element_type3A = arith.extui %lt3A_80 : i1 to i32
      %cond3A = arith.constant 0 : i32
      %cond3A_81 = arith.cmpi ne, %convert_element_type3A, %cond3A : i32
      scf.if %cond3A_81 {
        %dma_start3A_88 = arith.constant 0 : i32
        %dma_start3A_89 = tpu.memref_slice %arg8[%add3A_68, %dma_start3A_88] : memref<40x125xi32, #tpu.memory_space<vmem>> -> memref<1x125xi32, #tpu.memory_space<vmem>>
        %dma_start3A_90 = tpu.memref_squeeze %dma_start3A_89 : memref<1x125xi32, #tpu.memory_space<vmem>> -> memref<125xi32, #tpu.memory_space<vmem>>
        %dma_start3A_91 = arith.constant 0 : i32
        %dma_start3A_92 = arith.constant 0 : i32
        %dma_start3A_93 = tpu.memref_slice %arg2[%dma_start3A_91, %dma_start3A_92] : memref<10000x128xf32, #tpu.memory_space<hbm>> -> memref<10000x128xf32, #tpu.memory_space<hbm>>
        tpu.enqueue_indirect_dma source(%dma_start3A_93 : memref<10000x128xf32, #tpu.memory_space<hbm>>) target(%arg10 : memref<125x128xf32, #tpu.memory_space<vmem>>) offsets(%dma_start3A_90 : memref<125xi32, #tpu.memory_space<vmem>>) semaphore(%arg12 : memref<!tpu.dma_semaphore, #tpu.memory_space<semaphore_mem>>)
      } else {
      }
      %dma_wait3A_82 = arith.constant 0 : i32
      %dma_wait3A_83 = tpu.memref_slice %arg8[%add3A_66, %dma_wait3A_82] : memref<40x125xi32, #tpu.memory_space<vmem>> -> memref<1x125xi32, #tpu.memory_space<vmem>>
      %dma_wait3A_84 = tpu.memref_squeeze %dma_wait3A_83 : memref<1x125xi32, #tpu.memory_space<vmem>> -> memref<125xi32, #tpu.memory_space<vmem>>
      %dma_wait3A_85 = arith.constant 0 : i32
      %dma_wait3A_86 = arith.constant 0 : i32
      %dma_wait3A_87 = tpu.memref_slice %arg2[%dma_wait3A_85, %dma_wait3A_86] : memref<10000x128xf32, #tpu.memory_space<hbm>> -> memref<10000x128xf32, #tpu.memory_space<hbm>>
      tpu.wait_indirect_dma semaphore(%arg13 : memref<!tpu.dma_semaphore, #tpu.memory_space<semaphore_mem>>) src(%dma_wait3A_87 : memref<10000x128xf32, #tpu.memory_space<hbm>>) dst(%arg11 : memref<125x128xf32, #tpu.memory_space<vmem>>)
      "tpu.region"() ({
        %run_scoped3A = tpu.sem_alloc : memref<!tpu.dma_semaphore, #tpu.memory_space<semaphore_mem>>
        %dma_start3A_88 = arith.constant 0 : i32
        %dma_start3A_89 = tpu.memref_slice %arg9[%add3A_66, %dma_start3A_88] : memref<40x125xi32, #tpu.memory_space<vmem>> -> memref<1x125xi32, #tpu.memory_space<vmem>>
        %dma_start3A_90 = tpu.memref_squeeze %dma_start3A_89 : memref<1x125xi32, #tpu.memory_space<vmem>> -> memref<125xi32, #tpu.memory_space<vmem>>
        %dma_start3A_91 = arith.constant 0 : i32
        %dma_start3A_92 = arith.constant 0 : i32
        %dma_start3A_93 = tpu.memref_slice %arg7[%dma_start3A_91, %dma_start3A_92] : memref<10000x128xf32, #tpu.memory_space<vmem_shared>> -> memref<10000x128xf32, #tpu.memory_space<vmem_shared>>
        tpu.enqueue_indirect_dma source(%arg11 : memref<125x128xf32, #tpu.memory_space<vmem>>) target(%dma_start3A_93 : memref<10000x128xf32, #tpu.memory_space<vmem_shared>>) offsets(%dma_start3A_90 : memref<125xi32, #tpu.memory_space<vmem>>) semaphore(%run_scoped3A : memref<!tpu.dma_semaphore, #tpu.memory_space<semaphore_mem>>) {add = true}
        %dma_wait3A_94 = arith.constant 0 : i32
        %dma_wait3A_95 = tpu.memref_slice %arg9[%add3A_66, %dma_wait3A_94] : memref<40x125xi32, #tpu.memory_space<vmem>> -> memref<1x125xi32, #tpu.memory_space<vmem>>
        %dma_wait3A_96 = tpu.memref_squeeze %dma_wait3A_95 : memref<1x125xi32, #tpu.memory_space<vmem>> -> memref<125xi32, #tpu.memory_space<vmem>>
        %dma_wait3A_97 = arith.constant 0 : i32
        %dma_wait3A_98 = arith.constant 0 : i32
        %dma_wait3A_99 = tpu.memref_slice %arg7[%dma_wait3A_97, %dma_wait3A_98] : memref<10000x128xf32, #tpu.memory_space<vmem_shared>> -> memref<10000x128xf32, #tpu.memory_space<vmem_shared>>
        tpu.wait_indirect_dma semaphore(%run_scoped3A : memref<!tpu.dma_semaphore, #tpu.memory_space<semaphore_mem>>) src(%arg11 : memref<125x128xf32, #tpu.memory_space<vmem>>) dst(%dma_wait3A_99 : memref<10000x128xf32, #tpu.memory_space<vmem_shared>>)
        tpu.yield
      }) : () -> ()
    }
    %while3A_29 = arith.constant 1 : i32
    scf.for %while3A_62 = %while3A_27 to %while3A_23 step %while3A_29  : i32 {
      %mul3A_63 = arith.muli %while3A_62, %while3A : i32
      %add3A_64 = arith.addi %while3A_20, %mul3A_63 : i32
      %add3A_65 = arith.constant 1 : i32
      %add3A_66 = arith.addi %add3A_64, %add3A_65 : i32
      %add3A_67 = arith.constant 2 : i32
      %add3A_68 = arith.addi %add3A_64, %add3A_67 : i32
      %dma_start3A_69 = arith.constant 0 : i32
      %dma_start3A_70 = tpu.memref_slice %arg8[%add3A_66, %dma_start3A_69] : memref<40x125xi32, #tpu.memory_space<vmem>> -> memref<1x125xi32, #tpu.memory_space<vmem>>
      %dma_start3A_71 = tpu.memref_squeeze %dma_start3A_70 : memref<1x125xi32, #tpu.memory_space<vmem>> -> memref<125xi32, #tpu.memory_space<vmem>>
      %dma_start3A_72 = arith.constant 0 : i32
      %dma_start3A_73 = arith.constant 0 : i32
      %dma_start3A_74 = tpu.memref_slice %arg2[%dma_start3A_72, %dma_start3A_73] : memref<10000x128xf32, #tpu.memory_space<hbm>> -> memref<10000x128xf32, #tpu.memory_space<hbm>>
      tpu.enqueue_indirect_dma source(%dma_start3A_74 : memref<10000x128xf32, #tpu.memory_space<hbm>>) target(%arg11 : memref<125x128xf32, #tpu.memory_space<vmem>>) offsets(%dma_start3A_71 : memref<125xi32, #tpu.memory_space<vmem>>) semaphore(%arg13 : memref<!tpu.dma_semaphore, #tpu.memory_space<semaphore_mem>>)
      %dma_wait3A = arith.constant 0 : i32
      %dma_wait3A_75 = tpu.memref_slice %arg8[%add3A_64, %dma_wait3A] : memref<40x125xi32, #tpu.memory_space<vmem>> -> memref<1x125xi32, #tpu.memory_space<vmem>>
      %dma_wait3A_76 = tpu.memref_squeeze %dma_wait3A_75 : memref<1x125xi32, #tpu.memory_space<vmem>> -> memref<125xi32, #tpu.memory_space<vmem>>
      %dma_wait3A_77 = arith.constant 0 : i32
      %dma_wait3A_78 = arith.constant 0 : i32
      %dma_wait3A_79 = tpu.memref_slice %arg2[%dma_wait3A_77, %dma_wait3A_78] : memref<10000x128xf32, #tpu.memory_space<hbm>> -> memref<10000x128xf32, #tpu.memory_space<hbm>>
      tpu.wait_indirect_dma semaphore(%arg12 : memref<!tpu.dma_semaphore, #tpu.memory_space<semaphore_mem>>) src(%dma_wait3A_79 : memref<10000x128xf32, #tpu.memory_space<hbm>>) dst(%arg10 : memref<125x128xf32, #tpu.memory_space<vmem>>)
      "tpu.region"() ({
        %run_scoped3A = tpu.sem_alloc : memref<!tpu.dma_semaphore, #tpu.memory_space<semaphore_mem>>
        %dma_start3A_88 = arith.constant 0 : i32
        %dma_start3A_89 = tpu.memref_slice %arg9[%add3A_64, %dma_start3A_88] : memref<40x125xi32, #tpu.memory_space<vmem>> -> memref<1x125xi32, #tpu.memory_space<vmem>>
        %dma_start3A_90 = tpu.memref_squeeze %dma_start3A_89 : memref<1x125xi32, #tpu.memory_space<vmem>> -> memref<125xi32, #tpu.memory_space<vmem>>
        %dma_start3A_91 = arith.constant 0 : i32
        %dma_start3A_92 = arith.constant 0 : i32
        %dma_start3A_93 = tpu.memref_slice %arg7[%dma_start3A_91, %dma_start3A_92] : memref<10000x128xf32, #tpu.memory_space<vmem_shared>> -> memref<10000x128xf32, #tpu.memory_space<vmem_shared>>
        tpu.enqueue_indirect_dma source(%arg10 : memref<125x128xf32, #tpu.memory_space<vmem>>) target(%dma_start3A_93 : memref<10000x128xf32, #tpu.memory_space<vmem_shared>>) offsets(%dma_start3A_90 : memref<125xi32, #tpu.memory_space<vmem>>) semaphore(%run_scoped3A : memref<!tpu.dma_semaphore, #tpu.memory_space<semaphore_mem>>) {add = true}
        %dma_wait3A_94 = arith.constant 0 : i32
        %dma_wait3A_95 = tpu.memref_slice %arg9[%add3A_64, %dma_wait3A_94] : memref<40x125xi32, #tpu.memory_space<vmem>> -> memref<1x125xi32, #tpu.memory_space<vmem>>
        %dma_wait3A_96 = tpu.memref_squeeze %dma_wait3A_95 : memref<1x125xi32, #tpu.memory_space<vmem>> -> memref<125xi32, #tpu.memory_space<vmem>>
        %dma_wait3A_97 = arith.constant 0 : i32
        %dma_wait3A_98 = arith.constant 0 : i32
        %dma_wait3A_99 = tpu.memref_slice %arg7[%dma_wait3A_97, %dma_wait3A_98] : memref<10000x128xf32, #tpu.memory_space<vmem_shared>> -> memref<10000x128xf32, #tpu.memory_space<vmem_shared>>
        tpu.wait_indirect_dma semaphore(%run_scoped3A : memref<!tpu.dma_semaphore, #tpu.memory_space<semaphore_mem>>) src(%arg10 : memref<125x128xf32, #tpu.memory_space<vmem>>) dst(%dma_wait3A_99 : memref<10000x128xf32, #tpu.memory_space<vmem_shared>>)
        tpu.yield
      }) : () -> ()
      %lt3A = arith.constant 40 : i32
      %lt3A_80 = arith.cmpi slt, %add3A_68, %lt3A : i32
      %convert_element_type3A = arith.extui %lt3A_80 : i1 to i32
      %cond3A = arith.constant 0 : i32
      %cond3A_81 = arith.cmpi ne, %convert_element_type3A, %cond3A : i32
      scf.if %cond3A_81 {
        %dma_start3A_88 = arith.constant 0 : i32
        %dma_start3A_89 = tpu.memref_slice %arg8[%add3A_68, %dma_start3A_88] : memref<40x125xi32, #tpu.memory_space<vmem>> -> memref<1x125xi32, #tpu.memory_space<vmem>>
        %dma_start3A_90 = tpu.memref_squeeze %dma_start3A_89 : memref<1x125xi32, #tpu.memory_space<vmem>> -> memref<125xi32, #tpu.memory_space<vmem>>
        %dma_start3A_91 = arith.constant 0 : i32
        %dma_start3A_92 = arith.constant 0 : i32
        %dma_start3A_93 = tpu.memref_slice %arg2[%dma_start3A_91, %dma_start3A_92] : memref<10000x128xf32, #tpu.memory_space<hbm>> -> memref<10000x128xf32, #tpu.memory_space<hbm>>
        tpu.enqueue_indirect_dma source(%dma_start3A_93 : memref<10000x128xf32, #tpu.memory_space<hbm>>) target(%arg10 : memref<125x128xf32, #tpu.memory_space<vmem>>) offsets(%dma_start3A_90 : memref<125xi32, #tpu.memory_space<vmem>>) semaphore(%arg12 : memref<!tpu.dma_semaphore, #tpu.memory_space<semaphore_mem>>)
      } else {
      }
      %dma_wait3A_82 = arith.constant 0 : i32
      %dma_wait3A_83 = tpu.memref_slice %arg8[%add3A_66, %dma_wait3A_82] : memref<40x125xi32, #tpu.memory_space<vmem>> -> memref<1x125xi32, #tpu.memory_space<vmem>>
      %dma_wait3A_84 = tpu.memref_squeeze %dma_wait3A_83 : memref<1x125xi32, #tpu.memory_space<vmem>> -> memref<125xi32, #tpu.memory_space<vmem>>
      %dma_wait3A_85 = arith.constant 0 : i32
      %dma_wait3A_86 = arith.constant 0 : i32
      %dma_wait3A_87 = tpu.memref_slice %arg2[%dma_wait3A_85, %dma_wait3A_86] : memref<10000x128xf32, #tpu.memory_space<hbm>> -> memref<10000x128xf32, #tpu.memory_space<hbm>>
      tpu.wait_indirect_dma semaphore(%arg13 : memref<!tpu.dma_semaphore, #tpu.memory_space<semaphore_mem>>) src(%dma_wait3A_87 : memref<10000x128xf32, #tpu.memory_space<hbm>>) dst(%arg11 : memref<125x128xf32, #tpu.memory_space<vmem>>)
      "tpu.region"() ({
        %run_scoped3A = tpu.sem_alloc : memref<!tpu.dma_semaphore, #tpu.memory_space<semaphore_mem>>
        %dma_start3A_88 = arith.constant 0 : i32
        %dma_start3A_89 = tpu.memref_slice %arg9[%add3A_66, %dma_start3A_88] : memref<40x125xi32, #tpu.memory_space<vmem>> -> memref<1x125xi32, #tpu.memory_space<vmem>>
        %dma_start3A_90 = tpu.memref_squeeze %dma_start3A_89 : memref<1x125xi32, #tpu.memory_space<vmem>> -> memref<125xi32, #tpu.memory_space<vmem>>
        %dma_start3A_91 = arith.constant 0 : i32
        %dma_start3A_92 = arith.constant 0 : i32
        %dma_start3A_93 = tpu.memref_slice %arg7[%dma_start3A_91, %dma_start3A_92] : memref<10000x128xf32, #tpu.memory_space<vmem_shared>> -> memref<10000x128xf32, #tpu.memory_space<vmem_shared>>
        tpu.enqueue_indirect_dma source(%arg11 : memref<125x128xf32, #tpu.memory_space<vmem>>) target(%dma_start3A_93 : memref<10000x128xf32, #tpu.memory_space<vmem_shared>>) offsets(%dma_start3A_90 : memref<125xi32, #tpu.memory_space<vmem>>) semaphore(%run_scoped3A : memref<!tpu.dma_semaphore, #tpu.memory_space<semaphore_mem>>) {add = true}
        %dma_wait3A_94 = arith.constant 0 : i32
        %dma_wait3A_95 = tpu.memref_slice %arg9[%add3A_66, %dma_wait3A_94] : memref<40x125xi32, #tpu.memory_space<vmem>> -> memref<1x125xi32, #tpu.memory_space<vmem>>
        %dma_wait3A_96 = tpu.memref_squeeze %dma_wait3A_95 : memref<1x125xi32, #tpu.memory_space<vmem>> -> memref<125xi32, #tpu.memory_space<vmem>>
        %dma_wait3A_97 = arith.constant 0 : i32
        %dma_wait3A_98 = arith.constant 0 : i32
        %dma_wait3A_99 = tpu.memref_slice %arg7[%dma_wait3A_97, %dma_wait3A_98] : memref<10000x128xf32, #tpu.memory_space<vmem_shared>> -> memref<10000x128xf32, #tpu.memory_space<vmem_shared>>
        tpu.wait_indirect_dma semaphore(%run_scoped3A : memref<!tpu.dma_semaphore, #tpu.memory_space<semaphore_mem>>) src(%arg11 : memref<125x128xf32, #tpu.memory_space<vmem>>) dst(%dma_wait3A_99 : memref<10000x128xf32, #tpu.memory_space<vmem_shared>>)
        tpu.yield
      }) : () -> ()
    }
    %add3A_30 = arith.constant 40 : i32
    %add3A_31 = arith.addi %mul3A_4, %add3A_30 : i32
    "tpu.region"() ({
      %run_scoped3A = tpu.sem_alloc : memref<!tpu.dma_semaphore, #tpu.memory_space<semaphore_mem>>
      %dma_start3A_62 = arith.constant 0 : i32
      %dma_start3A_63 = tpu.memref_slice %arg3[%add3A_31, %dma_start3A_62] : memref<2560x125xi32, #tpu.memory_space<hbm>> -> memref<40x125xi32, #tpu.memory_space<hbm>>
      %dma_start3A_64 = arith.constant 0 : i32
      %dma_start3A_65 = tpu.memref_slice %arg3[%add3A_31, %dma_start3A_64] : memref<2560x125xi32, #tpu.memory_space<hbm>> -> memref<40x125xi32, #tpu.memory_space<hbm>>
      tpu.enqueue_dma source(%dma_start3A_65 : memref<40x125xi32, #tpu.memory_space<hbm>>) target(%arg8 : memref<40x125xi32, #tpu.memory_space<vmem>>) target_semaphore(%run_scoped3A : memref<!tpu.dma_semaphore, #tpu.memory_space<semaphore_mem>>)
      %dma_wait3A = arith.constant 0 : i32
      %dma_wait3A_66 = tpu.memref_slice %arg3[%add3A_31, %dma_wait3A] : memref<2560x125xi32, #tpu.memory_space<hbm>> -> memref<40x125xi32, #tpu.memory_space<hbm>>
      %dma_wait3A_67 = arith.constant 0 : i32
      %dma_wait3A_68 = tpu.memref_slice %arg3[%add3A_31, %dma_wait3A_67] : memref<2560x125xi32, #tpu.memory_space<hbm>> -> memref<40x125xi32, #tpu.memory_space<hbm>>
      tpu.wait_dma2 semaphore(%run_scoped3A : memref<!tpu.dma_semaphore, #tpu.memory_space<semaphore_mem>>) src(%dma_wait3A_68 : memref<40x125xi32, #tpu.memory_space<hbm>>) dst(%arg8 : memref<40x125xi32, #tpu.memory_space<vmem>>)
      tpu.yield
    }) : () -> ()
    "tpu.region"() ({
      %run_scoped3A = tpu.sem_alloc : memref<!tpu.dma_semaphore, #tpu.memory_space<semaphore_mem>>
      %dma_start3A_62 = arith.constant 0 : i32
      %dma_start3A_63 = tpu.memref_slice %arg4[%add3A_31, %dma_start3A_62] : memref<2560x125xi32, #tpu.memory_space<hbm>> -> memref<40x125xi32, #tpu.memory_space<hbm>>
      %dma_start3A_64 = arith.constant 0 : i32
      %dma_start3A_65 = tpu.memref_slice %arg4[%add3A_31, %dma_start3A_64] : memref<2560x125xi32, #tpu.memory_space<hbm>> -> memref<40x125xi32, #tpu.memory_space<hbm>>
      tpu.enqueue_dma source(%dma_start3A_65 : memref<40x125xi32, #tpu.memory_space<hbm>>) target(%arg9 : memref<40x125xi32, #tpu.memory_space<vmem>>) target_semaphore(%run_scoped3A : memref<!tpu.dma_semaphore, #tpu.memory_space<semaphore_mem>>)
      %dma_wait3A = arith.constant 0 : i32
      %dma_wait3A_66 = tpu.memref_slice %arg4[%add3A_31, %dma_wait3A] : memref<2560x125xi32, #tpu.memory_space<hbm>> -> memref<40x125xi32, #tpu.memory_space<hbm>>
      %dma_wait3A_67 = arith.constant 0 : i32
      %dma_wait3A_68 = tpu.memref_slice %arg4[%add3A_31, %dma_wait3A_67] : memref<2560x125xi32, #tpu.memory_space<hbm>> -> memref<40x125xi32, #tpu.memory_space<hbm>>
      tpu.wait_dma2 semaphore(%run_scoped3A : memref<!tpu.dma_semaphore, #tpu.memory_space<semaphore_mem>>) src(%dma_wait3A_68 : memref<40x125xi32, #tpu.memory_space<hbm>>) dst(%arg9 : memref<40x125xi32, #tpu.memory_space<vmem>>)
      tpu.yield
    }) : () -> ()
    %dma_start3A_32 = arith.constant 0 : i32
    %dma_start3A_33 = arith.constant 0 : i32
    %dma_start3A_34 = tpu.memref_slice %arg8[%dma_start3A_32, %dma_start3A_33] : memref<40x125xi32, #tpu.memory_space<vmem>> -> memref<1x125xi32, #tpu.memory_space<vmem>>
    %dma_start3A_35 = tpu.memref_squeeze %dma_start3A_34 : memref<1x125xi32, #tpu.memory_space<vmem>> -> memref<125xi32, #tpu.memory_space<vmem>>
    %dma_start3A_36 = arith.constant 0 : i32
    %dma_start3A_37 = arith.constant 0 : i32
    %dma_start3A_38 = tpu.memref_slice %arg2[%dma_start3A_36, %dma_start3A_37] : memref<10000x128xf32, #tpu.memory_space<hbm>> -> memref<10000x128xf32, #tpu.memory_space<hbm>>
    tpu.enqueue_indirect_dma source(%dma_start3A_38 : memref<10000x128xf32, #tpu.memory_space<hbm>>) target(%arg10 : memref<125x128xf32, #tpu.memory_space<vmem>>) offsets(%dma_start3A_35 : memref<125xi32, #tpu.memory_space<vmem>>) semaphore(%arg12 : memref<!tpu.dma_semaphore, #tpu.memory_space<semaphore_mem>>)
    %sub3A_39 = arith.constant 40 : i32
    %sub3A_40 = arith.constant 0 : i32
    %sub3A_41 = arith.subi %sub3A_39, %sub3A_40 : i32
    %sub3A_42 = arith.constant 2 : i32
    %sub3A_43 = arith.constant 1 : i32
    %sub3A_44 = arith.subi %sub3A_42, %sub3A_43 : i32
    %add3A_45 = arith.addi %sub3A_41, %sub3A_44 : i32
    %div3A_46 = arith.constant 2 : i32
    %div3A_47 = arith.divsi %add3A_45, %div3A_46 : i32
    %while3A_48 = arith.constant 2 : i32
    %while3A_49 = arith.constant 0 : i32
    %while3A_50 = arith.constant 0 : i32
    %while3A_51 = arith.subi %div3A_47, %while3A_50 : i32
    %while3A_52 = arith.addi %while3A_50, %while3A_51 : i32
    %while3A_53 = arith.constant 1 : i32
    %while3A_54 = arith.divsi %while3A_51, %while3A_53 : i32
    %while3A_55 = arith.muli %while3A_54, %while3A_53 : i32
    %while3A_56 = arith.addi %while3A_50, %while3A_55 : i32
    %while3A_57 = arith.constant 1 : i32
    scf.for %while3A_62 = %while3A_50 to %while3A_56 step %while3A_57  : i32 {
      %mul3A_63 = arith.muli %while3A_62, %while3A_48 : i32
      %add3A_64 = arith.addi %while3A_49, %mul3A_63 : i32
      %add3A_65 = arith.constant 1 : i32
      %add3A_66 = arith.addi %add3A_64, %add3A_65 : i32
      %add3A_67 = arith.constant 2 : i32
      %add3A_68 = arith.addi %add3A_64, %add3A_67 : i32
      %dma_start3A_69 = arith.constant 0 : i32
      %dma_start3A_70 = tpu.memref_slice %arg8[%add3A_66, %dma_start3A_69] : memref<40x125xi32, #tpu.memory_space<vmem>> -> memref<1x125xi32, #tpu.memory_space<vmem>>
      %dma_start3A_71 = tpu.memref_squeeze %dma_start3A_70 : memref<1x125xi32, #tpu.memory_space<vmem>> -> memref<125xi32, #tpu.memory_space<vmem>>
      %dma_start3A_72 = arith.constant 0 : i32
      %dma_start3A_73 = arith.constant 0 : i32
      %dma_start3A_74 = tpu.memref_slice %arg2[%dma_start3A_72, %dma_start3A_73] : memref<10000x128xf32, #tpu.memory_space<hbm>> -> memref<10000x128xf32, #tpu.memory_space<hbm>>
      tpu.enqueue_indirect_dma source(%dma_start3A_74 : memref<10000x128xf32, #tpu.memory_space<hbm>>) target(%arg11 : memref<125x128xf32, #tpu.memory_space<vmem>>) offsets(%dma_start3A_71 : memref<125xi32, #tpu.memory_space<vmem>>) semaphore(%arg13 : memref<!tpu.dma_semaphore, #tpu.memory_space<semaphore_mem>>)
      %dma_wait3A = arith.constant 0 : i32
      %dma_wait3A_75 = tpu.memref_slice %arg8[%add3A_64, %dma_wait3A] : memref<40x125xi32, #tpu.memory_space<vmem>> -> memref<1x125xi32, #tpu.memory_space<vmem>>
      %dma_wait3A_76 = tpu.memref_squeeze %dma_wait3A_75 : memref<1x125xi32, #tpu.memory_space<vmem>> -> memref<125xi32, #tpu.memory_space<vmem>>
      %dma_wait3A_77 = arith.constant 0 : i32
      %dma_wait3A_78 = arith.constant 0 : i32
      %dma_wait3A_79 = tpu.memref_slice %arg2[%dma_wait3A_77, %dma_wait3A_78] : memref<10000x128xf32, #tpu.memory_space<hbm>> -> memref<10000x128xf32, #tpu.memory_space<hbm>>
      tpu.wait_indirect_dma semaphore(%arg12 : memref<!tpu.dma_semaphore, #tpu.memory_space<semaphore_mem>>) src(%dma_wait3A_79 : memref<10000x128xf32, #tpu.memory_space<hbm>>) dst(%arg10 : memref<125x128xf32, #tpu.memory_space<vmem>>)
      "tpu.region"() ({
        %run_scoped3A = tpu.sem_alloc : memref<!tpu.dma_semaphore, #tpu.memory_space<semaphore_mem>>
        %dma_start3A_88 = arith.constant 0 : i32
        %dma_start3A_89 = tpu.memref_slice %arg9[%add3A_64, %dma_start3A_88] : memref<40x125xi32, #tpu.memory_space<vmem>> -> memref<1x125xi32, #tpu.memory_space<vmem>>
        %dma_start3A_90 = tpu.memref_squeeze %dma_start3A_89 : memref<1x125xi32, #tpu.memory_space<vmem>> -> memref<125xi32, #tpu.memory_space<vmem>>
        %dma_start3A_91 = arith.constant 0 : i32
        %dma_start3A_92 = arith.constant 0 : i32
        %dma_start3A_93 = tpu.memref_slice %arg7[%dma_start3A_91, %dma_start3A_92] : memref<10000x128xf32, #tpu.memory_space<vmem_shared>> -> memref<10000x128xf32, #tpu.memory_space<vmem_shared>>
        tpu.enqueue_indirect_dma source(%arg10 : memref<125x128xf32, #tpu.memory_space<vmem>>) target(%dma_start3A_93 : memref<10000x128xf32, #tpu.memory_space<vmem_shared>>) offsets(%dma_start3A_90 : memref<125xi32, #tpu.memory_space<vmem>>) semaphore(%run_scoped3A : memref<!tpu.dma_semaphore, #tpu.memory_space<semaphore_mem>>) {add = true}
        %dma_wait3A_94 = arith.constant 0 : i32
        %dma_wait3A_95 = tpu.memref_slice %arg9[%add3A_64, %dma_wait3A_94] : memref<40x125xi32, #tpu.memory_space<vmem>> -> memref<1x125xi32, #tpu.memory_space<vmem>>
        %dma_wait3A_96 = tpu.memref_squeeze %dma_wait3A_95 : memref<1x125xi32, #tpu.memory_space<vmem>> -> memref<125xi32, #tpu.memory_space<vmem>>
        %dma_wait3A_97 = arith.constant 0 : i32
        %dma_wait3A_98 = arith.constant 0 : i32
        %dma_wait3A_99 = tpu.memref_slice %arg7[%dma_wait3A_97, %dma_wait3A_98] : memref<10000x128xf32, #tpu.memory_space<vmem_shared>> -> memref<10000x128xf32, #tpu.memory_space<vmem_shared>>
        tpu.wait_indirect_dma semaphore(%run_scoped3A : memref<!tpu.dma_semaphore, #tpu.memory_space<semaphore_mem>>) src(%arg10 : memref<125x128xf32, #tpu.memory_space<vmem>>) dst(%dma_wait3A_99 : memref<10000x128xf32, #tpu.memory_space<vmem_shared>>)
        tpu.yield
      }) : () -> ()
      %lt3A = arith.constant 40 : i32
      %lt3A_80 = arith.cmpi slt, %add3A_68, %lt3A : i32
      %convert_element_type3A = arith.extui %lt3A_80 : i1 to i32
      %cond3A = arith.constant 0 : i32
      %cond3A_81 = arith.cmpi ne, %convert_element_type3A, %cond3A : i32
      scf.if %cond3A_81 {
        %dma_start3A_88 = arith.constant 0 : i32
        %dma_start3A_89 = tpu.memref_slice %arg8[%add3A_68, %dma_start3A_88] : memref<40x125xi32, #tpu.memory_space<vmem>> -> memref<1x125xi32, #tpu.memory_space<vmem>>
        %dma_start3A_90 = tpu.memref_squeeze %dma_start3A_89 : memref<1x125xi32, #tpu.memory_space<vmem>> -> memref<125xi32, #tpu.memory_space<vmem>>
        %dma_start3A_91 = arith.constant 0 : i32
        %dma_start3A_92 = arith.constant 0 : i32
        %dma_start3A_93 = tpu.memref_slice %arg2[%dma_start3A_91, %dma_start3A_92] : memref<10000x128xf32, #tpu.memory_space<hbm>> -> memref<10000x128xf32, #tpu.memory_space<hbm>>
        tpu.enqueue_indirect_dma source(%dma_start3A_93 : memref<10000x128xf32, #tpu.memory_space<hbm>>) target(%arg10 : memref<125x128xf32, #tpu.memory_space<vmem>>) offsets(%dma_start3A_90 : memref<125xi32, #tpu.memory_space<vmem>>) semaphore(%arg12 : memref<!tpu.dma_semaphore, #tpu.memory_space<semaphore_mem>>)
      } else {
      }
      %dma_wait3A_82 = arith.constant 0 : i32
      %dma_wait3A_83 = tpu.memref_slice %arg8[%add3A_66, %dma_wait3A_82] : memref<40x125xi32, #tpu.memory_space<vmem>> -> memref<1x125xi32, #tpu.memory_space<vmem>>
      %dma_wait3A_84 = tpu.memref_squeeze %dma_wait3A_83 : memref<1x125xi32, #tpu.memory_space<vmem>> -> memref<125xi32, #tpu.memory_space<vmem>>
      %dma_wait3A_85 = arith.constant 0 : i32
      %dma_wait3A_86 = arith.constant 0 : i32
      %dma_wait3A_87 = tpu.memref_slice %arg2[%dma_wait3A_85, %dma_wait3A_86] : memref<10000x128xf32, #tpu.memory_space<hbm>> -> memref<10000x128xf32, #tpu.memory_space<hbm>>
      tpu.wait_indirect_dma semaphore(%arg13 : memref<!tpu.dma_semaphore, #tpu.memory_space<semaphore_mem>>) src(%dma_wait3A_87 : memref<10000x128xf32, #tpu.memory_space<hbm>>) dst(%arg11 : memref<125x128xf32, #tpu.memory_space<vmem>>)
      "tpu.region"() ({
        %run_scoped3A = tpu.sem_alloc : memref<!tpu.dma_semaphore, #tpu.memory_space<semaphore_mem>>
        %dma_start3A_88 = arith.constant 0 : i32
        %dma_start3A_89 = tpu.memref_slice %arg9[%add3A_66, %dma_start3A_88] : memref<40x125xi32, #tpu.memory_space<vmem>> -> memref<1x125xi32, #tpu.memory_space<vmem>>
        %dma_start3A_90 = tpu.memref_squeeze %dma_start3A_89 : memref<1x125xi32, #tpu.memory_space<vmem>> -> memref<125xi32, #tpu.memory_space<vmem>>
        %dma_start3A_91 = arith.constant 0 : i32
        %dma_start3A_92 = arith.constant 0 : i32
        %dma_start3A_93 = tpu.memref_slice %arg7[%dma_start3A_91, %dma_start3A_92] : memref<10000x128xf32, #tpu.memory_space<vmem_shared>> -> memref<10000x128xf32, #tpu.memory_space<vmem_shared>>
        tpu.enqueue_indirect_dma source(%arg11 : memref<125x128xf32, #tpu.memory_space<vmem>>) target(%dma_start3A_93 : memref<10000x128xf32, #tpu.memory_space<vmem_shared>>) offsets(%dma_start3A_90 : memref<125xi32, #tpu.memory_space<vmem>>) semaphore(%run_scoped3A : memref<!tpu.dma_semaphore, #tpu.memory_space<semaphore_mem>>) {add = true}
        %dma_wait3A_94 = arith.constant 0 : i32
        %dma_wait3A_95 = tpu.memref_slice %arg9[%add3A_66, %dma_wait3A_94] : memref<40x125xi32, #tpu.memory_space<vmem>> -> memref<1x125xi32, #tpu.memory_space<vmem>>
        %dma_wait3A_96 = tpu.memref_squeeze %dma_wait3A_95 : memref<1x125xi32, #tpu.memory_space<vmem>> -> memref<125xi32, #tpu.memory_space<vmem>>
        %dma_wait3A_97 = arith.constant 0 : i32
        %dma_wait3A_98 = arith.constant 0 : i32
        %dma_wait3A_99 = tpu.memref_slice %arg7[%dma_wait3A_97, %dma_wait3A_98] : memref<10000x128xf32, #tpu.memory_space<vmem_shared>> -> memref<10000x128xf32, #tpu.memory_space<vmem_shared>>
        tpu.wait_indirect_dma semaphore(%run_scoped3A : memref<!tpu.dma_semaphore, #tpu.memory_space<semaphore_mem>>) src(%arg11 : memref<125x128xf32, #tpu.memory_space<vmem>>) dst(%dma_wait3A_99 : memref<10000x128xf32, #tpu.memory_space<vmem_shared>>)
        tpu.yield
      }) : () -> ()
    }
    %while3A_58 = arith.constant 1 : i32
    scf.for %while3A_62 = %while3A_56 to %while3A_52 step %while3A_58  : i32 {
      %mul3A_63 = arith.muli %while3A_62, %while3A_48 : i32
      %add3A_64 = arith.addi %while3A_49, %mul3A_63 : i32
      %add3A_65 = arith.constant 1 : i32
      %add3A_66 = arith.addi %add3A_64, %add3A_65 : i32
      %add3A_67 = arith.constant 2 : i32
      %add3A_68 = arith.addi %add3A_64, %add3A_67 : i32
      %dma_start3A_69 = arith.constant 0 : i32
      %dma_start3A_70 = tpu.memref_slice %arg8[%add3A_66, %dma_start3A_69] : memref<40x125xi32, #tpu.memory_space<vmem>> -> memref<1x125xi32, #tpu.memory_space<vmem>>
      %dma_start3A_71 = tpu.memref_squeeze %dma_start3A_70 : memref<1x125xi32, #tpu.memory_space<vmem>> -> memref<125xi32, #tpu.memory_space<vmem>>
      %dma_start3A_72 = arith.constant 0 : i32
      %dma_start3A_73 = arith.constant 0 : i32
      %dma_start3A_74 = tpu.memref_slice %arg2[%dma_start3A_72, %dma_start3A_73] : memref<10000x128xf32, #tpu.memory_space<hbm>> -> memref<10000x128xf32, #tpu.memory_space<hbm>>
      tpu.enqueue_indirect_dma source(%dma_start3A_74 : memref<10000x128xf32, #tpu.memory_space<hbm>>) target(%arg11 : memref<125x128xf32, #tpu.memory_space<vmem>>) offsets(%dma_start3A_71 : memref<125xi32, #tpu.memory_space<vmem>>) semaphore(%arg13 : memref<!tpu.dma_semaphore, #tpu.memory_space<semaphore_mem>>)
      %dma_wait3A = arith.constant 0 : i32
      %dma_wait3A_75 = tpu.memref_slice %arg8[%add3A_64, %dma_wait3A] : memref<40x125xi32, #tpu.memory_space<vmem>> -> memref<1x125xi32, #tpu.memory_space<vmem>>
      %dma_wait3A_76 = tpu.memref_squeeze %dma_wait3A_75 : memref<1x125xi32, #tpu.memory_space<vmem>> -> memref<125xi32, #tpu.memory_space<vmem>>
      %dma_wait3A_77 = arith.constant 0 : i32
      %dma_wait3A_78 = arith.constant 0 : i32
      %dma_wait3A_79 = tpu.memref_slice %arg2[%dma_wait3A_77, %dma_wait3A_78] : memref<10000x128xf32, #tpu.memory_space<hbm>> -> memref<10000x128xf32, #tpu.memory_space<hbm>>
      tpu.wait_indirect_dma semaphore(%arg12 : memref<!tpu.dma_semaphore, #tpu.memory_space<semaphore_mem>>) src(%dma_wait3A_79 : memref<10000x128xf32, #tpu.memory_space<hbm>>) dst(%arg10 : memref<125x128xf32, #tpu.memory_space<vmem>>)
      "tpu.region"() ({
        %run_scoped3A = tpu.sem_alloc : memref<!tpu.dma_semaphore, #tpu.memory_space<semaphore_mem>>
        %dma_start3A_88 = arith.constant 0 : i32
        %dma_start3A_89 = tpu.memref_slice %arg9[%add3A_64, %dma_start3A_88] : memref<40x125xi32, #tpu.memory_space<vmem>> -> memref<1x125xi32, #tpu.memory_space<vmem>>
        %dma_start3A_90 = tpu.memref_squeeze %dma_start3A_89 : memref<1x125xi32, #tpu.memory_space<vmem>> -> memref<125xi32, #tpu.memory_space<vmem>>
        %dma_start3A_91 = arith.constant 0 : i32
        %dma_start3A_92 = arith.constant 0 : i32
        %dma_start3A_93 = tpu.memref_slice %arg7[%dma_start3A_91, %dma_start3A_92] : memref<10000x128xf32, #tpu.memory_space<vmem_shared>> -> memref<10000x128xf32, #tpu.memory_space<vmem_shared>>
        tpu.enqueue_indirect_dma source(%arg10 : memref<125x128xf32, #tpu.memory_space<vmem>>) target(%dma_start3A_93 : memref<10000x128xf32, #tpu.memory_space<vmem_shared>>) offsets(%dma_start3A_90 : memref<125xi32, #tpu.memory_space<vmem>>) semaphore(%run_scoped3A : memref<!tpu.dma_semaphore, #tpu.memory_space<semaphore_mem>>) {add = true}
        %dma_wait3A_94 = arith.constant 0 : i32
        %dma_wait3A_95 = tpu.memref_slice %arg9[%add3A_64, %dma_wait3A_94] : memref<40x125xi32, #tpu.memory_space<vmem>> -> memref<1x125xi32, #tpu.memory_space<vmem>>
        %dma_wait3A_96 = tpu.memref_squeeze %dma_wait3A_95 : memref<1x125xi32, #tpu.memory_space<vmem>> -> memref<125xi32, #tpu.memory_space<vmem>>
        %dma_wait3A_97 = arith.constant 0 : i32
        %dma_wait3A_98 = arith.constant 0 : i32
        %dma_wait3A_99 = tpu.memref_slice %arg7[%dma_wait3A_97, %dma_wait3A_98] : memref<10000x128xf32, #tpu.memory_space<vmem_shared>> -> memref<10000x128xf32, #tpu.memory_space<vmem_shared>>
        tpu.wait_indirect_dma semaphore(%run_scoped3A : memref<!tpu.dma_semaphore, #tpu.memory_space<semaphore_mem>>) src(%arg10 : memref<125x128xf32, #tpu.memory_space<vmem>>) dst(%dma_wait3A_99 : memref<10000x128xf32, #tpu.memory_space<vmem_shared>>)
        tpu.yield
      }) : () -> ()
      %lt3A = arith.constant 40 : i32
      %lt3A_80 = arith.cmpi slt, %add3A_68, %lt3A : i32
      %convert_element_type3A = arith.extui %lt3A_80 : i1 to i32
      %cond3A = arith.constant 0 : i32
      %cond3A_81 = arith.cmpi ne, %convert_element_type3A, %cond3A : i32
      scf.if %cond3A_81 {
        %dma_start3A_88 = arith.constant 0 : i32
        %dma_start3A_89 = tpu.memref_slice %arg8[%add3A_68, %dma_start3A_88] : memref<40x125xi32, #tpu.memory_space<vmem>> -> memref<1x125xi32, #tpu.memory_space<vmem>>
        %dma_start3A_90 = tpu.memref_squeeze %dma_start3A_89 : memref<1x125xi32, #tpu.memory_space<vmem>> -> memref<125xi32, #tpu.memory_space<vmem>>
        %dma_start3A_91 = arith.constant 0 : i32
        %dma_start3A_92 = arith.constant 0 : i32
        %dma_start3A_93 = tpu.memref_slice %arg2[%dma_start3A_91, %dma_start3A_92] : memref<10000x128xf32, #tpu.memory_space<hbm>> -> memref<10000x128xf32, #tpu.memory_space<hbm>>
        tpu.enqueue_indirect_dma source(%dma_start3A_93 : memref<10000x128xf32, #tpu.memory_space<hbm>>) target(%arg10 : memref<125x128xf32, #tpu.memory_space<vmem>>) offsets(%dma_start3A_90 : memref<125xi32, #tpu.memory_space<vmem>>) semaphore(%arg12 : memref<!tpu.dma_semaphore, #tpu.memory_space<semaphore_mem>>)
      } else {
      }
      %dma_wait3A_82 = arith.constant 0 : i32
      %dma_wait3A_83 = tpu.memref_slice %arg8[%add3A_66, %dma_wait3A_82] : memref<40x125xi32, #tpu.memory_space<vmem>> -> memref<1x125xi32, #tpu.memory_space<vmem>>
      %dma_wait3A_84 = tpu.memref_squeeze %dma_wait3A_83 : memref<1x125xi32, #tpu.memory_space<vmem>> -> memref<125xi32, #tpu.memory_space<vmem>>
      %dma_wait3A_85 = arith.constant 0 : i32
      %dma_wait3A_86 = arith.constant 0 : i32
      %dma_wait3A_87 = tpu.memref_slice %arg2[%dma_wait3A_85, %dma_wait3A_86] : memref<10000x128xf32, #tpu.memory_space<hbm>> -> memref<10000x128xf32, #tpu.memory_space<hbm>>
      tpu.wait_indirect_dma semaphore(%arg13 : memref<!tpu.dma_semaphore, #tpu.memory_space<semaphore_mem>>) src(%dma_wait3A_87 : memref<10000x128xf32, #tpu.memory_space<hbm>>) dst(%arg11 : memref<125x128xf32, #tpu.memory_space<vmem>>)
      "tpu.region"() ({
        %run_scoped3A = tpu.sem_alloc : memref<!tpu.dma_semaphore, #tpu.memory_space<semaphore_mem>>
        %dma_start3A_88 = arith.constant 0 : i32
        %dma_start3A_89 = tpu.memref_slice %arg9[%add3A_66, %dma_start3A_88] : memref<40x125xi32, #tpu.memory_space<vmem>> -> memref<1x125xi32, #tpu.memory_space<vmem>>
        %dma_start3A_90 = tpu.memref_squeeze %dma_start3A_89 : memref<1x125xi32, #tpu.memory_space<vmem>> -> memref<125xi32, #tpu.memory_space<vmem>>
        %dma_start3A_91 = arith.constant 0 : i32
        %dma_start3A_92 = arith.constant 0 : i32
        %dma_start3A_93 = tpu.memref_slice %arg7[%dma_start3A_91, %dma_start3A_92] : memref<10000x128xf32, #tpu.memory_space<vmem_shared>> -> memref<10000x128xf32, #tpu.memory_space<vmem_shared>>
        tpu.enqueue_indirect_dma source(%arg11 : memref<125x128xf32, #tpu.memory_space<vmem>>) target(%dma_start3A_93 : memref<10000x128xf32, #tpu.memory_space<vmem_shared>>) offsets(%dma_start3A_90 : memref<125xi32, #tpu.memory_space<vmem>>) semaphore(%run_scoped3A : memref<!tpu.dma_semaphore, #tpu.memory_space<semaphore_mem>>) {add = true}
        %dma_wait3A_94 = arith.constant 0 : i32
        %dma_wait3A_95 = tpu.memref_slice %arg9[%add3A_66, %dma_wait3A_94] : memref<40x125xi32, #tpu.memory_space<vmem>> -> memref<1x125xi32, #tpu.memory_space<vmem>>
        %dma_wait3A_96 = tpu.memref_squeeze %dma_wait3A_95 : memref<1x125xi32, #tpu.memory_space<vmem>> -> memref<125xi32, #tpu.memory_space<vmem>>
        %dma_wait3A_97 = arith.constant 0 : i32
        %dma_wait3A_98 = arith.constant 0 : i32
        %dma_wait3A_99 = tpu.memref_slice %arg7[%dma_wait3A_97, %dma_wait3A_98] : memref<10000x128xf32, #tpu.memory_space<vmem_shared>> -> memref<10000x128xf32, #tpu.memory_space<vmem_shared>>
        tpu.wait_indirect_dma semaphore(%run_scoped3A : memref<!tpu.dma_semaphore, #tpu.memory_space<semaphore_mem>>) src(%arg11 : memref<125x128xf32, #tpu.memory_space<vmem>>) dst(%dma_wait3A_99 : memref<10000x128xf32, #tpu.memory_space<vmem_shared>>)
        tpu.yield
      }) : () -> ()
    }
    %barrier3A_59 = arith.constant 0 : index
    tpu.barrier barrier_id(%barrier3A_59)
    %mul3A_60 = arith.constant 625 : i32
    %mul3A_61 = arith.muli %arg1, %mul3A_60 : i32
    "tpu.region"() ({
      %run_scoped3A = tpu.sem_alloc : memref<!tpu.dma_semaphore, #tpu.memory_space<semaphore_mem>>
      %dma_start3A_62 = arith.constant 0 : i32
      %dma_start3A_63 = arith.constant 0 : i32
      %dma_start3A_64 = tpu.memref_slice %arg6[%arg0, %arg1, %dma_start3A_62, %dma_start3A_63] : memref<2x16x625x128xf32, #tpu.memory_space<hbm>> -> memref<1x1x625x128xf32, #tpu.memory_space<hbm>>
      %dma_start3A_65 = tpu.memref_squeeze %dma_start3A_64 : memref<1x1x625x128xf32, #tpu.memory_space<hbm>> -> memref<625x128xf32, #tpu.memory_space<hbm>>
      %dma_start3A_66 = arith.constant 0 : i32
      %dma_start3A_67 = tpu.memref_slice %arg7[%mul3A_61, %dma_start3A_66] : memref<10000x128xf32, #tpu.memory_space<vmem_shared>> -> memref<625x128xf32, #tpu.memory_space<vmem_shared>>
      tpu.enqueue_dma source(%dma_start3A_67 : memref<625x128xf32, #tpu.memory_space<vmem_shared>>) target(%dma_start3A_65 : memref<625x128xf32, #tpu.memory_space<hbm>>) target_semaphore(%run_scoped3A : memref<!tpu.dma_semaphore, #tpu.memory_space<semaphore_mem>>)
      %dma_wait3A = arith.constant 0 : i32
      %dma_wait3A_68 = arith.constant 0 : i32
      %dma_wait3A_69 = tpu.memref_slice %arg6[%arg0, %arg1, %dma_wait3A, %dma_wait3A_68] : memref<2x16x625x128xf32, #tpu.memory_space<hbm>> -> memref<1x1x625x128xf32, #tpu.memory_space<hbm>>
      %dma_wait3A_70 = tpu.memref_squeeze %dma_wait3A_69 : memref<1x1x625x128xf32, #tpu.memory_space<hbm>> -> memref<625x128xf32, #tpu.memory_space<hbm>>
      %dma_wait3A_71 = arith.constant 0 : i32
      %dma_wait3A_72 = tpu.memref_slice %arg7[%mul3A_61, %dma_wait3A_71] : memref<10000x128xf32, #tpu.memory_space<vmem_shared>> -> memref<625x128xf32, #tpu.memory_space<vmem_shared>>
      tpu.wait_dma2 semaphore(%run_scoped3A : memref<!tpu.dma_semaphore, #tpu.memory_space<semaphore_mem>>) src(%dma_wait3A_72 : memref<625x128xf32, #tpu.memory_space<vmem_shared>>) dst(%dma_wait3A_70 : memref<625x128xf32, #tpu.memory_space<hbm>>)
      tpu.yield
    }) : () -> ()
    return
  }
}

#map = affine_map<(d0, d1) -> (0, 0)>
#map1 = affine_map<(d0, d1) -> (0, 0, 0, 0)>
module attributes {stable_mosaic.version = 14 : i64} {
  func.func @_agg_body(%arg0: i32, %arg1: i32, %arg2: memref<10000x128xf32, #tpu.memory_space<hbm>>, %arg3: memref<2560x125xi32, #tpu.memory_space<hbm>>, %arg4: memref<2560x125xi32, #tpu.memory_space<hbm>>, %arg5: memref<625x128xf32, #tpu.memory_space<hbm>>, %arg6: memref<2x16x625x128xf32, #tpu.memory_space<hbm>>, %arg7: memref<10000x128xf32, #tpu.memory_space<vmem_shared>>, %arg8: memref<40x125xi32, #tpu.memory_space<vmem>>, %arg9: memref<40x125xi32, #tpu.memory_space<vmem>>, %arg10: memref<125x128xf32, #tpu.memory_space<vmem>>, %arg11: memref<125x128xf32, #tpu.memory_space<vmem>>, %arg12: memref<!tpu.dma_semaphore, #tpu.memory_space<semaphore_mem>>, %arg13: memref<!tpu.dma_semaphore, #tpu.memory_space<semaphore_mem>>) attributes {dimension_semantics = [#tpu.dimension_semantics<core_parallel>, #tpu.dimension_semantics<subcore_parallel>], iteration_bounds = array<i64: 2, 16>, scalar_prefetch = 0 : i64, scratch_operands = 7 : i64, tpu.core_type = #tpu.core_type<sc_vector_subcore>, window_params = [{transform_indices = #map}, {transform_indices = #map}, {transform_indices = #map}, {transform_indices = #map}, {transform_indices = #map1}]} {
    %mul3A = arith.constant 625 : i32
    %mul3A_0 = arith.muli %arg1, %mul3A : i32
    "tpu.region"() ({
      %run_scoped3A = tpu.sem_alloc : memref<!tpu.dma_semaphore, #tpu.memory_space<semaphore_mem>>
      %dma_start3A_62 = arith.constant 0 : i32
      %dma_start3A_63 = tpu.memref_slice %arg7[%mul3A_0, %dma_start3A_62] : memref<10000x128xf32, #tpu.memory_space<vmem_shared>> -> memref<625x128xf32, #tpu.memory_space<vmem_shared>>
      tpu.enqueue_dma source(%arg5 : memref<625x128xf32, #tpu.memory_space<hbm>>) target(%dma_start3A_63 : memref<625x128xf32, #tpu.memory_space<vmem_shared>>) target_semaphore(%run_scoped3A : memref<!tpu.dma_semaphore, #tpu.memory_space<semaphore_mem>>)
      %dma_wait3A = arith.constant 0 : i32
      %dma_wait3A_64 = tpu.memref_slice %arg7[%mul3A_0, %dma_wait3A] : memref<10000x128xf32, #tpu.memory_space<vmem_shared>> -> memref<625x128xf32, #tpu.memory_space<vmem_shared>>
      tpu.wait_dma2 semaphore(%run_scoped3A : memref<!tpu.dma_semaphore, #tpu.memory_space<semaphore_mem>>) src(%arg5 : memref<625x128xf32, #tpu.memory_space<hbm>>) dst(%dma_wait3A_64 : memref<625x128xf32, #tpu.memory_space<vmem_shared>>)
      tpu.yield
    }) : () -> ()
    %barrier3A = arith.constant 0 : index
    tpu.barrier barrier_id(%barrier3A)
    %mul3A_1 = arith.constant 16 : i32
    %mul3A_2 = arith.muli %arg0, %mul3A_1 : i32
    %add3A = arith.addi %mul3A_2, %arg1 : i32
    %mul3A_3 = arith.constant 80 : i32
    %mul3A_4 = arith.muli %add3A, %mul3A_3 : i32
    %add3A_5 = arith.constant 0 : i32
    %add3A_6 = arith.addi %mul3A_4, %add3A_5 : i32
    "tpu.region"() ({
      %run_scoped3A = tpu.sem_alloc : memref<!tpu.dma_semaphore, #tpu.memory_space<semaphore_mem>>
      %dma_start3A_62 = arith.constant 0 : i32
      %dma_start3A_63 = tpu.memref_slice %arg3[%add3A_6, %dma_start3A_62] : memref<2560x125xi32, #tpu.memory_space<hbm>> -> memref<40x125xi32, #tpu.memory_space<hbm>>
      %dma_start3A_64 = arith.constant 0 : i32
      %dma_start3A_65 = tpu.memref_slice %arg3[%add3A_6, %dma_start3A_64] : memref<2560x125xi32, #tpu.memory_space<hbm>> -> memref<40x125xi32, #tpu.memory_space<hbm>>
      tpu.enqueue_dma source(%dma_start3A_65 : memref<40x125xi32, #tpu.memory_space<hbm>>) target(%arg8 : memref<40x125xi32, #tpu.memory_space<vmem>>) target_semaphore(%run_scoped3A : memref<!tpu.dma_semaphore, #tpu.memory_space<semaphore_mem>>)
      %dma_wait3A = arith.constant 0 : i32
      %dma_wait3A_66 = tpu.memref_slice %arg3[%add3A_6, %dma_wait3A] : memref<2560x125xi32, #tpu.memory_space<hbm>> -> memref<40x125xi32, #tpu.memory_space<hbm>>
      %dma_wait3A_67 = arith.constant 0 : i32
      %dma_wait3A_68 = tpu.memref_slice %arg3[%add3A_6, %dma_wait3A_67] : memref<2560x125xi32, #tpu.memory_space<hbm>> -> memref<40x125xi32, #tpu.memory_space<hbm>>
      tpu.wait_dma2 semaphore(%run_scoped3A : memref<!tpu.dma_semaphore, #tpu.memory_space<semaphore_mem>>) src(%dma_wait3A_68 : memref<40x125xi32, #tpu.memory_space<hbm>>) dst(%arg8 : memref<40x125xi32, #tpu.memory_space<vmem>>)
      tpu.yield
    }) : () -> ()
    "tpu.region"() ({
      %run_scoped3A = tpu.sem_alloc : memref<!tpu.dma_semaphore, #tpu.memory_space<semaphore_mem>>
      %dma_start3A_62 = arith.constant 0 : i32
      %dma_start3A_63 = tpu.memref_slice %arg4[%add3A_6, %dma_start3A_62] : memref<2560x125xi32, #tpu.memory_space<hbm>> -> memref<40x125xi32, #tpu.memory_space<hbm>>
      %dma_start3A_64 = arith.constant 0 : i32
      %dma_start3A_65 = tpu.memref_slice %arg4[%add3A_6, %dma_start3A_64] : memref<2560x125xi32, #tpu.memory_space<hbm>> -> memref<40x125xi32, #tpu.memory_space<hbm>>
      tpu.enqueue_dma source(%dma_start3A_65 : memref<40x125xi32, #tpu.memory_space<hbm>>) target(%arg9 : memref<40x125xi32, #tpu.memory_space<vmem>>) target_semaphore(%run_scoped3A : memref<!tpu.dma_semaphore, #tpu.memory_space<semaphore_mem>>)
      %dma_wait3A = arith.constant 0 : i32
      %dma_wait3A_66 = tpu.memref_slice %arg4[%add3A_6, %dma_wait3A] : memref<2560x125xi32, #tpu.memory_space<hbm>> -> memref<40x125xi32, #tpu.memory_space<hbm>>
      %dma_wait3A_67 = arith.constant 0 : i32
      %dma_wait3A_68 = tpu.memref_slice %arg4[%add3A_6, %dma_wait3A_67] : memref<2560x125xi32, #tpu.memory_space<hbm>> -> memref<40x125xi32, #tpu.memory_space<hbm>>
      tpu.wait_dma2 semaphore(%run_scoped3A : memref<!tpu.dma_semaphore, #tpu.memory_space<semaphore_mem>>) src(%dma_wait3A_68 : memref<40x125xi32, #tpu.memory_space<hbm>>) dst(%arg9 : memref<40x125xi32, #tpu.memory_space<vmem>>)
      tpu.yield
    }) : () -> ()
    %dma_start3A = arith.constant 0 : i32
    %dma_start3A_7 = arith.constant 0 : i32
    %dma_start3A_8 = tpu.memref_slice %arg8[%dma_start3A, %dma_start3A_7] : memref<40x125xi32, #tpu.memory_space<vmem>> -> memref<1x125xi32, #tpu.memory_space<vmem>>
    %dma_start3A_9 = tpu.memref_squeeze %dma_start3A_8 : memref<1x125xi32, #tpu.memory_space<vmem>> -> memref<125xi32, #tpu.memory_space<vmem>>
    %dma_start3A_10 = arith.constant 0 : i32
    %dma_start3A_11 = arith.constant 0 : i32
    %dma_start3A_12 = tpu.memref_slice %arg2[%dma_start3A_10, %dma_start3A_11] : memref<10000x128xf32, #tpu.memory_space<hbm>> -> memref<10000x128xf32, #tpu.memory_space<hbm>>
    tpu.enqueue_indirect_dma source(%dma_start3A_12 : memref<10000x128xf32, #tpu.memory_space<hbm>>) target(%arg10 : memref<125x128xf32, #tpu.memory_space<vmem>>) offsets(%dma_start3A_9 : memref<125xi32, #tpu.memory_space<vmem>>) semaphore(%arg12 : memref<!tpu.dma_semaphore, #tpu.memory_space<semaphore_mem>>)
    %sub3A = arith.constant 40 : i32
    %sub3A_13 = arith.constant 0 : i32
    %sub3A_14 = arith.subi %sub3A, %sub3A_13 : i32
    %sub3A_15 = arith.constant 2 : i32
    %sub3A_16 = arith.constant 1 : i32
    %sub3A_17 = arith.subi %sub3A_15, %sub3A_16 : i32
    %add3A_18 = arith.addi %sub3A_14, %sub3A_17 : i32
    %div3A = arith.constant 2 : i32
    %div3A_19 = arith.divsi %add3A_18, %div3A : i32
    %while3A = arith.constant 2 : i32
    %while3A_20 = arith.constant 0 : i32
    %while3A_21 = arith.constant 0 : i32
    %while3A_22 = arith.subi %div3A_19, %while3A_21 : i32
    %while3A_23 = arith.addi %while3A_21, %while3A_22 : i32
    %while3A_24 = arith.constant 1 : i32
    %while3A_25 = arith.divsi %while3A_22, %while3A_24 : i32
    %while3A_26 = arith.muli %while3A_25, %while3A_24 : i32
    %while3A_27 = arith.addi %while3A_21, %while3A_26 : i32
    %while3A_28 = arith.constant 1 : i32
    scf.for %while3A_62 = %while3A_21 to %while3A_27 step %while3A_28  : i32 {
      %mul3A_63 = arith.muli %while3A_62, %while3A : i32
      %add3A_64 = arith.addi %while3A_20, %mul3A_63 : i32
      %add3A_65 = arith.constant 1 : i32
      %add3A_66 = arith.addi %add3A_64, %add3A_65 : i32
      %add3A_67 = arith.constant 2 : i32
      %add3A_68 = arith.addi %add3A_64, %add3A_67 : i32
      %dma_start3A_69 = arith.constant 0 : i32
      %dma_start3A_70 = tpu.memref_slice %arg8[%add3A_66, %dma_start3A_69] : memref<40x125xi32, #tpu.memory_space<vmem>> -> memref<1x125xi32, #tpu.memory_space<vmem>>
      %dma_start3A_71 = tpu.memref_squeeze %dma_start3A_70 : memref<1x125xi32, #tpu.memory_space<vmem>> -> memref<125xi32, #tpu.memory_space<vmem>>
      %dma_start3A_72 = arith.constant 0 : i32
      %dma_start3A_73 = arith.constant 0 : i32
      %dma_start3A_74 = tpu.memref_slice %arg2[%dma_start3A_72, %dma_start3A_73] : memref<10000x128xf32, #tpu.memory_space<hbm>> -> memref<10000x128xf32, #tpu.memory_space<hbm>>
      tpu.enqueue_indirect_dma source(%dma_start3A_74 : memref<10000x128xf32, #tpu.memory_space<hbm>>) target(%arg11 : memref<125x128xf32, #tpu.memory_space<vmem>>) offsets(%dma_start3A_71 : memref<125xi32, #tpu.memory_space<vmem>>) semaphore(%arg13 : memref<!tpu.dma_semaphore, #tpu.memory_space<semaphore_mem>>)
      %dma_wait3A = arith.constant 0 : i32
      %dma_wait3A_75 = tpu.memref_slice %arg8[%add3A_64, %dma_wait3A] : memref<40x125xi32, #tpu.memory_space<vmem>> -> memref<1x125xi32, #tpu.memory_space<vmem>>
      %dma_wait3A_76 = tpu.memref_squeeze %dma_wait3A_75 : memref<1x125xi32, #tpu.memory_space<vmem>> -> memref<125xi32, #tpu.memory_space<vmem>>
      %dma_wait3A_77 = arith.constant 0 : i32
      %dma_wait3A_78 = arith.constant 0 : i32
      %dma_wait3A_79 = tpu.memref_slice %arg2[%dma_wait3A_77, %dma_wait3A_78] : memref<10000x128xf32, #tpu.memory_space<hbm>> -> memref<10000x128xf32, #tpu.memory_space<hbm>>
      tpu.wait_indirect_dma semaphore(%arg12 : memref<!tpu.dma_semaphore, #tpu.memory_space<semaphore_mem>>) src(%dma_wait3A_79 : memref<10000x128xf32, #tpu.memory_space<hbm>>) dst(%arg10 : memref<125x128xf32, #tpu.memory_space<vmem>>)
      "tpu.region"() ({
        %run_scoped3A = tpu.sem_alloc : memref<!tpu.dma_semaphore, #tpu.memory_space<semaphore_mem>>
        %dma_start3A_88 = arith.constant 0 : i32
        %dma_start3A_89 = tpu.memref_slice %arg9[%add3A_64, %dma_start3A_88] : memref<40x125xi32, #tpu.memory_space<vmem>> -> memref<1x125xi32, #tpu.memory_space<vmem>>
        %dma_start3A_90 = tpu.memref_squeeze %dma_start3A_89 : memref<1x125xi32, #tpu.memory_space<vmem>> -> memref<125xi32, #tpu.memory_space<vmem>>
        %dma_start3A_91 = arith.constant 0 : i32
        %dma_start3A_92 = arith.constant 0 : i32
        %dma_start3A_93 = tpu.memref_slice %arg7[%dma_start3A_91, %dma_start3A_92] : memref<10000x128xf32, #tpu.memory_space<vmem_shared>> -> memref<10000x128xf32, #tpu.memory_space<vmem_shared>>
        tpu.enqueue_indirect_dma source(%arg10 : memref<125x128xf32, #tpu.memory_space<vmem>>) target(%dma_start3A_93 : memref<10000x128xf32, #tpu.memory_space<vmem_shared>>) offsets(%dma_start3A_90 : memref<125xi32, #tpu.memory_space<vmem>>) semaphore(%run_scoped3A : memref<!tpu.dma_semaphore, #tpu.memory_space<semaphore_mem>>) {add = true}
        %dma_wait3A_94 = arith.constant 0 : i32
        %dma_wait3A_95 = tpu.memref_slice %arg9[%add3A_64, %dma_wait3A_94] : memref<40x125xi32, #tpu.memory_space<vmem>> -> memref<1x125xi32, #tpu.memory_space<vmem>>
        %dma_wait3A_96 = tpu.memref_squeeze %dma_wait3A_95 : memref<1x125xi32, #tpu.memory_space<vmem>> -> memref<125xi32, #tpu.memory_space<vmem>>
        %dma_wait3A_97 = arith.constant 0 : i32
        %dma_wait3A_98 = arith.constant 0 : i32
        %dma_wait3A_99 = tpu.memref_slice %arg7[%dma_wait3A_97, %dma_wait3A_98] : memref<10000x128xf32, #tpu.memory_space<vmem_shared>> -> memref<10000x128xf32, #tpu.memory_space<vmem_shared>>
        tpu.wait_indirect_dma semaphore(%run_scoped3A : memref<!tpu.dma_semaphore, #tpu.memory_space<semaphore_mem>>) src(%arg10 : memref<125x128xf32, #tpu.memory_space<vmem>>) dst(%dma_wait3A_99 : memref<10000x128xf32, #tpu.memory_space<vmem_shared>>)
        tpu.yield
      }) : () -> ()
      %lt3A = arith.constant 40 : i32
      %lt3A_80 = arith.cmpi slt, %add3A_68, %lt3A : i32
      %convert_element_type3A = arith.extui %lt3A_80 : i1 to i32
      %cond3A = arith.constant 0 : i32
      %cond3A_81 = arith.cmpi ne, %convert_element_type3A, %cond3A : i32
      scf.if %cond3A_81 {
        %dma_start3A_88 = arith.constant 0 : i32
        %dma_start3A_89 = tpu.memref_slice %arg8[%add3A_68, %dma_start3A_88] : memref<40x125xi32, #tpu.memory_space<vmem>> -> memref<1x125xi32, #tpu.memory_space<vmem>>
        %dma_start3A_90 = tpu.memref_squeeze %dma_start3A_89 : memref<1x125xi32, #tpu.memory_space<vmem>> -> memref<125xi32, #tpu.memory_space<vmem>>
        %dma_start3A_91 = arith.constant 0 : i32
        %dma_start3A_92 = arith.constant 0 : i32
        %dma_start3A_93 = tpu.memref_slice %arg2[%dma_start3A_91, %dma_start3A_92] : memref<10000x128xf32, #tpu.memory_space<hbm>> -> memref<10000x128xf32, #tpu.memory_space<hbm>>
        tpu.enqueue_indirect_dma source(%dma_start3A_93 : memref<10000x128xf32, #tpu.memory_space<hbm>>) target(%arg10 : memref<125x128xf32, #tpu.memory_space<vmem>>) offsets(%dma_start3A_90 : memref<125xi32, #tpu.memory_space<vmem>>) semaphore(%arg12 : memref<!tpu.dma_semaphore, #tpu.memory_space<semaphore_mem>>)
      } else {
      }
      %dma_wait3A_82 = arith.constant 0 : i32
      %dma_wait3A_83 = tpu.memref_slice %arg8[%add3A_66, %dma_wait3A_82] : memref<40x125xi32, #tpu.memory_space<vmem>> -> memref<1x125xi32, #tpu.memory_space<vmem>>
      %dma_wait3A_84 = tpu.memref_squeeze %dma_wait3A_83 : memref<1x125xi32, #tpu.memory_space<vmem>> -> memref<125xi32, #tpu.memory_space<vmem>>
      %dma_wait3A_85 = arith.constant 0 : i32
      %dma_wait3A_86 = arith.constant 0 : i32
      %dma_wait3A_87 = tpu.memref_slice %arg2[%dma_wait3A_85, %dma_wait3A_86] : memref<10000x128xf32, #tpu.memory_space<hbm>> -> memref<10000x128xf32, #tpu.memory_space<hbm>>
      tpu.wait_indirect_dma semaphore(%arg13 : memref<!tpu.dma_semaphore, #tpu.memory_space<semaphore_mem>>) src(%dma_wait3A_87 : memref<10000x128xf32, #tpu.memory_space<hbm>>) dst(%arg11 : memref<125x128xf32, #tpu.memory_space<vmem>>)
      "tpu.region"() ({
        %run_scoped3A = tpu.sem_alloc : memref<!tpu.dma_semaphore, #tpu.memory_space<semaphore_mem>>
        %dma_start3A_88 = arith.constant 0 : i32
        %dma_start3A_89 = tpu.memref_slice %arg9[%add3A_66, %dma_start3A_88] : memref<40x125xi32, #tpu.memory_space<vmem>> -> memref<1x125xi32, #tpu.memory_space<vmem>>
        %dma_start3A_90 = tpu.memref_squeeze %dma_start3A_89 : memref<1x125xi32, #tpu.memory_space<vmem>> -> memref<125xi32, #tpu.memory_space<vmem>>
        %dma_start3A_91 = arith.constant 0 : i32
        %dma_start3A_92 = arith.constant 0 : i32
        %dma_start3A_93 = tpu.memref_slice %arg7[%dma_start3A_91, %dma_start3A_92] : memref<10000x128xf32, #tpu.memory_space<vmem_shared>> -> memref<10000x128xf32, #tpu.memory_space<vmem_shared>>
        tpu.enqueue_indirect_dma source(%arg11 : memref<125x128xf32, #tpu.memory_space<vmem>>) target(%dma_start3A_93 : memref<10000x128xf32, #tpu.memory_space<vmem_shared>>) offsets(%dma_start3A_90 : memref<125xi32, #tpu.memory_space<vmem>>) semaphore(%run_scoped3A : memref<!tpu.dma_semaphore, #tpu.memory_space<semaphore_mem>>) {add = true}
        %dma_wait3A_94 = arith.constant 0 : i32
        %dma_wait3A_95 = tpu.memref_slice %arg9[%add3A_66, %dma_wait3A_94] : memref<40x125xi32, #tpu.memory_space<vmem>> -> memref<1x125xi32, #tpu.memory_space<vmem>>
        %dma_wait3A_96 = tpu.memref_squeeze %dma_wait3A_95 : memref<1x125xi32, #tpu.memory_space<vmem>> -> memref<125xi32, #tpu.memory_space<vmem>>
        %dma_wait3A_97 = arith.constant 0 : i32
        %dma_wait3A_98 = arith.constant 0 : i32
        %dma_wait3A_99 = tpu.memref_slice %arg7[%dma_wait3A_97, %dma_wait3A_98] : memref<10000x128xf32, #tpu.memory_space<vmem_shared>> -> memref<10000x128xf32, #tpu.memory_space<vmem_shared>>
        tpu.wait_indirect_dma semaphore(%run_scoped3A : memref<!tpu.dma_semaphore, #tpu.memory_space<semaphore_mem>>) src(%arg11 : memref<125x128xf32, #tpu.memory_space<vmem>>) dst(%dma_wait3A_99 : memref<10000x128xf32, #tpu.memory_space<vmem_shared>>)
        tpu.yield
      }) : () -> ()
    }
    %while3A_29 = arith.constant 1 : i32
    scf.for %while3A_62 = %while3A_27 to %while3A_23 step %while3A_29  : i32 {
      %mul3A_63 = arith.muli %while3A_62, %while3A : i32
      %add3A_64 = arith.addi %while3A_20, %mul3A_63 : i32
      %add3A_65 = arith.constant 1 : i32
      %add3A_66 = arith.addi %add3A_64, %add3A_65 : i32
      %add3A_67 = arith.constant 2 : i32
      %add3A_68 = arith.addi %add3A_64, %add3A_67 : i32
      %dma_start3A_69 = arith.constant 0 : i32
      %dma_start3A_70 = tpu.memref_slice %arg8[%add3A_66, %dma_start3A_69] : memref<40x125xi32, #tpu.memory_space<vmem>> -> memref<1x125xi32, #tpu.memory_space<vmem>>
      %dma_start3A_71 = tpu.memref_squeeze %dma_start3A_70 : memref<1x125xi32, #tpu.memory_space<vmem>> -> memref<125xi32, #tpu.memory_space<vmem>>
      %dma_start3A_72 = arith.constant 0 : i32
      %dma_start3A_73 = arith.constant 0 : i32
      %dma_start3A_74 = tpu.memref_slice %arg2[%dma_start3A_72, %dma_start3A_73] : memref<10000x128xf32, #tpu.memory_space<hbm>> -> memref<10000x128xf32, #tpu.memory_space<hbm>>
      tpu.enqueue_indirect_dma source(%dma_start3A_74 : memref<10000x128xf32, #tpu.memory_space<hbm>>) target(%arg11 : memref<125x128xf32, #tpu.memory_space<vmem>>) offsets(%dma_start3A_71 : memref<125xi32, #tpu.memory_space<vmem>>) semaphore(%arg13 : memref<!tpu.dma_semaphore, #tpu.memory_space<semaphore_mem>>)
      %dma_wait3A = arith.constant 0 : i32
      %dma_wait3A_75 = tpu.memref_slice %arg8[%add3A_64, %dma_wait3A] : memref<40x125xi32, #tpu.memory_space<vmem>> -> memref<1x125xi32, #tpu.memory_space<vmem>>
      %dma_wait3A_76 = tpu.memref_squeeze %dma_wait3A_75 : memref<1x125xi32, #tpu.memory_space<vmem>> -> memref<125xi32, #tpu.memory_space<vmem>>
      %dma_wait3A_77 = arith.constant 0 : i32
      %dma_wait3A_78 = arith.constant 0 : i32
      %dma_wait3A_79 = tpu.memref_slice %arg2[%dma_wait3A_77, %dma_wait3A_78] : memref<10000x128xf32, #tpu.memory_space<hbm>> -> memref<10000x128xf32, #tpu.memory_space<hbm>>
      tpu.wait_indirect_dma semaphore(%arg12 : memref<!tpu.dma_semaphore, #tpu.memory_space<semaphore_mem>>) src(%dma_wait3A_79 : memref<10000x128xf32, #tpu.memory_space<hbm>>) dst(%arg10 : memref<125x128xf32, #tpu.memory_space<vmem>>)
      "tpu.region"() ({
        %run_scoped3A = tpu.sem_alloc : memref<!tpu.dma_semaphore, #tpu.memory_space<semaphore_mem>>
        %dma_start3A_88 = arith.constant 0 : i32
        %dma_start3A_89 = tpu.memref_slice %arg9[%add3A_64, %dma_start3A_88] : memref<40x125xi32, #tpu.memory_space<vmem>> -> memref<1x125xi32, #tpu.memory_space<vmem>>
        %dma_start3A_90 = tpu.memref_squeeze %dma_start3A_89 : memref<1x125xi32, #tpu.memory_space<vmem>> -> memref<125xi32, #tpu.memory_space<vmem>>
        %dma_start3A_91 = arith.constant 0 : i32
        %dma_start3A_92 = arith.constant 0 : i32
        %dma_start3A_93 = tpu.memref_slice %arg7[%dma_start3A_91, %dma_start3A_92] : memref<10000x128xf32, #tpu.memory_space<vmem_shared>> -> memref<10000x128xf32, #tpu.memory_space<vmem_shared>>
        tpu.enqueue_indirect_dma source(%arg10 : memref<125x128xf32, #tpu.memory_space<vmem>>) target(%dma_start3A_93 : memref<10000x128xf32, #tpu.memory_space<vmem_shared>>) offsets(%dma_start3A_90 : memref<125xi32, #tpu.memory_space<vmem>>) semaphore(%run_scoped3A : memref<!tpu.dma_semaphore, #tpu.memory_space<semaphore_mem>>) {add = true}
        %dma_wait3A_94 = arith.constant 0 : i32
        %dma_wait3A_95 = tpu.memref_slice %arg9[%add3A_64, %dma_wait3A_94] : memref<40x125xi32, #tpu.memory_space<vmem>> -> memref<1x125xi32, #tpu.memory_space<vmem>>
        %dma_wait3A_96 = tpu.memref_squeeze %dma_wait3A_95 : memref<1x125xi32, #tpu.memory_space<vmem>> -> memref<125xi32, #tpu.memory_space<vmem>>
        %dma_wait3A_97 = arith.constant 0 : i32
        %dma_wait3A_98 = arith.constant 0 : i32
        %dma_wait3A_99 = tpu.memref_slice %arg7[%dma_wait3A_97, %dma_wait3A_98] : memref<10000x128xf32, #tpu.memory_space<vmem_shared>> -> memref<10000x128xf32, #tpu.memory_space<vmem_shared>>
        tpu.wait_indirect_dma semaphore(%run_scoped3A : memref<!tpu.dma_semaphore, #tpu.memory_space<semaphore_mem>>) src(%arg10 : memref<125x128xf32, #tpu.memory_space<vmem>>) dst(%dma_wait3A_99 : memref<10000x128xf32, #tpu.memory_space<vmem_shared>>)
        tpu.yield
      }) : () -> ()
      %lt3A = arith.constant 40 : i32
      %lt3A_80 = arith.cmpi slt, %add3A_68, %lt3A : i32
      %convert_element_type3A = arith.extui %lt3A_80 : i1 to i32
      %cond3A = arith.constant 0 : i32
      %cond3A_81 = arith.cmpi ne, %convert_element_type3A, %cond3A : i32
      scf.if %cond3A_81 {
        %dma_start3A_88 = arith.constant 0 : i32
        %dma_start3A_89 = tpu.memref_slice %arg8[%add3A_68, %dma_start3A_88] : memref<40x125xi32, #tpu.memory_space<vmem>> -> memref<1x125xi32, #tpu.memory_space<vmem>>
        %dma_start3A_90 = tpu.memref_squeeze %dma_start3A_89 : memref<1x125xi32, #tpu.memory_space<vmem>> -> memref<125xi32, #tpu.memory_space<vmem>>
        %dma_start3A_91 = arith.constant 0 : i32
        %dma_start3A_92 = arith.constant 0 : i32
        %dma_start3A_93 = tpu.memref_slice %arg2[%dma_start3A_91, %dma_start3A_92] : memref<10000x128xf32, #tpu.memory_space<hbm>> -> memref<10000x128xf32, #tpu.memory_space<hbm>>
        tpu.enqueue_indirect_dma source(%dma_start3A_93 : memref<10000x128xf32, #tpu.memory_space<hbm>>) target(%arg10 : memref<125x128xf32, #tpu.memory_space<vmem>>) offsets(%dma_start3A_90 : memref<125xi32, #tpu.memory_space<vmem>>) semaphore(%arg12 : memref<!tpu.dma_semaphore, #tpu.memory_space<semaphore_mem>>)
      } else {
      }
      %dma_wait3A_82 = arith.constant 0 : i32
      %dma_wait3A_83 = tpu.memref_slice %arg8[%add3A_66, %dma_wait3A_82] : memref<40x125xi32, #tpu.memory_space<vmem>> -> memref<1x125xi32, #tpu.memory_space<vmem>>
      %dma_wait3A_84 = tpu.memref_squeeze %dma_wait3A_83 : memref<1x125xi32, #tpu.memory_space<vmem>> -> memref<125xi32, #tpu.memory_space<vmem>>
      %dma_wait3A_85 = arith.constant 0 : i32
      %dma_wait3A_86 = arith.constant 0 : i32
      %dma_wait3A_87 = tpu.memref_slice %arg2[%dma_wait3A_85, %dma_wait3A_86] : memref<10000x128xf32, #tpu.memory_space<hbm>> -> memref<10000x128xf32, #tpu.memory_space<hbm>>
      tpu.wait_indirect_dma semaphore(%arg13 : memref<!tpu.dma_semaphore, #tpu.memory_space<semaphore_mem>>) src(%dma_wait3A_87 : memref<10000x128xf32, #tpu.memory_space<hbm>>) dst(%arg11 : memref<125x128xf32, #tpu.memory_space<vmem>>)
      "tpu.region"() ({
        %run_scoped3A = tpu.sem_alloc : memref<!tpu.dma_semaphore, #tpu.memory_space<semaphore_mem>>
        %dma_start3A_88 = arith.constant 0 : i32
        %dma_start3A_89 = tpu.memref_slice %arg9[%add3A_66, %dma_start3A_88] : memref<40x125xi32, #tpu.memory_space<vmem>> -> memref<1x125xi32, #tpu.memory_space<vmem>>
        %dma_start3A_90 = tpu.memref_squeeze %dma_start3A_89 : memref<1x125xi32, #tpu.memory_space<vmem>> -> memref<125xi32, #tpu.memory_space<vmem>>
        %dma_start3A_91 = arith.constant 0 : i32
        %dma_start3A_92 = arith.constant 0 : i32
        %dma_start3A_93 = tpu.memref_slice %arg7[%dma_start3A_91, %dma_start3A_92] : memref<10000x128xf32, #tpu.memory_space<vmem_shared>> -> memref<10000x128xf32, #tpu.memory_space<vmem_shared>>
        tpu.enqueue_indirect_dma source(%arg11 : memref<125x128xf32, #tpu.memory_space<vmem>>) target(%dma_start3A_93 : memref<10000x128xf32, #tpu.memory_space<vmem_shared>>) offsets(%dma_start3A_90 : memref<125xi32, #tpu.memory_space<vmem>>) semaphore(%run_scoped3A : memref<!tpu.dma_semaphore, #tpu.memory_space<semaphore_mem>>) {add = true}
        %dma_wait3A_94 = arith.constant 0 : i32
        %dma_wait3A_95 = tpu.memref_slice %arg9[%add3A_66, %dma_wait3A_94] : memref<40x125xi32, #tpu.memory_space<vmem>> -> memref<1x125xi32, #tpu.memory_space<vmem>>
        %dma_wait3A_96 = tpu.memref_squeeze %dma_wait3A_95 : memref<1x125xi32, #tpu.memory_space<vmem>> -> memref<125xi32, #tpu.memory_space<vmem>>
        %dma_wait3A_97 = arith.constant 0 : i32
        %dma_wait3A_98 = arith.constant 0 : i32
        %dma_wait3A_99 = tpu.memref_slice %arg7[%dma_wait3A_97, %dma_wait3A_98] : memref<10000x128xf32, #tpu.memory_space<vmem_shared>> -> memref<10000x128xf32, #tpu.memory_space<vmem_shared>>
        tpu.wait_indirect_dma semaphore(%run_scoped3A : memref<!tpu.dma_semaphore, #tpu.memory_space<semaphore_mem>>) src(%arg11 : memref<125x128xf32, #tpu.memory_space<vmem>>) dst(%dma_wait3A_99 : memref<10000x128xf32, #tpu.memory_space<vmem_shared>>)
        tpu.yield
      }) : () -> ()
    }
    %add3A_30 = arith.constant 40 : i32
    %add3A_31 = arith.addi %mul3A_4, %add3A_30 : i32
    "tpu.region"() ({
      %run_scoped3A = tpu.sem_alloc : memref<!tpu.dma_semaphore, #tpu.memory_space<semaphore_mem>>
      %dma_start3A_62 = arith.constant 0 : i32
      %dma_start3A_63 = tpu.memref_slice %arg3[%add3A_31, %dma_start3A_62] : memref<2560x125xi32, #tpu.memory_space<hbm>> -> memref<40x125xi32, #tpu.memory_space<hbm>>
      %dma_start3A_64 = arith.constant 0 : i32
      %dma_start3A_65 = tpu.memref_slice %arg3[%add3A_31, %dma_start3A_64] : memref<2560x125xi32, #tpu.memory_space<hbm>> -> memref<40x125xi32, #tpu.memory_space<hbm>>
      tpu.enqueue_dma source(%dma_start3A_65 : memref<40x125xi32, #tpu.memory_space<hbm>>) target(%arg8 : memref<40x125xi32, #tpu.memory_space<vmem>>) target_semaphore(%run_scoped3A : memref<!tpu.dma_semaphore, #tpu.memory_space<semaphore_mem>>)
      %dma_wait3A = arith.constant 0 : i32
      %dma_wait3A_66 = tpu.memref_slice %arg3[%add3A_31, %dma_wait3A] : memref<2560x125xi32, #tpu.memory_space<hbm>> -> memref<40x125xi32, #tpu.memory_space<hbm>>
      %dma_wait3A_67 = arith.constant 0 : i32
      %dma_wait3A_68 = tpu.memref_slice %arg3[%add3A_31, %dma_wait3A_67] : memref<2560x125xi32, #tpu.memory_space<hbm>> -> memref<40x125xi32, #tpu.memory_space<hbm>>
      tpu.wait_dma2 semaphore(%run_scoped3A : memref<!tpu.dma_semaphore, #tpu.memory_space<semaphore_mem>>) src(%dma_wait3A_68 : memref<40x125xi32, #tpu.memory_space<hbm>>) dst(%arg8 : memref<40x125xi32, #tpu.memory_space<vmem>>)
      tpu.yield
    }) : () -> ()
    "tpu.region"() ({
      %run_scoped3A = tpu.sem_alloc : memref<!tpu.dma_semaphore, #tpu.memory_space<semaphore_mem>>
      %dma_start3A_62 = arith.constant 0 : i32
      %dma_start3A_63 = tpu.memref_slice %arg4[%add3A_31, %dma_start3A_62] : memref<2560x125xi32, #tpu.memory_space<hbm>> -> memref<40x125xi32, #tpu.memory_space<hbm>>
      %dma_start3A_64 = arith.constant 0 : i32
      %dma_start3A_65 = tpu.memref_slice %arg4[%add3A_31, %dma_start3A_64] : memref<2560x125xi32, #tpu.memory_space<hbm>> -> memref<40x125xi32, #tpu.memory_space<hbm>>
      tpu.enqueue_dma source(%dma_start3A_65 : memref<40x125xi32, #tpu.memory_space<hbm>>) target(%arg9 : memref<40x125xi32, #tpu.memory_space<vmem>>) target_semaphore(%run_scoped3A : memref<!tpu.dma_semaphore, #tpu.memory_space<semaphore_mem>>)
      %dma_wait3A = arith.constant 0 : i32
      %dma_wait3A_66 = tpu.memref_slice %arg4[%add3A_31, %dma_wait3A] : memref<2560x125xi32, #tpu.memory_space<hbm>> -> memref<40x125xi32, #tpu.memory_space<hbm>>
      %dma_wait3A_67 = arith.constant 0 : i32
      %dma_wait3A_68 = tpu.memref_slice %arg4[%add3A_31, %dma_wait3A_67] : memref<2560x125xi32, #tpu.memory_space<hbm>> -> memref<40x125xi32, #tpu.memory_space<hbm>>
      tpu.wait_dma2 semaphore(%run_scoped3A : memref<!tpu.dma_semaphore, #tpu.memory_space<semaphore_mem>>) src(%dma_wait3A_68 : memref<40x125xi32, #tpu.memory_space<hbm>>) dst(%arg9 : memref<40x125xi32, #tpu.memory_space<vmem>>)
      tpu.yield
    }) : () -> ()
    %dma_start3A_32 = arith.constant 0 : i32
    %dma_start3A_33 = arith.constant 0 : i32
    %dma_start3A_34 = tpu.memref_slice %arg8[%dma_start3A_32, %dma_start3A_33] : memref<40x125xi32, #tpu.memory_space<vmem>> -> memref<1x125xi32, #tpu.memory_space<vmem>>
    %dma_start3A_35 = tpu.memref_squeeze %dma_start3A_34 : memref<1x125xi32, #tpu.memory_space<vmem>> -> memref<125xi32, #tpu.memory_space<vmem>>
    %dma_start3A_36 = arith.constant 0 : i32
    %dma_start3A_37 = arith.constant 0 : i32
    %dma_start3A_38 = tpu.memref_slice %arg2[%dma_start3A_36, %dma_start3A_37] : memref<10000x128xf32, #tpu.memory_space<hbm>> -> memref<10000x128xf32, #tpu.memory_space<hbm>>
    tpu.enqueue_indirect_dma source(%dma_start3A_38 : memref<10000x128xf32, #tpu.memory_space<hbm>>) target(%arg10 : memref<125x128xf32, #tpu.memory_space<vmem>>) offsets(%dma_start3A_35 : memref<125xi32, #tpu.memory_space<vmem>>) semaphore(%arg12 : memref<!tpu.dma_semaphore, #tpu.memory_space<semaphore_mem>>)
    %sub3A_39 = arith.constant 40 : i32
    %sub3A_40 = arith.constant 0 : i32
    %sub3A_41 = arith.subi %sub3A_39, %sub3A_40 : i32
    %sub3A_42 = arith.constant 2 : i32
    %sub3A_43 = arith.constant 1 : i32
    %sub3A_44 = arith.subi %sub3A_42, %sub3A_43 : i32
    %add3A_45 = arith.addi %sub3A_41, %sub3A_44 : i32
    %div3A_46 = arith.constant 2 : i32
    %div3A_47 = arith.divsi %add3A_45, %div3A_46 : i32
    %while3A_48 = arith.constant 2 : i32
    %while3A_49 = arith.constant 0 : i32
    %while3A_50 = arith.constant 0 : i32
    %while3A_51 = arith.subi %div3A_47, %while3A_50 : i32
    %while3A_52 = arith.addi %while3A_50, %while3A_51 : i32
    %while3A_53 = arith.constant 1 : i32
    %while3A_54 = arith.divsi %while3A_51, %while3A_53 : i32
    %while3A_55 = arith.muli %while3A_54, %while3A_53 : i32
    %while3A_56 = arith.addi %while3A_50, %while3A_55 : i32
    %while3A_57 = arith.constant 1 : i32
    scf.for %while3A_62 = %while3A_50 to %while3A_56 step %while3A_57  : i32 {
      %mul3A_63 = arith.muli %while3A_62, %while3A_48 : i32
      %add3A_64 = arith.addi %while3A_49, %mul3A_63 : i32
      %add3A_65 = arith.constant 1 : i32
      %add3A_66 = arith.addi %add3A_64, %add3A_65 : i32
      %add3A_67 = arith.constant 2 : i32
      %add3A_68 = arith.addi %add3A_64, %add3A_67 : i32
      %dma_start3A_69 = arith.constant 0 : i32
      %dma_start3A_70 = tpu.memref_slice %arg8[%add3A_66, %dma_start3A_69] : memref<40x125xi32, #tpu.memory_space<vmem>> -> memref<1x125xi32, #tpu.memory_space<vmem>>
      %dma_start3A_71 = tpu.memref_squeeze %dma_start3A_70 : memref<1x125xi32, #tpu.memory_space<vmem>> -> memref<125xi32, #tpu.memory_space<vmem>>
      %dma_start3A_72 = arith.constant 0 : i32
      %dma_start3A_73 = arith.constant 0 : i32
      %dma_start3A_74 = tpu.memref_slice %arg2[%dma_start3A_72, %dma_start3A_73] : memref<10000x128xf32, #tpu.memory_space<hbm>> -> memref<10000x128xf32, #tpu.memory_space<hbm>>
      tpu.enqueue_indirect_dma source(%dma_start3A_74 : memref<10000x128xf32, #tpu.memory_space<hbm>>) target(%arg11 : memref<125x128xf32, #tpu.memory_space<vmem>>) offsets(%dma_start3A_71 : memref<125xi32, #tpu.memory_space<vmem>>) semaphore(%arg13 : memref<!tpu.dma_semaphore, #tpu.memory_space<semaphore_mem>>)
      %dma_wait3A = arith.constant 0 : i32
      %dma_wait3A_75 = tpu.memref_slice %arg8[%add3A_64, %dma_wait3A] : memref<40x125xi32, #tpu.memory_space<vmem>> -> memref<1x125xi32, #tpu.memory_space<vmem>>
      %dma_wait3A_76 = tpu.memref_squeeze %dma_wait3A_75 : memref<1x125xi32, #tpu.memory_space<vmem>> -> memref<125xi32, #tpu.memory_space<vmem>>
      %dma_wait3A_77 = arith.constant 0 : i32
      %dma_wait3A_78 = arith.constant 0 : i32
      %dma_wait3A_79 = tpu.memref_slice %arg2[%dma_wait3A_77, %dma_wait3A_78] : memref<10000x128xf32, #tpu.memory_space<hbm>> -> memref<10000x128xf32, #tpu.memory_space<hbm>>
      tpu.wait_indirect_dma semaphore(%arg12 : memref<!tpu.dma_semaphore, #tpu.memory_space<semaphore_mem>>) src(%dma_wait3A_79 : memref<10000x128xf32, #tpu.memory_space<hbm>>) dst(%arg10 : memref<125x128xf32, #tpu.memory_space<vmem>>)
      "tpu.region"() ({
        %run_scoped3A = tpu.sem_alloc : memref<!tpu.dma_semaphore, #tpu.memory_space<semaphore_mem>>
        %dma_start3A_88 = arith.constant 0 : i32
        %dma_start3A_89 = tpu.memref_slice %arg9[%add3A_64, %dma_start3A_88] : memref<40x125xi32, #tpu.memory_space<vmem>> -> memref<1x125xi32, #tpu.memory_space<vmem>>
        %dma_start3A_90 = tpu.memref_squeeze %dma_start3A_89 : memref<1x125xi32, #tpu.memory_space<vmem>> -> memref<125xi32, #tpu.memory_space<vmem>>
        %dma_start3A_91 = arith.constant 0 : i32
        %dma_start3A_92 = arith.constant 0 : i32
        %dma_start3A_93 = tpu.memref_slice %arg7[%dma_start3A_91, %dma_start3A_92] : memref<10000x128xf32, #tpu.memory_space<vmem_shared>> -> memref<10000x128xf32, #tpu.memory_space<vmem_shared>>
        tpu.enqueue_indirect_dma source(%arg10 : memref<125x128xf32, #tpu.memory_space<vmem>>) target(%dma_start3A_93 : memref<10000x128xf32, #tpu.memory_space<vmem_shared>>) offsets(%dma_start3A_90 : memref<125xi32, #tpu.memory_space<vmem>>) semaphore(%run_scoped3A : memref<!tpu.dma_semaphore, #tpu.memory_space<semaphore_mem>>) {add = true}
        %dma_wait3A_94 = arith.constant 0 : i32
        %dma_wait3A_95 = tpu.memref_slice %arg9[%add3A_64, %dma_wait3A_94] : memref<40x125xi32, #tpu.memory_space<vmem>> -> memref<1x125xi32, #tpu.memory_space<vmem>>
        %dma_wait3A_96 = tpu.memref_squeeze %dma_wait3A_95 : memref<1x125xi32, #tpu.memory_space<vmem>> -> memref<125xi32, #tpu.memory_space<vmem>>
        %dma_wait3A_97 = arith.constant 0 : i32
        %dma_wait3A_98 = arith.constant 0 : i32
        %dma_wait3A_99 = tpu.memref_slice %arg7[%dma_wait3A_97, %dma_wait3A_98] : memref<10000x128xf32, #tpu.memory_space<vmem_shared>> -> memref<10000x128xf32, #tpu.memory_space<vmem_shared>>
        tpu.wait_indirect_dma semaphore(%run_scoped3A : memref<!tpu.dma_semaphore, #tpu.memory_space<semaphore_mem>>) src(%arg10 : memref<125x128xf32, #tpu.memory_space<vmem>>) dst(%dma_wait3A_99 : memref<10000x128xf32, #tpu.memory_space<vmem_shared>>)
        tpu.yield
      }) : () -> ()
      %lt3A = arith.constant 40 : i32
      %lt3A_80 = arith.cmpi slt, %add3A_68, %lt3A : i32
      %convert_element_type3A = arith.extui %lt3A_80 : i1 to i32
      %cond3A = arith.constant 0 : i32
      %cond3A_81 = arith.cmpi ne, %convert_element_type3A, %cond3A : i32
      scf.if %cond3A_81 {
        %dma_start3A_88 = arith.constant 0 : i32
        %dma_start3A_89 = tpu.memref_slice %arg8[%add3A_68, %dma_start3A_88] : memref<40x125xi32, #tpu.memory_space<vmem>> -> memref<1x125xi32, #tpu.memory_space<vmem>>
        %dma_start3A_90 = tpu.memref_squeeze %dma_start3A_89 : memref<1x125xi32, #tpu.memory_space<vmem>> -> memref<125xi32, #tpu.memory_space<vmem>>
        %dma_start3A_91 = arith.constant 0 : i32
        %dma_start3A_92 = arith.constant 0 : i32
        %dma_start3A_93 = tpu.memref_slice %arg2[%dma_start3A_91, %dma_start3A_92] : memref<10000x128xf32, #tpu.memory_space<hbm>> -> memref<10000x128xf32, #tpu.memory_space<hbm>>
        tpu.enqueue_indirect_dma source(%dma_start3A_93 : memref<10000x128xf32, #tpu.memory_space<hbm>>) target(%arg10 : memref<125x128xf32, #tpu.memory_space<vmem>>) offsets(%dma_start3A_90 : memref<125xi32, #tpu.memory_space<vmem>>) semaphore(%arg12 : memref<!tpu.dma_semaphore, #tpu.memory_space<semaphore_mem>>)
      } else {
      }
      %dma_wait3A_82 = arith.constant 0 : i32
      %dma_wait3A_83 = tpu.memref_slice %arg8[%add3A_66, %dma_wait3A_82] : memref<40x125xi32, #tpu.memory_space<vmem>> -> memref<1x125xi32, #tpu.memory_space<vmem>>
      %dma_wait3A_84 = tpu.memref_squeeze %dma_wait3A_83 : memref<1x125xi32, #tpu.memory_space<vmem>> -> memref<125xi32, #tpu.memory_space<vmem>>
      %dma_wait3A_85 = arith.constant 0 : i32
      %dma_wait3A_86 = arith.constant 0 : i32
      %dma_wait3A_87 = tpu.memref_slice %arg2[%dma_wait3A_85, %dma_wait3A_86] : memref<10000x128xf32, #tpu.memory_space<hbm>> -> memref<10000x128xf32, #tpu.memory_space<hbm>>
      tpu.wait_indirect_dma semaphore(%arg13 : memref<!tpu.dma_semaphore, #tpu.memory_space<semaphore_mem>>) src(%dma_wait3A_87 : memref<10000x128xf32, #tpu.memory_space<hbm>>) dst(%arg11 : memref<125x128xf32, #tpu.memory_space<vmem>>)
      "tpu.region"() ({
        %run_scoped3A = tpu.sem_alloc : memref<!tpu.dma_semaphore, #tpu.memory_space<semaphore_mem>>
        %dma_start3A_88 = arith.constant 0 : i32
        %dma_start3A_89 = tpu.memref_slice %arg9[%add3A_66, %dma_start3A_88] : memref<40x125xi32, #tpu.memory_space<vmem>> -> memref<1x125xi32, #tpu.memory_space<vmem>>
        %dma_start3A_90 = tpu.memref_squeeze %dma_start3A_89 : memref<1x125xi32, #tpu.memory_space<vmem>> -> memref<125xi32, #tpu.memory_space<vmem>>
        %dma_start3A_91 = arith.constant 0 : i32
        %dma_start3A_92 = arith.constant 0 : i32
        %dma_start3A_93 = tpu.memref_slice %arg7[%dma_start3A_91, %dma_start3A_92] : memref<10000x128xf32, #tpu.memory_space<vmem_shared>> -> memref<10000x128xf32, #tpu.memory_space<vmem_shared>>
        tpu.enqueue_indirect_dma source(%arg11 : memref<125x128xf32, #tpu.memory_space<vmem>>) target(%dma_start3A_93 : memref<10000x128xf32, #tpu.memory_space<vmem_shared>>) offsets(%dma_start3A_90 : memref<125xi32, #tpu.memory_space<vmem>>) semaphore(%run_scoped3A : memref<!tpu.dma_semaphore, #tpu.memory_space<semaphore_mem>>) {add = true}
        %dma_wait3A_94 = arith.constant 0 : i32
        %dma_wait3A_95 = tpu.memref_slice %arg9[%add3A_66, %dma_wait3A_94] : memref<40x125xi32, #tpu.memory_space<vmem>> -> memref<1x125xi32, #tpu.memory_space<vmem>>
        %dma_wait3A_96 = tpu.memref_squeeze %dma_wait3A_95 : memref<1x125xi32, #tpu.memory_space<vmem>> -> memref<125xi32, #tpu.memory_space<vmem>>
        %dma_wait3A_97 = arith.constant 0 : i32
        %dma_wait3A_98 = arith.constant 0 : i32
        %dma_wait3A_99 = tpu.memref_slice %arg7[%dma_wait3A_97, %dma_wait3A_98] : memref<10000x128xf32, #tpu.memory_space<vmem_shared>> -> memref<10000x128xf32, #tpu.memory_space<vmem_shared>>
        tpu.wait_indirect_dma semaphore(%run_scoped3A : memref<!tpu.dma_semaphore, #tpu.memory_space<semaphore_mem>>) src(%arg11 : memref<125x128xf32, #tpu.memory_space<vmem>>) dst(%dma_wait3A_99 : memref<10000x128xf32, #tpu.memory_space<vmem_shared>>)
        tpu.yield
      }) : () -> ()
    }
    %while3A_58 = arith.constant 1 : i32
    scf.for %while3A_62 = %while3A_56 to %while3A_52 step %while3A_58  : i32 {
      %mul3A_63 = arith.muli %while3A_62, %while3A_48 : i32
      %add3A_64 = arith.addi %while3A_49, %mul3A_63 : i32
      %add3A_65 = arith.constant 1 : i32
      %add3A_66 = arith.addi %add3A_64, %add3A_65 : i32
      %add3A_67 = arith.constant 2 : i32
      %add3A_68 = arith.addi %add3A_64, %add3A_67 : i32
      %dma_start3A_69 = arith.constant 0 : i32
      %dma_start3A_70 = tpu.memref_slice %arg8[%add3A_66, %dma_start3A_69] : memref<40x125xi32, #tpu.memory_space<vmem>> -> memref<1x125xi32, #tpu.memory_space<vmem>>
      %dma_start3A_71 = tpu.memref_squeeze %dma_start3A_70 : memref<1x125xi32, #tpu.memory_space<vmem>> -> memref<125xi32, #tpu.memory_space<vmem>>
      %dma_start3A_72 = arith.constant 0 : i32
      %dma_start3A_73 = arith.constant 0 : i32
      %dma_start3A_74 = tpu.memref_slice %arg2[%dma_start3A_72, %dma_start3A_73] : memref<10000x128xf32, #tpu.memory_space<hbm>> -> memref<10000x128xf32, #tpu.memory_space<hbm>>
      tpu.enqueue_indirect_dma source(%dma_start3A_74 : memref<10000x128xf32, #tpu.memory_space<hbm>>) target(%arg11 : memref<125x128xf32, #tpu.memory_space<vmem>>) offsets(%dma_start3A_71 : memref<125xi32, #tpu.memory_space<vmem>>) semaphore(%arg13 : memref<!tpu.dma_semaphore, #tpu.memory_space<semaphore_mem>>)
      %dma_wait3A = arith.constant 0 : i32
      %dma_wait3A_75 = tpu.memref_slice %arg8[%add3A_64, %dma_wait3A] : memref<40x125xi32, #tpu.memory_space<vmem>> -> memref<1x125xi32, #tpu.memory_space<vmem>>
      %dma_wait3A_76 = tpu.memref_squeeze %dma_wait3A_75 : memref<1x125xi32, #tpu.memory_space<vmem>> -> memref<125xi32, #tpu.memory_space<vmem>>
      %dma_wait3A_77 = arith.constant 0 : i32
      %dma_wait3A_78 = arith.constant 0 : i32
      %dma_wait3A_79 = tpu.memref_slice %arg2[%dma_wait3A_77, %dma_wait3A_78] : memref<10000x128xf32, #tpu.memory_space<hbm>> -> memref<10000x128xf32, #tpu.memory_space<hbm>>
      tpu.wait_indirect_dma semaphore(%arg12 : memref<!tpu.dma_semaphore, #tpu.memory_space<semaphore_mem>>) src(%dma_wait3A_79 : memref<10000x128xf32, #tpu.memory_space<hbm>>) dst(%arg10 : memref<125x128xf32, #tpu.memory_space<vmem>>)
      "tpu.region"() ({
        %run_scoped3A = tpu.sem_alloc : memref<!tpu.dma_semaphore, #tpu.memory_space<semaphore_mem>>
        %dma_start3A_88 = arith.constant 0 : i32
        %dma_start3A_89 = tpu.memref_slice %arg9[%add3A_64, %dma_start3A_88] : memref<40x125xi32, #tpu.memory_space<vmem>> -> memref<1x125xi32, #tpu.memory_space<vmem>>
        %dma_start3A_90 = tpu.memref_squeeze %dma_start3A_89 : memref<1x125xi32, #tpu.memory_space<vmem>> -> memref<125xi32, #tpu.memory_space<vmem>>
        %dma_start3A_91 = arith.constant 0 : i32
        %dma_start3A_92 = arith.constant 0 : i32
        %dma_start3A_93 = tpu.memref_slice %arg7[%dma_start3A_91, %dma_start3A_92] : memref<10000x128xf32, #tpu.memory_space<vmem_shared>> -> memref<10000x128xf32, #tpu.memory_space<vmem_shared>>
        tpu.enqueue_indirect_dma source(%arg10 : memref<125x128xf32, #tpu.memory_space<vmem>>) target(%dma_start3A_93 : memref<10000x128xf32, #tpu.memory_space<vmem_shared>>) offsets(%dma_start3A_90 : memref<125xi32, #tpu.memory_space<vmem>>) semaphore(%run_scoped3A : memref<!tpu.dma_semaphore, #tpu.memory_space<semaphore_mem>>) {add = true}
        %dma_wait3A_94 = arith.constant 0 : i32
        %dma_wait3A_95 = tpu.memref_slice %arg9[%add3A_64, %dma_wait3A_94] : memref<40x125xi32, #tpu.memory_space<vmem>> -> memref<1x125xi32, #tpu.memory_space<vmem>>
        %dma_wait3A_96 = tpu.memref_squeeze %dma_wait3A_95 : memref<1x125xi32, #tpu.memory_space<vmem>> -> memref<125xi32, #tpu.memory_space<vmem>>
        %dma_wait3A_97 = arith.constant 0 : i32
        %dma_wait3A_98 = arith.constant 0 : i32
        %dma_wait3A_99 = tpu.memref_slice %arg7[%dma_wait3A_97, %dma_wait3A_98] : memref<10000x128xf32, #tpu.memory_space<vmem_shared>> -> memref<10000x128xf32, #tpu.memory_space<vmem_shared>>
        tpu.wait_indirect_dma semaphore(%run_scoped3A : memref<!tpu.dma_semaphore, #tpu.memory_space<semaphore_mem>>) src(%arg10 : memref<125x128xf32, #tpu.memory_space<vmem>>) dst(%dma_wait3A_99 : memref<10000x128xf32, #tpu.memory_space<vmem_shared>>)
        tpu.yield
      }) : () -> ()
      %lt3A = arith.constant 40 : i32
      %lt3A_80 = arith.cmpi slt, %add3A_68, %lt3A : i32
      %convert_element_type3A = arith.extui %lt3A_80 : i1 to i32
      %cond3A = arith.constant 0 : i32
      %cond3A_81 = arith.cmpi ne, %convert_element_type3A, %cond3A : i32
      scf.if %cond3A_81 {
        %dma_start3A_88 = arith.constant 0 : i32
        %dma_start3A_89 = tpu.memref_slice %arg8[%add3A_68, %dma_start3A_88] : memref<40x125xi32, #tpu.memory_space<vmem>> -> memref<1x125xi32, #tpu.memory_space<vmem>>
        %dma_start3A_90 = tpu.memref_squeeze %dma_start3A_89 : memref<1x125xi32, #tpu.memory_space<vmem>> -> memref<125xi32, #tpu.memory_space<vmem>>
        %dma_start3A_91 = arith.constant 0 : i32
        %dma_start3A_92 = arith.constant 0 : i32
        %dma_start3A_93 = tpu.memref_slice %arg2[%dma_start3A_91, %dma_start3A_92] : memref<10000x128xf32, #tpu.memory_space<hbm>> -> memref<10000x128xf32, #tpu.memory_space<hbm>>
        tpu.enqueue_indirect_dma source(%dma_start3A_93 : memref<10000x128xf32, #tpu.memory_space<hbm>>) target(%arg10 : memref<125x128xf32, #tpu.memory_space<vmem>>) offsets(%dma_start3A_90 : memref<125xi32, #tpu.memory_space<vmem>>) semaphore(%arg12 : memref<!tpu.dma_semaphore, #tpu.memory_space<semaphore_mem>>)
      } else {
      }
      %dma_wait3A_82 = arith.constant 0 : i32
      %dma_wait3A_83 = tpu.memref_slice %arg8[%add3A_66, %dma_wait3A_82] : memref<40x125xi32, #tpu.memory_space<vmem>> -> memref<1x125xi32, #tpu.memory_space<vmem>>
      %dma_wait3A_84 = tpu.memref_squeeze %dma_wait3A_83 : memref<1x125xi32, #tpu.memory_space<vmem>> -> memref<125xi32, #tpu.memory_space<vmem>>
      %dma_wait3A_85 = arith.constant 0 : i32
      %dma_wait3A_86 = arith.constant 0 : i32
      %dma_wait3A_87 = tpu.memref_slice %arg2[%dma_wait3A_85, %dma_wait3A_86] : memref<10000x128xf32, #tpu.memory_space<hbm>> -> memref<10000x128xf32, #tpu.memory_space<hbm>>
      tpu.wait_indirect_dma semaphore(%arg13 : memref<!tpu.dma_semaphore, #tpu.memory_space<semaphore_mem>>) src(%dma_wait3A_87 : memref<10000x128xf32, #tpu.memory_space<hbm>>) dst(%arg11 : memref<125x128xf32, #tpu.memory_space<vmem>>)
      "tpu.region"() ({
        %run_scoped3A = tpu.sem_alloc : memref<!tpu.dma_semaphore, #tpu.memory_space<semaphore_mem>>
        %dma_start3A_88 = arith.constant 0 : i32
        %dma_start3A_89 = tpu.memref_slice %arg9[%add3A_66, %dma_start3A_88] : memref<40x125xi32, #tpu.memory_space<vmem>> -> memref<1x125xi32, #tpu.memory_space<vmem>>
        %dma_start3A_90 = tpu.memref_squeeze %dma_start3A_89 : memref<1x125xi32, #tpu.memory_space<vmem>> -> memref<125xi32, #tpu.memory_space<vmem>>
        %dma_start3A_91 = arith.constant 0 : i32
        %dma_start3A_92 = arith.constant 0 : i32
        %dma_start3A_93 = tpu.memref_slice %arg7[%dma_start3A_91, %dma_start3A_92] : memref<10000x128xf32, #tpu.memory_space<vmem_shared>> -> memref<10000x128xf32, #tpu.memory_space<vmem_shared>>
        tpu.enqueue_indirect_dma source(%arg11 : memref<125x128xf32, #tpu.memory_space<vmem>>) target(%dma_start3A_93 : memref<10000x128xf32, #tpu.memory_space<vmem_shared>>) offsets(%dma_start3A_90 : memref<125xi32, #tpu.memory_space<vmem>>) semaphore(%run_scoped3A : memref<!tpu.dma_semaphore, #tpu.memory_space<semaphore_mem>>) {add = true}
        %dma_wait3A_94 = arith.constant 0 : i32
        %dma_wait3A_95 = tpu.memref_slice %arg9[%add3A_66, %dma_wait3A_94] : memref<40x125xi32, #tpu.memory_space<vmem>> -> memref<1x125xi32, #tpu.memory_space<vmem>>
        %dma_wait3A_96 = tpu.memref_squeeze %dma_wait3A_95 : memref<1x125xi32, #tpu.memory_space<vmem>> -> memref<125xi32, #tpu.memory_space<vmem>>
        %dma_wait3A_97 = arith.constant 0 : i32
        %dma_wait3A_98 = arith.constant 0 : i32
        %dma_wait3A_99 = tpu.memref_slice %arg7[%dma_wait3A_97, %dma_wait3A_98] : memref<10000x128xf32, #tpu.memory_space<vmem_shared>> -> memref<10000x128xf32, #tpu.memory_space<vmem_shared>>
        tpu.wait_indirect_dma semaphore(%run_scoped3A : memref<!tpu.dma_semaphore, #tpu.memory_space<semaphore_mem>>) src(%arg11 : memref<125x128xf32, #tpu.memory_space<vmem>>) dst(%dma_wait3A_99 : memref<10000x128xf32, #tpu.memory_space<vmem_shared>>)
        tpu.yield
      }) : () -> ()
    }
    %barrier3A_59 = arith.constant 0 : index
    tpu.barrier barrier_id(%barrier3A_59)
    %mul3A_60 = arith.constant 625 : i32
    %mul3A_61 = arith.muli %arg1, %mul3A_60 : i32
    "tpu.region"() ({
      %run_scoped3A = tpu.sem_alloc : memref<!tpu.dma_semaphore, #tpu.memory_space<semaphore_mem>>
      %dma_start3A_62 = arith.constant 0 : i32
      %dma_start3A_63 = arith.constant 0 : i32
      %dma_start3A_64 = tpu.memref_slice %arg6[%arg0, %arg1, %dma_start3A_62, %dma_start3A_63] : memref<2x16x625x128xf32, #tpu.memory_space<hbm>> -> memref<1x1x625x128xf32, #tpu.memory_space<hbm>>
      %dma_start3A_65 = tpu.memref_squeeze %dma_start3A_64 : memref<1x1x625x128xf32, #tpu.memory_space<hbm>> -> memref<625x128xf32, #tpu.memory_space<hbm>>
      %dma_start3A_66 = arith.constant 0 : i32
      %dma_start3A_67 = tpu.memref_slice %arg7[%mul3A_61, %dma_start3A_66] : memref<10000x128xf32, #tpu.memory_space<vmem_shared>> -> memref<625x128xf32, #tpu.memory_space<vmem_shared>>
      tpu.enqueue_dma source(%dma_start3A_67 : memref<625x128xf32, #tpu.memory_space<vmem_shared>>) target(%dma_start3A_65 : memref<625x128xf32, #tpu.memory_space<hbm>>) target_semaphore(%run_scoped3A : memref<!tpu.dma_semaphore, #tpu.memory_space<semaphore_mem>>)
      %dma_wait3A = arith.constant 0 : i32
      %dma_wait3A_68 = arith.constant 0 : i32
      %dma_wait3A_69 = tpu.memref_slice %arg6[%arg0, %arg1, %dma_wait3A, %dma_wait3A_68] : memref<2x16x625x128xf32, #tpu.memory_space<hbm>> -> memref<1x1x625x128xf32, #tpu.memory_space<hbm>>
      %dma_wait3A_70 = tpu.memref_squeeze %dma_wait3A_69 : memref<1x1x625x128xf32, #tpu.memory_space<hbm>> -> memref<625x128xf32, #tpu.memory_space<hbm>>
      %dma_wait3A_71 = arith.constant 0 : i32
      %dma_wait3A_72 = tpu.memref_slice %arg7[%mul3A_61, %dma_wait3A_71] : memref<10000x128xf32, #tpu.memory_space<vmem_shared>> -> memref<625x128xf32, #tpu.memory_space<vmem_shared>>
      tpu.wait_dma2 semaphore(%run_scoped3A : memref<!tpu.dma_semaphore, #tpu.memory_space<semaphore_mem>>) src(%dma_wait3A_72 : memref<625x128xf32, #tpu.memory_space<vmem_shared>>) dst(%dma_wait3A_70 : memref<625x128xf32, #tpu.memory_space<hbm>>)
      tpu.yield
    }) : () -> ()
    return
  }
}

module attributes {stable_mosaic.version = 14 : i64} {
  func.func @_dense0_body(%arg0: i32, %arg1: memref<2000x128xf32, #tpu.memory_space<vmem>>, %arg2: memref<128x128xf32, #tpu.memory_space<vmem>>, %arg3: memref<128x128xf32, #tpu.memory_space<vmem>>, %arg4: memref<1x128xf32, #tpu.memory_space<vmem>>, %arg5: memref<2000x128xf32, #tpu.memory_space<vmem>>, %arg6: memref<2000x128xf32, #tpu.memory_space<vmem>>) attributes {dimension_semantics = [#tpu.dimension_semantics<arbitrary>], iteration_bounds = array<i64: 5>, scalar_prefetch = 0 : i64, scratch_operands = 0 : i64, tpu.core_type = #tpu.core_type<tc>, window_params = [{transform_indices = @transform_0, window_bounds = array<i64: 2000, 128>}, {pipeline_mode = #tpu.pipeline_mode<synchronous>, transform_indices = @transform_1, window_bounds = array<i64: 128, 128>}, {pipeline_mode = #tpu.pipeline_mode<synchronous>, transform_indices = @transform_2, window_bounds = array<i64: 128, 128>}, {pipeline_mode = #tpu.pipeline_mode<synchronous>, transform_indices = @transform_3, window_bounds = array<i64: 1, 128>}, {transform_indices = @transform_4, window_bounds = array<i64: 2000, 128>}, {transform_indices = @transform_5, window_bounds = array<i64: 2000, 128>}]} {
    %get3A = arith.constant 0 : index
    %get3A_0 = arith.constant 0 : index
    %get3A_1 = vector.load %arg1[%get3A, %get3A_0] : memref<2000x128xf32, #tpu.memory_space<vmem>>, vector<2000x128xf32>
    %get3A_2 = arith.constant 0 : index
    %get3A_3 = arith.constant 0 : index
    %get3A_4 = vector.load %arg2[%get3A_2, %get3A_3] : memref<128x128xf32, #tpu.memory_space<vmem>>, vector<128x128xf32>
    %dot_general3A = arith.constant dense<0.000000e+00> : vector<2000x128xf32>
    %dot_general3A_5 = tpu.matmul %get3A_1, %get3A_4, %dot_general3A {dimension_numbers = #tpu.dot_dimension_numbers<[1], [1], [0], [0], [0, 0, 1, 0], [], []>, transpose_lhs_hint = false} : vector<2000x128xf32>, vector<128x128xf32>, vector<2000x128xf32> -> vector<2000x128xf32>
    %swap3A = arith.constant 0 : index
    %swap3A_6 = arith.constant 0 : index
    %swap3A_7 = vector.load %arg5[%swap3A, %swap3A_6] : memref<2000x128xf32, #tpu.memory_space<vmem>>, vector<2000x128xf32>
    tpu.vector_store %arg5[%swap3A, %swap3A_6], %dot_general3A_5 {strides = array<i32>} : memref<2000x128xf32, #tpu.memory_space<vmem>>, vector<2000x128xf32>,
    %get3A_8 = arith.constant 0 : index
    %get3A_9 = arith.constant 0 : index
    %get3A_10 = vector.load %arg3[%get3A_8, %get3A_9] : memref<128x128xf32, #tpu.memory_space<vmem>>, vector<128x128xf32>
    %dot_general3A_11 = arith.constant dense<0.000000e+00> : vector<2000x128xf32>
    %dot_general3A_12 = tpu.matmul %get3A_1, %get3A_10, %dot_general3A_11 {dimension_numbers = #tpu.dot_dimension_numbers<[1], [1], [0], [0], [0, 0, 1, 0], [], []>, transpose_lhs_hint = false} : vector<2000x128xf32>, vector<128x128xf32>, vector<2000x128xf32> -> vector<2000x128xf32>
    %get3A_13 = arith.constant 0 : index
    %get3A_14 = arith.constant 0 : index
    %get3A_15 = vector.load %arg4[%get3A_13, %get3A_14] : memref<1x128xf32, #tpu.memory_space<vmem>>, vector<1x128xf32>
    %add3A = vector.broadcast %get3A_15 : vector<1x128xf32> to vector<2000x128xf32>
    %add3A_16 = arith.addf %dot_general3A_12, %add3A : vector<2000x128xf32>
    %swap3A_17 = arith.constant 0 : index
    %swap3A_18 = arith.constant 0 : index
    %swap3A_19 = vector.load %arg6[%swap3A_17, %swap3A_18] : memref<2000x128xf32, #tpu.memory_space<vmem>>, vector<2000x128xf32>
    tpu.vector_store %arg6[%swap3A_17, %swap3A_18], %add3A_16 {strides = array<i32>} : memref<2000x128xf32, #tpu.memory_space<vmem>>, vector<2000x128xf32>,
    return
  }
  func.func @transform_0(%arg0: i32) -> (i32, i32) {
    %c0_i32 = arith.constant 0 : i32
    %c0_i32_0 = arith.constant 0 : i32
    return %arg0, %c0_i32 : i32, i32
  }
  func.func @transform_1(%arg0: i32) -> (i32, i32) {
    %c0_i32 = arith.constant 0 : i32
    %c0_i32_0 = arith.constant 0 : i32
    %c0_i32_1 = arith.constant 0 : i32
    return %c0_i32, %c0_i32_0 : i32, i32
  }
  func.func @transform_2(%arg0: i32) -> (i32, i32) {
    %c0_i32 = arith.constant 0 : i32
    %c0_i32_0 = arith.constant 0 : i32
    %c0_i32_1 = arith.constant 0 : i32
    return %c0_i32, %c0_i32_0 : i32, i32
  }
  func.func @transform_3(%arg0: i32) -> (i32, i32) {
    %c0_i32 = arith.constant 0 : i32
    %c0_i32_0 = arith.constant 0 : i32
    %c0_i32_1 = arith.constant 0 : i32
    return %c0_i32, %c0_i32_0 : i32, i32
  }
  func.func @transform_4(%arg0: i32) -> (i32, i32) {
    %c0_i32 = arith.constant 0 : i32
    %c0_i32_0 = arith.constant 0 : i32
    return %arg0, %c0_i32 : i32, i32
  }
  func.func @transform_5(%arg0: i32) -> (i32, i32) {
    %c0_i32 = arith.constant 0 : i32
    %c0_i32_0 = arith.constant 0 : i32
    return %arg0, %c0_i32 : i32, i32
  }
}

module attributes {stable_mosaic.version = 14 : i64} {
  func.func @_invert_body(%arg0: i32, %arg1: memref<2x2000x128xf32, #tpu.memory_space<vmem>>, %arg2: memref<2000x128xf32, #tpu.memory_space<vmem>>) attributes {dimension_semantics = [#tpu.dimension_semantics<arbitrary>], iteration_bounds = array<i64: 5>, scalar_prefetch = 0 : i64, scratch_operands = 0 : i64, tpu.core_type = #tpu.core_type<tc>, window_params = [{transform_indices = @transform_0, window_bounds = array<i64: 2, 2000, 128>}, {transform_indices = @transform_1, window_bounds = array<i64: 2000, 128>}]} {
    %get3A = arith.constant 0 : index
    %get3A_0 = arith.constant 0 : index
    %get3A_1 = arith.constant 0 : index
    %get3A_2 = vector.load %arg1[%get3A, %get3A_0, %get3A_1] : memref<2x2000x128xf32, #tpu.memory_space<vmem>>, vector<1x2000x128xf32>
    %get3A_3 = vector.shape_cast %get3A_2 : vector<1x2000x128xf32> to vector<2000x128xf32>
    %get3A_4 = arith.constant 1 : index
    %get3A_5 = arith.constant 0 : index
    %get3A_6 = arith.constant 0 : index
    %get3A_7 = vector.load %arg1[%get3A_4, %get3A_5, %get3A_6] : memref<2x2000x128xf32, #tpu.memory_space<vmem>>, vector<1x2000x128xf32>
    %get3A_8 = vector.shape_cast %get3A_7 : vector<1x2000x128xf32> to vector<2000x128xf32>
    %add3A = arith.addf %get3A_3, %get3A_8 : vector<2000x128xf32>
    %max3A = arith.constant 1.000000e+00 : f32
    %max3A_9 = vector.broadcast %max3A : f32 to vector<2000x128xf32>
    %max3A_10 = arith.maximumf %add3A, %max3A_9 : vector<2000x128xf32>
    %div3A = arith.constant 1.000000e+00 : f32
    %div3A_11 = vector.broadcast %div3A : f32 to vector<2000x128xf32>
    %div3A_12 = arith.divf %div3A_11, %max3A_10 : vector<2000x128xf32>
    %swap3A = arith.constant 0 : index
    %swap3A_13 = arith.constant 0 : index
    %swap3A_14 = vector.load %arg2[%swap3A, %swap3A_13] : memref<2000x128xf32, #tpu.memory_space<vmem>>, vector<2000x128xf32>
    tpu.vector_store %arg2[%swap3A, %swap3A_13], %div3A_12 {strides = array<i32>} : memref<2000x128xf32, #tpu.memory_space<vmem>>, vector<2000x128xf32>,
    return
  }
  func.func @transform_0(%arg0: i32) -> (i32, i32, i32) {
    %c0_i32 = arith.constant 0 : i32
    %c0_i32_0 = arith.constant 0 : i32
    %c0_i32_1 = arith.constant 0 : i32
    return %c0_i32, %arg0, %c0_i32_0 : i32, i32, i32
  }
  func.func @transform_1(%arg0: i32) -> (i32, i32) {
    %c0_i32 = arith.constant 0 : i32
    %c0_i32_0 = arith.constant 0 : i32
    return %arg0, %c0_i32 : i32, i32
  }
}

module attributes {stable_mosaic.version = 14 : i64} {
  func.func @_fused_body(%arg0: i32, %arg1: memref<2x2000x128xf32, #tpu.memory_space<vmem>>, %arg2: memref<2000x128xf32, #tpu.memory_space<vmem>>, %arg3: memref<2000x128xf32, #tpu.memory_space<vmem>>, %arg4: memref<128x128xf32, #tpu.memory_space<vmem>>, %arg5: memref<128x128xf32, #tpu.memory_space<vmem>>, %arg6: memref<1x128xf32, #tpu.memory_space<vmem>>, %arg7: memref<2000x128xf32, #tpu.memory_space<vmem>>, %arg8: memref<2000x128xf32, #tpu.memory_space<vmem>>) attributes {dimension_semantics = [#tpu.dimension_semantics<arbitrary>], iteration_bounds = array<i64: 5>, scalar_prefetch = 0 : i64, scratch_operands = 0 : i64, tpu.core_type = #tpu.core_type<tc>, window_params = [{transform_indices = @transform_0, window_bounds = array<i64: 2, 2000, 128>}, {transform_indices = @transform_1, window_bounds = array<i64: 2000, 128>}, {transform_indices = @transform_2, window_bounds = array<i64: 2000, 128>}, {pipeline_mode = #tpu.pipeline_mode<synchronous>, transform_indices = @transform_3, window_bounds = array<i64: 128, 128>}, {pipeline_mode = #tpu.pipeline_mode<synchronous>, transform_indices = @transform_4, window_bounds = array<i64: 128, 128>}, {pipeline_mode = #tpu.pipeline_mode<synchronous>, transform_indices = @transform_5, window_bounds = array<i64: 1, 128>}, {transform_indices = @transform_6, window_bounds = array<i64: 2000, 128>}, {transform_indices = @transform_7, window_bounds = array<i64: 2000, 128>}]} {
    %get3A = arith.constant 0 : index
    %get3A_0 = arith.constant 0 : index
    %get3A_1 = arith.constant 0 : index
    %get3A_2 = vector.load %arg1[%get3A, %get3A_0, %get3A_1] : memref<2x2000x128xf32, #tpu.memory_space<vmem>>, vector<1x2000x128xf32>
    %get3A_3 = vector.shape_cast %get3A_2 : vector<1x2000x128xf32> to vector<2000x128xf32>
    %get3A_4 = arith.constant 1 : index
    %get3A_5 = arith.constant 0 : index
    %get3A_6 = arith.constant 0 : index
    %get3A_7 = vector.load %arg1[%get3A_4, %get3A_5, %get3A_6] : memref<2x2000x128xf32, #tpu.memory_space<vmem>>, vector<1x2000x128xf32>
    %get3A_8 = vector.shape_cast %get3A_7 : vector<1x2000x128xf32> to vector<2000x128xf32>
    %add3A = arith.addf %get3A_3, %get3A_8 : vector<2000x128xf32>
    %get3A_9 = arith.constant 0 : index
    %get3A_10 = arith.constant 0 : index
    %get3A_11 = vector.load %arg2[%get3A_9, %get3A_10] : memref<2000x128xf32, #tpu.memory_space<vmem>>, vector<2000x128xf32>
    %mul3A = arith.mulf %add3A, %get3A_11 : vector<2000x128xf32>
    %get3A_12 = arith.constant 0 : index
    %get3A_13 = arith.constant 0 : index
    %get3A_14 = vector.load %arg3[%get3A_12, %get3A_13] : memref<2000x128xf32, #tpu.memory_space<vmem>>, vector<2000x128xf32>
    %add3A_15 = arith.addf %mul3A, %get3A_14 : vector<2000x128xf32>
    %max3A = arith.constant 0.000000e+00 : f32
    %max3A_16 = vector.broadcast %max3A : f32 to vector<2000x128xf32>
    %max3A_17 = arith.maximumf %add3A_15, %max3A_16 : vector<2000x128xf32>
    %get3A_18 = arith.constant 0 : index
    %get3A_19 = arith.constant 0 : index
    %get3A_20 = vector.load %arg4[%get3A_18, %get3A_19] : memref<128x128xf32, #tpu.memory_space<vmem>>, vector<128x128xf32>
    %dot_general3A = arith.constant dense<0.000000e+00> : vector<2000x128xf32>
    %dot_general3A_21 = tpu.matmul %max3A_17, %get3A_20, %dot_general3A {dimension_numbers = #tpu.dot_dimension_numbers<[1], [1], [0], [0], [0, 0, 1, 0], [], []>, transpose_lhs_hint = false} : vector<2000x128xf32>, vector<128x128xf32>, vector<2000x128xf32> -> vector<2000x128xf32>
    %swap3A = arith.constant 0 : index
    %swap3A_22 = arith.constant 0 : index
    %swap3A_23 = vector.load %arg7[%swap3A, %swap3A_22] : memref<2000x128xf32, #tpu.memory_space<vmem>>, vector<2000x128xf32>
    tpu.vector_store %arg7[%swap3A, %swap3A_22], %dot_general3A_21 {strides = array<i32>} : memref<2000x128xf32, #tpu.memory_space<vmem>>, vector<2000x128xf32>,
    %get3A_24 = arith.constant 0 : index
    %get3A_25 = arith.constant 0 : index
    %get3A_26 = vector.load %arg5[%get3A_24, %get3A_25] : memref<128x128xf32, #tpu.memory_space<vmem>>, vector<128x128xf32>
    %dot_general3A_27 = arith.constant dense<0.000000e+00> : vector<2000x128xf32>
    %dot_general3A_28 = tpu.matmul %max3A_17, %get3A_26, %dot_general3A_27 {dimension_numbers = #tpu.dot_dimension_numbers<[1], [1], [0], [0], [0, 0, 1, 0], [], []>, transpose_lhs_hint = false} : vector<2000x128xf32>, vector<128x128xf32>, vector<2000x128xf32> -> vector<2000x128xf32>
    %get3A_29 = arith.constant 0 : index
    %get3A_30 = arith.constant 0 : index
    %get3A_31 = vector.load %arg6[%get3A_29, %get3A_30] : memref<1x128xf32, #tpu.memory_space<vmem>>, vector<1x128xf32>
    %add3A_32 = vector.broadcast %get3A_31 : vector<1x128xf32> to vector<2000x128xf32>
    %add3A_33 = arith.addf %dot_general3A_28, %add3A_32 : vector<2000x128xf32>
    %swap3A_34 = arith.constant 0 : index
    %swap3A_35 = arith.constant 0 : index
    %swap3A_36 = vector.load %arg8[%swap3A_34, %swap3A_35] : memref<2000x128xf32, #tpu.memory_space<vmem>>, vector<2000x128xf32>
    tpu.vector_store %arg8[%swap3A_34, %swap3A_35], %add3A_33 {strides = array<i32>} : memref<2000x128xf32, #tpu.memory_space<vmem>>, vector<2000x128xf32>,
    return
  }
  func.func @transform_0(%arg0: i32) -> (i32, i32, i32) {
    %c0_i32 = arith.constant 0 : i32
    %c0_i32_0 = arith.constant 0 : i32
    %c0_i32_1 = arith.constant 0 : i32
    return %c0_i32, %arg0, %c0_i32_0 : i32, i32, i32
  }
  func.func @transform_1(%arg0: i32) -> (i32, i32) {
    %c0_i32 = arith.constant 0 : i32
    %c0_i32_0 = arith.constant 0 : i32
    return %arg0, %c0_i32 : i32, i32
  }
  func.func @transform_2(%arg0: i32) -> (i32, i32) {
    %c0_i32 = arith.constant 0 : i32
    %c0_i32_0 = arith.constant 0 : i32
    return %arg0, %c0_i32 : i32, i32
  }
  func.func @transform_3(%arg0: i32) -> (i32, i32) {
    %c0_i32 = arith.constant 0 : i32
    %c0_i32_0 = arith.constant 0 : i32
    %c0_i32_1 = arith.constant 0 : i32
    return %c0_i32, %c0_i32_0 : i32, i32
  }
  func.func @transform_4(%arg0: i32) -> (i32, i32) {
    %c0_i32 = arith.constant 0 : i32
    %c0_i32_0 = arith.constant 0 : i32
    %c0_i32_1 = arith.constant 0 : i32
    return %c0_i32, %c0_i32_0 : i32, i32
  }
  func.func @transform_5(%arg0: i32) -> (i32, i32) {
    %c0_i32 = arith.constant 0 : i32
    %c0_i32_0 = arith.constant 0 : i32
    %c0_i32_1 = arith.constant 0 : i32
    return %c0_i32, %c0_i32_0 : i32, i32
  }
  func.func @transform_6(%arg0: i32) -> (i32, i32) {
    %c0_i32 = arith.constant 0 : i32
    %c0_i32_0 = arith.constant 0 : i32
    return %arg0, %c0_i32 : i32, i32
  }
  func.func @transform_7(%arg0: i32) -> (i32, i32) {
    %c0_i32 = arith.constant 0 : i32
    %c0_i32_0 = arith.constant 0 : i32
    return %arg0, %c0_i32 : i32, i32
  }
}

module attributes {stable_mosaic.version = 14 : i64} {
  func.func @_epilogue_body(%arg0: i32, %arg1: memref<2x2000x128xf32, #tpu.memory_space<vmem>>, %arg2: memref<2000x128xf32, #tpu.memory_space<vmem>>, %arg3: memref<2000x128xf32, #tpu.memory_space<vmem>>, %arg4: memref<2000x128xf32, #tpu.memory_space<vmem>>) attributes {dimension_semantics = [#tpu.dimension_semantics<arbitrary>], iteration_bounds = array<i64: 5>, scalar_prefetch = 0 : i64, scratch_operands = 0 : i64, tpu.core_type = #tpu.core_type<tc>, window_params = [{transform_indices = @transform_0, window_bounds = array<i64: 2, 2000, 128>}, {transform_indices = @transform_1, window_bounds = array<i64: 2000, 128>}, {transform_indices = @transform_2, window_bounds = array<i64: 2000, 128>}, {transform_indices = @transform_3, window_bounds = array<i64: 2000, 128>}]} {
    %get3A = arith.constant 0 : index
    %get3A_0 = arith.constant 0 : index
    %get3A_1 = arith.constant 0 : index
    %get3A_2 = vector.load %arg1[%get3A, %get3A_0, %get3A_1] : memref<2x2000x128xf32, #tpu.memory_space<vmem>>, vector<1x2000x128xf32>
    %get3A_3 = vector.shape_cast %get3A_2 : vector<1x2000x128xf32> to vector<2000x128xf32>
    %get3A_4 = arith.constant 1 : index
    %get3A_5 = arith.constant 0 : index
    %get3A_6 = arith.constant 0 : index
    %get3A_7 = vector.load %arg1[%get3A_4, %get3A_5, %get3A_6] : memref<2x2000x128xf32, #tpu.memory_space<vmem>>, vector<1x2000x128xf32>
    %get3A_8 = vector.shape_cast %get3A_7 : vector<1x2000x128xf32> to vector<2000x128xf32>
    %add3A = arith.addf %get3A_3, %get3A_8 : vector<2000x128xf32>
    %get3A_9 = arith.constant 0 : index
    %get3A_10 = arith.constant 0 : index
    %get3A_11 = vector.load %arg2[%get3A_9, %get3A_10] : memref<2000x128xf32, #tpu.memory_space<vmem>>, vector<2000x128xf32>
    %mul3A = arith.mulf %add3A, %get3A_11 : vector<2000x128xf32>
    %get3A_12 = arith.constant 0 : index
    %get3A_13 = arith.constant 0 : index
    %get3A_14 = vector.load %arg3[%get3A_12, %get3A_13] : memref<2000x128xf32, #tpu.memory_space<vmem>>, vector<2000x128xf32>
    %add3A_15 = arith.addf %mul3A, %get3A_14 : vector<2000x128xf32>
    %max3A = arith.constant 0.000000e+00 : f32
    %max3A_16 = vector.broadcast %max3A : f32 to vector<2000x128xf32>
    %max3A_17 = arith.maximumf %add3A_15, %max3A_16 : vector<2000x128xf32>
    %swap3A = arith.constant 0 : index
    %swap3A_18 = arith.constant 0 : index
    %swap3A_19 = vector.load %arg4[%swap3A, %swap3A_18] : memref<2000x128xf32, #tpu.memory_space<vmem>>, vector<2000x128xf32>
    tpu.vector_store %arg4[%swap3A, %swap3A_18], %max3A_17 {strides = array<i32>} : memref<2000x128xf32, #tpu.memory_space<vmem>>, vector<2000x128xf32>,
    return
  }
  func.func @transform_0(%arg0: i32) -> (i32, i32, i32) {
    %c0_i32 = arith.constant 0 : i32
    %c0_i32_0 = arith.constant 0 : i32
    %c0_i32_1 = arith.constant 0 : i32
    return %c0_i32, %arg0, %c0_i32_0 : i32, i32, i32
  }
  func.func @transform_1(%arg0: i32) -> (i32, i32) {
    %c0_i32 = arith.constant 0 : i32
    %c0_i32_0 = arith.constant 0 : i32
    return %arg0, %c0_i32 : i32, i32
  }
  func.func @transform_2(%arg0: i32) -> (i32, i32) {
    %c0_i32 = arith.constant 0 : i32
    %c0_i32_0 = arith.constant 0 : i32
    return %arg0, %c0_i32 : i32, i32
  }
  func.func @transform_3(%arg0: i32) -> (i32, i32) {
    %c0_i32 = arith.constant 0 : i32
    %c0_i32_0 = arith.constant 0 : i32
    return %arg0, %c0_i32 : i32, i32
  }
}

</mosaic_0001>

<sc_bundles>
// kernel: kernel.13.cloned.1.call-start
scs
__scs_entry_jumppad:
0x0: {  	(pc) =	sbr.rel $0x88, $3  }
0x1: {  	(tag) =	ssettag $0x0;
	lr =	simm.s32 $0x1  }
0x2: {  	[smem:$0x3F93] =	sst lr;
	_ =	strace $0xD0000000  }
0x3: {  	_ = 	snop  }
0x4: {  	_ = 	snop  }
0x5: {  	_ = 	snop  }
0x6: {  	_ = 	snop  }
0x7: {  	_ = 	snop  }
__scs_overlays_trampoline_lowered:
0x8: {  	[smem:$0x3FA2] =	sst s0  }
0x9: {  	[smem:$0x3FA3] =	sst s1  }
0xa: {  	[smem:$0x3FA4] =	sst s2  }
0xb: {  	[smem:$0x3FA5] =	sst s3  }
0xc: {  	[smem:$0x3FA6] =	sst s4  }
0xd: {  	[smem:$0x3FA7] =	sst s5  }
0xe: {  	[smem:$0x3FA8] =	sst s6  }
0xf: {  	[smem:$0x3FA9] =	sst s7  }
0x10: {  	[smem:$0x3FAA] =	sst s8  }
0x11: {  	[smem:$0x3FAB] =	sst s9;
	s0 =	simm.s32 @!p0 $0x0  }
0x12: {  	s1 =	sld [smem:$0x3F91];
	s0 =	simm.s32 @p0 $0x1  }
0x13: {  	[smem:$0x3FAC] =	sst s0;
	s0 =	simm.s32 @!p1 $0x0  }
0x14: {  	s2 =	sld [smem:$0x3F90];
	s0 =	simm.s32 @p1 $0x1  }
0x15: {  	[smem:$0x3FAD] =	sst s0;
	s0 =	simm.s32 @!p2 $0x0  }
0x16: {  	s3 =	sld [smem:$0x3FDB];
	s0 =	simm.s32 @p2 $0x1  }
0x17: {  	s4 =	simm.s32 $0x1BF5;
	[smem:$0x3FAF] =	sst s0  }
0x18: {  	s0 =	sld [smem:$0x3F92];
	_ =	swait.ge [sflag:s4], $0x0  }
0x19: {  	s7 =	sld [smem:$0x3F93]  }
0x1a: {  	s8 =	sadd.s32 $0xFFFFE003, lr  }
0x1b: {  	s9 =	sadd.s32 $0xFFFFFEF7, lr;
	s5 =	simm.s32 $0xFFFFFFFF;
	p2 =	slt.u32 s8, $0xFFFFF086  }
0x1c: {  	p1 =	slt.u32 s9, $0xF7A;
	s5 =	simm.s32 @!p2 $0x0  }
0x1d: {  	s5 =	simm.s32 @p1 $0x1;
	p0 =	seq.s32 s7, s2  }
0x1e: {  	s7 =	smul.u32 @!p0 $0xF7A, s2;
	p2 =	seq.s32 @!p0 s5, $0x0  }
0x1f: {  	s9 =	smul.u32 $0xF7A, s1;
	s8 =	simm.s32 @!p0 $0x1BF5;
	p2 =	por !p2, p0  }
0x20: {  	[sflag:s8] =	ssyncset.s32 @!p0 $0xFFFFF086;
	s6 =	sadd.s32 @!p0 s3, s7;
	s7 =	simm.s32 @!p0 $0x108  }
0x21: {  	s3 =	sadd.s32 s3, s9;
	s6 =	sadd.s32 @!p0 $0x88, s6;
	s7 =	simm.s32 @p2 $0x1082  }
0x22: {  	[simem:s7], [sflag:s8] =	dma.local @!p0 [hbm:s6], $0xF7A  }
0x23: {  	s9 =	sor.u32 $0xD0000000, s2;
	s6 =	simm.s32 $0x108;
	_ =	swait.ge @!p0 [sflag:s8], $0x0  }
0x24: {  	s3 =	sadd.s32 $0x88, s3;
	s6 =	simm.s32 @!p1 $0x1082;
	[sflag:s4] =	ssyncset.s32 $0xFFFFF086  }
0x25: {  	[simem:s6], [sflag:s4] =	dma.local [hbm:s3], $0xF7A  }
0x26: {  	[smem:$0x3F93] =	sst s1;
	(tag) =	ssettag s2;
	_ =	strace s9  }
0x27: {  	s1 =	sld [smem:$0x3FA3]  }
0x28: {  	s2 =	sld [smem:$0x3FA4]  }
0x29: {  	s4 =	sld [smem:$0x3FA6]  }
0x2a: {  	p0 =	seq.s32 s5, $0x0;
	s5 =	sld [smem:$0x3FA7]  }
0x2b: {  	s6 =	sld [smem:$0x3FA8]  }
0x2c: {  	s7 =	sld [smem:$0x3FA9]  }
0x2d: {  	s3 =	simm.s32 $0x108;
	s8 =	sld [smem:$0x3FAA]  }
0x2e: {  	s3 =	simm.s32 @!p0 $0x1082;
	s9 =	sld [smem:$0x3FAB]  }
0x2f: {  	lr =	sadd.s32 s0, s3;
	s0 =	sld [smem:$0x3FA2]  }
0x30: {  	s3 =	sld [smem:$0x3FA5]  }
0x31: {  	[smem:$0x3FAE] =	sst s10  }
0x32: {  	s10 =	sld [smem:$0x3FAC];
	_ =	sdelay $0x3  }
0x33: {  	p0 =	seq.s32 s10, $0x1;
	s10 =	sld [smem:$0x3FAE];
	_ =	sdelay $0x3  }
0x34: {  	[smem:$0x3FAE] =	sst s10  }
0x35: {  	s10 =	sld [smem:$0x3FAD];
	_ =	sdelay $0x3  }
0x36: {  	p1 =	seq.s32 s10, $0x1;
	s10 =	sld [smem:$0x3FAE];
	_ =	sdelay $0x3  }
0x37: {  	[smem:$0x3FAE] =	sst s10  }
0x38: {  	s10 =	sld [smem:$0x3FAF]  }
0x39: {  	_ = 	snop;
	(pc) =	sbr.ind lr, $3  }
0x3a: {  	_ = 	snop  }
0x3b: {  	_ = 	snop  }
0x3c: {  	p2 =	seq.s32 s10, $0x1;
	s10 =	sld [smem:$0x3FAE]  }
0x3d: {  	_ =	shalt  }
0x3e: {  	_ =	shalt  }
0x3f: {  	_ =	shalt  }
0x40: {  	_ =	shalt  }
0x41: {  	_ =	shalt  }
0x42: {  	_ =	shalt  }
0x43: {  	_ =	shalt  }
0x44: {  	_ =	shalt  }
0x45: {  	_ =	shalt  }
0x46: {  	_ =	shalt  }
0x47: {  	_ =	shalt  }
0x48: {  	_ =	shalt  }
0x49: {  	_ =	shalt  }
0x4a: {  	_ =	shalt  }
0x4b: {  	_ =	shalt  }
0x4c: {  	_ =	shalt  }
0x4d: {  	_ =	shalt  }
0x4e: {  	_ =	shalt  }
0x4f: {  	_ =	shalt  }
0x50: {  	_ =	shalt  }
0x51: {  	_ =	shalt  }
0x52: {  	_ =	shalt  }
0x53: {  	_ =	shalt  }
0x54: {  	_ =	shalt  }
0x55: {  	_ =	shalt  }
0x56: {  	_ =	shalt  }
0x57: {  	_ =	shalt  }
0x58: {  	_ =	shalt  }
0x59: {  	_ =	shalt  }
0x5a: {  	_ =	shalt  }
0x5b: {  	_ =	shalt  }
0x5c: {  	_ =	shalt  }
0x5d: {  	_ =	shalt  }
0x5e: {  	_ =	shalt  }
0x5f: {  	_ =	shalt  }
0x60: {  	_ =	shalt  }
0x61: {  	_ =	shalt  }
0x62: {  	_ =	shalt  }
0x63: {  	_ =	shalt  }
0x64: {  	_ =	shalt  }
0x65: {  	_ =	shalt  }
0x66: {  	_ =	shalt  }
0x67: {  	_ =	shalt  }
0x68: {  	_ =	shalt  }
0x69: {  	_ =	shalt  }
0x6a: {  	_ =	shalt  }
0x6b: {  	_ =	shalt  }
0x6c: {  	_ =	shalt  }
0x6d: {  	_ =	shalt  }
0x6e: {  	_ =	shalt  }
0x6f: {  	_ =	shalt  }
0x70: {  	_ =	shalt  }
0x71: {  	_ =	shalt  }
0x72: {  	_ =	shalt  }
0x73: {  	_ =	shalt  }
0x74: {  	_ =	shalt  }
0x75: {  	_ =	shalt  }
0x76: {  	_ =	shalt  }
0x77: {  	_ =	shalt  }
0x78: {  	_ =	shalt  }
0x79: {  	_ =	shalt  }
0x7a: {  	_ =	shalt  }
0x7b: {  	_ =	shalt  }
0x7c: {  	_ =	shalt  }
0x7d: {  	_ =	shalt  }
0x7e: {  	_ =	shalt  }
0x7f: {  	_ =	shalt  }
0x80: {  	_ =	shalt  }
0x81: {  	_ =	shalt  }
0x82: {  	_ =	shalt  }
0x83: {  	_ =	shalt  }
0x84: {  	_ =	shalt  }
0x85: {  	_ =	shalt  }
0x86: {  	_ =	shalt  }
0x87: {  	_ =	shalt  }
.Lfunc_end0:
.L_simem_size_0:
called_computation_lowered:
.L_overlay_start_0:
0x88: {  	s2 =	sld [smem:$0x3FD9]  }
0x89: {  	s3 =	sld [smem:$0x3FFE];
	_ =	sdelay $0x1  }
0x8a: {  	s1 =	srdreg.scid  }
0x8b: {  	s0 =	sand.u32 $0x1, s1  }
0x8c: {  	s17 =	sshll.u32 s0, $0xA;
	s2 =	sadd.s32 s3, s2  }
0x8d: {  	s2 =	sadd.s32 s2, s17  }
0x8e: {  	[smem:$0x3FBA] =	sst s2  }
0x8f: {  	_ = 	snop  }
0x90: {  	s18 =	sld [smem:$0x3FD0];
	(tm) =	ssettm $0x1  }
0x91: {  	s19 =	sld [smem:$0x3FFB];
	_ =	sdelay $0x3  }
0x92: {  	_ =	strace s19  }
0x93: {  	s2 =	sld [smem:$0x3FFC];
	_ =	sdelay $0x3  }
0x94: {  	_ =	strace s2  }
0x95: {  	s2 =	sld [smem:$0x3FFD];
	_ =	sdelay $0x3  }
0x96: {  	_ =	strace s2  }
0x97: {  	_ =	strace $0x8FFFFFFF  }
0x98: {  	s20 =	sld [smem:$0x3FDB];
	_ =	sdelay $0x1  }
0x99: {  	s4 =	simm.s32 $_scs_section_size  }
0x9a: {  	s5 =	simm.s32 $_size__tile_overlayer_lowered;
	s6 =	simm.s32 $_tile_overlayer_lowered  }
0x9b: {  	s7 =	simm.s32 $0x1BFF;
	s21 =	sshll.u32 s6, $0x1;
	s4 =	sadd.s32 s4, s20  }
0x9c: {  	s22 =	simm.s32 $0x0;
	s5 =	sshll.u32 s5, $0x1;
	s6 =	sadd.s32 s21, s4  }
0x9d: {  	[timem:s22], [sflag:s7] =	dma.local [hbm:s6], s5  }
0x9e: {  	_ =	swait.ge [sflag:s7], s5  }
0x9f: {  	s5 =	ssub.s32 $0x0, s5;
	[sflag:s7] =	ssyncset.done $0x0  }
0xa0: {  	[sflag:s7] =	ssyncadd.s32 s5;
	_ =	sdelay $0x1  }
0xa1: {  	s23 =	simm.s32 $0x1B8B  }
0xa2: {  	_ =	swait.ge [sflag:s23], $0x1  }
0xa3: {  	[sflag:s23] =	ssyncset.done $0x0  }
0xa4: {  	[sflag:s23] =	ssyncadd.s32 $0xFFFFFFFF  }
0xa5: {  	s5 =	sld [smem:$0x0]  }
0xa6: {  	s6 =	sand.u32 $0xFFFFFFFE, s1  }
0xa7: {  	p0 =	sne.s32 s1, s6  }
0xa8: {  	s6 =	sshll.u32 @p0 s6, $0xE  }
0xa9: {  	s6 =	sadd.s32 @p0 $0x11B8D, s6;
	s7 =	sshll.u32 @p0 s5, $0x11  }
0xaa: {  	s6 =	sor.u32 @p0 s7, s6  }
0xab: {  	[sflag:s6] =	ssyncadd.remote.s32 @p0 $0x1;
	_ =	sdelay $0x1  }
0xac: {  	s6 =	simm.s32 @p0 $0x1B8D  }
0xad: {  	_ =	swait.eq @p0 [sflag:s6], $0x1  }
0xae: {  	[sflag:s6] =	ssyncadd.s32 @p0 $0xFFFFFFFF  }
0xaf: {  	s7 =	sshll.u32 @!p0 s1, $0xE  }
0xb0: {  	s7 =	sor.u32 @!p0 $0x4000, s7;
	s6 =	simm.s32 @!p0 $0x1B8D  }
0xb1: {  	s5 =	sshll.u32 @!p0 s5, $0x11;
	s7 =	sadd.s32 @!p0 $0x11B8D, s7;
	_ =	swait.eq @!p0 [sflag:s6], $0x1  }
0xb2: {  	s5 =	sor.u32 @!p0 s5, s7;
	[sflag:s6] =	ssyncadd.s32 @!p0 $0xFFFFFFFF  }
0xb3: {  	s25 =	simm.s32 $0x1B8E;
	s24 =	sld [smem:$0x3FFE];
	[sflag:s5] =	ssyncadd.remote.s32 @!p0 $0x1  }
0xb4: {  	s26 =	simm.s32 $execute0_lowered;
	[smem:$0x3FD2] =	sst s25  }
0xb5: {  	s6 =	sshll.u32 s26, $0x1;
	_ =	strace $0x80000049;
	[dreg:$0x1] =	wrdreg $0xFFFFFFFF  }
0xb6: {  	s28 =	simm.s32 $_size_execute0_lowered;
	s4 =	sadd.s32 s4, s6;
	[dreg:$0x0] =	wrdreg $0x0  }
0xb7: {  	s6 =	sshll.u32 s28, $0x1;
	[dreg:$0x2] =	wrdreg s4  }
0xb8: {  	[dreg:$0x3] =	wrdreg s6  }
0xb9: {  	[dreg:$0x4] =	wrdreg $0xC0  }
0xba: {  	_ =	task [dreg:s22], $0x5FFFF  }
0xbb: {  	[dreg:$0x1] =	wrdreg $0xFFFFFFFF  }
0xbc: {  	[dreg:$0x0] =	wrdreg $0x60  }
0xbd: {  	[dreg:$0x2] =	wrdreg s18  }
0xbe: {  	[dreg:$0x3] =	wrdreg s24  }
0xbf: {  	[dreg:$0x4] =	wrdreg $0x0  }
0xc0: {  	[dreg:$0x5] =	wrdreg $0x9  }
0xc1: {  	_ =	task.clear_ibuf [dreg:s22], $0x6FFFF;
	_ =	strace $0x90000049  }
0xc2: {  	s29 =	simm.s32 $0x9;
	_ =	strace $0x8000004B  }
0xc3: {  	_ =	swait.ge [sflag:s29], $0x1  }
0xc4: {  	[sflag:s29] =	ssyncadd.s32 $0xFFFFFFFF  }
0xc5: {  	_ =	strace $0x9000004B  }
0xc6: {  	_ =	sfence  }
0xc7: {  	s30 =	sld [smem:$0x0];
	_ =	sdelay $0x2  }
0xc8: {  	s31 =	sshll.u32 s1, $0xD;
	s1 =	sshrl.u32 s1, $0x2  }
0xc9: {  	s4 =	sand.u32 $0x4000, s31;
	s1 =	sadd.s32 s1, s30  }
0xca: {  	s0 =	sor.u32 s4, s0;
	s1 =	sshll.u32 s1, $0x11  }
0xcb: {  	s0 =	sor.u32 s1, s0  }
0xcc: {  	s0 =	sadd.s32 $0x8F2B, s0  }
0xcd: {  	[sflag:s0] =	ssyncadd.remote.s32 $0x1  }
0xce: {  	_ =	sfence.sel $0xFFFF  }
0xcf: {  	[dreg:$0x0] =	wrdreg $0xFFFFFFFF;
	(pc) =	sbr.abs _section_cstart, $3  }
0xd0: {  	[dreg:$0x1] =	wrdreg $0xFFFFFFFF  }
0xd1: {  	_ =	task.clear_ibuf [dreg:s22], $0x2FFFF;
	_ =	strace $0x9FFFFFFF  }
0xd2: {  	(tm) =	ssettm $0x7FFFFFFF  }
0xd3: {  	_ =	shalt  }
tec
execute0_lowered:
.L_overlay_start_1:
0x0: {  	(tag) =	ssettag $0x1  }
0x1: {  	s1 =	rddreg [dreg:$0x0]  }
0x2: {  	s6 =	rddreg [dreg:$0x1]  }
0x3: {  	s2 =	rddreg [dreg:$0x2]  }
0x4: {  	s3 =	srdreg.scid;
	s0 =	rddreg [dreg:$0x3];
	s4 =	simm.s32 $0x0  }
0x5: {  	s16 =	simm.s32 $0x14C80;
	s17 =	simm.s32 $0x7D;
	s18 =	simm.s32 $0x16080  }
0x6: {  	s19 =	simm.s32 $0x1A080;
	s20 =	simm.s32 $0x1;
	s21 =	simm.s32 $0x2  }
0x7: {  	s22 =	simm.s32 $0x14C00;
	s23 =	simm.s32 $0x15F80;
	s24 =	simm.s32 $0x16000  }
0x8: {  	s25 =	simm.s32 $0x0;
	s7 =	sand.u32 $0x1, s3;
	s3 =	stileid.u32  }
0x9: {  	[smem:$0x7FF] =	sst s4;
	s9 =	sadd.s32 $0x5FC00, s6;
	s5 =	smul.u32 $0x13C000, s7  }
0xa: {  	s10 =	sadd.s32 $0x3C00, s6;
	s8 =	smul.u32 $0x13C00, s3;
	_ =	strace $0x8000004A  }
0xb: {  	s11 =	sshll.u32 s7, $0x4;
	s7 =	ssub.s32 $0x2, s7;
	s12 =	smul.u32 $0x4E200, s3  }
0xc: {  	s30 =	sshll.u32 s3, $0x6;
	s11 =	sor.u32 s3, s11;
	s26 =	sshrl.u32 s7, $0x1  }
0xd: {  	s8 =	sadd.s32 s8, s5;
	s5 =	sadd.s32 $0xDC00, s6;
	s28 =	smul.u32 $0x2800, s11  }
0xe: {  	s14 =	ssub.s32 s7, s26;
	s29 =	sshrl.u32 s12, $0x2;
	s11 =	smul.u32 $0x500, s11  }
0xf: {  	s8 =	sshrl.u32 s8, $0x3;
	s15 =	sadd.s32 s29, s2;
	s12 =	smax.u32 s14, $0x1  }
0x10: {  	s14 =	simm.s32 $0x3;
	s13 =	sadd.s32 s8, s6;
	s8 =	sshrl.u32 s28, $0x3  }
0x11: {  	s6 =	sor.u32 $0x1C03, s30;
	s7 =	sadd.s32 s9, s11;
	s31 =	sadd.s32 $0x280, s8  }
0x12: {  	s8 =	sadd.s32 s10, s11;
	s11 =	sadd.s32 $0x69C00, s13;
	s13 =	sshrl.u32 s15, $0x3  }
0x13: {  	s15 =	simm.s32 $0x13880;
	s9 =	sadd.s32 s9, s31;
	s10 =	sadd.s32 s10, s31  }
.LBB2_1:
0x14: {  	[spmem:s13], [sflag:s6] =	dma.local [hbm:s5], $0x2710  }
0x15: {  	_ =	swait.ge [sflag:s14], $0x2710  }
0x16: {  	[sflag:s14] =	ssyncset.done $0x0  }
0x17: {  	[sflag:s14] =	ssyncadd.s32 $0xFFFFD8F0  }
0x18: {  	[bflag:$0x0] =	sbarrier.arrive $0xFFFF  }
0x19: {  	[tilespmem:s15], [sflag:$0x3] =	stream.linear.gather [hbm4b:s7+s4], $0x1400, $0x38;
	[tilespmem:$0x1E080] =	vst v63  }
0x1a: {  	_ =	swait.ge [sflag:s14], $0x1400  }
0x1b: {  	[sflag:s14] =	ssyncset.done $0x0  }
0x1c: {  	[sflag:s14] =	ssyncadd.s32 $0xFFFFEC00  }
0x1d: {  	[tilespmem:s16], [sflag:$0x3] =	stream.linear.gather [hbm4b:s8+s4], $0x1400, $0x38;
	[tilespmem:$0x1E080] =	vst v63  }
0x1e: {  	_ =	swait.ge [sflag:s14], $0x1400  }
0x1f: {  	[sflag:s14] =	ssyncset.done $0x0  }
0x20: {  	[sflag:s14] =	ssyncadd.s32 $0xFFFFEC00  }
0x21: {  	[tilespmem:s18], [sflag:$0x1] =	stream.indirect.gather [hbm4b:s1+s17], $0x80, s15, s17, $0xb8;
	[tilespmem:$0x1E080] =	vst v63  }
0x22: {  	s26 =	simm.s32 $0x13900  }
0x23: {  	[tilespmem:s19], [sflag:$0x2] =	stream.indirect.gather [hbm4b:s1+s17], $0x80, s26, s17, $0xb8;
	[tilespmem:$0x1E080] =	vst v63  }
0x24: {  	_ =	swait.ge [sflag:s20], $0x3E80  }
0x25: {  	[sflag:s20] =	ssyncset.done $0x0  }
0x26: {  	s29 =	simm.s32 $0x14C80;
	[sflag:s20] =	ssyncadd.s32 $0xFFFFC180  }
0x27: {  	[spmem:s2] =	stream.indirect.scatter.add.f32 [tilespmem:s18], [sflag:$0x3], $0x80, s29, s17, $0xb8;
	[tilespmem:$0x1E080] =	vst v63  }
0x28: {  	_ =	swait.ge [sflag:s14], $0x3E80  }
0x29: {  	[sflag:s14] =	ssyncset.done $0x0  }
0x2a: {  	s30 =	simm.s32 $0x13980;
	[sflag:s14] =	ssyncadd.s32 $0xFFFFC180  }
0x2b: {  	[tilespmem:s18], [sflag:$0x1] =	stream.indirect.gather [hbm4b:s1+s17], $0x80, s30, s17, $0xb8;
	[tilespmem:$0x1E080] =	vst v63  }
0x2c: {  	_ =	swait.ge [sflag:s21], $0x3E80  }
0x2d: {  	[sflag:s21] =	ssyncset.done $0x0  }
0x2e: {  	s31 =	simm.s32 $0x14D00;
	[sflag:s21] =	ssyncadd.s32 $0xFFFFC180  }
0x2f: {  	[spmem:s2] =	stream.indirect.scatter.add.f32 [tilespmem:s19], [sflag:$0x3], $0x80, s31, s17, $0xb8;
	[tilespmem:$0x1E080] =	vst v63  }
0x30: {  	_ =	swait.ge [sflag:s14], $0x3E80  }
0x31: {  	s28 =	simm.s32 $0x800;
	s26 =	simm.s32 $0x100;
	[sflag:s14] =	ssyncset.done $0x0  }
.LBB2_2:
0x32: {  	s29 =	sadd.s32 $0x13900, s26  }
0x33: {  	[sflag:s14] =	ssyncadd.s32 $0xFFFFC180;
	s30 =	smov.u32 s28;
	s31 =	sadd.s32 $0x400, s28  }
0x34: {  	[tilespmem:s19], [sflag:$0x2] =	stream.indirect.gather [hbm4b:s1+s17], $0x80, s29, s17, $0xb8;
	[tilespmem:$0x1E080] =	vst v63  }
0x35: {  	p0 =	sne.s32 s28, $0x4800;
	_ =	swait.ge [sflag:s20], $0x3E80  }
0x36: {  	[sflag:s20] =	ssyncset.done $0x0  }
0x37: {  	s28 =	sadd.s32 $0x14C80, s26;
	[sflag:s20] =	ssyncadd.s32 $0xFFFFC180  }
0x38: {  	[spmem:s2] =	stream.indirect.scatter.add.f32 [tilespmem:s18], [sflag:$0x3], $0x80, s28, s17, $0xb8;
	[tilespmem:$0x1E080] =	vst v63  }
0x39: {  	_ =	swait.ge [sflag:s14], $0x3E80  }
0x3a: {  	[sflag:s14] =	ssyncset.done $0x0  }
0x3b: {  	s28 =	sadd.s32 $0x13980, s26;
	[sflag:s14] =	ssyncadd.s32 $0xFFFFC180  }
0x3c: {  	[tilespmem:s18], [sflag:$0x1] =	stream.indirect.gather [hbm4b:s1+s17], $0x80, s28, s17, $0xb8;
	[tilespmem:$0x1E080] =	vst v63  }
0x3d: {  	_ =	swait.ge [sflag:s21], $0x3E80  }
.Ltmp0:
0x3e: {  	[sflag:s21] =	ssyncset.done $0x0;
	(pc) =	sbr.rel @p0 .LBB2_2-.Ltmp0, $4  }
0x3f: {  	s26 =	sadd.s32 $0x14D00, s26;
	[sflag:s21] =	ssyncadd.s32 $0xFFFFC180  }
0x40: {  	[spmem:s2] =	stream.indirect.scatter.add.f32 [tilespmem:s19], [sflag:$0x3], $0x80, s26, s17, $0xb8;
	[tilespmem:$0x1E080] =	vst v63  }
0x41: {  	_ =	swait.ge [sflag:s14], $0x3E80  }
0x42: {  	s28 =	smov.u32 s31;
	s26 =	sshra.s32 s30, $0x2;
	[sflag:s14] =	ssyncset.done $0x0  }
0x43: {  	s28 =	sadd.s32 $0x13900, s26;
	[sflag:s14] =	ssyncadd.s32 $0xFFFFC180  }
0x44: {  	[tilespmem:s19], [sflag:$0x2] =	stream.indirect.gather [hbm4b:s1+s17], $0x80, s28, s17, $0xb8;
	[tilespmem:$0x1E080] =	vst v63  }
0x45: {  	_ =	swait.ge [sflag:s20], $0x3E80  }
0x46: {  	[sflag:s20] =	ssyncset.done $0x0  }
0x47: {  	s28 =	sadd.s32 $0x14C80, s26;
	[sflag:s20] =	ssyncadd.s32 $0xFFFFC180  }
0x48: {  	[spmem:s2] =	stream.indirect.scatter.add.f32 [tilespmem:s18], [sflag:$0x3], $0x80, s28, s17, $0xb8;
	[tilespmem:$0x1E080] =	vst v63  }
0x49: {  	_ =	swait.ge [sflag:s14], $0x3E80  }
0x4a: {  	[sflag:s14] =	ssyncset.done $0x0  }
0x4b: {  	s28 =	sadd.s32 $0x13980, s26;
	[sflag:s14] =	ssyncadd.s32 $0xFFFFC180  }
0x4c: {  	[tilespmem:s18], [sflag:$0x1] =	stream.indirect.gather [hbm4b:s1+s17], $0x80, s28, s17, $0xb8;
	[tilespmem:$0x1E080] =	vst v63  }
0x4d: {  	_ =	swait.ge [sflag:s21], $0x3E80  }
0x4e: {  	[sflag:s21] =	ssyncset.done $0x0  }
0x4f: {  	s29 =	sadd.s32 $0x14D00, s26;
	[sflag:s21] =	ssyncadd.s32 $0xFFFFC180  }
0x50: {  	[spmem:s2] =	stream.indirect.scatter.add.f32 [tilespmem:s19], [sflag:$0x3], $0x80, s29, s17, $0xb8;
	[tilespmem:$0x1E080] =	vst v63  }
0x51: {  	_ =	swait.ge [sflag:s14], $0x3E80  }
0x52: {  	[sflag:s14] =	ssyncset.done $0x0  }
0x53: {  	[sflag:s14] =	ssyncadd.s32 $0xFFFFC180  }
0x54: {  	[tilespmem:s19], [sflag:$0x2] =	stream.indirect.gather [hbm4b:s1+s17], $0x80, s22, s17, $0xb8;
	[tilespmem:$0x1E080] =	vst v63  }
0x55: {  	_ =	swait.ge [sflag:s20], $0x3E80  }
0x56: {  	[sflag:s20] =	ssyncset.done $0x0  }
0x57: {  	[sflag:s20] =	ssyncadd.s32 $0xFFFFC180  }
0x58: {  	[spmem:s2] =	stream.indirect.scatter.add.f32 [tilespmem:s18], [sflag:$0x3], $0x80, s23, s17, $0xb8;
	[tilespmem:$0x1E080] =	vst v63  }
0x59: {  	_ =	swait.ge [sflag:s14], $0x3E80  }
0x5a: {  	[sflag:s14] =	ssyncset.done $0x0  }
0x5b: {  	[sflag:s14] =	ssyncadd.s32 $0xFFFFC180  }
0x5c: {  	_ =	swait.ge [sflag:s21], $0x3E80  }
0x5d: {  	[sflag:s21] =	ssyncset.done $0x0  }
0x5e: {  	[sflag:s21] =	ssyncadd.s32 $0xFFFFC180  }
0x5f: {  	[spmem:s2] =	stream.indirect.scatter.add.f32 [tilespmem:s19], [sflag:$0x3], $0x80, s24, s17, $0xb8;
	[tilespmem:$0x1E080] =	vst v63  }
0x60: {  	_ =	swait.ge [sflag:s14], $0x3E80  }
0x61: {  	[sflag:s14] =	ssyncset.done $0x0  }
0x62: {  	s30 =	simm.s32 $0x0;
	[sflag:s14] =	ssyncadd.s32 $0xFFFFC180  }
0x63: {  	[tilespmem:s15], [sflag:$0x3] =	stream.linear.gather [hbm4b:s9+s30], $0x1400, $0x38;
	[tilespmem:$0x1E080] =	vst v63  }
0x64: {  	_ =	swait.ge [sflag:s14], $0x1400  }
0x65: {  	[sflag:s14] =	ssyncset.done $0x0  }
0x66: {  	[sflag:s14] =	ssyncadd.s32 $0xFFFFEC00  }
0x67: {  	[tilespmem:s16], [sflag:$0x3] =	stream.linear.gather [hbm4b:s10+s30], $0x1400, $0x38;
	[tilespmem:$0x1E080] =	vst v63  }
0x68: {  	_ =	swait.ge [sflag:s14], $0x1400  }
0x69: {  	[sflag:s14] =	ssyncset.done $0x0  }
0x6a: {  	[sflag:s14] =	ssyncadd.s32 $0xFFFFEC00  }
0x6b: {  	[tilespmem:s18], [sflag:$0x1] =	stream.indirect.gather [hbm4b:s1+s17], $0x80, s15, s17, $0xb8;
	[tilespmem:$0x1E080] =	vst v63  }
0x6c: {  	s31 =	simm.s32 $0x13900  }
0x6d: {  	[tilespmem:s19], [sflag:$0x2] =	stream.indirect.gather [hbm4b:s1+s17], $0x80, s31, s17, $0xb8;
	[tilespmem:$0x1E080] =	vst v63  }
0x6e: {  	_ =	swait.ge [sflag:s20], $0x3E80  }
0x6f: {  	[sflag:s20] =	ssyncset.done $0x0  }
0x70: {  	s29 =	simm.s32 $0x14C80;
	[sflag:s20] =	ssyncadd.s32 $0xFFFFC180  }
0x71: {  	[spmem:s2] =	stream.indirect.scatter.add.f32 [tilespmem:s18], [sflag:$0x3], $0x80, s29, s17, $0xb8;
	[tilespmem:$0x1E080] =	vst v63  }
0x72: {  	_ =	swait.ge [sflag:s14], $0x3E80  }
0x73: {  	[sflag:s14] =	ssyncset.done $0x0  }
0x74: {  	s30 =	simm.s32 $0x13980;
	[sflag:s14] =	ssyncadd.s32 $0xFFFFC180  }
0x75: {  	[tilespmem:s18], [sflag:$0x1] =	stream.indirect.gather [hbm4b:s1+s17], $0x80, s30, s17, $0xb8;
	[tilespmem:$0x1E080] =	vst v63  }
0x76: {  	_ =	swait.ge [sflag:s21], $0x3E80  }
0x77: {  	[sflag:s21] =	ssyncset.done $0x0  }
0x78: {  	s31 =	simm.s32 $0x14D00;
	[sflag:s21] =	ssyncadd.s32 $0xFFFFC180  }
0x79: {  	[spmem:s2] =	stream.indirect.scatter.add.f32 [tilespmem:s19], [sflag:$0x3], $0x80, s31, s17, $0xb8;
	[tilespmem:$0x1E080] =	vst v63  }
0x7a: {  	_ =	swait.ge [sflag:s14], $0x3E80  }
0x7b: {  	s26 =	simm.s32 $0x100;
	s28 =	simm.s32 $0x800;
	[sflag:s14] =	ssyncset.done $0x0  }
.LBB2_4:
0x7c: {  	s29 =	sadd.s32 $0x13900, s26  }
0x7d: {  	[sflag:s14] =	ssyncadd.s32 $0xFFFFC180;
	s30 =	smov.u32 s28;
	s31 =	sadd.s32 $0x400, s28  }
0x7e: {  	[tilespmem:s19], [sflag:$0x2] =	stream.indirect.gather [hbm4b:s1+s17], $0x80, s29, s17, $0xb8;
	[tilespmem:$0x1E080] =	vst v63  }
0x7f: {  	p0 =	sne.s32 s28, $0x4800;
	_ =	swait.ge [sflag:s20], $0x3E80  }
0x80: {  	[sflag:s20] =	ssyncset.done $0x0  }
0x81: {  	s28 =	sadd.s32 $0x14C80, s26;
	[sflag:s20] =	ssyncadd.s32 $0xFFFFC180  }
0x82: {  	[spmem:s2] =	stream.indirect.scatter.add.f32 [tilespmem:s18], [sflag:$0x3], $0x80, s28, s17, $0xb8;
	[tilespmem:$0x1E080] =	vst v63  }
0x83: {  	_ =	swait.ge [sflag:s14], $0x3E80  }
0x84: {  	[sflag:s14] =	ssyncset.done $0x0  }
0x85: {  	s28 =	sadd.s32 $0x13980, s26;
	[sflag:s14] =	ssyncadd.s32 $0xFFFFC180  }
0x86: {  	[tilespmem:s18], [sflag:$0x1] =	stream.indirect.gather [hbm4b:s1+s17], $0x80, s28, s17, $0xb8;
	[tilespmem:$0x1E080] =	vst v63  }
0x87: {  	_ =	swait.ge [sflag:s21], $0x3E80  }
.Ltmp1:
0x88: {  	[sflag:s21] =	ssyncset.done $0x0;
	(pc) =	sbr.rel @p0 .LBB2_4-.Ltmp1, $4  }
0x89: {  	s26 =	sadd.s32 $0x14D00, s26;
	[sflag:s21] =	ssyncadd.s32 $0xFFFFC180  }
0x8a: {  	[spmem:s2] =	stream.indirect.scatter.add.f32 [tilespmem:s19], [sflag:$0x3], $0x80, s26, s17, $0xb8;
	[tilespmem:$0x1E080] =	vst v63  }
0x8b: {  	_ =	swait.ge [sflag:s14], $0x3E80  }
0x8c: {  	s28 =	smov.u32 s31;
	s26 =	sshra.s32 s30, $0x2;
	[sflag:s14] =	ssyncset.done $0x0  }
0x8d: {  	s28 =	sadd.s32 $0x13900, s26;
	[sflag:s14] =	ssyncadd.s32 $0xFFFFC180  }
0x8e: {  	[tilespmem:s19], [sflag:$0x2] =	stream.indirect.gather [hbm4b:s1+s17], $0x80, s28, s17, $0xb8;
	[tilespmem:$0x1E080] =	vst v63  }
0x8f: {  	_ =	swait.ge [sflag:s20], $0x3E80  }
0x90: {  	[sflag:s20] =	ssyncset.done $0x0  }
0x91: {  	s29 =	sadd.s32 $0x14C80, s26;
	[sflag:s20] =	ssyncadd.s32 $0xFFFFC180  }
0x92: {  	[spmem:s2] =	stream.indirect.scatter.add.f32 [tilespmem:s18], [sflag:$0x3], $0x80, s29, s17, $0xb8;
	[tilespmem:$0x1E080] =	vst v63  }
0x93: {  	_ =	swait.ge [sflag:s14], $0x3E80  }
0x94: {  	[sflag:s14] =	ssyncset.done $0x0  }
0x95: {  	s30 =	sadd.s32 $0x13980, s26;
	[sflag:s14] =	ssyncadd.s32 $0xFFFFC180  }
0x96: {  	[tilespmem:s18], [sflag:$0x1] =	stream.indirect.gather [hbm4b:s1+s17], $0x80, s30, s17, $0xb8;
	[tilespmem:$0x1E080] =	vst v63  }
0x97: {  	_ =	swait.ge [sflag:s21], $0x3E80  }
0x98: {  	[sflag:s21] =	ssyncset.done $0x0  }
0x99: {  	s31 =	sadd.s32 $0x14D00, s26;
	[sflag:s21] =	ssyncadd.s32 $0xFFFFC180  }
0x9a: {  	[spmem:s2] =	stream.indirect.scatter.add.f32 [tilespmem:s19], [sflag:$0x3], $0x80, s31, s17, $0xb8;
	[tilespmem:$0x1E080] =	vst v63  }
0x9b: {  	_ =	swait.ge [sflag:s14], $0x3E80  }
0x9c: {  	[sflag:s14] =	ssyncset.done $0x0  }
0x9d: {  	[sflag:s14] =	ssyncadd.s32 $0xFFFFC180  }
0x9e: {  	[tilespmem:s19], [sflag:$0x2] =	stream.indirect.gather [hbm4b:s1+s17], $0x80, s22, s17, $0xb8;
	[tilespmem:$0x1E080] =	vst v63  }
0x9f: {  	_ =	swait.ge [sflag:s20], $0x3E80  }
0xa0: {  	[sflag:s20] =	ssyncset.done $0x0  }
0xa1: {  	[sflag:s20] =	ssyncadd.s32 $0xFFFFC180  }
0xa2: {  	[spmem:s2] =	stream.indirect.scatter.add.f32 [tilespmem:s18], [sflag:$0x3], $0x80, s23, s17, $0xb8;
	[tilespmem:$0x1E080] =	vst v63  }
0xa3: {  	_ =	swait.ge [sflag:s14], $0x3E80  }
0xa4: {  	[sflag:s14] =	ssyncset.done $0x0  }
0xa5: {  	[sflag:s14] =	ssyncadd.s32 $0xFFFFC180  }
0xa6: {  	_ =	swait.ge [sflag:s21], $0x3E80  }
0xa7: {  	[sflag:s21] =	ssyncset.done $0x0  }
0xa8: {  	[sflag:s21] =	ssyncadd.s32 $0xFFFFC180  }
0xa9: {  	[spmem:s2] =	stream.indirect.scatter.add.f32 [tilespmem:s19], [sflag:$0x3], $0x80, s24, s17, $0xb8;
	[tilespmem:$0x1E080] =	vst v63  }
0xaa: {  	_ =	swait.ge [sflag:s14], $0x3E80  }
0xab: {  	s25 =	sadd.s32 $0x1, s25;
	[sflag:s14] =	ssyncset.done $0x0  }
0xac: {  	p0 =	sne.s32 s25, s12;
	[sflag:s14] =	ssyncadd.s32 $0xFFFFC180  }
.Ltmp2:
0xad: {  	[bflag:$0x0] =	sbarrier.arrive $0xFFFF;
	(pc) =	sbr.rel @p0 .LBB2_1-.Ltmp2, $4  }
0xae: {  	[hbm:s11], [sflag:s6] =	dma.local [spmem:s13], $0x2710  }
0xaf: {  	_ =	swait.ge [sflag:s14], $0x2710  }
0xb0: {  	[sflag:s14] =	ssyncset.done $0x0  }
0xb1: {  	[sflag:s14] =	ssyncadd.s32 $0xFFFFD8F0  }
0xb2: {  	_ =	sfence.sel $0x180000  }
0xb3: {  	[bflag:$0x0] =	sbarrier.arrive $0xFFFF  }
0xb4: {  	p0 =	sne.s32 s3, $0x0;
	_ =	strace $0x9000004A  }
0xb5: {  	s0 =	sadd.s32 @!p0 $0x100000, s0;
	[bflag:$0x2] =	sbarrier.arrive $0xFFFF  }
0xb6: {  	[sflag:s0] =	ssyncadd.tile.s32 @!p0 $0x1;
	_ =	shalt  }
.Lfunc_end2:
_tile_overlayer_lowered:
.L_overlay_start_2:
0xb7: {  	(tag) =	ssettag $0x2  }
0xb8: {  	s0 =	rddreg [dreg:$0x0];
	s2 =	stileid.u32  }
0xb9: {  	s1 =	rddreg [dreg:$0x1];
	p0 =	sne.s32 s2, $0x0  }
0xba: {  	s3 =	rddreg [dreg:$0x2];
	[bflag:$0x3] =	sbarrier.arrive $0xFFFF;
	s2 =	simm.s32 @!p0 $0x1C03  }
0xbb: {  	[timem:s3], [sflag:s2] =	dma.local @!p0 [hbm:s0], s1  }
0xbc: {  	s0 =	simm.s32 @!p0 $0x3  }
0xbd: {  	_ =	swait.ge @!p0 [sflag:s0], s1  }
0xbe: {  	s1 =	ssub.s32 @!p0 $0x0, s1;
	[sflag:s0] =	ssyncset.done @!p0 $0x0  }
0xbf: {  	[sflag:s0] =	ssyncadd.s32 @!p0 s1  }
0xc0: {  	[bflag:$0x3] =	sbarrier.arrive $0xFFFF  }
0xc1: {  	_ =	shalt  }

// kernel: kernel.16.cloned.1.call-start
scs
__scs_entry_jumppad:
0x0: {  	(pc) =	sbr.rel $0x88, $3  }
0x1: {  	(tag) =	ssettag $0x0;
	lr =	simm.s32 $0x1  }
0x2: {  	[smem:$0x3F93] =	sst lr;
	_ =	strace $0xD0000000  }
0x3: {  	_ = 	snop  }
0x4: {  	_ = 	snop  }
0x5: {  	_ = 	snop  }
0x6: {  	_ = 	snop  }
0x7: {  	_ = 	snop  }
__scs_overlays_trampoline_lowered:
0x8: {  	[smem:$0x3FA2] =	sst s0  }
0x9: {  	[smem:$0x3FA3] =	sst s1  }
0xa: {  	[smem:$0x3FA4] =	sst s2  }
0xb: {  	[smem:$0x3FA5] =	sst s3  }
0xc: {  	[smem:$0x3FA6] =	sst s4  }
0xd: {  	[smem:$0x3FA7] =	sst s5  }
0xe: {  	[smem:$0x3FA8] =	sst s6  }
0xf: {  	[smem:$0x3FA9] =	sst s7  }
0x10: {  	[smem:$0x3FAA] =	sst s8  }
0x11: {  	[smem:$0x3FAB] =	sst s9;
	s0 =	simm.s32 @!p0 $0x0  }
0x12: {  	s1 =	sld [smem:$0x3F91];
	s0 =	simm.s32 @p0 $0x1  }
0x13: {  	[smem:$0x3FAC] =	sst s0;
	s0 =	simm.s32 @!p1 $0x0  }
0x14: {  	s2 =	sld [smem:$0x3F90];
	s0 =	simm.s32 @p1 $0x1  }
0x15: {  	[smem:$0x3FAD] =	sst s0;
	s0 =	simm.s32 @!p2 $0x0  }
0x16: {  	s3 =	sld [smem:$0x3FDB];
	s0 =	simm.s32 @p2 $0x1  }
0x17: {  	s4 =	simm.s32 $0x1BF5;
	[smem:$0x3FAF] =	sst s0  }
0x18: {  	s0 =	sld [smem:$0x3F92];
	_ =	swait.ge [sflag:s4], $0x0  }
0x19: {  	s7 =	sld [smem:$0x3F93]  }
0x1a: {  	s8 =	sadd.s32 $0xFFFFE003, lr  }
0x1b: {  	s9 =	sadd.s32 $0xFFFFFEF7, lr;
	s5 =	simm.s32 $0xFFFFFFFF;
	p2 =	slt.u32 s8, $0xFFFFF086  }
0x1c: {  	p1 =	slt.u32 s9, $0xF7A;
	s5 =	simm.s32 @!p2 $0x0  }
0x1d: {  	s5 =	simm.s32 @p1 $0x1;
	p0 =	seq.s32 s7, s2  }
0x1e: {  	s7 =	smul.u32 @!p0 $0xF7A, s2;
	p2 =	seq.s32 @!p0 s5, $0x0  }
0x1f: {  	s9 =	smul.u32 $0xF7A, s1;
	s8 =	simm.s32 @!p0 $0x1BF5;
	p2 =	por !p2, p0  }
0x20: {  	[sflag:s8] =	ssyncset.s32 @!p0 $0xFFFFF086;
	s6 =	sadd.s32 @!p0 s3, s7;
	s7 =	simm.s32 @!p0 $0x108  }
0x21: {  	s3 =	sadd.s32 s3, s9;
	s6 =	sadd.s32 @!p0 $0x88, s6;
	s7 =	simm.s32 @p2 $0x1082  }
0x22: {  	[simem:s7], [sflag:s8] =	dma.local @!p0 [hbm:s6], $0xF7A  }
0x23: {  	s9 =	sor.u32 $0xD0000000, s2;
	s6 =	simm.s32 $0x108;
	_ =	swait.ge @!p0 [sflag:s8], $0x0  }
0x24: {  	s3 =	sadd.s32 $0x88, s3;
	s6 =	simm.s32 @!p1 $0x1082;
	[sflag:s4] =	ssyncset.s32 $0xFFFFF086  }
0x25: {  	[simem:s6], [sflag:s4] =	dma.local [hbm:s3], $0xF7A  }
0x26: {  	[smem:$0x3F93] =	sst s1;
	(tag) =	ssettag s2;
	_ =	strace s9  }
0x27: {  	s1 =	sld [smem:$0x3FA3]  }
0x28: {  	s2 =	sld [smem:$0x3FA4]  }
0x29: {  	s4 =	sld [smem:$0x3FA6]  }
0x2a: {  	p0 =	seq.s32 s5, $0x0;
	s5 =	sld [smem:$0x3FA7]  }
0x2b: {  	s6 =	sld [smem:$0x3FA8]  }
0x2c: {  	s7 =	sld [smem:$0x3FA9]  }
0x2d: {  	s3 =	simm.s32 $0x108;
	s8 =	sld [smem:$0x3FAA]  }
0x2e: {  	s3 =	simm.s32 @!p0 $0x1082;
	s9 =	sld [smem:$0x3FAB]  }
0x2f: {  	lr =	sadd.s32 s0, s3;
	s0 =	sld [smem:$0x3FA2]  }
0x30: {  	s3 =	sld [smem:$0x3FA5]  }
0x31: {  	[smem:$0x3FAE] =	sst s10  }
0x32: {  	s10 =	sld [smem:$0x3FAC];
	_ =	sdelay $0x3  }
0x33: {  	p0 =	seq.s32 s10, $0x1;
	s10 =	sld [smem:$0x3FAE];
	_ =	sdelay $0x3  }
0x34: {  	[smem:$0x3FAE] =	sst s10  }
0x35: {  	s10 =	sld [smem:$0x3FAD];
	_ =	sdelay $0x3  }
0x36: {  	p1 =	seq.s32 s10, $0x1;
	s10 =	sld [smem:$0x3FAE];
	_ =	sdelay $0x3  }
0x37: {  	[smem:$0x3FAE] =	sst s10  }
0x38: {  	s10 =	sld [smem:$0x3FAF]  }
0x39: {  	_ = 	snop;
	(pc) =	sbr.ind lr, $3  }
0x3a: {  	_ = 	snop  }
0x3b: {  	_ = 	snop  }
0x3c: {  	p2 =	seq.s32 s10, $0x1;
	s10 =	sld [smem:$0x3FAE]  }
0x3d: {  	_ =	shalt  }
0x3e: {  	_ =	shalt  }
0x3f: {  	_ =	shalt  }
0x40: {  	_ =	shalt  }
0x41: {  	_ =	shalt  }
0x42: {  	_ =	shalt  }
0x43: {  	_ =	shalt  }
0x44: {  	_ =	shalt  }
0x45: {  	_ =	shalt  }
0x46: {  	_ =	shalt  }
0x47: {  	_ =	shalt  }
0x48: {  	_ =	shalt  }
0x49: {  	_ =	shalt  }
0x4a: {  	_ =	shalt  }
0x4b: {  	_ =	shalt  }
0x4c: {  	_ =	shalt  }
0x4d: {  	_ =	shalt  }
0x4e: {  	_ =	shalt  }
0x4f: {  	_ =	shalt  }
0x50: {  	_ =	shalt  }
0x51: {  	_ =	shalt  }
0x52: {  	_ =	shalt  }
0x53: {  	_ =	shalt  }
0x54: {  	_ =	shalt  }
0x55: {  	_ =	shalt  }
0x56: {  	_ =	shalt  }
0x57: {  	_ =	shalt  }
0x58: {  	_ =	shalt  }
0x59: {  	_ =	shalt  }
0x5a: {  	_ =	shalt  }
0x5b: {  	_ =	shalt  }
0x5c: {  	_ =	shalt  }
0x5d: {  	_ =	shalt  }
0x5e: {  	_ =	shalt  }
0x5f: {  	_ =	shalt  }
0x60: {  	_ =	shalt  }
0x61: {  	_ =	shalt  }
0x62: {  	_ =	shalt  }
0x63: {  	_ =	shalt  }
0x64: {  	_ =	shalt  }
0x65: {  	_ =	shalt  }
0x66: {  	_ =	shalt  }
0x67: {  	_ =	shalt  }
0x68: {  	_ =	shalt  }
0x69: {  	_ =	shalt  }
0x6a: {  	_ =	shalt  }
0x6b: {  	_ =	shalt  }
0x6c: {  	_ =	shalt  }
0x6d: {  	_ =	shalt  }
0x6e: {  	_ =	shalt  }
0x6f: {  	_ =	shalt  }
0x70: {  	_ =	shalt  }
0x71: {  	_ =	shalt  }
0x72: {  	_ =	shalt  }
0x73: {  	_ =	shalt  }
0x74: {  	_ =	shalt  }
0x75: {  	_ =	shalt  }
0x76: {  	_ =	shalt  }
0x77: {  	_ =	shalt  }
0x78: {  	_ =	shalt  }
0x79: {  	_ =	shalt  }
0x7a: {  	_ =	shalt  }
0x7b: {  	_ =	shalt  }
0x7c: {  	_ =	shalt  }
0x7d: {  	_ =	shalt  }
0x7e: {  	_ =	shalt  }
0x7f: {  	_ =	shalt  }
0x80: {  	_ =	shalt  }
0x81: {  	_ =	shalt  }
0x82: {  	_ =	shalt  }
0x83: {  	_ =	shalt  }
0x84: {  	_ =	shalt  }
0x85: {  	_ =	shalt  }
0x86: {  	_ =	shalt  }
0x87: {  	_ =	shalt  }
.Lfunc_end0:
.L_simem_size_0:
called_computation.1_lowered:
.L_overlay_start_0:
0x88: {  	s2 =	sld [smem:$0x3FD9]  }
0x89: {  	s3 =	sld [smem:$0x3FFE];
	_ =	sdelay $0x1  }
0x8a: {  	s1 =	srdreg.scid  }
0x8b: {  	s0 =	sand.u32 $0x1, s1  }
0x8c: {  	s16 =	sshll.u32 s0, $0xA;
	s2 =	sadd.s32 s3, s2  }
0x8d: {  	s2 =	sadd.s32 s2, s16  }
0x8e: {  	[smem:$0x3FBA] =	sst s2  }
0x8f: {  	_ = 	snop  }
0x90: {  	(tm) =	ssettm $0x1  }
0x91: {  	s17 =	sld [smem:$0x3FFB];
	_ =	sdelay $0x3  }
0x92: {  	_ =	strace s17  }
0x93: {  	s2 =	sld [smem:$0x3FFC];
	_ =	sdelay $0x3  }
0x94: {  	_ =	strace s2  }
0x95: {  	s2 =	sld [smem:$0x3FFD];
	_ =	sdelay $0x3  }
0x96: {  	_ =	strace s2  }
0x97: {  	_ =	strace $0x8FFFFFFF  }
0x98: {  	s18 =	sld [smem:$0x3FDB];
	_ =	sdelay $0x1  }
0x99: {  	s19 =	simm.s32 $_scs_section_size  }
0x9a: {  	s4 =	simm.s32 $_size__tile_overlayer_lowered;
	s5 =	simm.s32 $_tile_overlayer_lowered  }
0x9b: {  	s22 =	simm.s32 $0x1BFF;
	s21 =	sshll.u32 s5, $0x1;
	s2 =	sadd.s32 s19, s18  }
0x9c: {  	s6 =	simm.s32 $0x0;
	s20 =	sshll.u32 s4, $0x1;
	s4 =	sadd.s32 s21, s2  }
0x9d: {  	[timem:s6], [sflag:s22] =	dma.local [hbm:s4], s20  }
0x9e: {  	_ =	swait.ge [sflag:s22], s20  }
0x9f: {  	s3 =	ssub.s32 $0x0, s20;
	[sflag:s22] =	ssyncset.done $0x0  }
0xa0: {  	[sflag:s22] =	ssyncadd.s32 s3;
	_ =	sdelay $0x1  }
0xa1: {  	s23 =	simm.s32 $0x1B8B  }
0xa2: {  	_ =	swait.ge [sflag:s23], $0x1  }
0xa3: {  	[sflag:s23] =	ssyncset.done $0x0  }
0xa4: {  	s25 =	simm.s32 $0x1B8E;
	s24 =	sld [smem:$0x3FFE];
	[sflag:s23] =	ssyncadd.s32 $0xFFFFFFFF  }
0xa5: {  	s26 =	simm.s32 $execute0_lowered;
	[smem:$0x3FD2] =	sst s25  }
0xa6: {  	s4 =	sshll.u32 s26, $0x1;
	_ =	strace $0x80000046;
	[dreg:$0x1] =	wrdreg $0xFFFFFFFF  }
0xa7: {  	s28 =	simm.s32 $_size_execute0_lowered;
	s2 =	sadd.s32 s2, s4;
	[dreg:$0x0] =	wrdreg $0x0  }
0xa8: {  	s4 =	sshll.u32 s28, $0x1;
	[dreg:$0x2] =	wrdreg s2  }
0xa9: {  	[dreg:$0x3] =	wrdreg s4  }
0xaa: {  	[dreg:$0x4] =	wrdreg $0xC0  }
0xab: {  	_ =	task [dreg:s6], $0x5FFFF  }
0xac: {  	[dreg:$0x1] =	wrdreg $0xFFFFFFFF  }
0xad: {  	[dreg:$0x0] =	wrdreg $0x60  }
0xae: {  	[dreg:$0x2] =	wrdreg s24  }
0xaf: {  	[dreg:$0x3] =	wrdreg $0x0  }
0xb0: {  	[dreg:$0x4] =	wrdreg $0xA  }
0xb1: {  	_ =	task.clear_ibuf [dreg:s6], $0x5FFFF;
	_ =	strace $0x90000046  }
0xb2: {  	s29 =	simm.s32 $0xA;
	_ =	strace $0x80000048  }
0xb3: {  	_ =	swait.ge [sflag:s29], $0x1  }
0xb4: {  	[sflag:s29] =	ssyncadd.s32 $0xFFFFFFFF  }
0xb5: {  	_ =	strace $0x90000048  }
0xb6: {  	_ =	sfence  }
0xb7: {  	s30 =	sld [smem:$0x0];
	_ =	sdelay $0x2  }
0xb8: {  	s31 =	sshll.u32 s1, $0xD;
	s1 =	sshrl.u32 s1, $0x2  }
0xb9: {  	s3 =	sand.u32 $0x4000, s31;
	s1 =	sadd.s32 s1, s30  }
0xba: {  	s0 =	sor.u32 s3, s0;
	s1 =	sshll.u32 s1, $0x11  }
0xbb: {  	s0 =	sor.u32 s1, s0  }
0xbc: {  	s0 =	sadd.s32 $0x8F2B, s0  }
0xbd: {  	[sflag:s0] =	ssyncadd.remote.s32 $0x1  }
0xbe: {  	_ =	sfence.sel $0xFFFF  }
0xbf: {  	[dreg:$0x0] =	wrdreg $0xFFFFFFFF;
	(pc) =	sbr.abs _section_cstart, $3  }
0xc0: {  	[dreg:$0x1] =	wrdreg $0xFFFFFFFF  }
0xc1: {  	_ =	task.clear_ibuf [dreg:s6], $0x2FFFF;
	_ =	strace $0x9FFFFFFF  }
0xc2: {  	(tm) =	ssettm $0x7FFFFFFF  }
0xc3: {  	_ =	shalt  }
tec
execute0_lowered:
.L_overlay_start_1:
0x0: {  	(tag) =	ssettag $0x1  }
0x1: {  	s7 =	rddreg [dreg:$0x0]  }
0x2: {  	s0 =	srdreg.scid;
	s2 =	rddreg [dreg:$0x1];
	s3 =	simm.s32 $0x0  }
0x3: {  	s13 =	simm.s32 $0x13880;
	s14 =	simm.s32 $0x7D;
	s6 =	sand.u32 $0x1, s0  }
0x4: {  	s15 =	simm.s32 $0x0;
	s0 =	stileid.u32;
	s5 =	smul.u32 $0x13C000, s6  }
0x5: {  	[smem:$0x7FF] =	sst s3;
	s1 =	sshll.u32 s6, $0x4;
	s8 =	smul.u32 $0x13C00, s0  }
0x6: {  	s10 =	smul.u32 $0x4E200, s0;
	s6 =	ssub.s32 $0x2, s6;
	s1 =	sor.u32 s0, s1  }
0x7: {  	s11 =	sshll.u32 s0, $0x6;
	s31 =	sshrl.u32 s6, $0x1;
	s4 =	smul.u32 $0x500, s1  }
0x8: {  	s1 =	rddreg [dreg:$0x2];
	_ =	strace $0x80000047;
	s5 =	sadd.s32 s8, s5  }
0x9: {  	s10 =	sshrl.u32 s10, $0x2;
	s12 =	ssub.s32 s6, s31;
	s6 =	sor.u32 $0x1C01, s11  }
0xa: {  	s11 =	simm.s32 $0x1;
	s8 =	sshrl.u32 s5, $0x3;
	s5 =	sadd.s32 $0xDC00, s7  }
0xb: {  	s10 =	sadd.s32 s10, s2;
	s9 =	sadd.s32 s4, s7;
	s4 =	sadd.s32 $0x10400, s7  }
0xc: {  	s8 =	sadd.s32 s8, s7;
	s10 =	sshrl.u32 s10, $0x3;
	s7 =	sadd.s32 $0x3C00, s9  }
0xd: {  	s8 =	sadd.s32 $0x10C00, s8;
	s9 =	smax.u32 s12, $0x1;
	s12 =	simm.s32 $0x16080  }
.LBB2_1:
0xe: {  	[spmem:s10], [sflag:s6] =	dma.local [hbm:s5], $0x2710  }
0xf: {  	_ =	swait.ge [sflag:s11], $0x2710  }
0x10: {  	[sflag:s11] =	ssyncset.done $0x0  }
0x11: {  	[sflag:s11] =	ssyncadd.s32 $0xFFFFD8F0  }
0x12: {  	[tilespmem:s12], [sflag:$0x1] =	stream.linear.gather [hbm4b:s4+s3], $0x3E80, $0x38;
	[tilespmem:$0x1A080] =	vst v63  }
0x13: {  	_ =	swait.ge [sflag:s11], $0x3E80  }
0x14: {  	[sflag:s11] =	ssyncset.done $0x0  }
0x15: {  	[sflag:s11] =	ssyncadd.s32 $0xFFFFC180  }
0x16: {  	[tilespmem:s13], [sflag:$0x1] =	stream.linear.gather [hbm4b:s7+s3], $0x2800, $0x38;
	[tilespmem:$0x1A080] =	vst v63  }
0x17: {  	_ =	swait.ge [sflag:s11], $0x2800  }
0x18: {  	[sflag:s11] =	ssyncset.done $0x0  }
0x19: {  	[sflag:s11] =	ssyncadd.s32 $0xFFFFD800  }
0x1a: {  	s16 =	simm.s32 $0x13880;
	[bflag:$0x0] =	sbarrier.arrive $0xFFFF  }
0x1b: {  	[spmem:s2] =	stream.indirect.scatter.add.f32 [tilespmem:s12], [sflag:$0x1], $0x80, s16, s14, $0xb8;
	[tilespmem:$0x1A080] =	vst v63  }
0x1c: {  	s16 =	simm.s32 $0x200;
	_ =	swait.ge [sflag:s11], $0x3E80  }
.LBB2_2:
0x1d: {  	s17 =	sshra.s32 s16, $0x2;
	[sflag:s11] =	ssyncset.done $0x0;
	p0 =	sne.s32 s16, $0x9E00  }
.Ltmp0:
0x1e: {  	s17 =	sadd.s32 $0x13880, s17;
	[sflag:s11] =	ssyncadd.s32 $0xFFFFC180;
	(pc) =	sbr.rel @p0 .LBB2_2-.Ltmp0, $3  }
0x1f: {  	[spmem:s2] =	stream.indirect.scatter.add.f32 [tilespmem:s12], [sflag:$0x1], $0x80, s17, s14, $0xb8;
	[tilespmem:$0x1A080] =	vst v63  }
0x20: {  	s16 =	sadd.s32 $0x200, s16;
	_ =	sdelay $0x1  }
0x21: {  	_ =	swait.ge [sflag:s11], $0x3E80  }
0x22: {  	[sflag:s11] =	ssyncset.done $0x0;
	s15 =	sadd.s32 $0x1, s15  }
0x23: {  	[sflag:s11] =	ssyncadd.s32 $0xFFFFC180;
	p0 =	sne.s32 s15, s9  }
.Ltmp1:
0x24: {  	[bflag:$0x0] =	sbarrier.arrive $0xFFFF;
	(pc) =	sbr.rel @p0 .LBB2_1-.Ltmp1, $4  }
0x25: {  	[hbm:s8], [sflag:s6] =	dma.local [spmem:s10], $0x2710  }
0x26: {  	_ =	swait.ge [sflag:s11], $0x2710  }
0x27: {  	[sflag:s11] =	ssyncset.done $0x0  }
0x28: {  	[sflag:s11] =	ssyncadd.s32 $0xFFFFD8F0  }
0x29: {  	_ =	sfence.sel $0x180000  }
0x2a: {  	[bflag:$0x0] =	sbarrier.arrive $0xFFFF  }
0x2b: {  	p0 =	sne.s32 s0, $0x0;
	_ =	strace $0x90000047  }
0x2c: {  	s0 =	sadd.s32 @!p0 $0x100000, s1;
	[bflag:$0x2] =	sbarrier.arrive $0xFFFF  }
0x2d: {  	[sflag:s0] =	ssyncadd.tile.s32 @!p0 $0x1;
	_ =	shalt  }
.Lfunc_end2:
_tile_overlayer_lowered:
.L_overlay_start_2:
0x2e: {  	(tag) =	ssettag $0x2  }
0x2f: {  	s0 =	rddreg [dreg:$0x0];
	s2 =	stileid.u32  }
0x30: {  	s1 =	rddreg [dreg:$0x1];
	p0 =	sne.s32 s2, $0x0  }
0x31: {  	s3 =	rddreg [dreg:$0x2];
	[bflag:$0x3] =	sbarrier.arrive $0xFFFF;
	s2 =	simm.s32 @!p0 $0x1C01  }
0x32: {  	[timem:s3], [sflag:s2] =	dma.local @!p0 [hbm:s0], s1  }
0x33: {  	s0 =	simm.s32 @!p0 $0x1  }
0x34: {  	_ =	swait.ge @!p0 [sflag:s0], s1  }
0x35: {  	s1 =	ssub.s32 @!p0 $0x0, s1;
	[sflag:s0] =	ssyncset.done @!p0 $0x0  }
0x36: {  	[sflag:s0] =	ssyncadd.s32 @!p0 s1  }
0x37: {  	[bflag:$0x3] =	sbarrier.arrive $0xFFFF  }
0x38: {  	_ =	shalt  }

// kernel: kernel.19.cloned.1.call-start
scs
__scs_entry_jumppad:
0x0: {  	(pc) =	sbr.rel $0x88, $3  }
0x1: {  	(tag) =	ssettag $0x0;
	lr =	simm.s32 $0x1  }
0x2: {  	[smem:$0x3F93] =	sst lr;
	_ =	strace $0xD0000000  }
0x3: {  	_ = 	snop  }
0x4: {  	_ = 	snop  }
0x5: {  	_ = 	snop  }
0x6: {  	_ = 	snop  }
0x7: {  	_ = 	snop  }
__scs_overlays_trampoline_lowered:
0x8: {  	[smem:$0x3FA2] =	sst s0  }
0x9: {  	[smem:$0x3FA3] =	sst s1  }
0xa: {  	[smem:$0x3FA4] =	sst s2  }
0xb: {  	[smem:$0x3FA5] =	sst s3  }
0xc: {  	[smem:$0x3FA6] =	sst s4  }
0xd: {  	[smem:$0x3FA7] =	sst s5  }
0xe: {  	[smem:$0x3FA8] =	sst s6  }
0xf: {  	[smem:$0x3FA9] =	sst s7  }
0x10: {  	[smem:$0x3FAA] =	sst s8  }
0x11: {  	[smem:$0x3FAB] =	sst s9;
	s0 =	simm.s32 @!p0 $0x0  }
0x12: {  	s1 =	sld [smem:$0x3F91];
	s0 =	simm.s32 @p0 $0x1  }
0x13: {  	[smem:$0x3FAC] =	sst s0;
	s0 =	simm.s32 @!p1 $0x0  }
0x14: {  	s2 =	sld [smem:$0x3F90];
	s0 =	simm.s32 @p1 $0x1  }
0x15: {  	[smem:$0x3FAD] =	sst s0;
	s0 =	simm.s32 @!p2 $0x0  }
0x16: {  	s3 =	sld [smem:$0x3FDB];
	s0 =	simm.s32 @p2 $0x1  }
0x17: {  	s4 =	simm.s32 $0x1BF5;
	[smem:$0x3FAF] =	sst s0  }
0x18: {  	s0 =	sld [smem:$0x3F92];
	_ =	swait.ge [sflag:s4], $0x0  }
0x19: {  	s7 =	sld [smem:$0x3F93]  }
0x1a: {  	s8 =	sadd.s32 $0xFFFFE003, lr  }
0x1b: {  	s9 =	sadd.s32 $0xFFFFFEF7, lr;
	s5 =	simm.s32 $0xFFFFFFFF;
	p2 =	slt.u32 s8, $0xFFFFF086  }
0x1c: {  	p1 =	slt.u32 s9, $0xF7A;
	s5 =	simm.s32 @!p2 $0x0  }
0x1d: {  	s5 =	simm.s32 @p1 $0x1;
	p0 =	seq.s32 s7, s2  }
0x1e: {  	s7 =	smul.u32 @!p0 $0xF7A, s2;
	p2 =	seq.s32 @!p0 s5, $0x0  }
0x1f: {  	s9 =	smul.u32 $0xF7A, s1;
	s8 =	simm.s32 @!p0 $0x1BF5;
	p2 =	por !p2, p0  }
0x20: {  	[sflag:s8] =	ssyncset.s32 @!p0 $0xFFFFF086;
	s6 =	sadd.s32 @!p0 s3, s7;
	s7 =	simm.s32 @!p0 $0x108  }
0x21: {  	s3 =	sadd.s32 s3, s9;
	s6 =	sadd.s32 @!p0 $0x88, s6;
	s7 =	simm.s32 @p2 $0x1082  }
0x22: {  	[simem:s7], [sflag:s8] =	dma.local @!p0 [hbm:s6], $0xF7A  }
0x23: {  	s9 =	sor.u32 $0xD0000000, s2;
	s6 =	simm.s32 $0x108;
	_ =	swait.ge @!p0 [sflag:s8], $0x0  }
0x24: {  	s3 =	sadd.s32 $0x88, s3;
	s6 =	simm.s32 @!p1 $0x1082;
	[sflag:s4] =	ssyncset.s32 $0xFFFFF086  }
0x25: {  	[simem:s6], [sflag:s4] =	dma.local [hbm:s3], $0xF7A  }
0x26: {  	[smem:$0x3F93] =	sst s1;
	(tag) =	ssettag s2;
	_ =	strace s9  }
0x27: {  	s1 =	sld [smem:$0x3FA3]  }
0x28: {  	s2 =	sld [smem:$0x3FA4]  }
0x29: {  	s4 =	sld [smem:$0x3FA6]  }
0x2a: {  	p0 =	seq.s32 s5, $0x0;
	s5 =	sld [smem:$0x3FA7]  }
0x2b: {  	s6 =	sld [smem:$0x3FA8]  }
0x2c: {  	s7 =	sld [smem:$0x3FA9]  }
0x2d: {  	s3 =	simm.s32 $0x108;
	s8 =	sld [smem:$0x3FAA]  }
0x2e: {  	s3 =	simm.s32 @!p0 $0x1082;
	s9 =	sld [smem:$0x3FAB]  }
0x2f: {  	lr =	sadd.s32 s0, s3;
	s0 =	sld [smem:$0x3FA2]  }
0x30: {  	s3 =	sld [smem:$0x3FA5]  }
0x31: {  	[smem:$0x3FAE] =	sst s10  }
0x32: {  	s10 =	sld [smem:$0x3FAC];
	_ =	sdelay $0x3  }
0x33: {  	p0 =	seq.s32 s10, $0x1;
	s10 =	sld [smem:$0x3FAE];
	_ =	sdelay $0x3  }
0x34: {  	[smem:$0x3FAE] =	sst s10  }
0x35: {  	s10 =	sld [smem:$0x3FAD];
	_ =	sdelay $0x3  }
0x36: {  	p1 =	seq.s32 s10, $0x1;
	s10 =	sld [smem:$0x3FAE];
	_ =	sdelay $0x3  }
0x37: {  	[smem:$0x3FAE] =	sst s10  }
0x38: {  	s10 =	sld [smem:$0x3FAF]  }
0x39: {  	_ = 	snop;
	(pc) =	sbr.ind lr, $3  }
0x3a: {  	_ = 	snop  }
0x3b: {  	_ = 	snop  }
0x3c: {  	p2 =	seq.s32 s10, $0x1;
	s10 =	sld [smem:$0x3FAE]  }
0x3d: {  	_ =	shalt  }
0x3e: {  	_ =	shalt  }
0x3f: {  	_ =	shalt  }
0x40: {  	_ =	shalt  }
0x41: {  	_ =	shalt  }
0x42: {  	_ =	shalt  }
0x43: {  	_ =	shalt  }
0x44: {  	_ =	shalt  }
0x45: {  	_ =	shalt  }
0x46: {  	_ =	shalt  }
0x47: {  	_ =	shalt  }
0x48: {  	_ =	shalt  }
0x49: {  	_ =	shalt  }
0x4a: {  	_ =	shalt  }
0x4b: {  	_ =	shalt  }
0x4c: {  	_ =	shalt  }
0x4d: {  	_ =	shalt  }
0x4e: {  	_ =	shalt  }
0x4f: {  	_ =	shalt  }
0x50: {  	_ =	shalt  }
0x51: {  	_ =	shalt  }
0x52: {  	_ =	shalt  }
0x53: {  	_ =	shalt  }
0x54: {  	_ =	shalt  }
0x55: {  	_ =	shalt  }
0x56: {  	_ =	shalt  }
0x57: {  	_ =	shalt  }
0x58: {  	_ =	shalt  }
0x59: {  	_ =	shalt  }
0x5a: {  	_ =	shalt  }
0x5b: {  	_ =	shalt  }
0x5c: {  	_ =	shalt  }
0x5d: {  	_ =	shalt  }
0x5e: {  	_ =	shalt  }
0x5f: {  	_ =	shalt  }
0x60: {  	_ =	shalt  }
0x61: {  	_ =	shalt  }
0x62: {  	_ =	shalt  }
0x63: {  	_ =	shalt  }
0x64: {  	_ =	shalt  }
0x65: {  	_ =	shalt  }
0x66: {  	_ =	shalt  }
0x67: {  	_ =	shalt  }
0x68: {  	_ =	shalt  }
0x69: {  	_ =	shalt  }
0x6a: {  	_ =	shalt  }
0x6b: {  	_ =	shalt  }
0x6c: {  	_ =	shalt  }
0x6d: {  	_ =	shalt  }
0x6e: {  	_ =	shalt  }
0x6f: {  	_ =	shalt  }
0x70: {  	_ =	shalt  }
0x71: {  	_ =	shalt  }
0x72: {  	_ =	shalt  }
0x73: {  	_ =	shalt  }
0x74: {  	_ =	shalt  }
0x75: {  	_ =	shalt  }
0x76: {  	_ =	shalt  }
0x77: {  	_ =	shalt  }
0x78: {  	_ =	shalt  }
0x79: {  	_ =	shalt  }
0x7a: {  	_ =	shalt  }
0x7b: {  	_ =	shalt  }
0x7c: {  	_ =	shalt  }
0x7d: {  	_ =	shalt  }
0x7e: {  	_ =	shalt  }
0x7f: {  	_ =	shalt  }
0x80: {  	_ =	shalt  }
0x81: {  	_ =	shalt  }
0x82: {  	_ =	shalt  }
0x83: {  	_ =	shalt  }
0x84: {  	_ =	shalt  }
0x85: {  	_ =	shalt  }
0x86: {  	_ =	shalt  }
0x87: {  	_ =	shalt  }
.Lfunc_end0:
.L_simem_size_0:
called_computation.2_lowered:
.L_overlay_start_0:
0x88: {  	s2 =	sld [smem:$0x3FD9]  }
0x89: {  	s3 =	sld [smem:$0x3FFE];
	_ =	sdelay $0x1  }
0x8a: {  	s1 =	srdreg.scid  }
0x8b: {  	s0 =	sand.u32 $0x1, s1  }
0x8c: {  	s17 =	sshll.u32 s0, $0xA;
	s2 =	sadd.s32 s3, s2  }
0x8d: {  	s2 =	sadd.s32 s2, s17  }
0x8e: {  	[smem:$0x3FBA] =	sst s2  }
0x8f: {  	_ = 	snop  }
0x90: {  	s2 =	sld [smem:$0x3FD0];
	(tm) =	ssettm $0x1  }
0x91: {  	s18 =	sld [smem:$0x3FFB];
	_ =	sdelay $0x3  }
0x92: {  	_ =	strace s18  }
0x93: {  	s3 =	sld [smem:$0x3FFC];
	_ =	sdelay $0x3  }
0x94: {  	_ =	strace s3  }
0x95: {  	s3 =	sld [smem:$0x3FFD];
	_ =	sdelay $0x3  }
0x96: {  	_ =	strace s3  }
0x97: {  	_ =	strace $0x8FFFFFFF  }
0x98: {  	s19 =	sld [smem:$0x3FDB];
	_ =	sdelay $0x1  }
0x99: {  	s4 =	simm.s32 $_scs_section_size  }
0x9a: {  	s5 =	simm.s32 $_size__tile_overlayer_lowered;
	s6 =	simm.s32 $_tile_overlayer_lowered  }
0x9b: {  	s22 =	simm.s32 $0x1BFF;
	s21 =	sshll.u32 s6, $0x1;
	s3 =	sadd.s32 s4, s19  }
0x9c: {  	s7 =	simm.s32 $0x0;
	s20 =	sshll.u32 s5, $0x1;
	s5 =	sadd.s32 s21, s3  }
0x9d: {  	[timem:s7], [sflag:s22] =	dma.local [hbm:s5], s20  }
0x9e: {  	_ =	swait.ge [sflag:s22], s20  }
0x9f: {  	s4 =	ssub.s32 $0x0, s20;
	[sflag:s22] =	ssyncset.done $0x0  }
0xa0: {  	[sflag:s22] =	ssyncadd.s32 s4;
	_ =	sdelay $0x1  }
0xa1: {  	s23 =	simm.s32 $0x1B8B  }
0xa2: {  	_ =	swait.ge [sflag:s23], $0x1  }
0xa3: {  	[sflag:s23] =	ssyncset.done $0x0  }
0xa4: {  	s25 =	simm.s32 $0x1B8E;
	s24 =	sld [smem:$0x3FFE];
	[sflag:s23] =	ssyncadd.s32 $0xFFFFFFFF  }
0xa5: {  	s26 =	simm.s32 $execute0_lowered;
	[smem:$0x3FD2] =	sst s25  }
0xa6: {  	s5 =	sshll.u32 s26, $0x1;
	_ =	strace $0x8000004C;
	[dreg:$0x1] =	wrdreg $0xFFFFFFFF  }
0xa7: {  	s28 =	simm.s32 $_size_execute0_lowered;
	s3 =	sadd.s32 s3, s5;
	[dreg:$0x0] =	wrdreg $0x0  }
0xa8: {  	s5 =	sshll.u32 s28, $0x1;
	[dreg:$0x2] =	wrdreg s3  }
0xa9: {  	[dreg:$0x3] =	wrdreg s5  }
0xaa: {  	[dreg:$0x4] =	wrdreg $0xC0  }
0xab: {  	_ =	task [dreg:s7], $0x5FFFF  }
0xac: {  	[dreg:$0x1] =	wrdreg $0xFFFFFFFF  }
0xad: {  	[dreg:$0x0] =	wrdreg $0x60  }
0xae: {  	[dreg:$0x2] =	wrdreg s2  }
0xaf: {  	[dreg:$0x3] =	wrdreg s24  }
0xb0: {  	[dreg:$0x4] =	wrdreg $0x0  }
0xb1: {  	[dreg:$0x5] =	wrdreg $0x9  }
0xb2: {  	_ =	task.clear_ibuf [dreg:s7], $0x6FFFF;
	_ =	strace $0x9000004C  }
0xb3: {  	s29 =	simm.s32 $0x9;
	_ =	strace $0x8000004E  }
0xb4: {  	_ =	swait.ge [sflag:s29], $0x1  }
0xb5: {  	[sflag:s29] =	ssyncadd.s32 $0xFFFFFFFF  }
0xb6: {  	_ =	strace $0x9000004E  }
0xb7: {  	_ =	sfence  }
0xb8: {  	s30 =	sld [smem:$0x0];
	_ =	sdelay $0x2  }
0xb9: {  	s31 =	sshll.u32 s1, $0xD;
	s1 =	sshrl.u32 s1, $0x2  }
0xba: {  	s3 =	sand.u32 $0x4000, s31;
	s1 =	sadd.s32 s1, s30  }
0xbb: {  	s0 =	sor.u32 s3, s0;
	s1 =	sshll.u32 s1, $0x11  }
0xbc: {  	s0 =	sor.u32 s1, s0  }
0xbd: {  	s0 =	sadd.s32 $0x8F2B, s0  }
0xbe: {  	[sflag:s0] =	ssyncadd.remote.s32 $0x1  }
0xbf: {  	_ =	sfence.sel $0xFFFF  }
0xc0: {  	[dreg:$0x0] =	wrdreg $0xFFFFFFFF;
	(pc) =	sbr.abs _section_cstart, $3  }
0xc1: {  	[dreg:$0x1] =	wrdreg $0xFFFFFFFF  }
0xc2: {  	_ =	task.clear_ibuf [dreg:s7], $0x2FFFF;
	_ =	strace $0x9FFFFFFF  }
0xc3: {  	(tm) =	ssettm $0x7FFFFFFF  }
tec
execute0_lowered:
.L_overlay_start_1:
0x0: {  	(tag) =	ssettag $0x1  }
0x1: {  	s1 =	rddreg [dreg:$0x0]  }
0x2: {  	s6 =	rddreg [dreg:$0x1]  }
0x3: {  	s2 =	rddreg [dreg:$0x2]  }
0x4: {  	s3 =	srdreg.scid;
	s0 =	rddreg [dreg:$0x3];
	s4 =	simm.s32 $0x0  }
0x5: {  	s16 =	simm.s32 $0x14C80;
	s17 =	simm.s32 $0x7D;
	s18 =	simm.s32 $0x16080  }
0x6: {  	s19 =	simm.s32 $0x1A080;
	s20 =	simm.s32 $0x1;
	s21 =	simm.s32 $0x2  }
0x7: {  	s22 =	simm.s32 $0x14C00;
	s23 =	simm.s32 $0x15F80;
	s24 =	simm.s32 $0x16000  }
0x8: {  	s25 =	simm.s32 $0x0;
	s7 =	sand.u32 $0x1, s3;
	s3 =	stileid.u32  }
0x9: {  	[smem:$0x7FF] =	sst s4;
	s9 =	sadd.s32 $0x5FC00, s6;
	s5 =	smul.u32 $0x13C000, s7  }
0xa: {  	s10 =	sadd.s32 $0x3C00, s6;
	s8 =	smul.u32 $0x13C00, s3;
	_ =	strace $0x8000004D  }
0xb: {  	s11 =	sshll.u32 s7, $0x4;
	s7 =	ssub.s32 $0x2, s7;
	s12 =	smul.u32 $0x4E200, s3  }
0xc: {  	s30 =	sshll.u32 s3, $0x6;
	s11 =	sor.u32 s3, s11;
	s26 =	sshrl.u32 s7, $0x1  }
0xd: {  	s8 =	sadd.s32 s8, s5;
	s5 =	sadd.s32 $0xDC00, s6;
	s28 =	smul.u32 $0x2800, s11  }
0xe: {  	s14 =	ssub.s32 s7, s26;
	s29 =	sshrl.u32 s12, $0x2;
	s11 =	smul.u32 $0x500, s11  }
0xf: {  	s8 =	sshrl.u32 s8, $0x3;
	s15 =	sadd.s32 s29, s2;
	s12 =	smax.u32 s14, $0x1  }
0x10: {  	s14 =	simm.s32 $0x3;
	s13 =	sadd.s32 s8, s6;
	s8 =	sshrl.u32 s28, $0x3  }
0x11: {  	s6 =	sor.u32 $0x1C03, s30;
	s7 =	sadd.s32 s9, s11;
	s31 =	sadd.s32 $0x280, s8  }
0x12: {  	s8 =	sadd.s32 s10, s11;
	s11 =	sadd.s32 $0x10400, s13;
	s13 =	sshrl.u32 s15, $0x3  }
0x13: {  	s15 =	simm.s32 $0x13880;
	s9 =	sadd.s32 s9, s31;
	s10 =	sadd.s32 s10, s31  }
.LBB2_1:
0x14: {  	[spmem:s13], [sflag:s6] =	dma.local [hbm:s5], $0x2710  }
0x15: {  	_ =	swait.ge [sflag:s14], $0x2710  }
0x16: {  	[sflag:s14] =	ssyncset.done $0x0  }
0x17: {  	[sflag:s14] =	ssyncadd.s32 $0xFFFFD8F0  }
0x18: {  	[bflag:$0x0] =	sbarrier.arrive $0xFFFF  }
0x19: {  	[tilespmem:s15], [sflag:$0x3] =	stream.linear.gather [hbm4b:s7+s4], $0x1400, $0x38;
	[tilespmem:$0x1E080] =	vst v63  }
0x1a: {  	_ =	swait.ge [sflag:s14], $0x1400  }
0x1b: {  	[sflag:s14] =	ssyncset.done $0x0  }
0x1c: {  	[sflag:s14] =	ssyncadd.s32 $0xFFFFEC00  }
0x1d: {  	[tilespmem:s16], [sflag:$0x3] =	stream.linear.gather [hbm4b:s8+s4], $0x1400, $0x38;
	[tilespmem:$0x1E080] =	vst v63  }
0x1e: {  	_ =	swait.ge [sflag:s14], $0x1400  }
0x1f: {  	[sflag:s14] =	ssyncset.done $0x0  }
0x20: {  	[sflag:s14] =	ssyncadd.s32 $0xFFFFEC00  }
0x21: {  	[tilespmem:s18], [sflag:$0x1] =	stream.indirect.gather [hbm4b:s1+s17], $0x80, s15, s17, $0xb8;
	[tilespmem:$0x1E080] =	vst v63  }
0x22: {  	s26 =	simm.s32 $0x13900  }
0x23: {  	[tilespmem:s19], [sflag:$0x2] =	stream.indirect.gather [hbm4b:s1+s17], $0x80, s26, s17, $0xb8;
	[tilespmem:$0x1E080] =	vst v63  }
0x24: {  	_ =	swait.ge [sflag:s20], $0x3E80  }
0x25: {  	[sflag:s20] =	ssyncset.done $0x0  }
0x26: {  	s29 =	simm.s32 $0x14C80;
	[sflag:s20] =	ssyncadd.s32 $0xFFFFC180  }
0x27: {  	[spmem:s2] =	stream.indirect.scatter.add.f32 [tilespmem:s18], [sflag:$0x3], $0x80, s29, s17, $0xb8;
	[tilespmem:$0x1E080] =	vst v63  }
0x28: {  	_ =	swait.ge [sflag:s14], $0x3E80  }
0x29: {  	[sflag:s14] =	ssyncset.done $0x0  }
0x2a: {  	s30 =	simm.s32 $0x13980;
	[sflag:s14] =	ssyncadd.s32 $0xFFFFC180  }
0x2b: {  	[tilespmem:s18], [sflag:$0x1] =	stream.indirect.gather [hbm4b:s1+s17], $0x80, s30, s17, $0xb8;
	[tilespmem:$0x1E080] =	vst v63  }
0x2c: {  	_ =	swait.ge [sflag:s21], $0x3E80  }
0x2d: {  	[sflag:s21] =	ssyncset.done $0x0  }
0x2e: {  	s31 =	simm.s32 $0x14D00;
	[sflag:s21] =	ssyncadd.s32 $0xFFFFC180  }
0x2f: {  	[spmem:s2] =	stream.indirect.scatter.add.f32 [tilespmem:s19], [sflag:$0x3], $0x80, s31, s17, $0xb8;
	[tilespmem:$0x1E080] =	vst v63  }
0x30: {  	_ =	swait.ge [sflag:s14], $0x3E80  }
0x31: {  	s28 =	simm.s32 $0x800;
	s26 =	simm.s32 $0x100;
	[sflag:s14] =	ssyncset.done $0x0  }
.LBB2_2:
0x32: {  	s29 =	sadd.s32 $0x13900, s26  }
0x33: {  	[sflag:s14] =	ssyncadd.s32 $0xFFFFC180;
	s30 =	smov.u32 s28;
	s31 =	sadd.s32 $0x400, s28  }
0x34: {  	[tilespmem:s19], [sflag:$0x2] =	stream.indirect.gather [hbm4b:s1+s17], $0x80, s29, s17, $0xb8;
	[tilespmem:$0x1E080] =	vst v63  }
0x35: {  	p0 =	sne.s32 s28, $0x4800;
	_ =	swait.ge [sflag:s20], $0x3E80  }
0x36: {  	[sflag:s20] =	ssyncset.done $0x0  }
0x37: {  	s28 =	sadd.s32 $0x14C80, s26;
	[sflag:s20] =	ssyncadd.s32 $0xFFFFC180  }
0x38: {  	[spmem:s2] =	stream.indirect.scatter.add.f32 [tilespmem:s18], [sflag:$0x3], $0x80, s28, s17, $0xb8;
	[tilespmem:$0x1E080] =	vst v63  }
0x39: {  	_ =	swait.ge [sflag:s14], $0x3E80  }
0x3a: {  	[sflag:s14] =	ssyncset.done $0x0  }
0x3b: {  	s28 =	sadd.s32 $0x13980, s26;
	[sflag:s14] =	ssyncadd.s32 $0xFFFFC180  }
0x3c: {  	[tilespmem:s18], [sflag:$0x1] =	stream.indirect.gather [hbm4b:s1+s17], $0x80, s28, s17, $0xb8;
	[tilespmem:$0x1E080] =	vst v63  }
0x3d: {  	_ =	swait.ge [sflag:s21], $0x3E80  }
.Ltmp0:
0x3e: {  	[sflag:s21] =	ssyncset.done $0x0;
	(pc) =	sbr.rel @p0 .LBB2_2-.Ltmp0, $4  }
0x3f: {  	s26 =	sadd.s32 $0x14D00, s26;
	[sflag:s21] =	ssyncadd.s32 $0xFFFFC180  }
0x40: {  	[spmem:s2] =	stream.indirect.scatter.add.f32 [tilespmem:s19], [sflag:$0x3], $0x80, s26, s17, $0xb8;
	[tilespmem:$0x1E080] =	vst v63  }
0x41: {  	_ =	swait.ge [sflag:s14], $0x3E80  }
0x42: {  	s28 =	smov.u32 s31;
	s26 =	sshra.s32 s30, $0x2;
	[sflag:s14] =	ssyncset.done $0x0  }
0x43: {  	s28 =	sadd.s32 $0x13900, s26;
	[sflag:s14] =	ssyncadd.s32 $0xFFFFC180  }
0x44: {  	[tilespmem:s19], [sflag:$0x2] =	stream.indirect.gather [hbm4b:s1+s17], $0x80, s28, s17, $0xb8;
	[tilespmem:$0x1E080] =	vst v63  }
0x45: {  	_ =	swait.ge [sflag:s20], $0x3E80  }
0x46: {  	[sflag:s20] =	ssyncset.done $0x0  }
0x47: {  	s28 =	sadd.s32 $0x14C80, s26;
	[sflag:s20] =	ssyncadd.s32 $0xFFFFC180  }
0x48: {  	[spmem:s2] =	stream.indirect.scatter.add.f32 [tilespmem:s18], [sflag:$0x3], $0x80, s28, s17, $0xb8;
	[tilespmem:$0x1E080] =	vst v63  }
0x49: {  	_ =	swait.ge [sflag:s14], $0x3E80  }
0x4a: {  	[sflag:s14] =	ssyncset.done $0x0  }
0x4b: {  	s28 =	sadd.s32 $0x13980, s26;
	[sflag:s14] =	ssyncadd.s32 $0xFFFFC180  }
0x4c: {  	[tilespmem:s18], [sflag:$0x1] =	stream.indirect.gather [hbm4b:s1+s17], $0x80, s28, s17, $0xb8;
	[tilespmem:$0x1E080] =	vst v63  }
0x4d: {  	_ =	swait.ge [sflag:s21], $0x3E80  }
0x4e: {  	[sflag:s21] =	ssyncset.done $0x0  }
0x4f: {  	s29 =	sadd.s32 $0x14D00, s26;
	[sflag:s21] =	ssyncadd.s32 $0xFFFFC180  }
0x50: {  	[spmem:s2] =	stream.indirect.scatter.add.f32 [tilespmem:s19], [sflag:$0x3], $0x80, s29, s17, $0xb8;
	[tilespmem:$0x1E080] =	vst v63  }
0x51: {  	_ =	swait.ge [sflag:s14], $0x3E80  }
0x52: {  	[sflag:s14] =	ssyncset.done $0x0  }
0x53: {  	[sflag:s14] =	ssyncadd.s32 $0xFFFFC180  }
0x54: {  	[tilespmem:s19], [sflag:$0x2] =	stream.indirect.gather [hbm4b:s1+s17], $0x80, s22, s17, $0xb8;
	[tilespmem:$0x1E080] =	vst v63  }
0x55: {  	_ =	swait.ge [sflag:s20], $0x3E80  }
0x56: {  	[sflag:s20] =	ssyncset.done $0x0  }
0x57: {  	[sflag:s20] =	ssyncadd.s32 $0xFFFFC180  }
0x58: {  	[spmem:s2] =	stream.indirect.scatter.add.f32 [tilespmem:s18], [sflag:$0x3], $0x80, s23, s17, $0xb8;
	[tilespmem:$0x1E080] =	vst v63  }
0x59: {  	_ =	swait.ge [sflag:s14], $0x3E80  }
0x5a: {  	[sflag:s14] =	ssyncset.done $0x0  }
0x5b: {  	[sflag:s14] =	ssyncadd.s32 $0xFFFFC180  }
0x5c: {  	_ =	swait.ge [sflag:s21], $0x3E80  }
0x5d: {  	[sflag:s21] =	ssyncset.done $0x0  }
0x5e: {  	[sflag:s21] =	ssyncadd.s32 $0xFFFFC180  }
0x5f: {  	[spmem:s2] =	stream.indirect.scatter.add.f32 [tilespmem:s19], [sflag:$0x3], $0x80, s24, s17, $0xb8;
	[tilespmem:$0x1E080] =	vst v63  }
0x60: {  	_ =	swait.ge [sflag:s14], $0x3E80  }
0x61: {  	[sflag:s14] =	ssyncset.done $0x0  }
0x62: {  	s30 =	simm.s32 $0x0;
	[sflag:s14] =	ssyncadd.s32 $0xFFFFC180  }
0x63: {  	[tilespmem:s15], [sflag:$0x3] =	stream.linear.gather [hbm4b:s9+s30], $0x1400, $0x38;
	[tilespmem:$0x1E080] =	vst v63  }
0x64: {  	_ =	swait.ge [sflag:s14], $0x1400  }
0x65: {  	[sflag:s14] =	ssyncset.done $0x0  }
0x66: {  	[sflag:s14] =	ssyncadd.s32 $0xFFFFEC00  }
0x67: {  	[tilespmem:s16], [sflag:$0x3] =	stream.linear.gather [hbm4b:s10+s30], $0x1400, $0x38;
	[tilespmem:$0x1E080] =	vst v63  }
0x68: {  	_ =	swait.ge [sflag:s14], $0x1400  }
0x69: {  	[sflag:s14] =	ssyncset.done $0x0  }
0x6a: {  	[sflag:s14] =	ssyncadd.s32 $0xFFFFEC00  }
0x6b: {  	[tilespmem:s18], [sflag:$0x1] =	stream.indirect.gather [hbm4b:s1+s17], $0x80, s15, s17, $0xb8;
	[tilespmem:$0x1E080] =	vst v63  }
0x6c: {  	s31 =	simm.s32 $0x13900  }
0x6d: {  	[tilespmem:s19], [sflag:$0x2] =	stream.indirect.gather [hbm4b:s1+s17], $0x80, s31, s17, $0xb8;
	[tilespmem:$0x1E080] =	vst v63  }
0x6e: {  	_ =	swait.ge [sflag:s20], $0x3E80  }
0x6f: {  	[sflag:s20] =	ssyncset.done $0x0  }
0x70: {  	s29 =	simm.s32 $0x14C80;
	[sflag:s20] =	ssyncadd.s32 $0xFFFFC180  }
0x71: {  	[spmem:s2] =	stream.indirect.scatter.add.f32 [tilespmem:s18], [sflag:$0x3], $0x80, s29, s17, $0xb8;
	[tilespmem:$0x1E080] =	vst v63  }
0x72: {  	_ =	swait.ge [sflag:s14], $0x3E80  }
0x73: {  	[sflag:s14] =	ssyncset.done $0x0  }
0x74: {  	s30 =	simm.s32 $0x13980;
	[sflag:s14] =	ssyncadd.s32 $0xFFFFC180  }
0x75: {  	[tilespmem:s18], [sflag:$0x1] =	stream.indirect.gather [hbm4b:s1+s17], $0x80, s30, s17, $0xb8;
	[tilespmem:$0x1E080] =	vst v63  }
0x76: {  	_ =	swait.ge [sflag:s21], $0x3E80  }
0x77: {  	[sflag:s21] =	ssyncset.done $0x0  }
0x78: {  	s31 =	simm.s32 $0x14D00;
	[sflag:s21] =	ssyncadd.s32 $0xFFFFC180  }
0x79: {  	[spmem:s2] =	stream.indirect.scatter.add.f32 [tilespmem:s19], [sflag:$0x3], $0x80, s31, s17, $0xb8;
	[tilespmem:$0x1E080] =	vst v63  }
0x7a: {  	_ =	swait.ge [sflag:s14], $0x3E80  }
0x7b: {  	s26 =	simm.s32 $0x100;
	s28 =	simm.s32 $0x800;
	[sflag:s14] =	ssyncset.done $0x0  }
.LBB2_4:
0x7c: {  	s29 =	sadd.s32 $0x13900, s26  }
0x7d: {  	[sflag:s14] =	ssyncadd.s32 $0xFFFFC180;
	s30 =	smov.u32 s28;
	s31 =	sadd.s32 $0x400, s28  }
0x7e: {  	[tilespmem:s19], [sflag:$0x2] =	stream.indirect.gather [hbm4b:s1+s17], $0x80, s29, s17, $0xb8;
	[tilespmem:$0x1E080] =	vst v63  }
0x7f: {  	p0 =	sne.s32 s28, $0x4800;
	_ =	swait.ge [sflag:s20], $0x3E80  }
0x80: {  	[sflag:s20] =	ssyncset.done $0x0  }
0x81: {  	s28 =	sadd.s32 $0x14C80, s26;
	[sflag:s20] =	ssyncadd.s32 $0xFFFFC180  }
0x82: {  	[spmem:s2] =	stream.indirect.scatter.add.f32 [tilespmem:s18], [sflag:$0x3], $0x80, s28, s17, $0xb8;
	[tilespmem:$0x1E080] =	vst v63  }
0x83: {  	_ =	swait.ge [sflag:s14], $0x3E80  }
0x84: {  	[sflag:s14] =	ssyncset.done $0x0  }
0x85: {  	s28 =	sadd.s32 $0x13980, s26;
	[sflag:s14] =	ssyncadd.s32 $0xFFFFC180  }
0x86: {  	[tilespmem:s18], [sflag:$0x1] =	stream.indirect.gather [hbm4b:s1+s17], $0x80, s28, s17, $0xb8;
	[tilespmem:$0x1E080] =	vst v63  }
0x87: {  	_ =	swait.ge [sflag:s21], $0x3E80  }
.Ltmp1:
0x88: {  	[sflag:s21] =	ssyncset.done $0x0;
	(pc) =	sbr.rel @p0 .LBB2_4-.Ltmp1, $4  }
0x89: {  	s26 =	sadd.s32 $0x14D00, s26;
	[sflag:s21] =	ssyncadd.s32 $0xFFFFC180  }
0x8a: {  	[spmem:s2] =	stream.indirect.scatter.add.f32 [tilespmem:s19], [sflag:$0x3], $0x80, s26, s17, $0xb8;
	[tilespmem:$0x1E080] =	vst v63  }
0x8b: {  	_ =	swait.ge [sflag:s14], $0x3E80  }
0x8c: {  	s28 =	smov.u32 s31;
	s26 =	sshra.s32 s30, $0x2;
	[sflag:s14] =	ssyncset.done $0x0  }
0x8d: {  	s28 =	sadd.s32 $0x13900, s26;
	[sflag:s14] =	ssyncadd.s32 $0xFFFFC180  }
0x8e: {  	[tilespmem:s19], [sflag:$0x2] =	stream.indirect.gather [hbm4b:s1+s17], $0x80, s28, s17, $0xb8;
	[tilespmem:$0x1E080] =	vst v63  }
0x8f: {  	_ =	swait.ge [sflag:s20], $0x3E80  }
0x90: {  	[sflag:s20] =	ssyncset.done $0x0  }
0x91: {  	s29 =	sadd.s32 $0x14C80, s26;
	[sflag:s20] =	ssyncadd.s32 $0xFFFFC180  }
0x92: {  	[spmem:s2] =	stream.indirect.scatter.add.f32 [tilespmem:s18], [sflag:$0x3], $0x80, s29, s17, $0xb8;
	[tilespmem:$0x1E080] =	vst v63  }
0x93: {  	_ =	swait.ge [sflag:s14], $0x3E80  }
0x94: {  	[sflag:s14] =	ssyncset.done $0x0  }
0x95: {  	s30 =	sadd.s32 $0x13980, s26;
	[sflag:s14] =	ssyncadd.s32 $0xFFFFC180  }
0x96: {  	[tilespmem:s18], [sflag:$0x1] =	stream.indirect.gather [hbm4b:s1+s17], $0x80, s30, s17, $0xb8;
	[tilespmem:$0x1E080] =	vst v63  }
0x97: {  	_ =	swait.ge [sflag:s21], $0x3E80  }
0x98: {  	[sflag:s21] =	ssyncset.done $0x0  }
0x99: {  	s31 =	sadd.s32 $0x14D00, s26;
	[sflag:s21] =	ssyncadd.s32 $0xFFFFC180  }
0x9a: {  	[spmem:s2] =	stream.indirect.scatter.add.f32 [tilespmem:s19], [sflag:$0x3], $0x80, s31, s17, $0xb8;
	[tilespmem:$0x1E080] =	vst v63  }
0x9b: {  	_ =	swait.ge [sflag:s14], $0x3E80  }
0x9c: {  	[sflag:s14] =	ssyncset.done $0x0  }
0x9d: {  	[sflag:s14] =	ssyncadd.s32 $0xFFFFC180  }
0x9e: {  	[tilespmem:s19], [sflag:$0x2] =	stream.indirect.gather [hbm4b:s1+s17], $0x80, s22, s17, $0xb8;
	[tilespmem:$0x1E080] =	vst v63  }
0x9f: {  	_ =	swait.ge [sflag:s20], $0x3E80  }
0xa0: {  	[sflag:s20] =	ssyncset.done $0x0  }
0xa1: {  	[sflag:s20] =	ssyncadd.s32 $0xFFFFC180  }
0xa2: {  	[spmem:s2] =	stream.indirect.scatter.add.f32 [tilespmem:s18], [sflag:$0x3], $0x80, s23, s17, $0xb8;
	[tilespmem:$0x1E080] =	vst v63  }
0xa3: {  	_ =	swait.ge [sflag:s14], $0x3E80  }
0xa4: {  	[sflag:s14] =	ssyncset.done $0x0  }
0xa5: {  	[sflag:s14] =	ssyncadd.s32 $0xFFFFC180  }
0xa6: {  	_ =	swait.ge [sflag:s21], $0x3E80  }
0xa7: {  	[sflag:s21] =	ssyncset.done $0x0  }
0xa8: {  	[sflag:s21] =	ssyncadd.s32 $0xFFFFC180  }
0xa9: {  	[spmem:s2] =	stream.indirect.scatter.add.f32 [tilespmem:s19], [sflag:$0x3], $0x80, s24, s17, $0xb8;
	[tilespmem:$0x1E080] =	vst v63  }
0xaa: {  	_ =	swait.ge [sflag:s14], $0x3E80  }
0xab: {  	s25 =	sadd.s32 $0x1, s25;
	[sflag:s14] =	ssyncset.done $0x0  }
0xac: {  	p0 =	sne.s32 s25, s12;
	[sflag:s14] =	ssyncadd.s32 $0xFFFFC180  }
.Ltmp2:
0xad: {  	[bflag:$0x0] =	sbarrier.arrive $0xFFFF;
	(pc) =	sbr.rel @p0 .LBB2_1-.Ltmp2, $4  }
0xae: {  	[hbm:s11], [sflag:s6] =	dma.local [spmem:s13], $0x2710  }
0xaf: {  	_ =	swait.ge [sflag:s14], $0x2710  }
0xb0: {  	[sflag:s14] =	ssyncset.done $0x0  }
0xb1: {  	[sflag:s14] =	ssyncadd.s32 $0xFFFFD8F0  }
0xb2: {  	_ =	sfence.sel $0x180000  }
0xb3: {  	[bflag:$0x0] =	sbarrier.arrive $0xFFFF  }
0xb4: {  	p0 =	sne.s32 s3, $0x0;
	_ =	strace $0x9000004D  }
0xb5: {  	s0 =	sadd.s32 @!p0 $0x100000, s0;
	[bflag:$0x2] =	sbarrier.arrive $0xFFFF  }
0xb6: {  	[sflag:s0] =	ssyncadd.tile.s32 @!p0 $0x1;
	_ =	shalt  }
.Lfunc_end2:
_tile_overlayer_lowered:
.L_overlay_start_2:
0xb7: {  	(tag) =	ssettag $0x2  }
0xb8: {  	s0 =	rddreg [dreg:$0x0];
	s2 =	stileid.u32  }
0xb9: {  	s1 =	rddreg [dreg:$0x1];
	p0 =	sne.s32 s2, $0x0  }
0xba: {  	s3 =	rddreg [dreg:$0x2];
	[bflag:$0x3] =	sbarrier.arrive $0xFFFF;
	s2 =	simm.s32 @!p0 $0x1C03  }
0xbb: {  	[timem:s3], [sflag:s2] =	dma.local @!p0 [hbm:s0], s1  }
0xbc: {  	s0 =	simm.s32 @!p0 $0x3  }
0xbd: {  	_ =	swait.ge @!p0 [sflag:s0], s1  }
0xbe: {  	s1 =	ssub.s32 @!p0 $0x0, s1;
	[sflag:s0] =	ssyncset.done @!p0 $0x0  }
0xbf: {  	[sflag:s0] =	ssyncadd.s32 @!p0 s1  }
0xc0: {  	[bflag:$0x3] =	sbarrier.arrive $0xFFFF  }
0xc1: {  	_ =	shalt  }

// kernel: kernel.22.cloned.1.call-start
scs
__scs_entry_jumppad:
0x0: {  	(pc) =	sbr.rel $0x88, $3  }
0x1: {  	(tag) =	ssettag $0x0;
	lr =	simm.s32 $0x1  }
0x2: {  	[smem:$0x3F93] =	sst lr;
	_ =	strace $0xD0000000  }
0x3: {  	_ = 	snop  }
0x4: {  	_ = 	snop  }
0x5: {  	_ = 	snop  }
0x6: {  	_ = 	snop  }
0x7: {  	_ = 	snop  }
__scs_overlays_trampoline_lowered:
0x8: {  	[smem:$0x3FA2] =	sst s0  }
0x9: {  	[smem:$0x3FA3] =	sst s1  }
0xa: {  	[smem:$0x3FA4] =	sst s2  }
0xb: {  	[smem:$0x3FA5] =	sst s3  }
0xc: {  	[smem:$0x3FA6] =	sst s4  }
0xd: {  	[smem:$0x3FA7] =	sst s5  }
0xe: {  	[smem:$0x3FA8] =	sst s6  }
0xf: {  	[smem:$0x3FA9] =	sst s7  }
0x10: {  	[smem:$0x3FAA] =	sst s8  }
0x11: {  	[smem:$0x3FAB] =	sst s9;
	s0 =	simm.s32 @!p0 $0x0  }
0x12: {  	s1 =	sld [smem:$0x3F91];
	s0 =	simm.s32 @p0 $0x1  }
0x13: {  	[smem:$0x3FAC] =	sst s0;
	s0 =	simm.s32 @!p1 $0x0  }
0x14: {  	s2 =	sld [smem:$0x3F90];
	s0 =	simm.s32 @p1 $0x1  }
0x15: {  	[smem:$0x3FAD] =	sst s0;
	s0 =	simm.s32 @!p2 $0x0  }
0x16: {  	s3 =	sld [smem:$0x3FDB];
	s0 =	simm.s32 @p2 $0x1  }
0x17: {  	s4 =	simm.s32 $0x1BF5;
	[smem:$0x3FAF] =	sst s0  }
0x18: {  	s0 =	sld [smem:$0x3F92];
	_ =	swait.ge [sflag:s4], $0x0  }
0x19: {  	s7 =	sld [smem:$0x3F93]  }
0x1a: {  	s8 =	sadd.s32 $0xFFFFE003, lr  }
0x1b: {  	s9 =	sadd.s32 $0xFFFFFEF7, lr;
	s5 =	simm.s32 $0xFFFFFFFF;
	p2 =	slt.u32 s8, $0xFFFFF086  }
0x1c: {  	p1 =	slt.u32 s9, $0xF7A;
	s5 =	simm.s32 @!p2 $0x0  }
0x1d: {  	s5 =	simm.s32 @p1 $0x1;
	p0 =	seq.s32 s7, s2  }
0x1e: {  	s7 =	smul.u32 @!p0 $0xF7A, s2;
	p2 =	seq.s32 @!p0 s5, $0x0  }
0x1f: {  	s9 =	smul.u32 $0xF7A, s1;
	s8 =	simm.s32 @!p0 $0x1BF5;
	p2 =	por !p2, p0  }
0x20: {  	[sflag:s8] =	ssyncset.s32 @!p0 $0xFFFFF086;
	s6 =	sadd.s32 @!p0 s3, s7;
	s7 =	simm.s32 @!p0 $0x108  }
0x21: {  	s3 =	sadd.s32 s3, s9;
	s6 =	sadd.s32 @!p0 $0x88, s6;
	s7 =	simm.s32 @p2 $0x1082  }
0x22: {  	[simem:s7], [sflag:s8] =	dma.local @!p0 [hbm:s6], $0xF7A  }
0x23: {  	s9 =	sor.u32 $0xD0000000, s2;
	s6 =	simm.s32 $0x108;
	_ =	swait.ge @!p0 [sflag:s8], $0x0  }
0x24: {  	s3 =	sadd.s32 $0x88, s3;
	s6 =	simm.s32 @!p1 $0x1082;
	[sflag:s4] =	ssyncset.s32 $0xFFFFF086  }
0x25: {  	[simem:s6], [sflag:s4] =	dma.local [hbm:s3], $0xF7A  }
0x26: {  	[smem:$0x3F93] =	sst s1;
	(tag) =	ssettag s2;
	_ =	strace s9  }
0x27: {  	s1 =	sld [smem:$0x3FA3]  }
0x28: {  	s2 =	sld [smem:$0x3FA4]  }
0x29: {  	s4 =	sld [smem:$0x3FA6]  }
0x2a: {  	p0 =	seq.s32 s5, $0x0;
	s5 =	sld [smem:$0x3FA7]  }
0x2b: {  	s6 =	sld [smem:$0x3FA8]  }
0x2c: {  	s7 =	sld [smem:$0x3FA9]  }
0x2d: {  	s3 =	simm.s32 $0x108;
	s8 =	sld [smem:$0x3FAA]  }
0x2e: {  	s3 =	simm.s32 @!p0 $0x1082;
	s9 =	sld [smem:$0x3FAB]  }
0x2f: {  	lr =	sadd.s32 s0, s3;
	s0 =	sld [smem:$0x3FA2]  }
0x30: {  	s3 =	sld [smem:$0x3FA5]  }
0x31: {  	[smem:$0x3FAE] =	sst s10  }
0x32: {  	s10 =	sld [smem:$0x3FAC];
	_ =	sdelay $0x3  }
0x33: {  	p0 =	seq.s32 s10, $0x1;
	s10 =	sld [smem:$0x3FAE];
	_ =	sdelay $0x3  }
0x34: {  	[smem:$0x3FAE] =	sst s10  }
0x35: {  	s10 =	sld [smem:$0x3FAD];
	_ =	sdelay $0x3  }
0x36: {  	p1 =	seq.s32 s10, $0x1;
	s10 =	sld [smem:$0x3FAE];
	_ =	sdelay $0x3  }
0x37: {  	[smem:$0x3FAE] =	sst s10  }
0x38: {  	s10 =	sld [smem:$0x3FAF]  }
0x39: {  	_ = 	snop;
	(pc) =	sbr.ind lr, $3  }
0x3a: {  	_ = 	snop  }
0x3b: {  	_ = 	snop  }
0x3c: {  	p2 =	seq.s32 s10, $0x1;
	s10 =	sld [smem:$0x3FAE]  }
0x3d: {  	_ =	shalt  }
0x3e: {  	_ =	shalt  }
0x3f: {  	_ =	shalt  }
0x40: {  	_ =	shalt  }
0x41: {  	_ =	shalt  }
0x42: {  	_ =	shalt  }
0x43: {  	_ =	shalt  }
0x44: {  	_ =	shalt  }
0x45: {  	_ =	shalt  }
0x46: {  	_ =	shalt  }
0x47: {  	_ =	shalt  }
0x48: {  	_ =	shalt  }
0x49: {  	_ =	shalt  }
0x4a: {  	_ =	shalt  }
0x4b: {  	_ =	shalt  }
0x4c: {  	_ =	shalt  }
0x4d: {  	_ =	shalt  }
0x4e: {  	_ =	shalt  }
0x4f: {  	_ =	shalt  }
0x50: {  	_ =	shalt  }
0x51: {  	_ =	shalt  }
0x52: {  	_ =	shalt  }
0x53: {  	_ =	shalt  }
0x54: {  	_ =	shalt  }
0x55: {  	_ =	shalt  }
0x56: {  	_ =	shalt  }
0x57: {  	_ =	shalt  }
0x58: {  	_ =	shalt  }
0x59: {  	_ =	shalt  }
0x5a: {  	_ =	shalt  }
0x5b: {  	_ =	shalt  }
0x5c: {  	_ =	shalt  }
0x5d: {  	_ =	shalt  }
0x5e: {  	_ =	shalt  }
0x5f: {  	_ =	shalt  }
0x60: {  	_ =	shalt  }
0x61: {  	_ =	shalt  }
0x62: {  	_ =	shalt  }
0x63: {  	_ =	shalt  }
0x64: {  	_ =	shalt  }
0x65: {  	_ =	shalt  }
0x66: {  	_ =	shalt  }
0x67: {  	_ =	shalt  }
0x68: {  	_ =	shalt  }
0x69: {  	_ =	shalt  }
0x6a: {  	_ =	shalt  }
0x6b: {  	_ =	shalt  }
0x6c: {  	_ =	shalt  }
0x6d: {  	_ =	shalt  }
0x6e: {  	_ =	shalt  }
0x6f: {  	_ =	shalt  }
0x70: {  	_ =	shalt  }
0x71: {  	_ =	shalt  }
0x72: {  	_ =	shalt  }
0x73: {  	_ =	shalt  }
0x74: {  	_ =	shalt  }
0x75: {  	_ =	shalt  }
0x76: {  	_ =	shalt  }
0x77: {  	_ =	shalt  }
0x78: {  	_ =	shalt  }
0x79: {  	_ =	shalt  }
0x7a: {  	_ =	shalt  }
0x7b: {  	_ =	shalt  }
0x7c: {  	_ =	shalt  }
0x7d: {  	_ =	shalt  }
0x7e: {  	_ =	shalt  }
0x7f: {  	_ =	shalt  }
0x80: {  	_ =	shalt  }
0x81: {  	_ =	shalt  }
0x82: {  	_ =	shalt  }
0x83: {  	_ =	shalt  }
0x84: {  	_ =	shalt  }
0x85: {  	_ =	shalt  }
0x86: {  	_ =	shalt  }
0x87: {  	_ =	shalt  }
.Lfunc_end0:
.L_simem_size_0:
called_computation.3_lowered:
.L_overlay_start_0:
0x88: {  	s2 =	sld [smem:$0x3FD9]  }
0x89: {  	s3 =	sld [smem:$0x3FFE];
	_ =	sdelay $0x1  }
0x8a: {  	s1 =	srdreg.scid  }
0x8b: {  	s0 =	sand.u32 $0x1, s1  }
0x8c: {  	s17 =	sshll.u32 s0, $0xA;
	s2 =	sadd.s32 s3, s2  }
0x8d: {  	s2 =	sadd.s32 s2, s17  }
0x8e: {  	[smem:$0x3FBA] =	sst s2  }
0x8f: {  	_ = 	snop  }
0x90: {  	s2 =	sld [smem:$0x3FD0];
	(tm) =	ssettm $0x1  }
0x91: {  	s18 =	sld [smem:$0x3FFB];
	_ =	sdelay $0x3  }
0x92: {  	_ =	strace s18  }
0x93: {  	s3 =	sld [smem:$0x3FFC];
	_ =	sdelay $0x3  }
0x94: {  	_ =	strace s3  }
0x95: {  	s3 =	sld [smem:$0x3FFD];
	_ =	sdelay $0x3  }
0x96: {  	_ =	strace s3  }
0x97: {  	_ =	strace $0x8FFFFFFF  }
0x98: {  	s19 =	sld [smem:$0x3FDB];
	_ =	sdelay $0x1  }
0x99: {  	s4 =	simm.s32 $_scs_section_size  }
0x9a: {  	s5 =	simm.s32 $_size__tile_overlayer_lowered;
	s6 =	simm.s32 $_tile_overlayer_lowered  }
0x9b: {  	s22 =	simm.s32 $0x1BFF;
	s21 =	sshll.u32 s6, $0x1;
	s3 =	sadd.s32 s4, s19  }
0x9c: {  	s7 =	simm.s32 $0x0;
	s20 =	sshll.u32 s5, $0x1;
	s5 =	sadd.s32 s21, s3  }
0x9d: {  	[timem:s7], [sflag:s22] =	dma.local [hbm:s5], s20  }
0x9e: {  	_ =	swait.ge [sflag:s22], s20  }
0x9f: {  	s4 =	ssub.s32 $0x0, s20;
	[sflag:s22] =	ssyncset.done $0x0  }
0xa0: {  	[sflag:s22] =	ssyncadd.s32 s4;
	_ =	sdelay $0x1  }
0xa1: {  	s23 =	simm.s32 $0x1B8B  }
0xa2: {  	_ =	swait.ge [sflag:s23], $0x1  }
0xa3: {  	[sflag:s23] =	ssyncset.done $0x0  }
0xa4: {  	s25 =	simm.s32 $0x1B8E;
	s24 =	sld [smem:$0x3FFE];
	[sflag:s23] =	ssyncadd.s32 $0xFFFFFFFF  }
0xa5: {  	s26 =	simm.s32 $execute0_lowered;
	[smem:$0x3FD2] =	sst s25  }
0xa6: {  	s5 =	sshll.u32 s26, $0x1;
	_ =	strace $0x8000004F;
	[dreg:$0x1] =	wrdreg $0xFFFFFFFF  }
0xa7: {  	s28 =	simm.s32 $_size_execute0_lowered;
	s3 =	sadd.s32 s3, s5;
	[dreg:$0x0] =	wrdreg $0x0  }
0xa8: {  	s5 =	sshll.u32 s28, $0x1;
	[dreg:$0x2] =	wrdreg s3  }
0xa9: {  	[dreg:$0x3] =	wrdreg s5  }
0xaa: {  	[dreg:$0x4] =	wrdreg $0xC0  }
0xab: {  	_ =	task [dreg:s7], $0x5FFFF  }
0xac: {  	[dreg:$0x1] =	wrdreg $0xFFFFFFFF  }
0xad: {  	[dreg:$0x0] =	wrdreg $0x60  }
0xae: {  	[dreg:$0x2] =	wrdreg s2  }
0xaf: {  	[dreg:$0x3] =	wrdreg s24  }
0xb0: {  	[dreg:$0x4] =	wrdreg $0x0  }
0xb1: {  	[dreg:$0x5] =	wrdreg $0x9  }
0xb2: {  	_ =	task.clear_ibuf [dreg:s7], $0x6FFFF;
	_ =	strace $0x9000004F  }
0xb3: {  	s29 =	simm.s32 $0x9;
	_ =	strace $0x80000051  }
0xb4: {  	_ =	swait.ge [sflag:s29], $0x1  }
0xb5: {  	[sflag:s29] =	ssyncadd.s32 $0xFFFFFFFF  }
0xb6: {  	_ =	strace $0x90000051  }
0xb7: {  	_ =	sfence  }
0xb8: {  	s30 =	sld [smem:$0x0];
	_ =	sdelay $0x2  }
0xb9: {  	s31 =	sshll.u32 s1, $0xD;
	s1 =	sshrl.u32 s1, $0x2  }
0xba: {  	s3 =	sand.u32 $0x4000, s31;
	s1 =	sadd.s32 s1, s30  }
0xbb: {  	s0 =	sor.u32 s3, s0;
	s1 =	sshll.u32 s1, $0x11  }
0xbc: {  	s0 =	sor.u32 s1, s0  }
0xbd: {  	s0 =	sadd.s32 $0x8F2B, s0  }
0xbe: {  	[sflag:s0] =	ssyncadd.remote.s32 $0x1  }
0xbf: {  	_ =	sfence.sel $0xFFFF  }
0xc0: {  	[dreg:$0x0] =	wrdreg $0xFFFFFFFF;
	(pc) =	sbr.abs _section_cstart, $3  }
0xc1: {  	[dreg:$0x1] =	wrdreg $0xFFFFFFFF  }
0xc2: {  	_ =	task.clear_ibuf [dreg:s7], $0x2FFFF;
	_ =	strace $0x9FFFFFFF  }
0xc3: {  	(tm) =	ssettm $0x7FFFFFFF  }
tec
execute0_lowered:
.L_overlay_start_1:
0x0: {  	(tag) =	ssettag $0x1  }
0x1: {  	s1 =	rddreg [dreg:$0x0]  }
0x2: {  	s6 =	rddreg [dreg:$0x1]  }
0x3: {  	s2 =	rddreg [dreg:$0x2]  }
0x4: {  	s3 =	srdreg.scid;
	s0 =	rddreg [dreg:$0x3];
	s4 =	simm.s32 $0x0  }
0x5: {  	s16 =	simm.s32 $0x14C80;
	s17 =	simm.s32 $0x7D;
	s18 =	simm.s32 $0x16080  }
0x6: {  	s19 =	simm.s32 $0x1A080;
	s20 =	simm.s32 $0x1;
	s21 =	simm.s32 $0x2  }
0x7: {  	s22 =	simm.s32 $0x14C00;
	s23 =	simm.s32 $0x15F80;
	s24 =	simm.s32 $0x16000  }
0x8: {  	s25 =	simm.s32 $0x0;
	s7 =	sand.u32 $0x1, s3;
	s3 =	stileid.u32  }
0x9: {  	[smem:$0x7FF] =	sst s4;
	s9 =	sadd.s32 $0x5FC00, s6;
	s5 =	smul.u32 $0x13C000, s7  }
0xa: {  	s10 =	sadd.s32 $0x3C00, s6;
	s8 =	smul.u32 $0x13C00, s3;
	_ =	strace $0x80000050  }
0xb: {  	s11 =	sshll.u32 s7, $0x4;
	s7 =	ssub.s32 $0x2, s7;
	s12 =	smul.u32 $0x4E200, s3  }
0xc: {  	s30 =	sshll.u32 s3, $0x6;
	s11 =	sor.u32 s3, s11;
	s26 =	sshrl.u32 s7, $0x1  }
0xd: {  	s8 =	sadd.s32 s8, s5;
	s5 =	sadd.s32 $0xDC00, s6;
	s28 =	smul.u32 $0x2800, s11  }
0xe: {  	s14 =	ssub.s32 s7, s26;
	s29 =	sshrl.u32 s12, $0x2;
	s11 =	smul.u32 $0x500, s11  }
0xf: {  	s8 =	sshrl.u32 s8, $0x3;
	s15 =	sadd.s32 s29, s2;
	s12 =	smax.u32 s14, $0x1  }
0x10: {  	s14 =	simm.s32 $0x3;
	s13 =	sadd.s32 s8, s6;
	s8 =	sshrl.u32 s28, $0x3  }
0x11: {  	s6 =	sor.u32 $0x1C03, s30;
	s7 =	sadd.s32 s9, s11;
	s31 =	sadd.s32 $0x280, s8  }
0x12: {  	s8 =	sadd.s32 s10, s11;
	s11 =	sadd.s32 $0x10400, s13;
	s13 =	sshrl.u32 s15, $0x3  }
0x13: {  	s15 =	simm.s32 $0x13880;
	s9 =	sadd.s32 s9, s31;
	s10 =	sadd.s32 s10, s31  }
.LBB2_1:
0x14: {  	[spmem:s13], [sflag:s6] =	dma.local [hbm:s5], $0x2710  }
0x15: {  	_ =	swait.ge [sflag:s14], $0x2710  }
0x16: {  	[sflag:s14] =	ssyncset.done $0x0  }
0x17: {  	[sflag:s14] =	ssyncadd.s32 $0xFFFFD8F0  }
0x18: {  	[bflag:$0x0] =	sbarrier.arrive $0xFFFF  }
0x19: {  	[tilespmem:s15], [sflag:$0x3] =	stream.linear.gather [hbm4b:s7+s4], $0x1400, $0x38;
	[tilespmem:$0x1E080] =	vst v63  }
0x1a: {  	_ =	swait.ge [sflag:s14], $0x1400  }
0x1b: {  	[sflag:s14] =	ssyncset.done $0x0  }
0x1c: {  	[sflag:s14] =	ssyncadd.s32 $0xFFFFEC00  }
0x1d: {  	[tilespmem:s16], [sflag:$0x3] =	stream.linear.gather [hbm4b:s8+s4], $0x1400, $0x38;
	[tilespmem:$0x1E080] =	vst v63  }
0x1e: {  	_ =	swait.ge [sflag:s14], $0x1400  }
0x1f: {  	[sflag:s14] =	ssyncset.done $0x0  }
0x20: {  	[sflag:s14] =	ssyncadd.s32 $0xFFFFEC00  }
0x21: {  	[tilespmem:s18], [sflag:$0x1] =	stream.indirect.gather [hbm4b:s1+s17], $0x80, s15, s17, $0xb8;
	[tilespmem:$0x1E080] =	vst v63  }
0x22: {  	s26 =	simm.s32 $0x13900  }
0x23: {  	[tilespmem:s19], [sflag:$0x2] =	stream.indirect.gather [hbm4b:s1+s17], $0x80, s26, s17, $0xb8;
	[tilespmem:$0x1E080] =	vst v63  }
0x24: {  	_ =	swait.ge [sflag:s20], $0x3E80  }
0x25: {  	[sflag:s20] =	ssyncset.done $0x0  }
0x26: {  	s29 =	simm.s32 $0x14C80;
	[sflag:s20] =	ssyncadd.s32 $0xFFFFC180  }
0x27: {  	[spmem:s2] =	stream.indirect.scatter.add.f32 [tilespmem:s18], [sflag:$0x3], $0x80, s29, s17, $0xb8;
	[tilespmem:$0x1E080] =	vst v63  }
0x28: {  	_ =	swait.ge [sflag:s14], $0x3E80  }
0x29: {  	[sflag:s14] =	ssyncset.done $0x0  }
0x2a: {  	s30 =	simm.s32 $0x13980;
	[sflag:s14] =	ssyncadd.s32 $0xFFFFC180  }
0x2b: {  	[tilespmem:s18], [sflag:$0x1] =	stream.indirect.gather [hbm4b:s1+s17], $0x80, s30, s17, $0xb8;
	[tilespmem:$0x1E080] =	vst v63  }
0x2c: {  	_ =	swait.ge [sflag:s21], $0x3E80  }
0x2d: {  	[sflag:s21] =	ssyncset.done $0x0  }
0x2e: {  	s31 =	simm.s32 $0x14D00;
	[sflag:s21] =	ssyncadd.s32 $0xFFFFC180  }
0x2f: {  	[spmem:s2] =	stream.indirect.scatter.add.f32 [tilespmem:s19], [sflag:$0x3], $0x80, s31, s17, $0xb8;
	[tilespmem:$0x1E080] =	vst v63  }
0x30: {  	_ =	swait.ge [sflag:s14], $0x3E80  }
0x31: {  	s28 =	simm.s32 $0x800;
	s26 =	simm.s32 $0x100;
	[sflag:s14] =	ssyncset.done $0x0  }
.LBB2_2:
0x32: {  	s29 =	sadd.s32 $0x13900, s26  }
0x33: {  	[sflag:s14] =	ssyncadd.s32 $0xFFFFC180;
	s30 =	smov.u32 s28;
	s31 =	sadd.s32 $0x400, s28  }
0x34: {  	[tilespmem:s19], [sflag:$0x2] =	stream.indirect.gather [hbm4b:s1+s17], $0x80, s29, s17, $0xb8;
	[tilespmem:$0x1E080] =	vst v63  }
0x35: {  	p0 =	sne.s32 s28, $0x4800;
	_ =	swait.ge [sflag:s20], $0x3E80  }
0x36: {  	[sflag:s20] =	ssyncset.done $0x0  }
0x37: {  	s28 =	sadd.s32 $0x14C80, s26;
	[sflag:s20] =	ssyncadd.s32 $0xFFFFC180  }
0x38: {  	[spmem:s2] =	stream.indirect.scatter.add.f32 [tilespmem:s18], [sflag:$0x3], $0x80, s28, s17, $0xb8;
	[tilespmem:$0x1E080] =	vst v63  }
0x39: {  	_ =	swait.ge [sflag:s14], $0x3E80  }
0x3a: {  	[sflag:s14] =	ssyncset.done $0x0  }
0x3b: {  	s28 =	sadd.s32 $0x13980, s26;
	[sflag:s14] =	ssyncadd.s32 $0xFFFFC180  }
0x3c: {  	[tilespmem:s18], [sflag:$0x1] =	stream.indirect.gather [hbm4b:s1+s17], $0x80, s28, s17, $0xb8;
	[tilespmem:$0x1E080] =	vst v63  }
0x3d: {  	_ =	swait.ge [sflag:s21], $0x3E80  }
.Ltmp0:
0x3e: {  	[sflag:s21] =	ssyncset.done $0x0;
	(pc) =	sbr.rel @p0 .LBB2_2-.Ltmp0, $4  }
0x3f: {  	s26 =	sadd.s32 $0x14D00, s26;
	[sflag:s21] =	ssyncadd.s32 $0xFFFFC180  }
0x40: {  	[spmem:s2] =	stream.indirect.scatter.add.f32 [tilespmem:s19], [sflag:$0x3], $0x80, s26, s17, $0xb8;
	[tilespmem:$0x1E080] =	vst v63  }
0x41: {  	_ =	swait.ge [sflag:s14], $0x3E80  }
0x42: {  	s28 =	smov.u32 s31;
	s26 =	sshra.s32 s30, $0x2;
	[sflag:s14] =	ssyncset.done $0x0  }
0x43: {  	s28 =	sadd.s32 $0x13900, s26;
	[sflag:s14] =	ssyncadd.s32 $0xFFFFC180  }
0x44: {  	[tilespmem:s19], [sflag:$0x2] =	stream.indirect.gather [hbm4b:s1+s17], $0x80, s28, s17, $0xb8;
	[tilespmem:$0x1E080] =	vst v63  }
0x45: {  	_ =	swait.ge [sflag:s20], $0x3E80  }
0x46: {  	[sflag:s20] =	ssyncset.done $0x0  }
0x47: {  	s28 =	sadd.s32 $0x14C80, s26;
	[sflag:s20] =	ssyncadd.s32 $0xFFFFC180  }
0x48: {  	[spmem:s2] =	stream.indirect.scatter.add.f32 [tilespmem:s18], [sflag:$0x3], $0x80, s28, s17, $0xb8;
	[tilespmem:$0x1E080] =	vst v63  }
0x49: {  	_ =	swait.ge [sflag:s14], $0x3E80  }
0x4a: {  	[sflag:s14] =	ssyncset.done $0x0  }
0x4b: {  	s28 =	sadd.s32 $0x13980, s26;
	[sflag:s14] =	ssyncadd.s32 $0xFFFFC180  }
0x4c: {  	[tilespmem:s18], [sflag:$0x1] =	stream.indirect.gather [hbm4b:s1+s17], $0x80, s28, s17, $0xb8;
	[tilespmem:$0x1E080] =	vst v63  }
0x4d: {  	_ =	swait.ge [sflag:s21], $0x3E80  }
0x4e: {  	[sflag:s21] =	ssyncset.done $0x0  }
0x4f: {  	s29 =	sadd.s32 $0x14D00, s26;
	[sflag:s21] =	ssyncadd.s32 $0xFFFFC180  }
0x50: {  	[spmem:s2] =	stream.indirect.scatter.add.f32 [tilespmem:s19], [sflag:$0x3], $0x80, s29, s17, $0xb8;
	[tilespmem:$0x1E080] =	vst v63  }
0x51: {  	_ =	swait.ge [sflag:s14], $0x3E80  }
0x52: {  	[sflag:s14] =	ssyncset.done $0x0  }
0x53: {  	[sflag:s14] =	ssyncadd.s32 $0xFFFFC180  }
0x54: {  	[tilespmem:s19], [sflag:$0x2] =	stream.indirect.gather [hbm4b:s1+s17], $0x80, s22, s17, $0xb8;
	[tilespmem:$0x1E080] =	vst v63  }
0x55: {  	_ =	swait.ge [sflag:s20], $0x3E80  }
0x56: {  	[sflag:s20] =	ssyncset.done $0x0  }
0x57: {  	[sflag:s20] =	ssyncadd.s32 $0xFFFFC180  }
0x58: {  	[spmem:s2] =	stream.indirect.scatter.add.f32 [tilespmem:s18], [sflag:$0x3], $0x80, s23, s17, $0xb8;
	[tilespmem:$0x1E080] =	vst v63  }
0x59: {  	_ =	swait.ge [sflag:s14], $0x3E80  }
0x5a: {  	[sflag:s14] =	ssyncset.done $0x0  }
0x5b: {  	[sflag:s14] =	ssyncadd.s32 $0xFFFFC180  }
0x5c: {  	_ =	swait.ge [sflag:s21], $0x3E80  }
0x5d: {  	[sflag:s21] =	ssyncset.done $0x0  }
0x5e: {  	[sflag:s21] =	ssyncadd.s32 $0xFFFFC180  }
0x5f: {  	[spmem:s2] =	stream.indirect.scatter.add.f32 [tilespmem:s19], [sflag:$0x3], $0x80, s24, s17, $0xb8;
	[tilespmem:$0x1E080] =	vst v63  }
0x60: {  	_ =	swait.ge [sflag:s14], $0x3E80  }
0x61: {  	[sflag:s14] =	ssyncset.done $0x0  }
0x62: {  	s30 =	simm.s32 $0x0;
	[sflag:s14] =	ssyncadd.s32 $0xFFFFC180  }
0x63: {  	[tilespmem:s15], [sflag:$0x3] =	stream.linear.gather [hbm4b:s9+s30], $0x1400, $0x38;
	[tilespmem:$0x1E080] =	vst v63  }
0x64: {  	_ =	swait.ge [sflag:s14], $0x1400  }
0x65: {  	[sflag:s14] =	ssyncset.done $0x0  }
0x66: {  	[sflag:s14] =	ssyncadd.s32 $0xFFFFEC00  }
0x67: {  	[tilespmem:s16], [sflag:$0x3] =	stream.linear.gather [hbm4b:s10+s30], $0x1400, $0x38;
	[tilespmem:$0x1E080] =	vst v63  }
0x68: {  	_ =	swait.ge [sflag:s14], $0x1400  }
0x69: {  	[sflag:s14] =	ssyncset.done $0x0  }
0x6a: {  	[sflag:s14] =	ssyncadd.s32 $0xFFFFEC00  }
0x6b: {  	[tilespmem:s18], [sflag:$0x1] =	stream.indirect.gather [hbm4b:s1+s17], $0x80, s15, s17, $0xb8;
	[tilespmem:$0x1E080] =	vst v63  }
0x6c: {  	s31 =	simm.s32 $0x13900  }
0x6d: {  	[tilespmem:s19], [sflag:$0x2] =	stream.indirect.gather [hbm4b:s1+s17], $0x80, s31, s17, $0xb8;
	[tilespmem:$0x1E080] =	vst v63  }
0x6e: {  	_ =	swait.ge [sflag:s20], $0x3E80  }
0x6f: {  	[sflag:s20] =	ssyncset.done $0x0  }
0x70: {  	s29 =	simm.s32 $0x14C80;
	[sflag:s20] =	ssyncadd.s32 $0xFFFFC180  }
0x71: {  	[spmem:s2] =	stream.indirect.scatter.add.f32 [tilespmem:s18], [sflag:$0x3], $0x80, s29, s17, $0xb8;
	[tilespmem:$0x1E080] =	vst v63  }
0x72: {  	_ =	swait.ge [sflag:s14], $0x3E80  }
0x73: {  	[sflag:s14] =	ssyncset.done $0x0  }
0x74: {  	s30 =	simm.s32 $0x13980;
	[sflag:s14] =	ssyncadd.s32 $0xFFFFC180  }
0x75: {  	[tilespmem:s18], [sflag:$0x1] =	stream.indirect.gather [hbm4b:s1+s17], $0x80, s30, s17, $0xb8;
	[tilespmem:$0x1E080] =	vst v63  }
0x76: {  	_ =	swait.ge [sflag:s21], $0x3E80  }
0x77: {  	[sflag:s21] =	ssyncset.done $0x0  }
0x78: {  	s31 =	simm.s32 $0x14D00;
	[sflag:s21] =	ssyncadd.s32 $0xFFFFC180  }
0x79: {  	[spmem:s2] =	stream.indirect.scatter.add.f32 [tilespmem:s19], [sflag:$0x3], $0x80, s31, s17, $0xb8;
	[tilespmem:$0x1E080] =	vst v63  }
0x7a: {  	_ =	swait.ge [sflag:s14], $0x3E80  }
0x7b: {  	s26 =	simm.s32 $0x100;
	s28 =	simm.s32 $0x800;
	[sflag:s14] =	ssyncset.done $0x0  }
.LBB2_4:
0x7c: {  	s29 =	sadd.s32 $0x13900, s26  }
0x7d: {  	[sflag:s14] =	ssyncadd.s32 $0xFFFFC180;
	s30 =	smov.u32 s28;
	s31 =	sadd.s32 $0x400, s28  }
0x7e: {  	[tilespmem:s19], [sflag:$0x2] =	stream.indirect.gather [hbm4b:s1+s17], $0x80, s29, s17, $0xb8;
	[tilespmem:$0x1E080] =	vst v63  }
0x7f: {  	p0 =	sne.s32 s28, $0x4800;
	_ =	swait.ge [sflag:s20], $0x3E80  }
0x80: {  	[sflag:s20] =	ssyncset.done $0x0  }
0x81: {  	s28 =	sadd.s32 $0x14C80, s26;
	[sflag:s20] =	ssyncadd.s32 $0xFFFFC180  }
0x82: {  	[spmem:s2] =	stream.indirect.scatter.add.f32 [tilespmem:s18], [sflag:$0x3], $0x80, s28, s17, $0xb8;
	[tilespmem:$0x1E080] =	vst v63  }
0x83: {  	_ =	swait.ge [sflag:s14], $0x3E80  }
0x84: {  	[sflag:s14] =	ssyncset.done $0x0  }
0x85: {  	s28 =	sadd.s32 $0x13980, s26;
	[sflag:s14] =	ssyncadd.s32 $0xFFFFC180  }
0x86: {  	[tilespmem:s18], [sflag:$0x1] =	stream.indirect.gather [hbm4b:s1+s17], $0x80, s28, s17, $0xb8;
	[tilespmem:$0x1E080] =	vst v63  }
0x87: {  	_ =	swait.ge [sflag:s21], $0x3E80  }
.Ltmp1:
0x88: {  	[sflag:s21] =	ssyncset.done $0x0;
	(pc) =	sbr.rel @p0 .LBB2_4-.Ltmp1, $4  }
0x89: {  	s26 =	sadd.s32 $0x14D00, s26;
	[sflag:s21] =	ssyncadd.s32 $0xFFFFC180  }
0x8a: {  	[spmem:s2] =	stream.indirect.scatter.add.f32 [tilespmem:s19], [sflag:$0x3], $0x80, s26, s17, $0xb8;
	[tilespmem:$0x1E080] =	vst v63  }
0x8b: {  	_ =	swait.ge [sflag:s14], $0x3E80  }
0x8c: {  	s28 =	smov.u32 s31;
	s26 =	sshra.s32 s30, $0x2;
	[sflag:s14] =	ssyncset.done $0x0  }
0x8d: {  	s28 =	sadd.s32 $0x13900, s26;
	[sflag:s14] =	ssyncadd.s32 $0xFFFFC180  }
0x8e: {  	[tilespmem:s19], [sflag:$0x2] =	stream.indirect.gather [hbm4b:s1+s17], $0x80, s28, s17, $0xb8;
	[tilespmem:$0x1E080] =	vst v63  }
0x8f: {  	_ =	swait.ge [sflag:s20], $0x3E80  }
0x90: {  	[sflag:s20] =	ssyncset.done $0x0  }
0x91: {  	s29 =	sadd.s32 $0x14C80, s26;
	[sflag:s20] =	ssyncadd.s32 $0xFFFFC180  }
0x92: {  	[spmem:s2] =	stream.indirect.scatter.add.f32 [tilespmem:s18], [sflag:$0x3], $0x80, s29, s17, $0xb8;
	[tilespmem:$0x1E080] =	vst v63  }
0x93: {  	_ =	swait.ge [sflag:s14], $0x3E80  }
0x94: {  	[sflag:s14] =	ssyncset.done $0x0  }
0x95: {  	s30 =	sadd.s32 $0x13980, s26;
	[sflag:s14] =	ssyncadd.s32 $0xFFFFC180  }
0x96: {  	[tilespmem:s18], [sflag:$0x1] =	stream.indirect.gather [hbm4b:s1+s17], $0x80, s30, s17, $0xb8;
	[tilespmem:$0x1E080] =	vst v63  }
0x97: {  	_ =	swait.ge [sflag:s21], $0x3E80  }
0x98: {  	[sflag:s21] =	ssyncset.done $0x0  }
0x99: {  	s31 =	sadd.s32 $0x14D00, s26;
	[sflag:s21] =	ssyncadd.s32 $0xFFFFC180  }
0x9a: {  	[spmem:s2] =	stream.indirect.scatter.add.f32 [tilespmem:s19], [sflag:$0x3], $0x80, s31, s17, $0xb8;
	[tilespmem:$0x1E080] =	vst v63  }
0x9b: {  	_ =	swait.ge [sflag:s14], $0x3E80  }
0x9c: {  	[sflag:s14] =	ssyncset.done $0x0  }
0x9d: {  	[sflag:s14] =	ssyncadd.s32 $0xFFFFC180  }
0x9e: {  	[tilespmem:s19], [sflag:$0x2] =	stream.indirect.gather [hbm4b:s1+s17], $0x80, s22, s17, $0xb8;
	[tilespmem:$0x1E080] =	vst v63  }
0x9f: {  	_ =	swait.ge [sflag:s20], $0x3E80  }
0xa0: {  	[sflag:s20] =	ssyncset.done $0x0  }
0xa1: {  	[sflag:s20] =	ssyncadd.s32 $0xFFFFC180  }
0xa2: {  	[spmem:s2] =	stream.indirect.scatter.add.f32 [tilespmem:s18], [sflag:$0x3], $0x80, s23, s17, $0xb8;
	[tilespmem:$0x1E080] =	vst v63  }
0xa3: {  	_ =	swait.ge [sflag:s14], $0x3E80  }
0xa4: {  	[sflag:s14] =	ssyncset.done $0x0  }
0xa5: {  	[sflag:s14] =	ssyncadd.s32 $0xFFFFC180  }
0xa6: {  	_ =	swait.ge [sflag:s21], $0x3E80  }
0xa7: {  	[sflag:s21] =	ssyncset.done $0x0  }
0xa8: {  	[sflag:s21] =	ssyncadd.s32 $0xFFFFC180  }
0xa9: {  	[spmem:s2] =	stream.indirect.scatter.add.f32 [tilespmem:s19], [sflag:$0x3], $0x80, s24, s17, $0xb8;
	[tilespmem:$0x1E080] =	vst v63  }
0xaa: {  	_ =	swait.ge [sflag:s14], $0x3E80  }
0xab: {  	s25 =	sadd.s32 $0x1, s25;
	[sflag:s14] =	ssyncset.done $0x0  }
0xac: {  	p0 =	sne.s32 s25, s12;
	[sflag:s14] =	ssyncadd.s32 $0xFFFFC180  }
.Ltmp2:
0xad: {  	[bflag:$0x0] =	sbarrier.arrive $0xFFFF;
	(pc) =	sbr.rel @p0 .LBB2_1-.Ltmp2, $4  }
0xae: {  	[hbm:s11], [sflag:s6] =	dma.local [spmem:s13], $0x2710  }
0xaf: {  	_ =	swait.ge [sflag:s14], $0x2710  }
0xb0: {  	[sflag:s14] =	ssyncset.done $0x0  }
0xb1: {  	[sflag:s14] =	ssyncadd.s32 $0xFFFFD8F0  }
0xb2: {  	_ =	sfence.sel $0x180000  }
0xb3: {  	[bflag:$0x0] =	sbarrier.arrive $0xFFFF  }
0xb4: {  	p0 =	sne.s32 s3, $0x0;
	_ =	strace $0x90000050  }
0xb5: {  	s0 =	sadd.s32 @!p0 $0x100000, s0;
	[bflag:$0x2] =	sbarrier.arrive $0xFFFF  }
0xb6: {  	[sflag:s0] =	ssyncadd.tile.s32 @!p0 $0x1;
	_ =	shalt  }
.Lfunc_end2:
_tile_overlayer_lowered:
.L_overlay_start_2:
0xb7: {  	(tag) =	ssettag $0x2  }
0xb8: {  	s0 =	rddreg [dreg:$0x0];
	s2 =	stileid.u32  }
0xb9: {  	s1 =	rddreg [dreg:$0x1];
	p0 =	sne.s32 s2, $0x0  }
0xba: {  	s3 =	rddreg [dreg:$0x2];
	[bflag:$0x3] =	sbarrier.arrive $0xFFFF;
	s2 =	simm.s32 @!p0 $0x1C03  }
0xbb: {  	[timem:s3], [sflag:s2] =	dma.local @!p0 [hbm:s0], s1  }
0xbc: {  	s0 =	simm.s32 @!p0 $0x3  }
0xbd: {  	_ =	swait.ge @!p0 [sflag:s0], s1  }
0xbe: {  	s1 =	ssub.s32 @!p0 $0x0, s1;
	[sflag:s0] =	ssyncset.done @!p0 $0x0  }
0xbf: {  	[sflag:s0] =	ssyncadd.s32 @!p0 s1  }
0xc0: {  	[bflag:$0x3] =	sbarrier.arrive $0xFFFF  }
0xc1: {  	_ =	shalt  }

// kernel: kernel.25.cloned.1.call-start
scs
__scs_entry_jumppad:
0x0: {  	(pc) =	sbr.rel $0x88, $3  }
0x1: {  	(tag) =	ssettag $0x0;
	lr =	simm.s32 $0x1  }
0x2: {  	[smem:$0x3F93] =	sst lr;
	_ =	strace $0xD0000000  }
0x3: {  	_ = 	snop  }
0x4: {  	_ = 	snop  }
0x5: {  	_ = 	snop  }
0x6: {  	_ = 	snop  }
0x7: {  	_ = 	snop  }
__scs_overlays_trampoline_lowered:
0x8: {  	[smem:$0x3FA2] =	sst s0  }
0x9: {  	[smem:$0x3FA3] =	sst s1  }
0xa: {  	[smem:$0x3FA4] =	sst s2  }
0xb: {  	[smem:$0x3FA5] =	sst s3  }
0xc: {  	[smem:$0x3FA6] =	sst s4  }
0xd: {  	[smem:$0x3FA7] =	sst s5  }
0xe: {  	[smem:$0x3FA8] =	sst s6  }
0xf: {  	[smem:$0x3FA9] =	sst s7  }
0x10: {  	[smem:$0x3FAA] =	sst s8  }
0x11: {  	[smem:$0x3FAB] =	sst s9;
	s0 =	simm.s32 @!p0 $0x0  }
0x12: {  	s1 =	sld [smem:$0x3F91];
	s0 =	simm.s32 @p0 $0x1  }
0x13: {  	[smem:$0x3FAC] =	sst s0;
	s0 =	simm.s32 @!p1 $0x0  }
0x14: {  	s2 =	sld [smem:$0x3F90];
	s0 =	simm.s32 @p1 $0x1  }
0x15: {  	[smem:$0x3FAD] =	sst s0;
	s0 =	simm.s32 @!p2 $0x0  }
0x16: {  	s3 =	sld [smem:$0x3FDB];
	s0 =	simm.s32 @p2 $0x1  }
0x17: {  	s4 =	simm.s32 $0x1BF5;
	[smem:$0x3FAF] =	sst s0  }
0x18: {  	s0 =	sld [smem:$0x3F92];
	_ =	swait.ge [sflag:s4], $0x0  }
0x19: {  	s7 =	sld [smem:$0x3F93]  }
0x1a: {  	s8 =	sadd.s32 $0xFFFFE003, lr  }
0x1b: {  	s9 =	sadd.s32 $0xFFFFFEF7, lr;
	s5 =	simm.s32 $0xFFFFFFFF;
	p2 =	slt.u32 s8, $0xFFFFF086  }
0x1c: {  	p1 =	slt.u32 s9, $0xF7A;
	s5 =	simm.s32 @!p2 $0x0  }
0x1d: {  	s5 =	simm.s32 @p1 $0x1;
	p0 =	seq.s32 s7, s2  }
0x1e: {  	s7 =	smul.u32 @!p0 $0xF7A, s2;
	p2 =	seq.s32 @!p0 s5, $0x0  }
0x1f: {  	s9 =	smul.u32 $0xF7A, s1;
	s8 =	simm.s32 @!p0 $0x1BF5;
	p2 =	por !p2, p0  }
0x20: {  	[sflag:s8] =	ssyncset.s32 @!p0 $0xFFFFF086;
	s6 =	sadd.s32 @!p0 s3, s7;
	s7 =	simm.s32 @!p0 $0x108  }
0x21: {  	s3 =	sadd.s32 s3, s9;
	s6 =	sadd.s32 @!p0 $0x88, s6;
	s7 =	simm.s32 @p2 $0x1082  }
0x22: {  	[simem:s7], [sflag:s8] =	dma.local @!p0 [hbm:s6], $0xF7A  }
0x23: {  	s9 =	sor.u32 $0xD0000000, s2;
	s6 =	simm.s32 $0x108;
	_ =	swait.ge @!p0 [sflag:s8], $0x0  }
0x24: {  	s3 =	sadd.s32 $0x88, s3;
	s6 =	simm.s32 @!p1 $0x1082;
	[sflag:s4] =	ssyncset.s32 $0xFFFFF086  }
0x25: {  	[simem:s6], [sflag:s4] =	dma.local [hbm:s3], $0xF7A  }
0x26: {  	[smem:$0x3F93] =	sst s1;
	(tag) =	ssettag s2;
	_ =	strace s9  }
0x27: {  	s1 =	sld [smem:$0x3FA3]  }
0x28: {  	s2 =	sld [smem:$0x3FA4]  }
0x29: {  	s4 =	sld [smem:$0x3FA6]  }
0x2a: {  	p0 =	seq.s32 s5, $0x0;
	s5 =	sld [smem:$0x3FA7]  }
0x2b: {  	s6 =	sld [smem:$0x3FA8]  }
0x2c: {  	s7 =	sld [smem:$0x3FA9]  }
0x2d: {  	s3 =	simm.s32 $0x108;
	s8 =	sld [smem:$0x3FAA]  }
0x2e: {  	s3 =	simm.s32 @!p0 $0x1082;
	s9 =	sld [smem:$0x3FAB]  }
0x2f: {  	lr =	sadd.s32 s0, s3;
	s0 =	sld [smem:$0x3FA2]  }
0x30: {  	s3 =	sld [smem:$0x3FA5]  }
0x31: {  	[smem:$0x3FAE] =	sst s10  }
0x32: {  	s10 =	sld [smem:$0x3FAC];
	_ =	sdelay $0x3  }
0x33: {  	p0 =	seq.s32 s10, $0x1;
	s10 =	sld [smem:$0x3FAE];
	_ =	sdelay $0x3  }
0x34: {  	[smem:$0x3FAE] =	sst s10  }
0x35: {  	s10 =	sld [smem:$0x3FAD];
	_ =	sdelay $0x3  }
0x36: {  	p1 =	seq.s32 s10, $0x1;
	s10 =	sld [smem:$0x3FAE];
	_ =	sdelay $0x3  }
0x37: {  	[smem:$0x3FAE] =	sst s10  }
0x38: {  	s10 =	sld [smem:$0x3FAF]  }
0x39: {  	_ = 	snop;
	(pc) =	sbr.ind lr, $3  }
0x3a: {  	_ = 	snop  }
0x3b: {  	_ = 	snop  }
0x3c: {  	p2 =	seq.s32 s10, $0x1;
	s10 =	sld [smem:$0x3FAE]  }
0x3d: {  	_ =	shalt  }
0x3e: {  	_ =	shalt  }
0x3f: {  	_ =	shalt  }
0x40: {  	_ =	shalt  }
0x41: {  	_ =	shalt  }
0x42: {  	_ =	shalt  }
0x43: {  	_ =	shalt  }
0x44: {  	_ =	shalt  }
0x45: {  	_ =	shalt  }
0x46: {  	_ =	shalt  }
0x47: {  	_ =	shalt  }
0x48: {  	_ =	shalt  }
0x49: {  	_ =	shalt  }
0x4a: {  	_ =	shalt  }
0x4b: {  	_ =	shalt  }
0x4c: {  	_ =	shalt  }
0x4d: {  	_ =	shalt  }
0x4e: {  	_ =	shalt  }
0x4f: {  	_ =	shalt  }
0x50: {  	_ =	shalt  }
0x51: {  	_ =	shalt  }
0x52: {  	_ =	shalt  }
0x53: {  	_ =	shalt  }
0x54: {  	_ =	shalt  }
0x55: {  	_ =	shalt  }
0x56: {  	_ =	shalt  }
0x57: {  	_ =	shalt  }
0x58: {  	_ =	shalt  }
0x59: {  	_ =	shalt  }
0x5a: {  	_ =	shalt  }
0x5b: {  	_ =	shalt  }
0x5c: {  	_ =	shalt  }
0x5d: {  	_ =	shalt  }
0x5e: {  	_ =	shalt  }
0x5f: {  	_ =	shalt  }
0x60: {  	_ =	shalt  }
0x61: {  	_ =	shalt  }
0x62: {  	_ =	shalt  }
0x63: {  	_ =	shalt  }
0x64: {  	_ =	shalt  }
0x65: {  	_ =	shalt  }
0x66: {  	_ =	shalt  }
0x67: {  	_ =	shalt  }
0x68: {  	_ =	shalt  }
0x69: {  	_ =	shalt  }
0x6a: {  	_ =	shalt  }
0x6b: {  	_ =	shalt  }
0x6c: {  	_ =	shalt  }
0x6d: {  	_ =	shalt  }
0x6e: {  	_ =	shalt  }
0x6f: {  	_ =	shalt  }
0x70: {  	_ =	shalt  }
0x71: {  	_ =	shalt  }
0x72: {  	_ =	shalt  }
0x73: {  	_ =	shalt  }
0x74: {  	_ =	shalt  }
0x75: {  	_ =	shalt  }
0x76: {  	_ =	shalt  }
0x77: {  	_ =	shalt  }
0x78: {  	_ =	shalt  }
0x79: {  	_ =	shalt  }
0x7a: {  	_ =	shalt  }
0x7b: {  	_ =	shalt  }
0x7c: {  	_ =	shalt  }
0x7d: {  	_ =	shalt  }
0x7e: {  	_ =	shalt  }
0x7f: {  	_ =	shalt  }
0x80: {  	_ =	shalt  }
0x81: {  	_ =	shalt  }
0x82: {  	_ =	shalt  }
0x83: {  	_ =	shalt  }
0x84: {  	_ =	shalt  }
0x85: {  	_ =	shalt  }
0x86: {  	_ =	shalt  }
0x87: {  	_ =	shalt  }
.Lfunc_end0:
.L_simem_size_0:
called_computation.4_lowered:
.L_overlay_start_0:
0x88: {  	s2 =	sld [smem:$0x3FD9]  }
0x89: {  	s3 =	sld [smem:$0x3FFE];
	_ =	sdelay $0x1  }
0x8a: {  	s1 =	srdreg.scid  }
0x8b: {  	s0 =	sand.u32 $0x1, s1  }
0x8c: {  	s17 =	sshll.u32 s0, $0xA;
	s2 =	sadd.s32 s3, s2  }
0x8d: {  	s2 =	sadd.s32 s2, s17  }
0x8e: {  	[smem:$0x3FBA] =	sst s2  }
0x8f: {  	_ = 	snop  }
0x90: {  	s2 =	sld [smem:$0x3FD0];
	(tm) =	ssettm $0x1  }
0x91: {  	s18 =	sld [smem:$0x3FFB];
	_ =	sdelay $0x3  }
0x92: {  	_ =	strace s18  }
0x93: {  	s3 =	sld [smem:$0x3FFC];
	_ =	sdelay $0x3  }
0x94: {  	_ =	strace s3  }
0x95: {  	s3 =	sld [smem:$0x3FFD];
	_ =	sdelay $0x3  }
0x96: {  	_ =	strace s3  }
0x97: {  	_ =	strace $0x8FFFFFFF  }
0x98: {  	s19 =	sld [smem:$0x3FDB];
	_ =	sdelay $0x1  }
0x99: {  	s4 =	simm.s32 $_scs_section_size  }
0x9a: {  	s5 =	simm.s32 $_size__tile_overlayer_lowered;
	s6 =	simm.s32 $_tile_overlayer_lowered  }
0x9b: {  	s22 =	simm.s32 $0x1BFF;
	s21 =	sshll.u32 s6, $0x1;
	s3 =	sadd.s32 s4, s19  }
0x9c: {  	s7 =	simm.s32 $0x0;
	s20 =	sshll.u32 s5, $0x1;
	s5 =	sadd.s32 s21, s3  }
0x9d: {  	[timem:s7], [sflag:s22] =	dma.local [hbm:s5], s20  }
0x9e: {  	_ =	swait.ge [sflag:s22], s20  }
0x9f: {  	s4 =	ssub.s32 $0x0, s20;
	[sflag:s22] =	ssyncset.done $0x0  }
0xa0: {  	[sflag:s22] =	ssyncadd.s32 s4;
	_ =	sdelay $0x1  }
0xa1: {  	s23 =	simm.s32 $0x1B8B  }
0xa2: {  	_ =	swait.ge [sflag:s23], $0x1  }
0xa3: {  	[sflag:s23] =	ssyncset.done $0x0  }
0xa4: {  	s25 =	simm.s32 $0x1B8E;
	s24 =	sld [smem:$0x3FFE];
	[sflag:s23] =	ssyncadd.s32 $0xFFFFFFFF  }
0xa5: {  	s26 =	simm.s32 $execute0_lowered;
	[smem:$0x3FD2] =	sst s25  }
0xa6: {  	s5 =	sshll.u32 s26, $0x1;
	_ =	strace $0x80000052;
	[dreg:$0x1] =	wrdreg $0xFFFFFFFF  }
0xa7: {  	s28 =	simm.s32 $_size_execute0_lowered;
	s3 =	sadd.s32 s3, s5;
	[dreg:$0x0] =	wrdreg $0x0  }
0xa8: {  	s5 =	sshll.u32 s28, $0x1;
	[dreg:$0x2] =	wrdreg s3  }
0xa9: {  	[dreg:$0x3] =	wrdreg s5  }
0xaa: {  	[dreg:$0x4] =	wrdreg $0xC0  }
0xab: {  	_ =	task [dreg:s7], $0x5FFFF  }
0xac: {  	[dreg:$0x1] =	wrdreg $0xFFFFFFFF  }
0xad: {  	[dreg:$0x0] =	wrdreg $0x60  }
0xae: {  	[dreg:$0x2] =	wrdreg s2  }
0xaf: {  	[dreg:$0x3] =	wrdreg s24  }
0xb0: {  	[dreg:$0x4] =	wrdreg $0x0  }
0xb1: {  	[dreg:$0x5] =	wrdreg $0x9  }
0xb2: {  	_ =	task.clear_ibuf [dreg:s7], $0x6FFFF;
	_ =	strace $0x90000052  }
0xb3: {  	s29 =	simm.s32 $0x9;
	_ =	strace $0x80000054  }
0xb4: {  	_ =	swait.ge [sflag:s29], $0x1  }
0xb5: {  	[sflag:s29] =	ssyncadd.s32 $0xFFFFFFFF  }
0xb6: {  	_ =	strace $0x90000054  }
0xb7: {  	_ =	sfence  }
0xb8: {  	s30 =	sld [smem:$0x0];
	_ =	sdelay $0x2  }
0xb9: {  	s31 =	sshll.u32 s1, $0xD;
	s1 =	sshrl.u32 s1, $0x2  }
0xba: {  	s3 =	sand.u32 $0x4000, s31;
	s1 =	sadd.s32 s1, s30  }
0xbb: {  	s0 =	sor.u32 s3, s0;
	s1 =	sshll.u32 s1, $0x11  }
0xbc: {  	s0 =	sor.u32 s1, s0  }
0xbd: {  	s0 =	sadd.s32 $0x8F2B, s0  }
0xbe: {  	[sflag:s0] =	ssyncadd.remote.s32 $0x1  }
0xbf: {  	_ =	sfence.sel $0xFFFF  }
0xc0: {  	[dreg:$0x0] =	wrdreg $0xFFFFFFFF;
	(pc) =	sbr.abs _section_cstart, $3  }
0xc1: {  	[dreg:$0x1] =	wrdreg $0xFFFFFFFF  }
0xc2: {  	_ =	task.clear_ibuf [dreg:s7], $0x2FFFF;
	_ =	strace $0x9FFFFFFF  }
0xc3: {  	(tm) =	ssettm $0x7FFFFFFF  }
tec
execute0_lowered:
.L_overlay_start_1:
0x0: {  	(tag) =	ssettag $0x1  }
0x1: {  	s1 =	rddreg [dreg:$0x0]  }
0x2: {  	s6 =	rddreg [dreg:$0x1]  }
0x3: {  	s2 =	rddreg [dreg:$0x2]  }
0x4: {  	s3 =	srdreg.scid;
	s0 =	rddreg [dreg:$0x3];
	s4 =	simm.s32 $0x0  }
0x5: {  	s16 =	simm.s32 $0x14C80;
	s17 =	simm.s32 $0x7D;
	s18 =	simm.s32 $0x16080  }
0x6: {  	s19 =	simm.s32 $0x1A080;
	s20 =	simm.s32 $0x1;
	s21 =	simm.s32 $0x2  }
0x7: {  	s22 =	simm.s32 $0x14C00;
	s23 =	simm.s32 $0x15F80;
	s24 =	simm.s32 $0x16000  }
0x8: {  	s25 =	simm.s32 $0x0;
	s7 =	sand.u32 $0x1, s3;
	s3 =	stileid.u32  }
0x9: {  	[smem:$0x7FF] =	sst s4;
	s9 =	sadd.s32 $0x5FC00, s6;
	s5 =	smul.u32 $0x13C000, s7  }
0xa: {  	s10 =	sadd.s32 $0x3C00, s6;
	s8 =	smul.u32 $0x13C00, s3;
	_ =	strace $0x80000053  }
0xb: {  	s11 =	sshll.u32 s7, $0x4;
	s7 =	ssub.s32 $0x2, s7;
	s12 =	smul.u32 $0x4E200, s3  }
0xc: {  	s30 =	sshll.u32 s3, $0x6;
	s11 =	sor.u32 s3, s11;
	s26 =	sshrl.u32 s7, $0x1  }
0xd: {  	s8 =	sadd.s32 s8, s5;
	s5 =	sadd.s32 $0xDC00, s6;
	s28 =	smul.u32 $0x2800, s11  }
0xe: {  	s14 =	ssub.s32 s7, s26;
	s29 =	sshrl.u32 s12, $0x2;
	s11 =	smul.u32 $0x500, s11  }
0xf: {  	s8 =	sshrl.u32 s8, $0x3;
	s15 =	sadd.s32 s29, s2;
	s12 =	smax.u32 s14, $0x1  }
0x10: {  	s14 =	simm.s32 $0x3;
	s13 =	sadd.s32 s8, s6;
	s8 =	sshrl.u32 s28, $0x3  }
0x11: {  	s6 =	sor.u32 $0x1C03, s30;
	s7 =	sadd.s32 s9, s11;
	s31 =	sadd.s32 $0x280, s8  }
0x12: {  	s8 =	sadd.s32 s10, s11;
	s11 =	sadd.s32 $0x10400, s13;
	s13 =	sshrl.u32 s15, $0x3  }
0x13: {  	s15 =	simm.s32 $0x13880;
	s9 =	sadd.s32 s9, s31;
	s10 =	sadd.s32 s10, s31  }
.LBB2_1:
0x14: {  	[spmem:s13], [sflag:s6] =	dma.local [hbm:s5], $0x2710  }
0x15: {  	_ =	swait.ge [sflag:s14], $0x2710  }
0x16: {  	[sflag:s14] =	ssyncset.done $0x0  }
0x17: {  	[sflag:s14] =	ssyncadd.s32 $0xFFFFD8F0  }
0x18: {  	[bflag:$0x0] =	sbarrier.arrive $0xFFFF  }
0x19: {  	[tilespmem:s15], [sflag:$0x3] =	stream.linear.gather [hbm4b:s7+s4], $0x1400, $0x38;
	[tilespmem:$0x1E080] =	vst v63  }
0x1a: {  	_ =	swait.ge [sflag:s14], $0x1400  }
0x1b: {  	[sflag:s14] =	ssyncset.done $0x0  }
0x1c: {  	[sflag:s14] =	ssyncadd.s32 $0xFFFFEC00  }
0x1d: {  	[tilespmem:s16], [sflag:$0x3] =	stream.linear.gather [hbm4b:s8+s4], $0x1400, $0x38;
	[tilespmem:$0x1E080] =	vst v63  }
0x1e: {  	_ =	swait.ge [sflag:s14], $0x1400  }
0x1f: {  	[sflag:s14] =	ssyncset.done $0x0  }
0x20: {  	[sflag:s14] =	ssyncadd.s32 $0xFFFFEC00  }
0x21: {  	[tilespmem:s18], [sflag:$0x1] =	stream.indirect.gather [hbm4b:s1+s17], $0x80, s15, s17, $0xb8;
	[tilespmem:$0x1E080] =	vst v63  }
0x22: {  	s26 =	simm.s32 $0x13900  }
0x23: {  	[tilespmem:s19], [sflag:$0x2] =	stream.indirect.gather [hbm4b:s1+s17], $0x80, s26, s17, $0xb8;
	[tilespmem:$0x1E080] =	vst v63  }
0x24: {  	_ =	swait.ge [sflag:s20], $0x3E80  }
0x25: {  	[sflag:s20] =	ssyncset.done $0x0  }
0x26: {  	s29 =	simm.s32 $0x14C80;
	[sflag:s20] =	ssyncadd.s32 $0xFFFFC180  }
0x27: {  	[spmem:s2] =	stream.indirect.scatter.add.f32 [tilespmem:s18], [sflag:$0x3], $0x80, s29, s17, $0xb8;
	[tilespmem:$0x1E080] =	vst v63  }
0x28: {  	_ =	swait.ge [sflag:s14], $0x3E80  }
0x29: {  	[sflag:s14] =	ssyncset.done $0x0  }
0x2a: {  	s30 =	simm.s32 $0x13980;
	[sflag:s14] =	ssyncadd.s32 $0xFFFFC180  }
0x2b: {  	[tilespmem:s18], [sflag:$0x1] =	stream.indirect.gather [hbm4b:s1+s17], $0x80, s30, s17, $0xb8;
	[tilespmem:$0x1E080] =	vst v63  }
0x2c: {  	_ =	swait.ge [sflag:s21], $0x3E80  }
0x2d: {  	[sflag:s21] =	ssyncset.done $0x0  }
0x2e: {  	s31 =	simm.s32 $0x14D00;
	[sflag:s21] =	ssyncadd.s32 $0xFFFFC180  }
0x2f: {  	[spmem:s2] =	stream.indirect.scatter.add.f32 [tilespmem:s19], [sflag:$0x3], $0x80, s31, s17, $0xb8;
	[tilespmem:$0x1E080] =	vst v63  }
0x30: {  	_ =	swait.ge [sflag:s14], $0x3E80  }
0x31: {  	s28 =	simm.s32 $0x800;
	s26 =	simm.s32 $0x100;
	[sflag:s14] =	ssyncset.done $0x0  }
.LBB2_2:
0x32: {  	s29 =	sadd.s32 $0x13900, s26  }
0x33: {  	[sflag:s14] =	ssyncadd.s32 $0xFFFFC180;
	s30 =	smov.u32 s28;
	s31 =	sadd.s32 $0x400, s28  }
0x34: {  	[tilespmem:s19], [sflag:$0x2] =	stream.indirect.gather [hbm4b:s1+s17], $0x80, s29, s17, $0xb8;
	[tilespmem:$0x1E080] =	vst v63  }
0x35: {  	p0 =	sne.s32 s28, $0x4800;
	_ =	swait.ge [sflag:s20], $0x3E80  }
0x36: {  	[sflag:s20] =	ssyncset.done $0x0  }
0x37: {  	s28 =	sadd.s32 $0x14C80, s26;
	[sflag:s20] =	ssyncadd.s32 $0xFFFFC180  }
0x38: {  	[spmem:s2] =	stream.indirect.scatter.add.f32 [tilespmem:s18], [sflag:$0x3], $0x80, s28, s17, $0xb8;
	[tilespmem:$0x1E080] =	vst v63  }
0x39: {  	_ =	swait.ge [sflag:s14], $0x3E80  }
0x3a: {  	[sflag:s14] =	ssyncset.done $0x0  }
0x3b: {  	s28 =	sadd.s32 $0x13980, s26;
	[sflag:s14] =	ssyncadd.s32 $0xFFFFC180  }
0x3c: {  	[tilespmem:s18], [sflag:$0x1] =	stream.indirect.gather [hbm4b:s1+s17], $0x80, s28, s17, $0xb8;
	[tilespmem:$0x1E080] =	vst v63  }
0x3d: {  	_ =	swait.ge [sflag:s21], $0x3E80  }
.Ltmp0:
0x3e: {  	[sflag:s21] =	ssyncset.done $0x0;
	(pc) =	sbr.rel @p0 .LBB2_2-.Ltmp0, $4  }
0x3f: {  	s26 =	sadd.s32 $0x14D00, s26;
	[sflag:s21] =	ssyncadd.s32 $0xFFFFC180  }
0x40: {  	[spmem:s2] =	stream.indirect.scatter.add.f32 [tilespmem:s19], [sflag:$0x3], $0x80, s26, s17, $0xb8;
	[tilespmem:$0x1E080] =	vst v63  }
0x41: {  	_ =	swait.ge [sflag:s14], $0x3E80  }
0x42: {  	s28 =	smov.u32 s31;
	s26 =	sshra.s32 s30, $0x2;
	[sflag:s14] =	ssyncset.done $0x0  }
0x43: {  	s28 =	sadd.s32 $0x13900, s26;
	[sflag:s14] =	ssyncadd.s32 $0xFFFFC180  }
0x44: {  	[tilespmem:s19], [sflag:$0x2] =	stream.indirect.gather [hbm4b:s1+s17], $0x80, s28, s17, $0xb8;
	[tilespmem:$0x1E080] =	vst v63  }
0x45: {  	_ =	swait.ge [sflag:s20], $0x3E80  }
0x46: {  	[sflag:s20] =	ssyncset.done $0x0  }
0x47: {  	s28 =	sadd.s32 $0x14C80, s26;
	[sflag:s20] =	ssyncadd.s32 $0xFFFFC180  }
0x48: {  	[spmem:s2] =	stream.indirect.scatter.add.f32 [tilespmem:s18], [sflag:$0x3], $0x80, s28, s17, $0xb8;
	[tilespmem:$0x1E080] =	vst v63  }
0x49: {  	_ =	swait.ge [sflag:s14], $0x3E80  }
0x4a: {  	[sflag:s14] =	ssyncset.done $0x0  }
0x4b: {  	s28 =	sadd.s32 $0x13980, s26;
	[sflag:s14] =	ssyncadd.s32 $0xFFFFC180  }
0x4c: {  	[tilespmem:s18], [sflag:$0x1] =	stream.indirect.gather [hbm4b:s1+s17], $0x80, s28, s17, $0xb8;
	[tilespmem:$0x1E080] =	vst v63  }
0x4d: {  	_ =	swait.ge [sflag:s21], $0x3E80  }
0x4e: {  	[sflag:s21] =	ssyncset.done $0x0  }
0x4f: {  	s29 =	sadd.s32 $0x14D00, s26;
	[sflag:s21] =	ssyncadd.s32 $0xFFFFC180  }
0x50: {  	[spmem:s2] =	stream.indirect.scatter.add.f32 [tilespmem:s19], [sflag:$0x3], $0x80, s29, s17, $0xb8;
	[tilespmem:$0x1E080] =	vst v63  }
0x51: {  	_ =	swait.ge [sflag:s14], $0x3E80  }
0x52: {  	[sflag:s14] =	ssyncset.done $0x0  }
0x53: {  	[sflag:s14] =	ssyncadd.s32 $0xFFFFC180  }
0x54: {  	[tilespmem:s19], [sflag:$0x2] =	stream.indirect.gather [hbm4b:s1+s17], $0x80, s22, s17, $0xb8;
	[tilespmem:$0x1E080] =	vst v63  }
0x55: {  	_ =	swait.ge [sflag:s20], $0x3E80  }
0x56: {  	[sflag:s20] =	ssyncset.done $0x0  }
0x57: {  	[sflag:s20] =	ssyncadd.s32 $0xFFFFC180  }
0x58: {  	[spmem:s2] =	stream.indirect.scatter.add.f32 [tilespmem:s18], [sflag:$0x3], $0x80, s23, s17, $0xb8;
	[tilespmem:$0x1E080] =	vst v63  }
0x59: {  	_ =	swait.ge [sflag:s14], $0x3E80  }
0x5a: {  	[sflag:s14] =	ssyncset.done $0x0  }
0x5b: {  	[sflag:s14] =	ssyncadd.s32 $0xFFFFC180  }
0x5c: {  	_ =	swait.ge [sflag:s21], $0x3E80  }
0x5d: {  	[sflag:s21] =	ssyncset.done $0x0  }
0x5e: {  	[sflag:s21] =	ssyncadd.s32 $0xFFFFC180  }
0x5f: {  	[spmem:s2] =	stream.indirect.scatter.add.f32 [tilespmem:s19], [sflag:$0x3], $0x80, s24, s17, $0xb8;
	[tilespmem:$0x1E080] =	vst v63  }
0x60: {  	_ =	swait.ge [sflag:s14], $0x3E80  }
0x61: {  	[sflag:s14] =	ssyncset.done $0x0  }
0x62: {  	s30 =	simm.s32 $0x0;
	[sflag:s14] =	ssyncadd.s32 $0xFFFFC180  }
0x63: {  	[tilespmem:s15], [sflag:$0x3] =	stream.linear.gather [hbm4b:s9+s30], $0x1400, $0x38;
	[tilespmem:$0x1E080] =	vst v63  }
0x64: {  	_ =	swait.ge [sflag:s14], $0x1400  }
0x65: {  	[sflag:s14] =	ssyncset.done $0x0  }
0x66: {  	[sflag:s14] =	ssyncadd.s32 $0xFFFFEC00  }
0x67: {  	[tilespmem:s16], [sflag:$0x3] =	stream.linear.gather [hbm4b:s10+s30], $0x1400, $0x38;
	[tilespmem:$0x1E080] =	vst v63  }
0x68: {  	_ =	swait.ge [sflag:s14], $0x1400  }
0x69: {  	[sflag:s14] =	ssyncset.done $0x0  }
0x6a: {  	[sflag:s14] =	ssyncadd.s32 $0xFFFFEC00  }
0x6b: {  	[tilespmem:s18], [sflag:$0x1] =	stream.indirect.gather [hbm4b:s1+s17], $0x80, s15, s17, $0xb8;
	[tilespmem:$0x1E080] =	vst v63  }
0x6c: {  	s31 =	simm.s32 $0x13900  }
0x6d: {  	[tilespmem:s19], [sflag:$0x2] =	stream.indirect.gather [hbm4b:s1+s17], $0x80, s31, s17, $0xb8;
	[tilespmem:$0x1E080] =	vst v63  }
0x6e: {  	_ =	swait.ge [sflag:s20], $0x3E80  }
0x6f: {  	[sflag:s20] =	ssyncset.done $0x0  }
0x70: {  	s29 =	simm.s32 $0x14C80;
	[sflag:s20] =	ssyncadd.s32 $0xFFFFC180  }
0x71: {  	[spmem:s2] =	stream.indirect.scatter.add.f32 [tilespmem:s18], [sflag:$0x3], $0x80, s29, s17, $0xb8;
	[tilespmem:$0x1E080] =	vst v63  }
0x72: {  	_ =	swait.ge [sflag:s14], $0x3E80  }
0x73: {  	[sflag:s14] =	ssyncset.done $0x0  }
0x74: {  	s30 =	simm.s32 $0x13980;
	[sflag:s14] =	ssyncadd.s32 $0xFFFFC180  }
0x75: {  	[tilespmem:s18], [sflag:$0x1] =	stream.indirect.gather [hbm4b:s1+s17], $0x80, s30, s17, $0xb8;
	[tilespmem:$0x1E080] =	vst v63  }
0x76: {  	_ =	swait.ge [sflag:s21], $0x3E80  }
0x77: {  	[sflag:s21] =	ssyncset.done $0x0  }
0x78: {  	s31 =	simm.s32 $0x14D00;
	[sflag:s21] =	ssyncadd.s32 $0xFFFFC180  }
0x79: {  	[spmem:s2] =	stream.indirect.scatter.add.f32 [tilespmem:s19], [sflag:$0x3], $0x80, s31, s17, $0xb8;
	[tilespmem:$0x1E080] =	vst v63  }
0x7a: {  	_ =	swait.ge [sflag:s14], $0x3E80  }
0x7b: {  	s26 =	simm.s32 $0x100;
	s28 =	simm.s32 $0x800;
	[sflag:s14] =	ssyncset.done $0x0  }
.LBB2_4:
0x7c: {  	s29 =	sadd.s32 $0x13900, s26  }
0x7d: {  	[sflag:s14] =	ssyncadd.s32 $0xFFFFC180;
	s30 =	smov.u32 s28;
	s31 =	sadd.s32 $0x400, s28  }
0x7e: {  	[tilespmem:s19], [sflag:$0x2] =	stream.indirect.gather [hbm4b:s1+s17], $0x80, s29, s17, $0xb8;
	[tilespmem:$0x1E080] =	vst v63  }
0x7f: {  	p0 =	sne.s32 s28, $0x4800;
	_ =	swait.ge [sflag:s20], $0x3E80  }
0x80: {  	[sflag:s20] =	ssyncset.done $0x0  }
0x81: {  	s28 =	sadd.s32 $0x14C80, s26;
	[sflag:s20] =	ssyncadd.s32 $0xFFFFC180  }
0x82: {  	[spmem:s2] =	stream.indirect.scatter.add.f32 [tilespmem:s18], [sflag:$0x3], $0x80, s28, s17, $0xb8;
	[tilespmem:$0x1E080] =	vst v63  }
0x83: {  	_ =	swait.ge [sflag:s14], $0x3E80  }
0x84: {  	[sflag:s14] =	ssyncset.done $0x0  }
0x85: {  	s28 =	sadd.s32 $0x13980, s26;
	[sflag:s14] =	ssyncadd.s32 $0xFFFFC180  }
0x86: {  	[tilespmem:s18], [sflag:$0x1] =	stream.indirect.gather [hbm4b:s1+s17], $0x80, s28, s17, $0xb8;
	[tilespmem:$0x1E080] =	vst v63  }
0x87: {  	_ =	swait.ge [sflag:s21], $0x3E80  }
.Ltmp1:
0x88: {  	[sflag:s21] =	ssyncset.done $0x0;
	(pc) =	sbr.rel @p0 .LBB2_4-.Ltmp1, $4  }
0x89: {  	s26 =	sadd.s32 $0x14D00, s26;
	[sflag:s21] =	ssyncadd.s32 $0xFFFFC180  }
0x8a: {  	[spmem:s2] =	stream.indirect.scatter.add.f32 [tilespmem:s19], [sflag:$0x3], $0x80, s26, s17, $0xb8;
	[tilespmem:$0x1E080] =	vst v63  }
0x8b: {  	_ =	swait.ge [sflag:s14], $0x3E80  }
0x8c: {  	s28 =	smov.u32 s31;
	s26 =	sshra.s32 s30, $0x2;
	[sflag:s14] =	ssyncset.done $0x0  }
0x8d: {  	s28 =	sadd.s32 $0x13900, s26;
	[sflag:s14] =	ssyncadd.s32 $0xFFFFC180  }
0x8e: {  	[tilespmem:s19], [sflag:$0x2] =	stream.indirect.gather [hbm4b:s1+s17], $0x80, s28, s17, $0xb8;
	[tilespmem:$0x1E080] =	vst v63  }
0x8f: {  	_ =	swait.ge [sflag:s20], $0x3E80  }
0x90: {  	[sflag:s20] =	ssyncset.done $0x0  }
0x91: {  	s29 =	sadd.s32 $0x14C80, s26;
	[sflag:s20] =	ssyncadd.s32 $0xFFFFC180  }
0x92: {  	[spmem:s2] =	stream.indirect.scatter.add.f32 [tilespmem:s18], [sflag:$0x3], $0x80, s29, s17, $0xb8;
	[tilespmem:$0x1E080] =	vst v63  }
0x93: {  	_ =	swait.ge [sflag:s14], $0x3E80  }
0x94: {  	[sflag:s14] =	ssyncset.done $0x0  }
0x95: {  	s30 =	sadd.s32 $0x13980, s26;
	[sflag:s14] =	ssyncadd.s32 $0xFFFFC180  }
0x96: {  	[tilespmem:s18], [sflag:$0x1] =	stream.indirect.gather [hbm4b:s1+s17], $0x80, s30, s17, $0xb8;
	[tilespmem:$0x1E080] =	vst v63  }
0x97: {  	_ =	swait.ge [sflag:s21], $0x3E80  }
0x98: {  	[sflag:s21] =	ssyncset.done $0x0  }
0x99: {  	s31 =	sadd.s32 $0x14D00, s26;
	[sflag:s21] =	ssyncadd.s32 $0xFFFFC180  }
0x9a: {  	[spmem:s2] =	stream.indirect.scatter.add.f32 [tilespmem:s19], [sflag:$0x3], $0x80, s31, s17, $0xb8;
	[tilespmem:$0x1E080] =	vst v63  }
0x9b: {  	_ =	swait.ge [sflag:s14], $0x3E80  }
0x9c: {  	[sflag:s14] =	ssyncset.done $0x0  }
0x9d: {  	[sflag:s14] =	ssyncadd.s32 $0xFFFFC180  }
0x9e: {  	[tilespmem:s19], [sflag:$0x2] =	stream.indirect.gather [hbm4b:s1+s17], $0x80, s22, s17, $0xb8;
	[tilespmem:$0x1E080] =	vst v63  }
0x9f: {  	_ =	swait.ge [sflag:s20], $0x3E80  }
0xa0: {  	[sflag:s20] =	ssyncset.done $0x0  }
0xa1: {  	[sflag:s20] =	ssyncadd.s32 $0xFFFFC180  }
0xa2: {  	[spmem:s2] =	stream.indirect.scatter.add.f32 [tilespmem:s18], [sflag:$0x3], $0x80, s23, s17, $0xb8;
	[tilespmem:$0x1E080] =	vst v63  }
0xa3: {  	_ =	swait.ge [sflag:s14], $0x3E80  }
0xa4: {  	[sflag:s14] =	ssyncset.done $0x0  }
0xa5: {  	[sflag:s14] =	ssyncadd.s32 $0xFFFFC180  }
0xa6: {  	_ =	swait.ge [sflag:s21], $0x3E80  }
0xa7: {  	[sflag:s21] =	ssyncset.done $0x0  }
0xa8: {  	[sflag:s21] =	ssyncadd.s32 $0xFFFFC180  }
0xa9: {  	[spmem:s2] =	stream.indirect.scatter.add.f32 [tilespmem:s19], [sflag:$0x3], $0x80, s24, s17, $0xb8;
	[tilespmem:$0x1E080] =	vst v63  }
0xaa: {  	_ =	swait.ge [sflag:s14], $0x3E80  }
0xab: {  	s25 =	sadd.s32 $0x1, s25;
	[sflag:s14] =	ssyncset.done $0x0  }
0xac: {  	p0 =	sne.s32 s25, s12;
	[sflag:s14] =	ssyncadd.s32 $0xFFFFC180  }
.Ltmp2:
0xad: {  	[bflag:$0x0] =	sbarrier.arrive $0xFFFF;
	(pc) =	sbr.rel @p0 .LBB2_1-.Ltmp2, $4  }
0xae: {  	[hbm:s11], [sflag:s6] =	dma.local [spmem:s13], $0x2710  }
0xaf: {  	_ =	swait.ge [sflag:s14], $0x2710  }
0xb0: {  	[sflag:s14] =	ssyncset.done $0x0  }
0xb1: {  	[sflag:s14] =	ssyncadd.s32 $0xFFFFD8F0  }
0xb2: {  	_ =	sfence.sel $0x180000  }
0xb3: {  	[bflag:$0x0] =	sbarrier.arrive $0xFFFF  }
0xb4: {  	p0 =	sne.s32 s3, $0x0;
	_ =	strace $0x90000053  }
0xb5: {  	s0 =	sadd.s32 @!p0 $0x100000, s0;
	[bflag:$0x2] =	sbarrier.arrive $0xFFFF  }
0xb6: {  	[sflag:s0] =	ssyncadd.tile.s32 @!p0 $0x1;
	_ =	shalt  }
.Lfunc_end2:
_tile_overlayer_lowered:
.L_overlay_start_2:
0xb7: {  	(tag) =	ssettag $0x2  }
0xb8: {  	s0 =	rddreg [dreg:$0x0];
	s2 =	stileid.u32  }
0xb9: {  	s1 =	rddreg [dreg:$0x1];
	p0 =	sne.s32 s2, $0x0  }
0xba: {  	s3 =	rddreg [dreg:$0x2];
	[bflag:$0x3] =	sbarrier.arrive $0xFFFF;
	s2 =	simm.s32 @!p0 $0x1C03  }
0xbb: {  	[timem:s3], [sflag:s2] =	dma.local @!p0 [hbm:s0], s1  }
0xbc: {  	s0 =	simm.s32 @!p0 $0x3  }
0xbd: {  	_ =	swait.ge @!p0 [sflag:s0], s1  }
0xbe: {  	s1 =	ssub.s32 @!p0 $0x0, s1;
	[sflag:s0] =	ssyncset.done @!p0 $0x0  }
0xbf: {  	[sflag:s0] =	ssyncadd.s32 @!p0 s1  }
0xc0: {  	[bflag:$0x3] =	sbarrier.arrive $0xFFFF  }
0xc1: {  	_ =	shalt  }

</sc_bundles>
